<compile_context>
chip_gen: v7x
topology: tpu7x:2x2x1
jax: 0.10.2.dev20260603
libtpu: 0.0.44.dev20260713+nightly
codegen_flags: <defaults>
</compile_context>

<pallas_src>
import functools

import jax
import jax.numpy as jnp
from jax import lax
from jax.experimental import pallas as pl
from jax.experimental.pallas import tpu as pltpu
from jax.experimental.pallas import tpu_sc as plsc

N = 10000
NPAD = 10240
F = 128
H = 64
C = 40
E = 320000
NB = 7
NKNOT = 11
KORD = 3

NCORE = 2
NSUB = 16
NWORK = NCORE * NSUB
EK = 128
NCHUNK = 80
EPW = EK * NCHUNK
EPAD = EPW * NWORK
TRASH = 10016
RPT = NPAD // NSUB
NSLOT = 5
PREF = 4

BLK = 512
NBLK = NPAD // BLK


def _sc_deg_body(col_hbm, ones_hbm, zeros_hbm, out_hbm, idx_v, ones_v, deg_sh):
    c = lax.axis_index("c")
    s = lax.axis_index("s")
    wid = s * NCORE + c
    pltpu.sync_copy(zeros_hbm.at[pl.ds(s * RPT, RPT)],
                    deg_sh.at[pl.ds(s * RPT, RPT)])
    pltpu.sync_copy(col_hbm.at[wid], idx_v)
    pltpu.sync_copy(ones_hbm, ones_v)
    plsc.subcore_barrier()

    def body(i, carry):
        pltpu.sync_copy(ones_v, deg_sh.at[idx_v.at[i]], add=True)
        return carry

    lax.fori_loop(0, NCHUNK, body, 0)
    plsc.subcore_barrier()
    pltpu.sync_copy(deg_sh.at[pl.ds(s * RPT, RPT)],
                    out_hbm.at[c, pl.ds(s * RPT, RPT)])


@functools.cache
def _sc_deg_kernel():
    mesh = plsc.VectorSubcoreMesh(core_axis_name="c", subcore_axis_name="s")
    return pl.kernel(
        _sc_deg_body,
        out_type=jax.ShapeDtypeStruct((NCORE, NPAD), jnp.float32),
        mesh=mesh,
        scratch_types=[
            pltpu.VMEM((NCHUNK, EK), jnp.int32),
            pltpu.VMEM((EK,), jnp.float32),
            pltpu.VMEM_SHARED((NPAD,), jnp.float32),
        ],
    )


def _sc_scat_body(row_hbm, col_hbm, hp_hbm, zeros_hbm, out_hbm,
                  idxr, idxc, rows_v, acc_sh, *sems):
    c = lax.axis_index("c")
    s = lax.axis_index("s")
    pltpu.sync_copy(zeros_hbm.at[pl.ds(s * RPT, RPT)],
                    acc_sh.at[pl.ds(s * RPT, RPT)])
    wid = s * NCORE + c
    pltpu.sync_copy(row_hbm.at[wid], idxr)
    pltpu.sync_copy(col_hbm.at[wid], idxc)
    plsc.subcore_barrier()

    gsems = sems

    for j in range(PREF):
        pltpu.async_copy(hp_hbm.at[idxr.at[j]], rows_v.at[j], gsems[j])

    def grp(g, carry):
        for d in range(NSLOT):
            i = g * NSLOT + d
            pltpu.make_async_copy(hp_hbm.at[idxr.at[d]], rows_v.at[d],
                                  gsems[d]).wait()
            pltpu.sync_copy(rows_v.at[d], acc_sh.at[idxc.at[i]], add=True)
            d2 = (d + PREF) % NSLOT

            @pl.when(i + PREF < NCHUNK)
            def _():
                pltpu.async_copy(hp_hbm.at[idxr.at[i + PREF]], rows_v.at[d2],
                                 gsems[d2])
        return carry

    lax.fori_loop(0, NCHUNK // NSLOT, grp, 0)
    plsc.subcore_barrier()
    pltpu.sync_copy(acc_sh.at[pl.ds(s * RPT, RPT)],
                    out_hbm.at[c, pl.ds(s * RPT, RPT)])


@functools.cache
def _sc_scat_kernel():
    mesh = plsc.VectorSubcoreMesh(core_axis_name="c", subcore_axis_name="s")
    return pl.kernel(
        _sc_scat_body,
        out_type=jax.ShapeDtypeStruct((NCORE, NPAD, H), jnp.float32),
        mesh=mesh,
        scratch_types=[
            pltpu.VMEM((NCHUNK, EK), jnp.int32),
            pltpu.VMEM((NCHUNK, EK), jnp.int32),
            pltpu.VMEM((NSLOT, EK, H), jnp.float32),
            pltpu.VMEM_SHARED((NPAD, H), jnp.float32),
        ] + [pltpu.SemaphoreType.DMA] * NSLOT,
        compiler_params=pltpu.CompilerParams(use_tc_tiling_on_sc=False),
    )



def _bspline_bases(xb, g):
    b = [jnp.where((xb >= g[j]) & (xb < g[j + 1]), 1.0, 0.0)
         for j in range(NKNOT - 1)]
    for p in range(1, KORD + 1):
        nxt = []
        for j in range(NKNOT - 1 - p):
            left = (xb - g[j]) / (g[j + p] - g[j]) * b[j]
            right = (g[j + p + 1] - xb) / (g[j + p + 1] - g[j + 1]) * b[j + 1]
            nxt.append(left + right)
        b = nxt
    return b


def _dot(a, b):
    return lax.dot_general(a, b, (((1,), (0,)), ((), ())),
                           preferred_element_type=jnp.float32)


def _kan_block(xb, g_ref, bw_ref, sw_ref, sc_ref):
    g = [g_ref[j] for j in range(NKNOT)]
    silu = xb * (1.0 / (1.0 + jnp.exp(-xb)))
    out = _dot(silu, bw_ref[...])
    bases = _bspline_bases(xb, g)
    scw = sc_ref[...]
    for j in range(NB):
        out = out + _dot(bases[j], sw_ref[j] * scw)
    return out



def _kan1_body(x_ref, d0_ref, d1_ref, g_ref, bw_ref, sw_ref, sc_ref,
               hp_ref, dinv_ref):
    i = pl.program_id(0)
    deg = d0_ref[...] + d1_ref[...] + 1.0
    dinv = lax.rsqrt(deg)
    h = _kan_block(x_ref[...], g_ref, bw_ref, sw_ref, sc_ref)
    rid = i * BLK + lax.broadcasted_iota(jnp.int32, (BLK, 1), 0)
    mask = jnp.where(rid < N, 1.0, 0.0)
    hp_ref[...] = h * dinv * mask
    dinv_ref[...] = dinv


def _kan2_body(x_ref, dinv_ref, g_ref, bw_ref, sw_ref, sc_ref, hp_ref):
    i = pl.program_id(0)
    h = _kan_block(x_ref[...], g_ref, bw_ref, sw_ref, sc_ref)
    rid = i * BLK + lax.broadcasted_iota(jnp.int32, (BLK, 1), 0)
    mask = jnp.where(rid < N, 1.0, 0.0)
    hp_ref[...] = h * dinv_ref[...] * mask


def _bn_body(a0_ref, a1_ref, hp_ref, dinv_ref, bias_ref, gamma_ref, beta_ref,
             out_ref):
    o = (a0_ref[...] + a1_ref[...] + hp_ref[...]) * dinv_ref[...] + bias_ref[...]
    rid = lax.broadcasted_iota(jnp.int32, (NPAD, 1), 0)
    mask = jnp.where(rid < N, 1.0, 0.0)
    mean = jnp.sum(o * mask, axis=0, keepdims=True) * (1.0 / N)
    var = jnp.sum(((o - mean) ** 2) * mask, axis=0, keepdims=True) * (1.0 / N)
    out_ref[...] = (o - mean) * lax.rsqrt(var + 1e-5) * gamma_ref[...] + beta_ref[...]


def _kanout_body(x_ref, b1_ref, b2_ref, g_ref,
                 bw0_ref, sw0_ref, sc0_ref,
                 bw1_ref, sw1_ref, sc1_ref,
                 bw2_ref, sw2_ref, sc2_ref, out_ref):
    o = _kan_block(x_ref[...], g_ref, bw0_ref, sw0_ref, sc0_ref)
    o = o + _kan_block(b1_ref[...], g_ref, bw1_ref, sw1_ref, sc1_ref)
    o = o + _kan_block(b2_ref[...], g_ref, bw2_ref, sw2_ref, sc2_ref)
    out_ref[...] = o


def _row_spec(width):
    return pl.BlockSpec((BLK, width), lambda i: (i, 0))


def _full_spec(shape):
    nd = len(shape)
    return pl.BlockSpec(shape, lambda i: (0,) * nd)


def _smem_spec():
    return pl.BlockSpec(memory_space=pltpu.SMEM)


def _kan1_call(x, d0, d1, grow, bw, sw, sc):
    return pl.pallas_call(
        _kan1_body,
        grid=(NBLK,),
        in_specs=[_row_spec(F), _row_spec(1), _row_spec(1), _smem_spec(),
                  _full_spec((F, H)), _full_spec((NB, F, H)), _full_spec((F, H))],
        out_specs=[_row_spec(H), _row_spec(1)],
        out_shape=[jax.ShapeDtypeStruct((NPAD, H), jnp.float32),
                   jax.ShapeDtypeStruct((NPAD, 1), jnp.float32)],
    )(x, d0, d1, grow, bw, sw, sc)


def _kan2_call(x, dinv, grow, bw, sw, sc):
    return pl.pallas_call(
        _kan2_body,
        grid=(NBLK,),
        in_specs=[_row_spec(H), _row_spec(1), _smem_spec(),
                  _full_spec((H, H)), _full_spec((NB, H, H)), _full_spec((H, H))],
        out_specs=_row_spec(H),
        out_shape=jax.ShapeDtypeStruct((NPAD, H), jnp.float32),
    )(x, dinv, grow, bw, sw, sc)


def _bn_call(a0, a1, hp, dinv, bias, gamma, beta):
    fs = lambda shape: pl.BlockSpec(shape, lambda: (0,) * len(shape))
    return pl.pallas_call(
        _bn_body,
        in_specs=[fs((NPAD, H)), fs((NPAD, H)), fs((NPAD, H)), fs((NPAD, 1)),
                  fs((1, H)), fs((1, H)), fs((1, H))],
        out_specs=fs((NPAD, H)),
        out_shape=jax.ShapeDtypeStruct((NPAD, H), jnp.float32),
    )(a0, a1, hp, dinv, bias, gamma, beta)


def _kanout_call(x, b1, b2, grow, parts):
    in_specs = [_row_spec(F), _row_spec(H), _row_spec(H), _smem_spec()]
    args = [x, b1, b2, grow]
    for (bw, sw, sc) in parts:
        in_specs += [_full_spec(bw.shape), _full_spec(sw.shape),
                     _full_spec(sc.shape)]
        args += [bw, sw, sc]
    return pl.pallas_call(
        _kanout_body,
        grid=(NBLK,),
        in_specs=in_specs,
        out_specs=_row_spec(C),
        out_shape=jax.ShapeDtypeStruct((NPAD, C), jnp.float32),
    )(*args)



def kernel(x, edge_index, grid1, base_w1, spline_w1, scaler1, bias1, gamma1,
           beta1, grid2, base_w2, spline_w2, scaler2, bias2, gamma2, beta2,
           grid_out, base_w_out, spline_w_out, scaler_out):
    f32 = jnp.float32
    x_pad = jnp.zeros((NPAD, F), f32).at[:N].set(x)

    pad = jnp.full((EPAD - E,), TRASH, jnp.int32)
    row = jnp.concatenate([edge_index[0].astype(jnp.int32), pad])
    row = row.reshape(NWORK, NCHUNK, EK)
    col = jnp.concatenate([edge_index[1].astype(jnp.int32), pad])
    col = col.reshape(NWORK, NCHUNK, EK)

    zeros_n = jnp.zeros((NPAD,), f32)
    zeros_nh = jnp.zeros((NPAD, H), f32)
    ones_ek = jnp.ones((EK,), f32)

    bw1 = base_w1.T
    sw1 = jnp.transpose(spline_w1, (2, 1, 0))
    sc1 = scaler1.T
    bw2 = base_w2.T
    sw2 = jnp.transpose(spline_w2, (2, 1, 0))
    sc2 = scaler2.T
    bwo = base_w_out.T
    swo = jnp.transpose(spline_w_out, (2, 1, 0))
    sco = scaler_out.T
    parts = [(bwo[:F], swo[:, :F], sco[:F]),
             (bwo[F:F + H], swo[:, F:F + H], sco[F:F + H]),
             (bwo[F + H:], swo[:, F + H:], sco[F + H:])]

    g1 = grid1[0]
    g2 = grid2[0]
    go = grid_out[0]

    deg = _sc_deg_kernel()(col, ones_ek, zeros_n)
    d0 = deg[0].reshape(NPAD, 1)
    d1 = deg[1].reshape(NPAD, 1)

    hp1, dinv = _kan1_call(x_pad, d0, d1, g1, bw1, sw1, sc1)
    acc1 = _sc_scat_kernel()(row, col, hp1, zeros_nh)
    bn1 = _bn_call(acc1[0], acc1[1], hp1, dinv,
                   bias1.reshape(1, H), gamma1.reshape(1, H), beta1.reshape(1, H))

    hp2 = _kan2_call(bn1, dinv, g2, bw2, sw2, sc2)
    acc2 = _sc_scat_kernel()(row, col, hp2, zeros_nh)
    bn2 = _bn_call(acc2[0], acc2[1], hp2, dinv,
                   bias2.reshape(1, H), gamma2.reshape(1, H), beta2.reshape(1, H))

    out = _kanout_call(x_pad, bn1, bn2, go, parts)
    return out[:N]

# --- scband reference (transcript-rebuilt; emitter-appended) ---
"""Pipeline reference for scband-gkan-nodes-51187420234501 (READ-ONLY COPY).

The authoritative reference and input builder live on the scoring server;
editing this copy changes nothing except your own understanding.
"""

import jax, jax.numpy as jnp
import numpy as np

GRID_SIZE = 4
SPLINE_ORDER = 3


def make_grid(in_features, grid_size=GRID_SIZE, spline_order=SPLINE_ORDER, grid_range=(-1.0, 1.0)):
    h = (grid_range[1] - grid_range[0]) / grid_size
    g = jnp.arange(-spline_order, grid_size + spline_order + 1, dtype=jnp.float32) * h + grid_range[0]
    return jnp.tile(g[None, :], (in_features, 1))


def b_splines(x, grid, k=SPLINE_ORDER):
    # x: (B, in), grid: (in, grid_size + 2k + 1) -> (B, in, grid_size + k)
    xe = x[:, :, None]
    bases = ((xe >= grid[None, :, :-1]) & (xe < grid[None, :, 1:])).astype(x.dtype)
    for p in range(1, k + 1):
        left = (xe - grid[None, :, : -(p + 1)]) / (grid[None, :, p:-1] - grid[None, :, : -(p + 1)]) * bases[:, :, :-1]
        right = (grid[None, :, p + 1:] - xe) / (grid[None, :, p + 1:] - grid[None, :, 1:-p]) * bases[:, :, 1:]
        bases = left + right
    return bases


def kan_linear(x, grid, base_w, spline_w, scaler, k=SPLINE_ORDER):
    # efficient-KAN KANLinear forward (standalone spline scaler enabled, no bias)
    B = x.shape[0]
    out_f = base_w.shape[0]
    base = jax.nn.silu(x) @ base_w.T
    scaled_w = (spline_w * scaler[:, :, None]).reshape(out_f, -1)
    spl = b_splines(x, grid, k).reshape(B, -1) @ scaled_w.T
    return base + spl


def gcn_propagate(x, edge_index, bias):
    # GCNConv symmetric normalization with self-loops; x already transformed by lin (KANLayer)
    N = x.shape[0]
    loop = jnp.arange(N, dtype=edge_index.dtype)
    row = jnp.concatenate([edge_index[0], loop])
    col = jnp.concatenate([edge_index[1], loop])
    deg = jax.ops.segment_sum(jnp.ones(row.shape[0], dtype=x.dtype), col, num_segments=N)
    dinv = jnp.where(deg > 0, 1.0 / jnp.sqrt(deg), 0.0)
    norm = dinv[row] * dinv[col]
    out = jax.ops.segment_sum(x[row] * norm[:, None], col, num_segments=N)
    return out + bias


def batch_norm(x, gamma, beta, eps=1e-5):
    mean = x.mean(axis=0)
    var = x.var(axis=0)
    return (x - mean) / jnp.sqrt(var + eps) * gamma + beta


def _forward(x, grid1, base_w1, spline_w1, scaler1, bias1, gamma1, beta1,
             grid2, base_w2, spline_w2, scaler2, bias2, gamma2, beta2,
             grid_out, base_w_out, spline_w_out, scaler_out, edge_index):
    l = [x]
    h = kan_linear(x, grid1, base_w1, spline_w1, scaler1)
    h = gcn_propagate(h, edge_index, bias1)
    h = batch_norm(h, gamma1, beta1)
    l.append(h)
    h = kan_linear(h, grid2, base_w2, spline_w2, scaler2)
    h = gcn_propagate(h, edge_index, bias2)
    h = batch_norm(h, gamma2, beta2)
    l.append(h)
    xc = jnp.concatenate(l, axis=1)
    return kan_linear(xc, grid_out, base_w_out, spline_w_out, scaler_out)


def setup_inputs(seed: int = 0):
    key = jax.random.key(seed)
    ks = jax.random.split(key, 16)
    N, F, H, C, E = 10000, 128, 64, 40, 320000
    nb = GRID_SIZE + SPLINE_ORDER
    d = {}
    d['x'] = jax.random.normal(ks[0], (N, F), dtype=jnp.float32)
    d['edge_index'] = jax.random.randint(ks[1], (2, E), 0, N, dtype=jnp.int32)
    d['grid1'] = make_grid(F)
    d['base_w1'] = jax.random.normal(ks[2], (H, F), dtype=jnp.float32) / np.sqrt(F)
    d['spline_w1'] = jax.random.normal(ks[3], (H, F, nb), dtype=jnp.float32) * 0.1
    d['scaler1'] = jax.random.normal(ks[4], (H, F), dtype=jnp.float32) / np.sqrt(F)
    d['bias1'] = jnp.zeros((H,), dtype=jnp.float32)
    d['gamma1'] = jnp.ones((H,), dtype=jnp.float32)
    d['beta1'] = jnp.zeros((H,), dtype=jnp.float32)
    d['grid2'] = make_grid(H)
    d['base_w2'] = jax.random.normal(ks[5], (H, H), dtype=jnp.float32) / np.sqrt(H)
    d['spline_w2'] = jax.random.normal(ks[6], (H, H, nb), dtype=jnp.float32) * 0.1
    d['scaler2'] = jax.random.normal(ks[7], (H, H), dtype=jnp.float32) / np.sqrt(H)
    d['bias2'] = jnp.zeros((H,), dtype=jnp.float32)
    d['gamma2'] = jnp.ones((H,), dtype=jnp.float32)
    d['beta2'] = jnp.zeros((H,), dtype=jnp.float32)
    Dcat = F + 2 * H
    d['grid_out'] = make_grid(Dcat)
    d['base_w_out'] = jax.random.normal(ks[8], (C, Dcat), dtype=jnp.float32) / np.sqrt(Dcat)
    d['spline_w_out'] = jax.random.normal(ks[9], (C, Dcat, nb), dtype=jnp.float32) * 0.1
    d['scaler_out'] = jax.random.normal(ks[10], (C, Dcat), dtype=jnp.float32) / np.sqrt(Dcat)
    return d


def reference(x, edge_index, grid1, base_w1, spline_w1, scaler1, bias1, gamma1, beta1,
              grid2, base_w2, spline_w2, scaler2, bias2, gamma2, beta2,
              grid_out, base_w_out, spline_w_out, scaler_out):
    return _forward(x, grid1, base_w1, spline_w1, scaler1, bias1, gamma1, beta1,
                    grid2, base_w2, spline_w2, scaler2, bias2, gamma2, beta2,
                    grid_out, base_w_out, spline_w_out, scaler_out, edge_index)

if __name__ == "__main__":
    import jax
    _d = setup_inputs()
    print(jax.jit(kernel)(*tuple(_d.values())))

</pallas_src>

<mosaic_0001>
#map = affine_map<(d0, d1) -> (0, 0, 0)>
#map1 = affine_map<(d0, d1) -> (0, 0)>
module attributes {stable_mosaic.version = 14 : i64} {
  func.func @_sc_scat_body(%arg0: i32, %arg1: i32, %arg2: memref<32x80x128xi32, #tpu.memory_space<hbm>>, %arg3: memref<32x80x128xi32, #tpu.memory_space<hbm>>, %arg4: memref<10240x64xf32, #tpu.memory_space<hbm>>, %arg5: memref<10240x64xf32, #tpu.memory_space<hbm>>, %arg6: memref<2x10240x64xf32, #tpu.memory_space<hbm>>, %arg7: memref<80x128xi32, #tpu.memory_space<vmem>>, %arg8: memref<80x128xi32, #tpu.memory_space<vmem>>, %arg9: memref<5x128x64xf32, #tpu.memory_space<vmem>>, %arg10: memref<10240x64xf32, #tpu.memory_space<vmem_shared>>, %arg11: memref<!tpu.dma_semaphore, #tpu.memory_space<semaphore_mem>>, %arg12: memref<!tpu.dma_semaphore, #tpu.memory_space<semaphore_mem>>, %arg13: memref<!tpu.dma_semaphore, #tpu.memory_space<semaphore_mem>>, %arg14: memref<!tpu.dma_semaphore, #tpu.memory_space<semaphore_mem>>, %arg15: memref<!tpu.dma_semaphore, #tpu.memory_space<semaphore_mem>>) attributes {dimension_semantics = [#tpu.dimension_semantics<core_parallel>, #tpu.dimension_semantics<subcore_parallel>], iteration_bounds = array<i64: 2, 16>, scalar_prefetch = 0 : i64, scratch_operands = 9 : i64, tpu.core_type = #tpu.core_type<sc_vector_subcore>, window_params = [{transform_indices = #map}, {transform_indices = #map}, {transform_indices = #map1}, {transform_indices = #map1}, {transform_indices = #map}]} {
    %mul3A = arith.constant 640 : i32
    %mul3A_0 = arith.muli %arg1, %mul3A : i32
    %mul3A_1 = arith.constant 640 : i32
    %mul3A_2 = arith.muli %arg1, %mul3A_1 : i32
    "tpu.region"() ({
      %run_scoped3A = tpu.sem_alloc : memref<!tpu.dma_semaphore, #tpu.memory_space<semaphore_mem>>
      %dma_start3A_62 = arith.constant 0 : i32
      %dma_start3A_63 = tpu.memref_slice %arg10[%mul3A_2, %dma_start3A_62] : memref<10240x64xf32, #tpu.memory_space<vmem_shared>> -> memref<640x64xf32, #tpu.memory_space<vmem_shared>>
      %dma_start3A_64 = arith.constant 0 : i32
      %dma_start3A_65 = tpu.memref_slice %arg5[%mul3A_0, %dma_start3A_64] : memref<10240x64xf32, #tpu.memory_space<hbm>> -> memref<640x64xf32, #tpu.memory_space<hbm>>
      tpu.enqueue_dma source(%dma_start3A_65 : memref<640x64xf32, #tpu.memory_space<hbm>>) target(%dma_start3A_63 : memref<640x64xf32, #tpu.memory_space<vmem_shared>>) target_semaphore(%run_scoped3A : memref<!tpu.dma_semaphore, #tpu.memory_space<semaphore_mem>>)
      %dma_wait3A = arith.constant 0 : i32
      %dma_wait3A_66 = tpu.memref_slice %arg10[%mul3A_2, %dma_wait3A] : memref<10240x64xf32, #tpu.memory_space<vmem_shared>> -> memref<640x64xf32, #tpu.memory_space<vmem_shared>>
      %dma_wait3A_67 = arith.constant 0 : i32
      %dma_wait3A_68 = tpu.memref_slice %arg5[%mul3A_0, %dma_wait3A_67] : memref<10240x64xf32, #tpu.memory_space<hbm>> -> memref<640x64xf32, #tpu.memory_space<hbm>>
      tpu.wait_dma2 semaphore(%run_scoped3A : memref<!tpu.dma_semaphore, #tpu.memory_space<semaphore_mem>>) src(%dma_wait3A_68 : memref<640x64xf32, #tpu.memory_space<hbm>>) dst(%dma_wait3A_66 : memref<640x64xf32, #tpu.memory_space<vmem_shared>>)
      tpu.yield
    }) : () -> ()
    %mul3A_3 = arith.constant 2 : i32
    %mul3A_4 = arith.muli %arg1, %mul3A_3 : i32
    %add3A = arith.addi %mul3A_4, %arg0 : i32
    "tpu.region"() ({
      %run_scoped3A = tpu.sem_alloc : memref<!tpu.dma_semaphore, #tpu.memory_space<semaphore_mem>>
      %dma_start3A_62 = arith.constant 0 : i32
      %dma_start3A_63 = arith.constant 0 : i32
      %dma_start3A_64 = tpu.memref_slice %arg2[%add3A, %dma_start3A_62, %dma_start3A_63] : memref<32x80x128xi32, #tpu.memory_space<hbm>> -> memref<1x80x128xi32, #tpu.memory_space<hbm>>
      %dma_start3A_65 = tpu.memref_squeeze %dma_start3A_64 : memref<1x80x128xi32, #tpu.memory_space<hbm>> -> memref<80x128xi32, #tpu.memory_space<hbm>>
      %dma_start3A_66 = arith.constant 0 : i32
      %dma_start3A_67 = arith.constant 0 : i32
      %dma_start3A_68 = tpu.memref_slice %arg2[%add3A, %dma_start3A_66, %dma_start3A_67] : memref<32x80x128xi32, #tpu.memory_space<hbm>> -> memref<1x80x128xi32, #tpu.memory_space<hbm>>
      %dma_start3A_69 = tpu.memref_squeeze %dma_start3A_68 : memref<1x80x128xi32, #tpu.memory_space<hbm>> -> memref<80x128xi32, #tpu.memory_space<hbm>>
      tpu.enqueue_dma source(%dma_start3A_69 : memref<80x128xi32, #tpu.memory_space<hbm>>) target(%arg7 : memref<80x128xi32, #tpu.memory_space<vmem>>) target_semaphore(%run_scoped3A : memref<!tpu.dma_semaphore, #tpu.memory_space<semaphore_mem>>)
      %dma_wait3A = arith.constant 0 : i32
      %dma_wait3A_70 = arith.constant 0 : i32
      %dma_wait3A_71 = tpu.memref_slice %arg2[%add3A, %dma_wait3A, %dma_wait3A_70] : memref<32x80x128xi32, #tpu.memory_space<hbm>> -> memref<1x80x128xi32, #tpu.memory_space<hbm>>
      %dma_wait3A_72 = tpu.memref_squeeze %dma_wait3A_71 : memref<1x80x128xi32, #tpu.memory_space<hbm>> -> memref<80x128xi32, #tpu.memory_space<hbm>>
      %dma_wait3A_73 = arith.constant 0 : i32
      %dma_wait3A_74 = arith.constant 0 : i32
      %dma_wait3A_75 = tpu.memref_slice %arg2[%add3A, %dma_wait3A_73, %dma_wait3A_74] : memref<32x80x128xi32, #tpu.memory_space<hbm>> -> memref<1x80x128xi32, #tpu.memory_space<hbm>>
      %dma_wait3A_76 = tpu.memref_squeeze %dma_wait3A_75 : memref<1x80x128xi32, #tpu.memory_space<hbm>> -> memref<80x128xi32, #tpu.memory_space<hbm>>
      tpu.wait_dma2 semaphore(%run_scoped3A : memref<!tpu.dma_semaphore, #tpu.memory_space<semaphore_mem>>) src(%dma_wait3A_76 : memref<80x128xi32, #tpu.memory_space<hbm>>) dst(%arg7 : memref<80x128xi32, #tpu.memory_space<vmem>>)
      tpu.yield
    }) : () -> ()
    "tpu.region"() ({
      %run_scoped3A = tpu.sem_alloc : memref<!tpu.dma_semaphore, #tpu.memory_space<semaphore_mem>>
      %dma_start3A_62 = arith.constant 0 : i32
      %dma_start3A_63 = arith.constant 0 : i32
      %dma_start3A_64 = tpu.memref_slice %arg3[%add3A, %dma_start3A_62, %dma_start3A_63] : memref<32x80x128xi32, #tpu.memory_space<hbm>> -> memref<1x80x128xi32, #tpu.memory_space<hbm>>
      %dma_start3A_65 = tpu.memref_squeeze %dma_start3A_64 : memref<1x80x128xi32, #tpu.memory_space<hbm>> -> memref<80x128xi32, #tpu.memory_space<hbm>>
      %dma_start3A_66 = arith.constant 0 : i32
      %dma_start3A_67 = arith.constant 0 : i32
      %dma_start3A_68 = tpu.memref_slice %arg3[%add3A, %dma_start3A_66, %dma_start3A_67] : memref<32x80x128xi32, #tpu.memory_space<hbm>> -> memref<1x80x128xi32, #tpu.memory_space<hbm>>
      %dma_start3A_69 = tpu.memref_squeeze %dma_start3A_68 : memref<1x80x128xi32, #tpu.memory_space<hbm>> -> memref<80x128xi32, #tpu.memory_space<hbm>>
      tpu.enqueue_dma source(%dma_start3A_69 : memref<80x128xi32, #tpu.memory_space<hbm>>) target(%arg8 : memref<80x128xi32, #tpu.memory_space<vmem>>) target_semaphore(%run_scoped3A : memref<!tpu.dma_semaphore, #tpu.memory_space<semaphore_mem>>)
      %dma_wait3A = arith.constant 0 : i32
      %dma_wait3A_70 = arith.constant 0 : i32
      %dma_wait3A_71 = tpu.memref_slice %arg3[%add3A, %dma_wait3A, %dma_wait3A_70] : memref<32x80x128xi32, #tpu.memory_space<hbm>> -> memref<1x80x128xi32, #tpu.memory_space<hbm>>
      %dma_wait3A_72 = tpu.memref_squeeze %dma_wait3A_71 : memref<1x80x128xi32, #tpu.memory_space<hbm>> -> memref<80x128xi32, #tpu.memory_space<hbm>>
      %dma_wait3A_73 = arith.constant 0 : i32
      %dma_wait3A_74 = arith.constant 0 : i32
      %dma_wait3A_75 = tpu.memref_slice %arg3[%add3A, %dma_wait3A_73, %dma_wait3A_74] : memref<32x80x128xi32, #tpu.memory_space<hbm>> -> memref<1x80x128xi32, #tpu.memory_space<hbm>>
      %dma_wait3A_76 = tpu.memref_squeeze %dma_wait3A_75 : memref<1x80x128xi32, #tpu.memory_space<hbm>> -> memref<80x128xi32, #tpu.memory_space<hbm>>
      tpu.wait_dma2 semaphore(%run_scoped3A : memref<!tpu.dma_semaphore, #tpu.memory_space<semaphore_mem>>) src(%dma_wait3A_76 : memref<80x128xi32, #tpu.memory_space<hbm>>) dst(%arg8 : memref<80x128xi32, #tpu.memory_space<vmem>>)
      tpu.yield
    }) : () -> ()
    %barrier3A = arith.constant 0 : index
    tpu.barrier barrier_id(%barrier3A)
    %dma_start3A = arith.constant 0 : i32
    %dma_start3A_5 = arith.constant 0 : i32
    %dma_start3A_6 = arith.constant 0 : i32
    %dma_start3A_7 = arith.constant 0 : i32
    %dma_start3A_8 = tpu.memref_slice %arg9[%dma_start3A_5, %dma_start3A_6, %dma_start3A_7] : memref<5x128x64xf32, #tpu.memory_space<vmem>> -> memref<1x128x64xf32, #tpu.memory_space<vmem>>
    %dma_start3A_9 = tpu.memref_squeeze %dma_start3A_8 : memref<1x128x64xf32, #tpu.memory_space<vmem>> -> memref<128x64xf32, #tpu.memory_space<vmem>>
    %dma_start3A_10 = arith.constant 0 : i32
    %dma_start3A_11 = tpu.memref_slice %arg7[%dma_start3A, %dma_start3A_10] : memref<80x128xi32, #tpu.memory_space<vmem>> -> memref<1x128xi32, #tpu.memory_space<vmem>>
    %dma_start3A_12 = tpu.memref_squeeze %dma_start3A_11 : memref<1x128xi32, #tpu.memory_space<vmem>> -> memref<128xi32, #tpu.memory_space<vmem>>
    %dma_start3A_13 = arith.constant 0 : i32
    %dma_start3A_14 = arith.constant 0 : i32
    %dma_start3A_15 = tpu.memref_slice %arg4[%dma_start3A_13, %dma_start3A_14] : memref<10240x64xf32, #tpu.memory_space<hbm>> -> memref<10240x64xf32, #tpu.memory_space<hbm>>
    tpu.enqueue_indirect_dma source(%dma_start3A_15 : memref<10240x64xf32, #tpu.memory_space<hbm>>) target(%dma_start3A_9 : memref<128x64xf32, #tpu.memory_space<vmem>>) offsets(%dma_start3A_12 : memref<128xi32, #tpu.memory_space<vmem>>) semaphore(%arg11 : memref<!tpu.dma_semaphore, #tpu.memory_space<semaphore_mem>>)
    %dma_start3A_16 = arith.constant 1 : i32
    %dma_start3A_17 = arith.constant 1 : i32
    %dma_start3A_18 = arith.constant 0 : i32
    %dma_start3A_19 = arith.constant 0 : i32
    %dma_start3A_20 = tpu.memref_slice %arg9[%dma_start3A_17, %dma_start3A_18, %dma_start3A_19] : memref<5x128x64xf32, #tpu.memory_space<vmem>> -> memref<1x128x64xf32, #tpu.memory_space<vmem>>
    %dma_start3A_21 = tpu.memref_squeeze %dma_start3A_20 : memref<1x128x64xf32, #tpu.memory_space<vmem>> -> memref<128x64xf32, #tpu.memory_space<vmem>>
    %dma_start3A_22 = arith.constant 0 : i32
    %dma_start3A_23 = tpu.memref_slice %arg7[%dma_start3A_16, %dma_start3A_22] : memref<80x128xi32, #tpu.memory_space<vmem>> -> memref<1x128xi32, #tpu.memory_space<vmem>>
    %dma_start3A_24 = tpu.memref_squeeze %dma_start3A_23 : memref<1x128xi32, #tpu.memory_space<vmem>> -> memref<128xi32, #tpu.memory_space<vmem>>
    %dma_start3A_25 = arith.constant 0 : i32
    %dma_start3A_26 = arith.constant 0 : i32
    %dma_start3A_27 = tpu.memref_slice %arg4[%dma_start3A_25, %dma_start3A_26] : memref<10240x64xf32, #tpu.memory_space<hbm>> -> memref<10240x64xf32, #tpu.memory_space<hbm>>
    tpu.enqueue_indirect_dma source(%dma_start3A_27 : memref<10240x64xf32, #tpu.memory_space<hbm>>) target(%dma_start3A_21 : memref<128x64xf32, #tpu.memory_space<vmem>>) offsets(%dma_start3A_24 : memref<128xi32, #tpu.memory_space<vmem>>) semaphore(%arg12 : memref<!tpu.dma_semaphore, #tpu.memory_space<semaphore_mem>>)
    %dma_start3A_28 = arith.constant 2 : i32
    %dma_start3A_29 = arith.constant 2 : i32
    %dma_start3A_30 = arith.constant 0 : i32
    %dma_start3A_31 = arith.constant 0 : i32
    %dma_start3A_32 = tpu.memref_slice %arg9[%dma_start3A_29, %dma_start3A_30, %dma_start3A_31] : memref<5x128x64xf32, #tpu.memory_space<vmem>> -> memref<1x128x64xf32, #tpu.memory_space<vmem>>
    %dma_start3A_33 = tpu.memref_squeeze %dma_start3A_32 : memref<1x128x64xf32, #tpu.memory_space<vmem>> -> memref<128x64xf32, #tpu.memory_space<vmem>>
    %dma_start3A_34 = arith.constant 0 : i32
    %dma_start3A_35 = tpu.memref_slice %arg7[%dma_start3A_28, %dma_start3A_34] : memref<80x128xi32, #tpu.memory_space<vmem>> -> memref<1x128xi32, #tpu.memory_space<vmem>>
    %dma_start3A_36 = tpu.memref_squeeze %dma_start3A_35 : memref<1x128xi32, #tpu.memory_space<vmem>> -> memref<128xi32, #tpu.memory_space<vmem>>
    %dma_start3A_37 = arith.constant 0 : i32
    %dma_start3A_38 = arith.constant 0 : i32
    %dma_start3A_39 = tpu.memref_slice %arg4[%dma_start3A_37, %dma_start3A_38] : memref<10240x64xf32, #tpu.memory_space<hbm>> -> memref<10240x64xf32, #tpu.memory_space<hbm>>
    tpu.enqueue_indirect_dma source(%dma_start3A_39 : memref<10240x64xf32, #tpu.memory_space<hbm>>) target(%dma_start3A_33 : memref<128x64xf32, #tpu.memory_space<vmem>>) offsets(%dma_start3A_36 : memref<128xi32, #tpu.memory_space<vmem>>) semaphore(%arg13 : memref<!tpu.dma_semaphore, #tpu.memory_space<semaphore_mem>>)
    %dma_start3A_40 = arith.constant 3 : i32
    %dma_start3A_41 = arith.constant 3 : i32
    %dma_start3A_42 = arith.constant 0 : i32
    %dma_start3A_43 = arith.constant 0 : i32
    %dma_start3A_44 = tpu.memref_slice %arg9[%dma_start3A_41, %dma_start3A_42, %dma_start3A_43] : memref<5x128x64xf32, #tpu.memory_space<vmem>> -> memref<1x128x64xf32, #tpu.memory_space<vmem>>
    %dma_start3A_45 = tpu.memref_squeeze %dma_start3A_44 : memref<1x128x64xf32, #tpu.memory_space<vmem>> -> memref<128x64xf32, #tpu.memory_space<vmem>>
    %dma_start3A_46 = arith.constant 0 : i32
    %dma_start3A_47 = tpu.memref_slice %arg7[%dma_start3A_40, %dma_start3A_46] : memref<80x128xi32, #tpu.memory_space<vmem>> -> memref<1x128xi32, #tpu.memory_space<vmem>>
    %dma_start3A_48 = tpu.memref_squeeze %dma_start3A_47 : memref<1x128xi32, #tpu.memory_space<vmem>> -> memref<128xi32, #tpu.memory_space<vmem>>
    %dma_start3A_49 = arith.constant 0 : i32
    %dma_start3A_50 = arith.constant 0 : i32
    %dma_start3A_51 = tpu.memref_slice %arg4[%dma_start3A_49, %dma_start3A_50] : memref<10240x64xf32, #tpu.memory_space<hbm>> -> memref<10240x64xf32, #tpu.memory_space<hbm>>
    tpu.enqueue_indirect_dma source(%dma_start3A_51 : memref<10240x64xf32, #tpu.memory_space<hbm>>) target(%dma_start3A_45 : memref<128x64xf32, #tpu.memory_space<vmem>>) offsets(%dma_start3A_48 : memref<128xi32, #tpu.memory_space<vmem>>) semaphore(%arg14 : memref<!tpu.dma_semaphore, #tpu.memory_space<semaphore_mem>>)
    %scan3A = arith.constant 0 : i32
    %scan3A_52 = arith.constant 0 : i32
    %scan3A_53 = arith.constant 16 : i32
    %scan3A_54 = arith.addi %scan3A_52, %scan3A_53 : i32
    %scan3A_55 = arith.constant 1 : i32
    scf.for %scan3A_62 = %scan3A_52 to %scan3A_54 step %scan3A_55  : i32 {
      %mul3A_63 = arith.constant 5 : i32
      %mul3A_64 = arith.muli %scan3A_62, %mul3A_63 : i32
      %add3A_65 = arith.constant 0 : i32
      %add3A_66 = arith.addi %mul3A_64, %add3A_65 : i32
      %dma_wait3A = arith.constant 0 : i32
      %dma_wait3A_67 = arith.constant 0 : i32
      %dma_wait3A_68 = arith.constant 0 : i32
      %dma_wait3A_69 = arith.constant 0 : i32
      %dma_wait3A_70 = tpu.memref_slice %arg9[%dma_wait3A_67, %dma_wait3A_68, %dma_wait3A_69] : memref<5x128x64xf32, #tpu.memory_space<vmem>> -> memref<1x128x64xf32, #tpu.memory_space<vmem>>
      %dma_wait3A_71 = tpu.memref_squeeze %dma_wait3A_70 : memref<1x128x64xf32, #tpu.memory_space<vmem>> -> memref<128x64xf32, #tpu.memory_space<vmem>>
      %dma_wait3A_72 = arith.constant 0 : i32
      %dma_wait3A_73 = tpu.memref_slice %arg7[%dma_wait3A, %dma_wait3A_72] : memref<80x128xi32, #tpu.memory_space<vmem>> -> memref<1x128xi32, #tpu.memory_space<vmem>>
      %dma_wait3A_74 = tpu.memref_squeeze %dma_wait3A_73 : memref<1x128xi32, #tpu.memory_space<vmem>> -> memref<128xi32, #tpu.memory_space<vmem>>
      %dma_wait3A_75 = arith.constant 0 : i32
      %dma_wait3A_76 = arith.constant 0 : i32
      %dma_wait3A_77 = tpu.memref_slice %arg4[%dma_wait3A_75, %dma_wait3A_76] : memref<10240x64xf32, #tpu.memory_space<hbm>> -> memref<10240x64xf32, #tpu.memory_space<hbm>>
      tpu.wait_indirect_dma semaphore(%arg11 : memref<!tpu.dma_semaphore, #tpu.memory_space<semaphore_mem>>) src(%dma_wait3A_77 : memref<10240x64xf32, #tpu.memory_space<hbm>>) dst(%dma_wait3A_71 : memref<128x64xf32, #tpu.memory_space<vmem>>)
      %run_scoped3A = arith.constant 0 : i32
      "tpu.region"() ({
        %run_scoped3A_178 = tpu.sem_alloc : memref<!tpu.dma_semaphore, #tpu.memory_space<semaphore_mem>>
        %dma_start3A_179 = arith.constant 0 : i32
        %dma_start3A_180 = arith.constant 0 : i32
        %dma_start3A_181 = tpu.memref_slice %arg9[%run_scoped3A, %dma_start3A_179, %dma_start3A_180] : memref<5x128x64xf32, #tpu.memory_space<vmem>> -> memref<1x128x64xf32, #tpu.memory_space<vmem>>
        %dma_start3A_182 = tpu.memref_squeeze %dma_start3A_181 : memref<1x128x64xf32, #tpu.memory_space<vmem>> -> memref<128x64xf32, #tpu.memory_space<vmem>>
        %dma_start3A_183 = arith.constant 0 : i32
        %dma_start3A_184 = tpu.memref_slice %arg8[%add3A_66, %dma_start3A_183] : memref<80x128xi32, #tpu.memory_space<vmem>> -> memref<1x128xi32, #tpu.memory_space<vmem>>
        %dma_start3A_185 = tpu.memref_squeeze %dma_start3A_184 : memref<1x128xi32, #tpu.memory_space<vmem>> -> memref<128xi32, #tpu.memory_space<vmem>>
        %dma_start3A_186 = arith.constant 0 : i32
        %dma_start3A_187 = arith.constant 0 : i32
        %dma_start3A_188 = tpu.memref_slice %arg10[%dma_start3A_186, %dma_start3A_187] : memref<10240x64xf32, #tpu.memory_space<vmem_shared>> -> memref<10240x64xf32, #tpu.memory_space<vmem_shared>>
        tpu.enqueue_indirect_dma source(%dma_start3A_182 : memref<128x64xf32, #tpu.memory_space<vmem>>) target(%dma_start3A_188 : memref<10240x64xf32, #tpu.memory_space<vmem_shared>>) offsets(%dma_start3A_185 : memref<128xi32, #tpu.memory_space<vmem>>) semaphore(%run_scoped3A_178 : memref<!tpu.dma_semaphore, #tpu.memory_space<semaphore_mem>>) {add = true}
        %dma_wait3A_189 = arith.constant 0 : i32
        %dma_wait3A_190 = arith.constant 0 : i32
        %dma_wait3A_191 = tpu.memref_slice %arg9[%run_scoped3A, %dma_wait3A_189, %dma_wait3A_190] : memref<5x128x64xf32, #tpu.memory_space<vmem>> -> memref<1x128x64xf32, #tpu.memory_space<vmem>>
        %dma_wait3A_192 = tpu.memref_squeeze %dma_wait3A_191 : memref<1x128x64xf32, #tpu.memory_space<vmem>> -> memref<128x64xf32, #tpu.memory_space<vmem>>
        %dma_wait3A_193 = arith.constant 0 : i32
        %dma_wait3A_194 = tpu.memref_slice %arg8[%add3A_66, %dma_wait3A_193] : memref<80x128xi32, #tpu.memory_space<vmem>> -> memref<1x128xi32, #tpu.memory_space<vmem>>
        %dma_wait3A_195 = tpu.memref_squeeze %dma_wait3A_194 : memref<1x128xi32, #tpu.memory_space<vmem>> -> memref<128xi32, #tpu.memory_space<vmem>>
        %dma_wait3A_196 = arith.constant 0 : i32
        %dma_wait3A_197 = arith.constant 0 : i32
        %dma_wait3A_198 = tpu.memref_slice %arg10[%dma_wait3A_196, %dma_wait3A_197] : memref<10240x64xf32, #tpu.memory_space<vmem_shared>> -> memref<10240x64xf32, #tpu.memory_space<vmem_shared>>
        tpu.wait_indirect_dma semaphore(%run_scoped3A_178 : memref<!tpu.dma_semaphore, #tpu.memory_space<semaphore_mem>>) src(%dma_wait3A_192 : memref<128x64xf32, #tpu.memory_space<vmem>>) dst(%dma_wait3A_198 : memref<10240x64xf32, #tpu.memory_space<vmem_shared>>)
        tpu.yield
      }) : () -> ()
      %add3A_78 = arith.constant 4 : i32
      %add3A_79 = arith.addi %add3A_66, %add3A_78 : i32
      %lt3A = arith.constant 80 : i32
      %lt3A_80 = arith.cmpi slt, %add3A_79, %lt3A : i32
      %convert_element_type3A = arith.extui %lt3A_80 : i1 to i32
      %cond3A = arith.constant 0 : i32
      %cond3A_81 = arith.cmpi ne, %convert_element_type3A, %cond3A : i32
      scf.if %cond3A_81 {
        %add3A_178 = arith.constant 4 : i32
        %add3A_179 = arith.addi %add3A_66, %add3A_178 : i32
        %dma_start3A_180 = arith.constant 4 : i32
        %dma_start3A_181 = arith.constant 0 : i32
        %dma_start3A_182 = arith.constant 0 : i32
        %dma_start3A_183 = tpu.memref_slice %arg9[%dma_start3A_180, %dma_start3A_181, %dma_start3A_182] : memref<5x128x64xf32, #tpu.memory_space<vmem>> -> memref<1x128x64xf32, #tpu.memory_space<vmem>>
        %dma_start3A_184 = tpu.memref_squeeze %dma_start3A_183 : memref<1x128x64xf32, #tpu.memory_space<vmem>> -> memref<128x64xf32, #tpu.memory_space<vmem>>
        %dma_start3A_185 = arith.constant 0 : i32
        %dma_start3A_186 = tpu.memref_slice %arg7[%add3A_179, %dma_start3A_185] : memref<80x128xi32, #tpu.memory_space<vmem>> -> memref<1x128xi32, #tpu.memory_space<vmem>>
        %dma_start3A_187 = tpu.memref_squeeze %dma_start3A_186 : memref<1x128xi32, #tpu.memory_space<vmem>> -> memref<128xi32, #tpu.memory_space<vmem>>
        %dma_start3A_188 = arith.constant 0 : i32
        %dma_start3A_189 = arith.constant 0 : i32
        %dma_start3A_190 = tpu.memref_slice %arg4[%dma_start3A_188, %dma_start3A_189] : memref<10240x64xf32, #tpu.memory_space<hbm>> -> memref<10240x64xf32, #tpu.memory_space<hbm>>
        tpu.enqueue_indirect_dma source(%dma_start3A_190 : memref<10240x64xf32, #tpu.memory_space<hbm>>) target(%dma_start3A_184 : memref<128x64xf32, #tpu.memory_space<vmem>>) offsets(%dma_start3A_187 : memref<128xi32, #tpu.memory_space<vmem>>) semaphore(%arg15 : memref<!tpu.dma_semaphore, #tpu.memory_space<semaphore_mem>>)
      } else {
      }
      %mul3A_82 = arith.constant 5 : i32
      %mul3A_83 = arith.muli %scan3A_62, %mul3A_82 : i32
      %add3A_84 = arith.constant 1 : i32
      %add3A_85 = arith.addi %mul3A_83, %add3A_84 : i32
      %dma_wait3A_86 = arith.constant 1 : i32
      %dma_wait3A_87 = arith.constant 1 : i32
      %dma_wait3A_88 = arith.constant 0 : i32
      %dma_wait3A_89 = arith.constant 0 : i32
      %dma_wait3A_90 = tpu.memref_slice %arg9[%dma_wait3A_87, %dma_wait3A_88, %dma_wait3A_89] : memref<5x128x64xf32, #tpu.memory_space<vmem>> -> memref<1x128x64xf32, #tpu.memory_space<vmem>>
      %dma_wait3A_91 = tpu.memref_squeeze %dma_wait3A_90 : memref<1x128x64xf32, #tpu.memory_space<vmem>> -> memref<128x64xf32, #tpu.memory_space<vmem>>
      %dma_wait3A_92 = arith.constant 0 : i32
      %dma_wait3A_93 = tpu.memref_slice %arg7[%dma_wait3A_86, %dma_wait3A_92] : memref<80x128xi32, #tpu.memory_space<vmem>> -> memref<1x128xi32, #tpu.memory_space<vmem>>
      %dma_wait3A_94 = tpu.memref_squeeze %dma_wait3A_93 : memref<1x128xi32, #tpu.memory_space<vmem>> -> memref<128xi32, #tpu.memory_space<vmem>>
      %dma_wait3A_95 = arith.constant 0 : i32
      %dma_wait3A_96 = arith.constant 0 : i32
      %dma_wait3A_97 = tpu.memref_slice %arg4[%dma_wait3A_95, %dma_wait3A_96] : memref<10240x64xf32, #tpu.memory_space<hbm>> -> memref<10240x64xf32, #tpu.memory_space<hbm>>
      tpu.wait_indirect_dma semaphore(%arg12 : memref<!tpu.dma_semaphore, #tpu.memory_space<semaphore_mem>>) src(%dma_wait3A_97 : memref<10240x64xf32, #tpu.memory_space<hbm>>) dst(%dma_wait3A_91 : memref<128x64xf32, #tpu.memory_space<vmem>>)
      %run_scoped3A_98 = arith.constant 1 : i32
      "tpu.region"() ({
        %run_scoped3A_178 = tpu.sem_alloc : memref<!tpu.dma_semaphore, #tpu.memory_space<semaphore_mem>>
        %dma_start3A_179 = arith.constant 0 : i32
        %dma_start3A_180 = arith.constant 0 : i32
        %dma_start3A_181 = tpu.memref_slice %arg9[%run_scoped3A_98, %dma_start3A_179, %dma_start3A_180] : memref<5x128x64xf32, #tpu.memory_space<vmem>> -> memref<1x128x64xf32, #tpu.memory_space<vmem>>
        %dma_start3A_182 = tpu.memref_squeeze %dma_start3A_181 : memref<1x128x64xf32, #tpu.memory_space<vmem>> -> memref<128x64xf32, #tpu.memory_space<vmem>>
        %dma_start3A_183 = arith.constant 0 : i32
        %dma_start3A_184 = tpu.memref_slice %arg8[%add3A_85, %dma_start3A_183] : memref<80x128xi32, #tpu.memory_space<vmem>> -> memref<1x128xi32, #tpu.memory_space<vmem>>
        %dma_start3A_185 = tpu.memref_squeeze %dma_start3A_184 : memref<1x128xi32, #tpu.memory_space<vmem>> -> memref<128xi32, #tpu.memory_space<vmem>>
        %dma_start3A_186 = arith.constant 0 : i32
        %dma_start3A_187 = arith.constant 0 : i32
        %dma_start3A_188 = tpu.memref_slice %arg10[%dma_start3A_186, %dma_start3A_187] : memref<10240x64xf32, #tpu.memory_space<vmem_shared>> -> memref<10240x64xf32, #tpu.memory_space<vmem_shared>>
        tpu.enqueue_indirect_dma source(%dma_start3A_182 : memref<128x64xf32, #tpu.memory_space<vmem>>) target(%dma_start3A_188 : memref<10240x64xf32, #tpu.memory_space<vmem_shared>>) offsets(%dma_start3A_185 : memref<128xi32, #tpu.memory_space<vmem>>) semaphore(%run_scoped3A_178 : memref<!tpu.dma_semaphore, #tpu.memory_space<semaphore_mem>>) {add = true}
        %dma_wait3A_189 = arith.constant 0 : i32
        %dma_wait3A_190 = arith.constant 0 : i32
        %dma_wait3A_191 = tpu.memref_slice %arg9[%run_scoped3A_98, %dma_wait3A_189, %dma_wait3A_190] : memref<5x128x64xf32, #tpu.memory_space<vmem>> -> memref<1x128x64xf32, #tpu.memory_space<vmem>>
        %dma_wait3A_192 = tpu.memref_squeeze %dma_wait3A_191 : memref<1x128x64xf32, #tpu.memory_space<vmem>> -> memref<128x64xf32, #tpu.memory_space<vmem>>
        %dma_wait3A_193 = arith.constant 0 : i32
        %dma_wait3A_194 = tpu.memref_slice %arg8[%add3A_85, %dma_wait3A_193] : memref<80x128xi32, #tpu.memory_space<vmem>> -> memref<1x128xi32, #tpu.memory_space<vmem>>
        %dma_wait3A_195 = tpu.memref_squeeze %dma_wait3A_194 : memref<1x128xi32, #tpu.memory_space<vmem>> -> memref<128xi32, #tpu.memory_space<vmem>>
        %dma_wait3A_196 = arith.constant 0 : i32
        %dma_wait3A_197 = arith.constant 0 : i32
        %dma_wait3A_198 = tpu.memref_slice %arg10[%dma_wait3A_196, %dma_wait3A_197] : memref<10240x64xf32, #tpu.memory_space<vmem_shared>> -> memref<10240x64xf32, #tpu.memory_space<vmem_shared>>
        tpu.wait_indirect_dma semaphore(%run_scoped3A_178 : memref<!tpu.dma_semaphore, #tpu.memory_space<semaphore_mem>>) src(%dma_wait3A_192 : memref<128x64xf32, #tpu.memory_space<vmem>>) dst(%dma_wait3A_198 : memref<10240x64xf32, #tpu.memory_space<vmem_shared>>)
        tpu.yield
      }) : () -> ()
      %add3A_99 = arith.constant 4 : i32
      %add3A_100 = arith.addi %add3A_85, %add3A_99 : i32
      %lt3A_101 = arith.constant 80 : i32
      %lt3A_102 = arith.cmpi slt, %add3A_100, %lt3A_101 : i32
      %convert_element_type3A_103 = arith.extui %lt3A_102 : i1 to i32
      %cond3A_104 = arith.constant 0 : i32
      %cond3A_105 = arith.cmpi ne, %convert_element_type3A_103, %cond3A_104 : i32
      scf.if %cond3A_105 {
        %add3A_178 = arith.constant 4 : i32
        %add3A_179 = arith.addi %add3A_85, %add3A_178 : i32
        %dma_start3A_180 = arith.constant 0 : i32
        %dma_start3A_181 = arith.constant 0 : i32
        %dma_start3A_182 = arith.constant 0 : i32
        %dma_start3A_183 = tpu.memref_slice %arg9[%dma_start3A_180, %dma_start3A_181, %dma_start3A_182] : memref<5x128x64xf32, #tpu.memory_space<vmem>> -> memref<1x128x64xf32, #tpu.memory_space<vmem>>
        %dma_start3A_184 = tpu.memref_squeeze %dma_start3A_183 : memref<1x128x64xf32, #tpu.memory_space<vmem>> -> memref<128x64xf32, #tpu.memory_space<vmem>>
        %dma_start3A_185 = arith.constant 0 : i32
        %dma_start3A_186 = tpu.memref_slice %arg7[%add3A_179, %dma_start3A_185] : memref<80x128xi32, #tpu.memory_space<vmem>> -> memref<1x128xi32, #tpu.memory_space<vmem>>
        %dma_start3A_187 = tpu.memref_squeeze %dma_start3A_186 : memref<1x128xi32, #tpu.memory_space<vmem>> -> memref<128xi32, #tpu.memory_space<vmem>>
        %dma_start3A_188 = arith.constant 0 : i32
        %dma_start3A_189 = arith.constant 0 : i32
        %dma_start3A_190 = tpu.memref_slice %arg4[%dma_start3A_188, %dma_start3A_189] : memref<10240x64xf32, #tpu.memory_space<hbm>> -> memref<10240x64xf32, #tpu.memory_space<hbm>>
        tpu.enqueue_indirect_dma source(%dma_start3A_190 : memref<10240x64xf32, #tpu.memory_space<hbm>>) target(%dma_start3A_184 : memref<128x64xf32, #tpu.memory_space<vmem>>) offsets(%dma_start3A_187 : memref<128xi32, #tpu.memory_space<vmem>>) semaphore(%arg11 : memref<!tpu.dma_semaphore, #tpu.memory_space<semaphore_mem>>)
      } else {
      }
      %mul3A_106 = arith.constant 5 : i32
      %mul3A_107 = arith.muli %scan3A_62, %mul3A_106 : i32
      %add3A_108 = arith.constant 2 : i32
      %add3A_109 = arith.addi %mul3A_107, %add3A_108 : i32
      %dma_wait3A_110 = arith.constant 2 : i32
      %dma_wait3A_111 = arith.constant 2 : i32
      %dma_wait3A_112 = arith.constant 0 : i32
      %dma_wait3A_113 = arith.constant 0 : i32
      %dma_wait3A_114 = tpu.memref_slice %arg9[%dma_wait3A_111, %dma_wait3A_112, %dma_wait3A_113] : memref<5x128x64xf32, #tpu.memory_space<vmem>> -> memref<1x128x64xf32, #tpu.memory_space<vmem>>
      %dma_wait3A_115 = tpu.memref_squeeze %dma_wait3A_114 : memref<1x128x64xf32, #tpu.memory_space<vmem>> -> memref<128x64xf32, #tpu.memory_space<vmem>>
      %dma_wait3A_116 = arith.constant 0 : i32
      %dma_wait3A_117 = tpu.memref_slice %arg7[%dma_wait3A_110, %dma_wait3A_116] : memref<80x128xi32, #tpu.memory_space<vmem>> -> memref<1x128xi32, #tpu.memory_space<vmem>>
      %dma_wait3A_118 = tpu.memref_squeeze %dma_wait3A_117 : memref<1x128xi32, #tpu.memory_space<vmem>> -> memref<128xi32, #tpu.memory_space<vmem>>
      %dma_wait3A_119 = arith.constant 0 : i32
      %dma_wait3A_120 = arith.constant 0 : i32
      %dma_wait3A_121 = tpu.memref_slice %arg4[%dma_wait3A_119, %dma_wait3A_120] : memref<10240x64xf32, #tpu.memory_space<hbm>> -> memref<10240x64xf32, #tpu.memory_space<hbm>>
      tpu.wait_indirect_dma semaphore(%arg13 : memref<!tpu.dma_semaphore, #tpu.memory_space<semaphore_mem>>) src(%dma_wait3A_121 : memref<10240x64xf32, #tpu.memory_space<hbm>>) dst(%dma_wait3A_115 : memref<128x64xf32, #tpu.memory_space<vmem>>)
      %run_scoped3A_122 = arith.constant 2 : i32
      "tpu.region"() ({
        %run_scoped3A_178 = tpu.sem_alloc : memref<!tpu.dma_semaphore, #tpu.memory_space<semaphore_mem>>
        %dma_start3A_179 = arith.constant 0 : i32
        %dma_start3A_180 = arith.constant 0 : i32
        %dma_start3A_181 = tpu.memref_slice %arg9[%run_scoped3A_122, %dma_start3A_179, %dma_start3A_180] : memref<5x128x64xf32, #tpu.memory_space<vmem>> -> memref<1x128x64xf32, #tpu.memory_space<vmem>>
        %dma_start3A_182 = tpu.memref_squeeze %dma_start3A_181 : memref<1x128x64xf32, #tpu.memory_space<vmem>> -> memref<128x64xf32, #tpu.memory_space<vmem>>
        %dma_start3A_183 = arith.constant 0 : i32
        %dma_start3A_184 = tpu.memref_slice %arg8[%add3A_109, %dma_start3A_183] : memref<80x128xi32, #tpu.memory_space<vmem>> -> memref<1x128xi32, #tpu.memory_space<vmem>>
        %dma_start3A_185 = tpu.memref_squeeze %dma_start3A_184 : memref<1x128xi32, #tpu.memory_space<vmem>> -> memref<128xi32, #tpu.memory_space<vmem>>
        %dma_start3A_186 = arith.constant 0 : i32
        %dma_start3A_187 = arith.constant 0 : i32
        %dma_start3A_188 = tpu.memref_slice %arg10[%dma_start3A_186, %dma_start3A_187] : memref<10240x64xf32, #tpu.memory_space<vmem_shared>> -> memref<10240x64xf32, #tpu.memory_space<vmem_shared>>
        tpu.enqueue_indirect_dma source(%dma_start3A_182 : memref<128x64xf32, #tpu.memory_space<vmem>>) target(%dma_start3A_188 : memref<10240x64xf32, #tpu.memory_space<vmem_shared>>) offsets(%dma_start3A_185 : memref<128xi32, #tpu.memory_space<vmem>>) semaphore(%run_scoped3A_178 : memref<!tpu.dma_semaphore, #tpu.memory_space<semaphore_mem>>) {add = true}
        %dma_wait3A_189 = arith.constant 0 : i32
        %dma_wait3A_190 = arith.constant 0 : i32
        %dma_wait3A_191 = tpu.memref_slice %arg9[%run_scoped3A_122, %dma_wait3A_189, %dma_wait3A_190] : memref<5x128x64xf32, #tpu.memory_space<vmem>> -> memref<1x128x64xf32, #tpu.memory_space<vmem>>
        %dma_wait3A_192 = tpu.memref_squeeze %dma_wait3A_191 : memref<1x128x64xf32, #tpu.memory_space<vmem>> -> memref<128x64xf32, #tpu.memory_space<vmem>>
        %dma_wait3A_193 = arith.constant 0 : i32
        %dma_wait3A_194 = tpu.memref_slice %arg8[%add3A_109, %dma_wait3A_193] : memref<80x128xi32, #tpu.memory_space<vmem>> -> memref<1x128xi32, #tpu.memory_space<vmem>>
        %dma_wait3A_195 = tpu.memref_squeeze %dma_wait3A_194 : memref<1x128xi32, #tpu.memory_space<vmem>> -> memref<128xi32, #tpu.memory_space<vmem>>
        %dma_wait3A_196 = arith.constant 0 : i32
        %dma_wait3A_197 = arith.constant 0 : i32
        %dma_wait3A_198 = tpu.memref_slice %arg10[%dma_wait3A_196, %dma_wait3A_197] : memref<10240x64xf32, #tpu.memory_space<vmem_shared>> -> memref<10240x64xf32, #tpu.memory_space<vmem_shared>>
        tpu.wait_indirect_dma semaphore(%run_scoped3A_178 : memref<!tpu.dma_semaphore, #tpu.memory_space<semaphore_mem>>) src(%dma_wait3A_192 : memref<128x64xf32, #tpu.memory_space<vmem>>) dst(%dma_wait3A_198 : memref<10240x64xf32, #tpu.memory_space<vmem_shared>>)
        tpu.yield
      }) : () -> ()
      %add3A_123 = arith.constant 4 : i32
      %add3A_124 = arith.addi %add3A_109, %add3A_123 : i32
      %lt3A_125 = arith.constant 80 : i32
      %lt3A_126 = arith.cmpi slt, %add3A_124, %lt3A_125 : i32
      %convert_element_type3A_127 = arith.extui %lt3A_126 : i1 to i32
      %cond3A_128 = arith.constant 0 : i32
      %cond3A_129 = arith.cmpi ne, %convert_element_type3A_127, %cond3A_128 : i32
      scf.if %cond3A_129 {
        %add3A_178 = arith.constant 4 : i32
        %add3A_179 = arith.addi %add3A_109, %add3A_178 : i32
        %dma_start3A_180 = arith.constant 1 : i32
        %dma_start3A_181 = arith.constant 0 : i32
        %dma_start3A_182 = arith.constant 0 : i32
        %dma_start3A_183 = tpu.memref_slice %arg9[%dma_start3A_180, %dma_start3A_181, %dma_start3A_182] : memref<5x128x64xf32, #tpu.memory_space<vmem>> -> memref<1x128x64xf32, #tpu.memory_space<vmem>>
        %dma_start3A_184 = tpu.memref_squeeze %dma_start3A_183 : memref<1x128x64xf32, #tpu.memory_space<vmem>> -> memref<128x64xf32, #tpu.memory_space<vmem>>
        %dma_start3A_185 = arith.constant 0 : i32
        %dma_start3A_186 = tpu.memref_slice %arg7[%add3A_179, %dma_start3A_185] : memref<80x128xi32, #tpu.memory_space<vmem>> -> memref<1x128xi32, #tpu.memory_space<vmem>>
        %dma_start3A_187 = tpu.memref_squeeze %dma_start3A_186 : memref<1x128xi32, #tpu.memory_space<vmem>> -> memref<128xi32, #tpu.memory_space<vmem>>
        %dma_start3A_188 = arith.constant 0 : i32
        %dma_start3A_189 = arith.constant 0 : i32
        %dma_start3A_190 = tpu.memref_slice %arg4[%dma_start3A_188, %dma_start3A_189] : memref<10240x64xf32, #tpu.memory_space<hbm>> -> memref<10240x64xf32, #tpu.memory_space<hbm>>
        tpu.enqueue_indirect_dma source(%dma_start3A_190 : memref<10240x64xf32, #tpu.memory_space<hbm>>) target(%dma_start3A_184 : memref<128x64xf32, #tpu.memory_space<vmem>>) offsets(%dma_start3A_187 : memref<128xi32, #tpu.memory_space<vmem>>) semaphore(%arg12 : memref<!tpu.dma_semaphore, #tpu.memory_space<semaphore_mem>>)
      } else {
      }
      %mul3A_130 = arith.constant 5 : i32
      %mul3A_131 = arith.muli %scan3A_62, %mul3A_130 : i32
      %add3A_132 = arith.constant 3 : i32
      %add3A_133 = arith.addi %mul3A_131, %add3A_132 : i32
      %dma_wait3A_134 = arith.constant 3 : i32
      %dma_wait3A_135 = arith.constant 3 : i32
      %dma_wait3A_136 = arith.constant 0 : i32
      %dma_wait3A_137 = arith.constant 0 : i32
      %dma_wait3A_138 = tpu.memref_slice %arg9[%dma_wait3A_135, %dma_wait3A_136, %dma_wait3A_137] : memref<5x128x64xf32, #tpu.memory_space<vmem>> -> memref<1x128x64xf32, #tpu.memory_space<vmem>>
      %dma_wait3A_139 = tpu.memref_squeeze %dma_wait3A_138 : memref<1x128x64xf32, #tpu.memory_space<vmem>> -> memref<128x64xf32, #tpu.memory_space<vmem>>
      %dma_wait3A_140 = arith.constant 0 : i32
      %dma_wait3A_141 = tpu.memref_slice %arg7[%dma_wait3A_134, %dma_wait3A_140] : memref<80x128xi32, #tpu.memory_space<vmem>> -> memref<1x128xi32, #tpu.memory_space<vmem>>
      %dma_wait3A_142 = tpu.memref_squeeze %dma_wait3A_141 : memref<1x128xi32, #tpu.memory_space<vmem>> -> memref<128xi32, #tpu.memory_space<vmem>>
      %dma_wait3A_143 = arith.constant 0 : i32
      %dma_wait3A_144 = arith.constant 0 : i32
      %dma_wait3A_145 = tpu.memref_slice %arg4[%dma_wait3A_143, %dma_wait3A_144] : memref<10240x64xf32, #tpu.memory_space<hbm>> -> memref<10240x64xf32, #tpu.memory_space<hbm>>
      tpu.wait_indirect_dma semaphore(%arg14 : memref<!tpu.dma_semaphore, #tpu.memory_space<semaphore_mem>>) src(%dma_wait3A_145 : memref<10240x64xf32, #tpu.memory_space<hbm>>) dst(%dma_wait3A_139 : memref<128x64xf32, #tpu.memory_space<vmem>>)
      %run_scoped3A_146 = arith.constant 3 : i32
      "tpu.region"() ({
        %run_scoped3A_178 = tpu.sem_alloc : memref<!tpu.dma_semaphore, #tpu.memory_space<semaphore_mem>>
        %dma_start3A_179 = arith.constant 0 : i32
        %dma_start3A_180 = arith.constant 0 : i32
        %dma_start3A_181 = tpu.memref_slice %arg9[%run_scoped3A_146, %dma_start3A_179, %dma_start3A_180] : memref<5x128x64xf32, #tpu.memory_space<vmem>> -> memref<1x128x64xf32, #tpu.memory_space<vmem>>
        %dma_start3A_182 = tpu.memref_squeeze %dma_start3A_181 : memref<1x128x64xf32, #tpu.memory_space<vmem>> -> memref<128x64xf32, #tpu.memory_space<vmem>>
        %dma_start3A_183 = arith.constant 0 : i32
        %dma_start3A_184 = tpu.memref_slice %arg8[%add3A_133, %dma_start3A_183] : memref<80x128xi32, #tpu.memory_space<vmem>> -> memref<1x128xi32, #tpu.memory_space<vmem>>
        %dma_start3A_185 = tpu.memref_squeeze %dma_start3A_184 : memref<1x128xi32, #tpu.memory_space<vmem>> -> memref<128xi32, #tpu.memory_space<vmem>>
        %dma_start3A_186 = arith.constant 0 : i32
        %dma_start3A_187 = arith.constant 0 : i32
        %dma_start3A_188 = tpu.memref_slice %arg10[%dma_start3A_186, %dma_start3A_187] : memref<10240x64xf32, #tpu.memory_space<vmem_shared>> -> memref<10240x64xf32, #tpu.memory_space<vmem_shared>>
        tpu.enqueue_indirect_dma source(%dma_start3A_182 : memref<128x64xf32, #tpu.memory_space<vmem>>) target(%dma_start3A_188 : memref<10240x64xf32, #tpu.memory_space<vmem_shared>>) offsets(%dma_start3A_185 : memref<128xi32, #tpu.memory_space<vmem>>) semaphore(%run_scoped3A_178 : memref<!tpu.dma_semaphore, #tpu.memory_space<semaphore_mem>>) {add = true}
        %dma_wait3A_189 = arith.constant 0 : i32
        %dma_wait3A_190 = arith.constant 0 : i32
        %dma_wait3A_191 = tpu.memref_slice %arg9[%run_scoped3A_146, %dma_wait3A_189, %dma_wait3A_190] : memref<5x128x64xf32, #tpu.memory_space<vmem>> -> memref<1x128x64xf32, #tpu.memory_space<vmem>>
        %dma_wait3A_192 = tpu.memref_squeeze %dma_wait3A_191 : memref<1x128x64xf32, #tpu.memory_space<vmem>> -> memref<128x64xf32, #tpu.memory_space<vmem>>
        %dma_wait3A_193 = arith.constant 0 : i32
        %dma_wait3A_194 = tpu.memref_slice %arg8[%add3A_133, %dma_wait3A_193] : memref<80x128xi32, #tpu.memory_space<vmem>> -> memref<1x128xi32, #tpu.memory_space<vmem>>
        %dma_wait3A_195 = tpu.memref_squeeze %dma_wait3A_194 : memref<1x128xi32, #tpu.memory_space<vmem>> -> memref<128xi32, #tpu.memory_space<vmem>>
        %dma_wait3A_196 = arith.constant 0 : i32
        %dma_wait3A_197 = arith.constant 0 : i32
        %dma_wait3A_198 = tpu.memref_slice %arg10[%dma_wait3A_196, %dma_wait3A_197] : memref<10240x64xf32, #tpu.memory_space<vmem_shared>> -> memref<10240x64xf32, #tpu.memory_space<vmem_shared>>
        tpu.wait_indirect_dma semaphore(%run_scoped3A_178 : memref<!tpu.dma_semaphore, #tpu.memory_space<semaphore_mem>>) src(%dma_wait3A_192 : memref<128x64xf32, #tpu.memory_space<vmem>>) dst(%dma_wait3A_198 : memref<10240x64xf32, #tpu.memory_space<vmem_shared>>)
        tpu.yield
      }) : () -> ()
      %add3A_147 = arith.constant 4 : i32
      %add3A_148 = arith.addi %add3A_133, %add3A_147 : i32
      %lt3A_149 = arith.constant 80 : i32
      %lt3A_150 = arith.cmpi slt, %add3A_148, %lt3A_149 : i32
      %convert_element_type3A_151 = arith.extui %lt3A_150 : i1 to i32
      %cond3A_152 = arith.constant 0 : i32
      %cond3A_153 = arith.cmpi ne, %convert_element_type3A_151, %cond3A_152 : i32
      scf.if %cond3A_153 {
        %add3A_178 = arith.constant 4 : i32
        %add3A_179 = arith.addi %add3A_133, %add3A_178 : i32
        %dma_start3A_180 = arith.constant 2 : i32
        %dma_start3A_181 = arith.constant 0 : i32
        %dma_start3A_182 = arith.constant 0 : i32
        %dma_start3A_183 = tpu.memref_slice %arg9[%dma_start3A_180, %dma_start3A_181, %dma_start3A_182] : memref<5x128x64xf32, #tpu.memory_space<vmem>> -> memref<1x128x64xf32, #tpu.memory_space<vmem>>
        %dma_start3A_184 = tpu.memref_squeeze %dma_start3A_183 : memref<1x128x64xf32, #tpu.memory_space<vmem>> -> memref<128x64xf32, #tpu.memory_space<vmem>>
        %dma_start3A_185 = arith.constant 0 : i32
        %dma_start3A_186 = tpu.memref_slice %arg7[%add3A_179, %dma_start3A_185] : memref<80x128xi32, #tpu.memory_space<vmem>> -> memref<1x128xi32, #tpu.memory_space<vmem>>
        %dma_start3A_187 = tpu.memref_squeeze %dma_start3A_186 : memref<1x128xi32, #tpu.memory_space<vmem>> -> memref<128xi32, #tpu.memory_space<vmem>>
        %dma_start3A_188 = arith.constant 0 : i32
        %dma_start3A_189 = arith.constant 0 : i32
        %dma_start3A_190 = tpu.memref_slice %arg4[%dma_start3A_188, %dma_start3A_189] : memref<10240x64xf32, #tpu.memory_space<hbm>> -> memref<10240x64xf32, #tpu.memory_space<hbm>>
        tpu.enqueue_indirect_dma source(%dma_start3A_190 : memref<10240x64xf32, #tpu.memory_space<hbm>>) target(%dma_start3A_184 : memref<128x64xf32, #tpu.memory_space<vmem>>) offsets(%dma_start3A_187 : memref<128xi32, #tpu.memory_space<vmem>>) semaphore(%arg13 : memref<!tpu.dma_semaphore, #tpu.memory_space<semaphore_mem>>)
      } else {
      }
      %mul3A_154 = arith.constant 5 : i32
      %mul3A_155 = arith.muli %scan3A_62, %mul3A_154 : i32
      %add3A_156 = arith.constant 4 : i32
      %add3A_157 = arith.addi %mul3A_155, %add3A_156 : i32
      %dma_wait3A_158 = arith.constant 4 : i32
      %dma_wait3A_159 = arith.constant 4 : i32
      %dma_wait3A_160 = arith.constant 0 : i32
      %dma_wait3A_161 = arith.constant 0 : i32
      %dma_wait3A_162 = tpu.memref_slice %arg9[%dma_wait3A_159, %dma_wait3A_160, %dma_wait3A_161] : memref<5x128x64xf32, #tpu.memory_space<vmem>> -> memref<1x128x64xf32, #tpu.memory_space<vmem>>
      %dma_wait3A_163 = tpu.memref_squeeze %dma_wait3A_162 : memref<1x128x64xf32, #tpu.memory_space<vmem>> -> memref<128x64xf32, #tpu.memory_space<vmem>>
      %dma_wait3A_164 = arith.constant 0 : i32
      %dma_wait3A_165 = tpu.memref_slice %arg7[%dma_wait3A_158, %dma_wait3A_164] : memref<80x128xi32, #tpu.memory_space<vmem>> -> memref<1x128xi32, #tpu.memory_space<vmem>>
      %dma_wait3A_166 = tpu.memref_squeeze %dma_wait3A_165 : memref<1x128xi32, #tpu.memory_space<vmem>> -> memref<128xi32, #tpu.memory_space<vmem>>
      %dma_wait3A_167 = arith.constant 0 : i32
      %dma_wait3A_168 = arith.constant 0 : i32
      %dma_wait3A_169 = tpu.memref_slice %arg4[%dma_wait3A_167, %dma_wait3A_168] : memref<10240x64xf32, #tpu.memory_space<hbm>> -> memref<10240x64xf32, #tpu.memory_space<hbm>>
      tpu.wait_indirect_dma semaphore(%arg15 : memref<!tpu.dma_semaphore, #tpu.memory_space<semaphore_mem>>) src(%dma_wait3A_169 : memref<10240x64xf32, #tpu.memory_space<hbm>>) dst(%dma_wait3A_163 : memref<128x64xf32, #tpu.memory_space<vmem>>)
      %run_scoped3A_170 = arith.constant 4 : i32
      "tpu.region"() ({
        %run_scoped3A_178 = tpu.sem_alloc : memref<!tpu.dma_semaphore, #tpu.memory_space<semaphore_mem>>
        %dma_start3A_179 = arith.constant 0 : i32
        %dma_start3A_180 = arith.constant 0 : i32
        %dma_start3A_181 = tpu.memref_slice %arg9[%run_scoped3A_170, %dma_start3A_179, %dma_start3A_180] : memref<5x128x64xf32, #tpu.memory_space<vmem>> -> memref<1x128x64xf32, #tpu.memory_space<vmem>>
        %dma_start3A_182 = tpu.memref_squeeze %dma_start3A_181 : memref<1x128x64xf32, #tpu.memory_space<vmem>> -> memref<128x64xf32, #tpu.memory_space<vmem>>
        %dma_start3A_183 = arith.constant 0 : i32
        %dma_start3A_184 = tpu.memref_slice %arg8[%add3A_157, %dma_start3A_183] : memref<80x128xi32, #tpu.memory_space<vmem>> -> memref<1x128xi32, #tpu.memory_space<vmem>>
        %dma_start3A_185 = tpu.memref_squeeze %dma_start3A_184 : memref<1x128xi32, #tpu.memory_space<vmem>> -> memref<128xi32, #tpu.memory_space<vmem>>
        %dma_start3A_186 = arith.constant 0 : i32
        %dma_start3A_187 = arith.constant 0 : i32
        %dma_start3A_188 = tpu.memref_slice %arg10[%dma_start3A_186, %dma_start3A_187] : memref<10240x64xf32, #tpu.memory_space<vmem_shared>> -> memref<10240x64xf32, #tpu.memory_space<vmem_shared>>
        tpu.enqueue_indirect_dma source(%dma_start3A_182 : memref<128x64xf32, #tpu.memory_space<vmem>>) target(%dma_start3A_188 : memref<10240x64xf32, #tpu.memory_space<vmem_shared>>) offsets(%dma_start3A_185 : memref<128xi32, #tpu.memory_space<vmem>>) semaphore(%run_scoped3A_178 : memref<!tpu.dma_semaphore, #tpu.memory_space<semaphore_mem>>) {add = true}
        %dma_wait3A_189 = arith.constant 0 : i32
        %dma_wait3A_190 = arith.constant 0 : i32
        %dma_wait3A_191 = tpu.memref_slice %arg9[%run_scoped3A_170, %dma_wait3A_189, %dma_wait3A_190] : memref<5x128x64xf32, #tpu.memory_space<vmem>> -> memref<1x128x64xf32, #tpu.memory_space<vmem>>
        %dma_wait3A_192 = tpu.memref_squeeze %dma_wait3A_191 : memref<1x128x64xf32, #tpu.memory_space<vmem>> -> memref<128x64xf32, #tpu.memory_space<vmem>>
        %dma_wait3A_193 = arith.constant 0 : i32
        %dma_wait3A_194 = tpu.memref_slice %arg8[%add3A_157, %dma_wait3A_193] : memref<80x128xi32, #tpu.memory_space<vmem>> -> memref<1x128xi32, #tpu.memory_space<vmem>>
        %dma_wait3A_195 = tpu.memref_squeeze %dma_wait3A_194 : memref<1x128xi32, #tpu.memory_space<vmem>> -> memref<128xi32, #tpu.memory_space<vmem>>
        %dma_wait3A_196 = arith.constant 0 : i32
        %dma_wait3A_197 = arith.constant 0 : i32
        %dma_wait3A_198 = tpu.memref_slice %arg10[%dma_wait3A_196, %dma_wait3A_197] : memref<10240x64xf32, #tpu.memory_space<vmem_shared>> -> memref<10240x64xf32, #tpu.memory_space<vmem_shared>>
        tpu.wait_indirect_dma semaphore(%run_scoped3A_178 : memref<!tpu.dma_semaphore, #tpu.memory_space<semaphore_mem>>) src(%dma_wait3A_192 : memref<128x64xf32, #tpu.memory_space<vmem>>) dst(%dma_wait3A_198 : memref<10240x64xf32, #tpu.memory_space<vmem_shared>>)
        tpu.yield
      }) : () -> ()
      %add3A_171 = arith.constant 4 : i32
      %add3A_172 = arith.addi %add3A_157, %add3A_171 : i32
      %lt3A_173 = arith.constant 80 : i32
      %lt3A_174 = arith.cmpi slt, %add3A_172, %lt3A_173 : i32
      %convert_element_type3A_175 = arith.extui %lt3A_174 : i1 to i32
      %cond3A_176 = arith.constant 0 : i32
      %cond3A_177 = arith.cmpi ne, %convert_element_type3A_175, %cond3A_176 : i32
      scf.if %cond3A_177 {
        %add3A_178 = arith.constant 4 : i32
        %add3A_179 = arith.addi %add3A_157, %add3A_178 : i32
        %dma_start3A_180 = arith.constant 3 : i32
        %dma_start3A_181 = arith.constant 0 : i32
        %dma_start3A_182 = arith.constant 0 : i32
        %dma_start3A_183 = tpu.memref_slice %arg9[%dma_start3A_180, %dma_start3A_181, %dma_start3A_182] : memref<5x128x64xf32, #tpu.memory_space<vmem>> -> memref<1x128x64xf32, #tpu.memory_space<vmem>>
        %dma_start3A_184 = tpu.memref_squeeze %dma_start3A_183 : memref<1x128x64xf32, #tpu.memory_space<vmem>> -> memref<128x64xf32, #tpu.memory_space<vmem>>
        %dma_start3A_185 = arith.constant 0 : i32
        %dma_start3A_186 = tpu.memref_slice %arg7[%add3A_179, %dma_start3A_185] : memref<80x128xi32, #tpu.memory_space<vmem>> -> memref<1x128xi32, #tpu.memory_space<vmem>>
        %dma_start3A_187 = tpu.memref_squeeze %dma_start3A_186 : memref<1x128xi32, #tpu.memory_space<vmem>> -> memref<128xi32, #tpu.memory_space<vmem>>
        %dma_start3A_188 = arith.constant 0 : i32
        %dma_start3A_189 = arith.constant 0 : i32
        %dma_start3A_190 = tpu.memref_slice %arg4[%dma_start3A_188, %dma_start3A_189] : memref<10240x64xf32, #tpu.memory_space<hbm>> -> memref<10240x64xf32, #tpu.memory_space<hbm>>
        tpu.enqueue_indirect_dma source(%dma_start3A_190 : memref<10240x64xf32, #tpu.memory_space<hbm>>) target(%dma_start3A_184 : memref<128x64xf32, #tpu.memory_space<vmem>>) offsets(%dma_start3A_187 : memref<128xi32, #tpu.memory_space<vmem>>) semaphore(%arg14 : memref<!tpu.dma_semaphore, #tpu.memory_space<semaphore_mem>>)
      } else {
      }
    }
    %scan3A_56 = arith.constant 16 : i32
    %barrier3A_57 = arith.constant 0 : index
    tpu.barrier barrier_id(%barrier3A_57)
    %mul3A_58 = arith.constant 640 : i32
    %mul3A_59 = arith.muli %arg1, %mul3A_58 : i32
    %mul3A_60 = arith.constant 640 : i32
    %mul3A_61 = arith.muli %arg1, %mul3A_60 : i32
    "tpu.region"() ({
      %run_scoped3A = tpu.sem_alloc : memref<!tpu.dma_semaphore, #tpu.memory_space<semaphore_mem>>
      %dma_start3A_62 = arith.constant 0 : i32
      %dma_start3A_63 = tpu.memref_slice %arg6[%arg0, %mul3A_61, %dma_start3A_62] : memref<2x10240x64xf32, #tpu.memory_space<hbm>> -> memref<1x640x64xf32, #tpu.memory_space<hbm>>
      %dma_start3A_64 = tpu.memref_squeeze %dma_start3A_63 : memref<1x640x64xf32, #tpu.memory_space<hbm>> -> memref<640x64xf32, #tpu.memory_space<hbm>>
      %dma_start3A_65 = arith.constant 0 : i32
      %dma_start3A_66 = tpu.memref_slice %arg10[%mul3A_59, %dma_start3A_65] : memref<10240x64xf32, #tpu.memory_space<vmem_shared>> -> memref<640x64xf32, #tpu.memory_space<vmem_shared>>
      tpu.enqueue_dma source(%dma_start3A_66 : memref<640x64xf32, #tpu.memory_space<vmem_shared>>) target(%dma_start3A_64 : memref<640x64xf32, #tpu.memory_space<hbm>>) target_semaphore(%run_scoped3A : memref<!tpu.dma_semaphore, #tpu.memory_space<semaphore_mem>>)
      %dma_wait3A = arith.constant 0 : i32
      %dma_wait3A_67 = tpu.memref_slice %arg6[%arg0, %mul3A_61, %dma_wait3A] : memref<2x10240x64xf32, #tpu.memory_space<hbm>> -> memref<1x640x64xf32, #tpu.memory_space<hbm>>
      %dma_wait3A_68 = tpu.memref_squeeze %dma_wait3A_67 : memref<1x640x64xf32, #tpu.memory_space<hbm>> -> memref<640x64xf32, #tpu.memory_space<hbm>>
      %dma_wait3A_69 = arith.constant 0 : i32
      %dma_wait3A_70 = tpu.memref_slice %arg10[%mul3A_59, %dma_wait3A_69] : memref<10240x64xf32, #tpu.memory_space<vmem_shared>> -> memref<640x64xf32, #tpu.memory_space<vmem_shared>>
      tpu.wait_dma2 semaphore(%run_scoped3A : memref<!tpu.dma_semaphore, #tpu.memory_space<semaphore_mem>>) src(%dma_wait3A_70 : memref<640x64xf32, #tpu.memory_space<vmem_shared>>) dst(%dma_wait3A_68 : memref<640x64xf32, #tpu.memory_space<hbm>>)
      tpu.yield
    }) : () -> ()
    return
  }
}

#map = affine_map<(d0, d1) -> (0, 0, 0)>
#map1 = affine_map<(d0, d1) -> (0)>
#map2 = affine_map<(d0, d1) -> (0, 0)>
module attributes {stable_mosaic.version = 14 : i64} {
  func.func @_sc_deg_body(%arg0: i32, %arg1: i32, %arg2: memref<32x80x128xi32, #tpu.memory_space<hbm>>, %arg3: memref<128xf32, #tpu.memory_space<hbm>>, %arg4: memref<10240xf32, #tpu.memory_space<hbm>>, %arg5: memref<2x10240xf32, #tpu.memory_space<hbm>>, %arg6: memref<80x128xi32, #tpu.memory_space<vmem>>, %arg7: memref<128xf32, #tpu.memory_space<vmem>>, %arg8: memref<10240xf32, #tpu.memory_space<vmem_shared>>) attributes {dimension_semantics = [#tpu.dimension_semantics<core_parallel>, #tpu.dimension_semantics<subcore_parallel>], iteration_bounds = array<i64: 2, 16>, scalar_prefetch = 0 : i64, scratch_operands = 3 : i64, tpu.core_type = #tpu.core_type<sc_vector_subcore>, window_params = [{transform_indices = #map}, {transform_indices = #map1}, {transform_indices = #map1}, {transform_indices = #map2}]} {
    %mul3A = arith.constant 2 : i32
    %mul3A_0 = arith.muli %arg1, %mul3A : i32
    %add3A = arith.addi %mul3A_0, %arg0 : i32
    %mul3A_1 = arith.constant 640 : i32
    %mul3A_2 = arith.muli %arg1, %mul3A_1 : i32
    %mul3A_3 = arith.constant 640 : i32
    %mul3A_4 = arith.muli %arg1, %mul3A_3 : i32
    "tpu.region"() ({
      %run_scoped3A = tpu.sem_alloc : memref<!tpu.dma_semaphore, #tpu.memory_space<semaphore_mem>>
      %dma_start3A = tpu.memref_slice %arg8[%mul3A_4] : memref<10240xf32, #tpu.memory_space<vmem_shared>> -> memref<640xf32, #tpu.memory_space<vmem_shared>>
      %dma_start3A_15 = tpu.memref_slice %arg4[%mul3A_2] : memref<10240xf32, #tpu.memory_space<hbm>> -> memref<640xf32, #tpu.memory_space<hbm>>
      tpu.enqueue_dma source(%dma_start3A_15 : memref<640xf32, #tpu.memory_space<hbm>>) target(%dma_start3A : memref<640xf32, #tpu.memory_space<vmem_shared>>) target_semaphore(%run_scoped3A : memref<!tpu.dma_semaphore, #tpu.memory_space<semaphore_mem>>)
      %dma_wait3A = tpu.memref_slice %arg8[%mul3A_4] : memref<10240xf32, #tpu.memory_space<vmem_shared>> -> memref<640xf32, #tpu.memory_space<vmem_shared>>
      %dma_wait3A_16 = tpu.memref_slice %arg4[%mul3A_2] : memref<10240xf32, #tpu.memory_space<hbm>> -> memref<640xf32, #tpu.memory_space<hbm>>
      tpu.wait_dma2 semaphore(%run_scoped3A : memref<!tpu.dma_semaphore, #tpu.memory_space<semaphore_mem>>) src(%dma_wait3A_16 : memref<640xf32, #tpu.memory_space<hbm>>) dst(%dma_wait3A : memref<640xf32, #tpu.memory_space<vmem_shared>>)
      tpu.yield
    }) : () -> ()
    "tpu.region"() ({
      %run_scoped3A = tpu.sem_alloc : memref<!tpu.dma_semaphore, #tpu.memory_space<semaphore_mem>>
      %dma_start3A = arith.constant 0 : i32
      %dma_start3A_15 = arith.constant 0 : i32
      %dma_start3A_16 = tpu.memref_slice %arg2[%add3A, %dma_start3A, %dma_start3A_15] : memref<32x80x128xi32, #tpu.memory_space<hbm>> -> memref<1x80x128xi32, #tpu.memory_space<hbm>>
      %dma_start3A_17 = tpu.memref_squeeze %dma_start3A_16 : memref<1x80x128xi32, #tpu.memory_space<hbm>> -> memref<80x128xi32, #tpu.memory_space<hbm>>
      %dma_start3A_18 = arith.constant 0 : i32
      %dma_start3A_19 = arith.constant 0 : i32
      %dma_start3A_20 = tpu.memref_slice %arg2[%add3A, %dma_start3A_18, %dma_start3A_19] : memref<32x80x128xi32, #tpu.memory_space<hbm>> -> memref<1x80x128xi32, #tpu.memory_space<hbm>>
      %dma_start3A_21 = tpu.memref_squeeze %dma_start3A_20 : memref<1x80x128xi32, #tpu.memory_space<hbm>> -> memref<80x128xi32, #tpu.memory_space<hbm>>
      tpu.enqueue_dma source(%dma_start3A_21 : memref<80x128xi32, #tpu.memory_space<hbm>>) target(%arg6 : memref<80x128xi32, #tpu.memory_space<vmem>>) target_semaphore(%run_scoped3A : memref<!tpu.dma_semaphore, #tpu.memory_space<semaphore_mem>>)
      %dma_wait3A = arith.constant 0 : i32
      %dma_wait3A_22 = arith.constant 0 : i32
      %dma_wait3A_23 = tpu.memref_slice %arg2[%add3A, %dma_wait3A, %dma_wait3A_22] : memref<32x80x128xi32, #tpu.memory_space<hbm>> -> memref<1x80x128xi32, #tpu.memory_space<hbm>>
      %dma_wait3A_24 = tpu.memref_squeeze %dma_wait3A_23 : memref<1x80x128xi32, #tpu.memory_space<hbm>> -> memref<80x128xi32, #tpu.memory_space<hbm>>
      %dma_wait3A_25 = arith.constant 0 : i32
      %dma_wait3A_26 = arith.constant 0 : i32
      %dma_wait3A_27 = tpu.memref_slice %arg2[%add3A, %dma_wait3A_25, %dma_wait3A_26] : memref<32x80x128xi32, #tpu.memory_space<hbm>> -> memref<1x80x128xi32, #tpu.memory_space<hbm>>
      %dma_wait3A_28 = tpu.memref_squeeze %dma_wait3A_27 : memref<1x80x128xi32, #tpu.memory_space<hbm>> -> memref<80x128xi32, #tpu.memory_space<hbm>>
      tpu.wait_dma2 semaphore(%run_scoped3A : memref<!tpu.dma_semaphore, #tpu.memory_space<semaphore_mem>>) src(%dma_wait3A_28 : memref<80x128xi32, #tpu.memory_space<hbm>>) dst(%arg6 : memref<80x128xi32, #tpu.memory_space<vmem>>)
      tpu.yield
    }) : () -> ()
    "tpu.region"() ({
      %run_scoped3A = tpu.sem_alloc : memref<!tpu.dma_semaphore, #tpu.memory_space<semaphore_mem>>
      tpu.enqueue_dma source(%arg3 : memref<128xf32, #tpu.memory_space<hbm>>) target(%arg7 : memref<128xf32, #tpu.memory_space<vmem>>) target_semaphore(%run_scoped3A : memref<!tpu.dma_semaphore, #tpu.memory_space<semaphore_mem>>)
      tpu.wait_dma2 semaphore(%run_scoped3A : memref<!tpu.dma_semaphore, #tpu.memory_space<semaphore_mem>>) src(%arg3 : memref<128xf32, #tpu.memory_space<hbm>>) dst(%arg7 : memref<128xf32, #tpu.memory_space<vmem>>)
      tpu.yield
    }) : () -> ()
    %barrier3A = arith.constant 0 : index
    tpu.barrier barrier_id(%barrier3A)
    %scan3A = arith.constant 0 : i32
    %scan3A_5 = arith.constant 0 : i32
    %scan3A_6 = arith.constant 80 : i32
    %scan3A_7 = arith.addi %scan3A_5, %scan3A_6 : i32
    %scan3A_8 = arith.constant 1 : i32
    scf.for %scan3A_15 = %scan3A_5 to %scan3A_7 step %scan3A_8  : i32 {
      "tpu.region"() ({
        %run_scoped3A = tpu.sem_alloc : memref<!tpu.dma_semaphore, #tpu.memory_space<semaphore_mem>>
        %dma_start3A = arith.constant 0 : i32
        %dma_start3A_16 = tpu.memref_slice %arg6[%scan3A_15, %dma_start3A] : memref<80x128xi32, #tpu.memory_space<vmem>> -> memref<1x128xi32, #tpu.memory_space<vmem>>
        %dma_start3A_17 = tpu.memref_squeeze %dma_start3A_16 : memref<1x128xi32, #tpu.memory_space<vmem>> -> memref<128xi32, #tpu.memory_space<vmem>>
        %dma_start3A_18 = arith.constant 0 : i32
        %dma_start3A_19 = tpu.memref_slice %arg8[%dma_start3A_18] : memref<10240xf32, #tpu.memory_space<vmem_shared>> -> memref<10240xf32, #tpu.memory_space<vmem_shared>>
        tpu.enqueue_indirect_dma source(%arg7 : memref<128xf32, #tpu.memory_space<vmem>>) target(%dma_start3A_19 : memref<10240xf32, #tpu.memory_space<vmem_shared>>) offsets(%dma_start3A_17 : memref<128xi32, #tpu.memory_space<vmem>>) semaphore(%run_scoped3A : memref<!tpu.dma_semaphore, #tpu.memory_space<semaphore_mem>>) {add = true}
        %dma_wait3A = arith.constant 0 : i32
        %dma_wait3A_20 = tpu.memref_slice %arg6[%scan3A_15, %dma_wait3A] : memref<80x128xi32, #tpu.memory_space<vmem>> -> memref<1x128xi32, #tpu.memory_space<vmem>>
        %dma_wait3A_21 = tpu.memref_squeeze %dma_wait3A_20 : memref<1x128xi32, #tpu.memory_space<vmem>> -> memref<128xi32, #tpu.memory_space<vmem>>
        %dma_wait3A_22 = arith.constant 0 : i32
        %dma_wait3A_23 = tpu.memref_slice %arg8[%dma_wait3A_22] : memref<10240xf32, #tpu.memory_space<vmem_shared>> -> memref<10240xf32, #tpu.memory_space<vmem_shared>>
        tpu.wait_indirect_dma semaphore(%run_scoped3A : memref<!tpu.dma_semaphore, #tpu.memory_space<semaphore_mem>>) src(%arg7 : memref<128xf32, #tpu.memory_space<vmem>>) dst(%dma_wait3A_23 : memref<10240xf32, #tpu.memory_space<vmem_shared>>)
        tpu.yield
      }) : () -> ()
    }
    %scan3A_9 = arith.constant 80 : i32
    %barrier3A_10 = arith.constant 0 : index
    tpu.barrier barrier_id(%barrier3A_10)
    %mul3A_11 = arith.constant 640 : i32
    %mul3A_12 = arith.muli %arg1, %mul3A_11 : i32
    %mul3A_13 = arith.constant 640 : i32
    %mul3A_14 = arith.muli %arg1, %mul3A_13 : i32
    "tpu.region"() ({
      %run_scoped3A = tpu.sem_alloc : memref<!tpu.dma_semaphore, #tpu.memory_space<semaphore_mem>>
      %dma_start3A = tpu.memref_slice %arg5[%arg0, %mul3A_14] : memref<2x10240xf32, #tpu.memory_space<hbm>> -> memref<1x640xf32, #tpu.memory_space<hbm>>
      %dma_start3A_15 = tpu.memref_squeeze %dma_start3A : memref<1x640xf32, #tpu.memory_space<hbm>> -> memref<640xf32, #tpu.memory_space<hbm>>
      %dma_start3A_16 = tpu.memref_slice %arg8[%mul3A_12] : memref<10240xf32, #tpu.memory_space<vmem_shared>> -> memref<640xf32, #tpu.memory_space<vmem_shared>>
      tpu.enqueue_dma source(%dma_start3A_16 : memref<640xf32, #tpu.memory_space<vmem_shared>>) target(%dma_start3A_15 : memref<640xf32, #tpu.memory_space<hbm>>) target_semaphore(%run_scoped3A : memref<!tpu.dma_semaphore, #tpu.memory_space<semaphore_mem>>)
      %dma_wait3A = tpu.memref_slice %arg5[%arg0, %mul3A_14] : memref<2x10240xf32, #tpu.memory_space<hbm>> -> memref<1x640xf32, #tpu.memory_space<hbm>>
      %dma_wait3A_17 = tpu.memref_squeeze %dma_wait3A : memref<1x640xf32, #tpu.memory_space<hbm>> -> memref<640xf32, #tpu.memory_space<hbm>>
      %dma_wait3A_18 = tpu.memref_slice %arg8[%mul3A_12] : memref<10240xf32, #tpu.memory_space<vmem_shared>> -> memref<640xf32, #tpu.memory_space<vmem_shared>>
      tpu.wait_dma2 semaphore(%run_scoped3A : memref<!tpu.dma_semaphore, #tpu.memory_space<semaphore_mem>>) src(%dma_wait3A_18 : memref<640xf32, #tpu.memory_space<vmem_shared>>) dst(%dma_wait3A_17 : memref<640xf32, #tpu.memory_space<hbm>>)
      tpu.yield
    }) : () -> ()
    return
  }
}

#map = affine_map<(d0, d1) -> (0, 0, 0)>
#map1 = affine_map<(d0, d1) -> (0, 0)>
module attributes {stable_mosaic.version = 14 : i64} {
  func.func @_sc_scat_body(%arg0: i32, %arg1: i32, %arg2: memref<32x80x128xi32, #tpu.memory_space<hbm>>, %arg3: memref<32x80x128xi32, #tpu.memory_space<hbm>>, %arg4: memref<10240x64xf32, #tpu.memory_space<hbm>>, %arg5: memref<10240x64xf32, #tpu.memory_space<hbm>>, %arg6: memref<2x10240x64xf32, #tpu.memory_space<hbm>>, %arg7: memref<80x128xi32, #tpu.memory_space<vmem>>, %arg8: memref<80x128xi32, #tpu.memory_space<vmem>>, %arg9: memref<5x128x64xf32, #tpu.memory_space<vmem>>, %arg10: memref<10240x64xf32, #tpu.memory_space<vmem_shared>>, %arg11: memref<!tpu.dma_semaphore, #tpu.memory_space<semaphore_mem>>, %arg12: memref<!tpu.dma_semaphore, #tpu.memory_space<semaphore_mem>>, %arg13: memref<!tpu.dma_semaphore, #tpu.memory_space<semaphore_mem>>, %arg14: memref<!tpu.dma_semaphore, #tpu.memory_space<semaphore_mem>>, %arg15: memref<!tpu.dma_semaphore, #tpu.memory_space<semaphore_mem>>) attributes {dimension_semantics = [#tpu.dimension_semantics<core_parallel>, #tpu.dimension_semantics<subcore_parallel>], iteration_bounds = array<i64: 2, 16>, scalar_prefetch = 0 : i64, scratch_operands = 9 : i64, tpu.core_type = #tpu.core_type<sc_vector_subcore>, window_params = [{transform_indices = #map}, {transform_indices = #map}, {transform_indices = #map1}, {transform_indices = #map1}, {transform_indices = #map}]} {
    %mul3A = arith.constant 640 : i32
    %mul3A_0 = arith.muli %arg1, %mul3A : i32
    %mul3A_1 = arith.constant 640 : i32
    %mul3A_2 = arith.muli %arg1, %mul3A_1 : i32
    "tpu.region"() ({
      %run_scoped3A = tpu.sem_alloc : memref<!tpu.dma_semaphore, #tpu.memory_space<semaphore_mem>>
      %dma_start3A_62 = arith.constant 0 : i32
      %dma_start3A_63 = tpu.memref_slice %arg10[%mul3A_2, %dma_start3A_62] : memref<10240x64xf32, #tpu.memory_space<vmem_shared>> -> memref<640x64xf32, #tpu.memory_space<vmem_shared>>
      %dma_start3A_64 = arith.constant 0 : i32
      %dma_start3A_65 = tpu.memref_slice %arg5[%mul3A_0, %dma_start3A_64] : memref<10240x64xf32, #tpu.memory_space<hbm>> -> memref<640x64xf32, #tpu.memory_space<hbm>>
      tpu.enqueue_dma source(%dma_start3A_65 : memref<640x64xf32, #tpu.memory_space<hbm>>) target(%dma_start3A_63 : memref<640x64xf32, #tpu.memory_space<vmem_shared>>) target_semaphore(%run_scoped3A : memref<!tpu.dma_semaphore, #tpu.memory_space<semaphore_mem>>)
      %dma_wait3A = arith.constant 0 : i32
      %dma_wait3A_66 = tpu.memref_slice %arg10[%mul3A_2, %dma_wait3A] : memref<10240x64xf32, #tpu.memory_space<vmem_shared>> -> memref<640x64xf32, #tpu.memory_space<vmem_shared>>
      %dma_wait3A_67 = arith.constant 0 : i32
      %dma_wait3A_68 = tpu.memref_slice %arg5[%mul3A_0, %dma_wait3A_67] : memref<10240x64xf32, #tpu.memory_space<hbm>> -> memref<640x64xf32, #tpu.memory_space<hbm>>
      tpu.wait_dma2 semaphore(%run_scoped3A : memref<!tpu.dma_semaphore, #tpu.memory_space<semaphore_mem>>) src(%dma_wait3A_68 : memref<640x64xf32, #tpu.memory_space<hbm>>) dst(%dma_wait3A_66 : memref<640x64xf32, #tpu.memory_space<vmem_shared>>)
      tpu.yield
    }) : () -> ()
    %mul3A_3 = arith.constant 2 : i32
    %mul3A_4 = arith.muli %arg1, %mul3A_3 : i32
    %add3A = arith.addi %mul3A_4, %arg0 : i32
    "tpu.region"() ({
      %run_scoped3A = tpu.sem_alloc : memref<!tpu.dma_semaphore, #tpu.memory_space<semaphore_mem>>
      %dma_start3A_62 = arith.constant 0 : i32
      %dma_start3A_63 = arith.constant 0 : i32
      %dma_start3A_64 = tpu.memref_slice %arg2[%add3A, %dma_start3A_62, %dma_start3A_63] : memref<32x80x128xi32, #tpu.memory_space<hbm>> -> memref<1x80x128xi32, #tpu.memory_space<hbm>>
      %dma_start3A_65 = tpu.memref_squeeze %dma_start3A_64 : memref<1x80x128xi32, #tpu.memory_space<hbm>> -> memref<80x128xi32, #tpu.memory_space<hbm>>
      %dma_start3A_66 = arith.constant 0 : i32
      %dma_start3A_67 = arith.constant 0 : i32
      %dma_start3A_68 = tpu.memref_slice %arg2[%add3A, %dma_start3A_66, %dma_start3A_67] : memref<32x80x128xi32, #tpu.memory_space<hbm>> -> memref<1x80x128xi32, #tpu.memory_space<hbm>>
      %dma_start3A_69 = tpu.memref_squeeze %dma_start3A_68 : memref<1x80x128xi32, #tpu.memory_space<hbm>> -> memref<80x128xi32, #tpu.memory_space<hbm>>
      tpu.enqueue_dma source(%dma_start3A_69 : memref<80x128xi32, #tpu.memory_space<hbm>>) target(%arg7 : memref<80x128xi32, #tpu.memory_space<vmem>>) target_semaphore(%run_scoped3A : memref<!tpu.dma_semaphore, #tpu.memory_space<semaphore_mem>>)
      %dma_wait3A = arith.constant 0 : i32
      %dma_wait3A_70 = arith.constant 0 : i32
      %dma_wait3A_71 = tpu.memref_slice %arg2[%add3A, %dma_wait3A, %dma_wait3A_70] : memref<32x80x128xi32, #tpu.memory_space<hbm>> -> memref<1x80x128xi32, #tpu.memory_space<hbm>>
      %dma_wait3A_72 = tpu.memref_squeeze %dma_wait3A_71 : memref<1x80x128xi32, #tpu.memory_space<hbm>> -> memref<80x128xi32, #tpu.memory_space<hbm>>
      %dma_wait3A_73 = arith.constant 0 : i32
      %dma_wait3A_74 = arith.constant 0 : i32
      %dma_wait3A_75 = tpu.memref_slice %arg2[%add3A, %dma_wait3A_73, %dma_wait3A_74] : memref<32x80x128xi32, #tpu.memory_space<hbm>> -> memref<1x80x128xi32, #tpu.memory_space<hbm>>
      %dma_wait3A_76 = tpu.memref_squeeze %dma_wait3A_75 : memref<1x80x128xi32, #tpu.memory_space<hbm>> -> memref<80x128xi32, #tpu.memory_space<hbm>>
      tpu.wait_dma2 semaphore(%run_scoped3A : memref<!tpu.dma_semaphore, #tpu.memory_space<semaphore_mem>>) src(%dma_wait3A_76 : memref<80x128xi32, #tpu.memory_space<hbm>>) dst(%arg7 : memref<80x128xi32, #tpu.memory_space<vmem>>)
      tpu.yield
    }) : () -> ()
    "tpu.region"() ({
      %run_scoped3A = tpu.sem_alloc : memref<!tpu.dma_semaphore, #tpu.memory_space<semaphore_mem>>
      %dma_start3A_62 = arith.constant 0 : i32
      %dma_start3A_63 = arith.constant 0 : i32
      %dma_start3A_64 = tpu.memref_slice %arg3[%add3A, %dma_start3A_62, %dma_start3A_63] : memref<32x80x128xi32, #tpu.memory_space<hbm>> -> memref<1x80x128xi32, #tpu.memory_space<hbm>>
      %dma_start3A_65 = tpu.memref_squeeze %dma_start3A_64 : memref<1x80x128xi32, #tpu.memory_space<hbm>> -> memref<80x128xi32, #tpu.memory_space<hbm>>
      %dma_start3A_66 = arith.constant 0 : i32
      %dma_start3A_67 = arith.constant 0 : i32
      %dma_start3A_68 = tpu.memref_slice %arg3[%add3A, %dma_start3A_66, %dma_start3A_67] : memref<32x80x128xi32, #tpu.memory_space<hbm>> -> memref<1x80x128xi32, #tpu.memory_space<hbm>>
      %dma_start3A_69 = tpu.memref_squeeze %dma_start3A_68 : memref<1x80x128xi32, #tpu.memory_space<hbm>> -> memref<80x128xi32, #tpu.memory_space<hbm>>
      tpu.enqueue_dma source(%dma_start3A_69 : memref<80x128xi32, #tpu.memory_space<hbm>>) target(%arg8 : memref<80x128xi32, #tpu.memory_space<vmem>>) target_semaphore(%run_scoped3A : memref<!tpu.dma_semaphore, #tpu.memory_space<semaphore_mem>>)
      %dma_wait3A = arith.constant 0 : i32
      %dma_wait3A_70 = arith.constant 0 : i32
      %dma_wait3A_71 = tpu.memref_slice %arg3[%add3A, %dma_wait3A, %dma_wait3A_70] : memref<32x80x128xi32, #tpu.memory_space<hbm>> -> memref<1x80x128xi32, #tpu.memory_space<hbm>>
      %dma_wait3A_72 = tpu.memref_squeeze %dma_wait3A_71 : memref<1x80x128xi32, #tpu.memory_space<hbm>> -> memref<80x128xi32, #tpu.memory_space<hbm>>
      %dma_wait3A_73 = arith.constant 0 : i32
      %dma_wait3A_74 = arith.constant 0 : i32
      %dma_wait3A_75 = tpu.memref_slice %arg3[%add3A, %dma_wait3A_73, %dma_wait3A_74] : memref<32x80x128xi32, #tpu.memory_space<hbm>> -> memref<1x80x128xi32, #tpu.memory_space<hbm>>
      %dma_wait3A_76 = tpu.memref_squeeze %dma_wait3A_75 : memref<1x80x128xi32, #tpu.memory_space<hbm>> -> memref<80x128xi32, #tpu.memory_space<hbm>>
      tpu.wait_dma2 semaphore(%run_scoped3A : memref<!tpu.dma_semaphore, #tpu.memory_space<semaphore_mem>>) src(%dma_wait3A_76 : memref<80x128xi32, #tpu.memory_space<hbm>>) dst(%arg8 : memref<80x128xi32, #tpu.memory_space<vmem>>)
      tpu.yield
    }) : () -> ()
    %barrier3A = arith.constant 0 : index
    tpu.barrier barrier_id(%barrier3A)
    %dma_start3A = arith.constant 0 : i32
    %dma_start3A_5 = arith.constant 0 : i32
    %dma_start3A_6 = arith.constant 0 : i32
    %dma_start3A_7 = arith.constant 0 : i32
    %dma_start3A_8 = tpu.memref_slice %arg9[%dma_start3A_5, %dma_start3A_6, %dma_start3A_7] : memref<5x128x64xf32, #tpu.memory_space<vmem>> -> memref<1x128x64xf32, #tpu.memory_space<vmem>>
    %dma_start3A_9 = tpu.memref_squeeze %dma_start3A_8 : memref<1x128x64xf32, #tpu.memory_space<vmem>> -> memref<128x64xf32, #tpu.memory_space<vmem>>
    %dma_start3A_10 = arith.constant 0 : i32
    %dma_start3A_11 = tpu.memref_slice %arg7[%dma_start3A, %dma_start3A_10] : memref<80x128xi32, #tpu.memory_space<vmem>> -> memref<1x128xi32, #tpu.memory_space<vmem>>
    %dma_start3A_12 = tpu.memref_squeeze %dma_start3A_11 : memref<1x128xi32, #tpu.memory_space<vmem>> -> memref<128xi32, #tpu.memory_space<vmem>>
    %dma_start3A_13 = arith.constant 0 : i32
    %dma_start3A_14 = arith.constant 0 : i32
    %dma_start3A_15 = tpu.memref_slice %arg4[%dma_start3A_13, %dma_start3A_14] : memref<10240x64xf32, #tpu.memory_space<hbm>> -> memref<10240x64xf32, #tpu.memory_space<hbm>>
    tpu.enqueue_indirect_dma source(%dma_start3A_15 : memref<10240x64xf32, #tpu.memory_space<hbm>>) target(%dma_start3A_9 : memref<128x64xf32, #tpu.memory_space<vmem>>) offsets(%dma_start3A_12 : memref<128xi32, #tpu.memory_space<vmem>>) semaphore(%arg11 : memref<!tpu.dma_semaphore, #tpu.memory_space<semaphore_mem>>)
    %dma_start3A_16 = arith.constant 1 : i32
    %dma_start3A_17 = arith.constant 1 : i32
    %dma_start3A_18 = arith.constant 0 : i32
    %dma_start3A_19 = arith.constant 0 : i32
    %dma_start3A_20 = tpu.memref_slice %arg9[%dma_start3A_17, %dma_start3A_18, %dma_start3A_19] : memref<5x128x64xf32, #tpu.memory_space<vmem>> -> memref<1x128x64xf32, #tpu.memory_space<vmem>>
    %dma_start3A_21 = tpu.memref_squeeze %dma_start3A_20 : memref<1x128x64xf32, #tpu.memory_space<vmem>> -> memref<128x64xf32, #tpu.memory_space<vmem>>
    %dma_start3A_22 = arith.constant 0 : i32
    %dma_start3A_23 = tpu.memref_slice %arg7[%dma_start3A_16, %dma_start3A_22] : memref<80x128xi32, #tpu.memory_space<vmem>> -> memref<1x128xi32, #tpu.memory_space<vmem>>
    %dma_start3A_24 = tpu.memref_squeeze %dma_start3A_23 : memref<1x128xi32, #tpu.memory_space<vmem>> -> memref<128xi32, #tpu.memory_space<vmem>>
    %dma_start3A_25 = arith.constant 0 : i32
    %dma_start3A_26 = arith.constant 0 : i32
    %dma_start3A_27 = tpu.memref_slice %arg4[%dma_start3A_25, %dma_start3A_26] : memref<10240x64xf32, #tpu.memory_space<hbm>> -> memref<10240x64xf32, #tpu.memory_space<hbm>>
    tpu.enqueue_indirect_dma source(%dma_start3A_27 : memref<10240x64xf32, #tpu.memory_space<hbm>>) target(%dma_start3A_21 : memref<128x64xf32, #tpu.memory_space<vmem>>) offsets(%dma_start3A_24 : memref<128xi32, #tpu.memory_space<vmem>>) semaphore(%arg12 : memref<!tpu.dma_semaphore, #tpu.memory_space<semaphore_mem>>)
    %dma_start3A_28 = arith.constant 2 : i32
    %dma_start3A_29 = arith.constant 2 : i32
    %dma_start3A_30 = arith.constant 0 : i32
    %dma_start3A_31 = arith.constant 0 : i32
    %dma_start3A_32 = tpu.memref_slice %arg9[%dma_start3A_29, %dma_start3A_30, %dma_start3A_31] : memref<5x128x64xf32, #tpu.memory_space<vmem>> -> memref<1x128x64xf32, #tpu.memory_space<vmem>>
    %dma_start3A_33 = tpu.memref_squeeze %dma_start3A_32 : memref<1x128x64xf32, #tpu.memory_space<vmem>> -> memref<128x64xf32, #tpu.memory_space<vmem>>
    %dma_start3A_34 = arith.constant 0 : i32
    %dma_start3A_35 = tpu.memref_slice %arg7[%dma_start3A_28, %dma_start3A_34] : memref<80x128xi32, #tpu.memory_space<vmem>> -> memref<1x128xi32, #tpu.memory_space<vmem>>
    %dma_start3A_36 = tpu.memref_squeeze %dma_start3A_35 : memref<1x128xi32, #tpu.memory_space<vmem>> -> memref<128xi32, #tpu.memory_space<vmem>>
    %dma_start3A_37 = arith.constant 0 : i32
    %dma_start3A_38 = arith.constant 0 : i32
    %dma_start3A_39 = tpu.memref_slice %arg4[%dma_start3A_37, %dma_start3A_38] : memref<10240x64xf32, #tpu.memory_space<hbm>> -> memref<10240x64xf32, #tpu.memory_space<hbm>>
    tpu.enqueue_indirect_dma source(%dma_start3A_39 : memref<10240x64xf32, #tpu.memory_space<hbm>>) target(%dma_start3A_33 : memref<128x64xf32, #tpu.memory_space<vmem>>) offsets(%dma_start3A_36 : memref<128xi32, #tpu.memory_space<vmem>>) semaphore(%arg13 : memref<!tpu.dma_semaphore, #tpu.memory_space<semaphore_mem>>)
    %dma_start3A_40 = arith.constant 3 : i32
    %dma_start3A_41 = arith.constant 3 : i32
    %dma_start3A_42 = arith.constant 0 : i32
    %dma_start3A_43 = arith.constant 0 : i32
    %dma_start3A_44 = tpu.memref_slice %arg9[%dma_start3A_41, %dma_start3A_42, %dma_start3A_43] : memref<5x128x64xf32, #tpu.memory_space<vmem>> -> memref<1x128x64xf32, #tpu.memory_space<vmem>>
    %dma_start3A_45 = tpu.memref_squeeze %dma_start3A_44 : memref<1x128x64xf32, #tpu.memory_space<vmem>> -> memref<128x64xf32, #tpu.memory_space<vmem>>
    %dma_start3A_46 = arith.constant 0 : i32
    %dma_start3A_47 = tpu.memref_slice %arg7[%dma_start3A_40, %dma_start3A_46] : memref<80x128xi32, #tpu.memory_space<vmem>> -> memref<1x128xi32, #tpu.memory_space<vmem>>
    %dma_start3A_48 = tpu.memref_squeeze %dma_start3A_47 : memref<1x128xi32, #tpu.memory_space<vmem>> -> memref<128xi32, #tpu.memory_space<vmem>>
    %dma_start3A_49 = arith.constant 0 : i32
    %dma_start3A_50 = arith.constant 0 : i32
    %dma_start3A_51 = tpu.memref_slice %arg4[%dma_start3A_49, %dma_start3A_50] : memref<10240x64xf32, #tpu.memory_space<hbm>> -> memref<10240x64xf32, #tpu.memory_space<hbm>>
    tpu.enqueue_indirect_dma source(%dma_start3A_51 : memref<10240x64xf32, #tpu.memory_space<hbm>>) target(%dma_start3A_45 : memref<128x64xf32, #tpu.memory_space<vmem>>) offsets(%dma_start3A_48 : memref<128xi32, #tpu.memory_space<vmem>>) semaphore(%arg14 : memref<!tpu.dma_semaphore, #tpu.memory_space<semaphore_mem>>)
    %scan3A = arith.constant 0 : i32
    %scan3A_52 = arith.constant 0 : i32
    %scan3A_53 = arith.constant 16 : i32
    %scan3A_54 = arith.addi %scan3A_52, %scan3A_53 : i32
    %scan3A_55 = arith.constant 1 : i32
    scf.for %scan3A_62 = %scan3A_52 to %scan3A_54 step %scan3A_55  : i32 {
      %mul3A_63 = arith.constant 5 : i32
      %mul3A_64 = arith.muli %scan3A_62, %mul3A_63 : i32
      %add3A_65 = arith.constant 0 : i32
      %add3A_66 = arith.addi %mul3A_64, %add3A_65 : i32
      %dma_wait3A = arith.constant 0 : i32
      %dma_wait3A_67 = arith.constant 0 : i32
      %dma_wait3A_68 = arith.constant 0 : i32
      %dma_wait3A_69 = arith.constant 0 : i32
      %dma_wait3A_70 = tpu.memref_slice %arg9[%dma_wait3A_67, %dma_wait3A_68, %dma_wait3A_69] : memref<5x128x64xf32, #tpu.memory_space<vmem>> -> memref<1x128x64xf32, #tpu.memory_space<vmem>>
      %dma_wait3A_71 = tpu.memref_squeeze %dma_wait3A_70 : memref<1x128x64xf32, #tpu.memory_space<vmem>> -> memref<128x64xf32, #tpu.memory_space<vmem>>
      %dma_wait3A_72 = arith.constant 0 : i32
      %dma_wait3A_73 = tpu.memref_slice %arg7[%dma_wait3A, %dma_wait3A_72] : memref<80x128xi32, #tpu.memory_space<vmem>> -> memref<1x128xi32, #tpu.memory_space<vmem>>
      %dma_wait3A_74 = tpu.memref_squeeze %dma_wait3A_73 : memref<1x128xi32, #tpu.memory_space<vmem>> -> memref<128xi32, #tpu.memory_space<vmem>>
      %dma_wait3A_75 = arith.constant 0 : i32
      %dma_wait3A_76 = arith.constant 0 : i32
      %dma_wait3A_77 = tpu.memref_slice %arg4[%dma_wait3A_75, %dma_wait3A_76] : memref<10240x64xf32, #tpu.memory_space<hbm>> -> memref<10240x64xf32, #tpu.memory_space<hbm>>
      tpu.wait_indirect_dma semaphore(%arg11 : memref<!tpu.dma_semaphore, #tpu.memory_space<semaphore_mem>>) src(%dma_wait3A_77 : memref<10240x64xf32, #tpu.memory_space<hbm>>) dst(%dma_wait3A_71 : memref<128x64xf32, #tpu.memory_space<vmem>>)
      %run_scoped3A = arith.constant 0 : i32
      "tpu.region"() ({
        %run_scoped3A_178 = tpu.sem_alloc : memref<!tpu.dma_semaphore, #tpu.memory_space<semaphore_mem>>
        %dma_start3A_179 = arith.constant 0 : i32
        %dma_start3A_180 = arith.constant 0 : i32
        %dma_start3A_181 = tpu.memref_slice %arg9[%run_scoped3A, %dma_start3A_179, %dma_start3A_180] : memref<5x128x64xf32, #tpu.memory_space<vmem>> -> memref<1x128x64xf32, #tpu.memory_space<vmem>>
        %dma_start3A_182 = tpu.memref_squeeze %dma_start3A_181 : memref<1x128x64xf32, #tpu.memory_space<vmem>> -> memref<128x64xf32, #tpu.memory_space<vmem>>
        %dma_start3A_183 = arith.constant 0 : i32
        %dma_start3A_184 = tpu.memref_slice %arg8[%add3A_66, %dma_start3A_183] : memref<80x128xi32, #tpu.memory_space<vmem>> -> memref<1x128xi32, #tpu.memory_space<vmem>>
        %dma_start3A_185 = tpu.memref_squeeze %dma_start3A_184 : memref<1x128xi32, #tpu.memory_space<vmem>> -> memref<128xi32, #tpu.memory_space<vmem>>
        %dma_start3A_186 = arith.constant 0 : i32
        %dma_start3A_187 = arith.constant 0 : i32
        %dma_start3A_188 = tpu.memref_slice %arg10[%dma_start3A_186, %dma_start3A_187] : memref<10240x64xf32, #tpu.memory_space<vmem_shared>> -> memref<10240x64xf32, #tpu.memory_space<vmem_shared>>
        tpu.enqueue_indirect_dma source(%dma_start3A_182 : memref<128x64xf32, #tpu.memory_space<vmem>>) target(%dma_start3A_188 : memref<10240x64xf32, #tpu.memory_space<vmem_shared>>) offsets(%dma_start3A_185 : memref<128xi32, #tpu.memory_space<vmem>>) semaphore(%run_scoped3A_178 : memref<!tpu.dma_semaphore, #tpu.memory_space<semaphore_mem>>) {add = true}
        %dma_wait3A_189 = arith.constant 0 : i32
        %dma_wait3A_190 = arith.constant 0 : i32
        %dma_wait3A_191 = tpu.memref_slice %arg9[%run_scoped3A, %dma_wait3A_189, %dma_wait3A_190] : memref<5x128x64xf32, #tpu.memory_space<vmem>> -> memref<1x128x64xf32, #tpu.memory_space<vmem>>
        %dma_wait3A_192 = tpu.memref_squeeze %dma_wait3A_191 : memref<1x128x64xf32, #tpu.memory_space<vmem>> -> memref<128x64xf32, #tpu.memory_space<vmem>>
        %dma_wait3A_193 = arith.constant 0 : i32
        %dma_wait3A_194 = tpu.memref_slice %arg8[%add3A_66, %dma_wait3A_193] : memref<80x128xi32, #tpu.memory_space<vmem>> -> memref<1x128xi32, #tpu.memory_space<vmem>>
        %dma_wait3A_195 = tpu.memref_squeeze %dma_wait3A_194 : memref<1x128xi32, #tpu.memory_space<vmem>> -> memref<128xi32, #tpu.memory_space<vmem>>
        %dma_wait3A_196 = arith.constant 0 : i32
        %dma_wait3A_197 = arith.constant 0 : i32
        %dma_wait3A_198 = tpu.memref_slice %arg10[%dma_wait3A_196, %dma_wait3A_197] : memref<10240x64xf32, #tpu.memory_space<vmem_shared>> -> memref<10240x64xf32, #tpu.memory_space<vmem_shared>>
        tpu.wait_indirect_dma semaphore(%run_scoped3A_178 : memref<!tpu.dma_semaphore, #tpu.memory_space<semaphore_mem>>) src(%dma_wait3A_192 : memref<128x64xf32, #tpu.memory_space<vmem>>) dst(%dma_wait3A_198 : memref<10240x64xf32, #tpu.memory_space<vmem_shared>>)
        tpu.yield
      }) : () -> ()
      %add3A_78 = arith.constant 4 : i32
      %add3A_79 = arith.addi %add3A_66, %add3A_78 : i32
      %lt3A = arith.constant 80 : i32
      %lt3A_80 = arith.cmpi slt, %add3A_79, %lt3A : i32
      %convert_element_type3A = arith.extui %lt3A_80 : i1 to i32
      %cond3A = arith.constant 0 : i32
      %cond3A_81 = arith.cmpi ne, %convert_element_type3A, %cond3A : i32
      scf.if %cond3A_81 {
        %add3A_178 = arith.constant 4 : i32
        %add3A_179 = arith.addi %add3A_66, %add3A_178 : i32
        %dma_start3A_180 = arith.constant 4 : i32
        %dma_start3A_181 = arith.constant 0 : i32
        %dma_start3A_182 = arith.constant 0 : i32
        %dma_start3A_183 = tpu.memref_slice %arg9[%dma_start3A_180, %dma_start3A_181, %dma_start3A_182] : memref<5x128x64xf32, #tpu.memory_space<vmem>> -> memref<1x128x64xf32, #tpu.memory_space<vmem>>
        %dma_start3A_184 = tpu.memref_squeeze %dma_start3A_183 : memref<1x128x64xf32, #tpu.memory_space<vmem>> -> memref<128x64xf32, #tpu.memory_space<vmem>>
        %dma_start3A_185 = arith.constant 0 : i32
        %dma_start3A_186 = tpu.memref_slice %arg7[%add3A_179, %dma_start3A_185] : memref<80x128xi32, #tpu.memory_space<vmem>> -> memref<1x128xi32, #tpu.memory_space<vmem>>
        %dma_start3A_187 = tpu.memref_squeeze %dma_start3A_186 : memref<1x128xi32, #tpu.memory_space<vmem>> -> memref<128xi32, #tpu.memory_space<vmem>>
        %dma_start3A_188 = arith.constant 0 : i32
        %dma_start3A_189 = arith.constant 0 : i32
        %dma_start3A_190 = tpu.memref_slice %arg4[%dma_start3A_188, %dma_start3A_189] : memref<10240x64xf32, #tpu.memory_space<hbm>> -> memref<10240x64xf32, #tpu.memory_space<hbm>>
        tpu.enqueue_indirect_dma source(%dma_start3A_190 : memref<10240x64xf32, #tpu.memory_space<hbm>>) target(%dma_start3A_184 : memref<128x64xf32, #tpu.memory_space<vmem>>) offsets(%dma_start3A_187 : memref<128xi32, #tpu.memory_space<vmem>>) semaphore(%arg15 : memref<!tpu.dma_semaphore, #tpu.memory_space<semaphore_mem>>)
      } else {
      }
      %mul3A_82 = arith.constant 5 : i32
      %mul3A_83 = arith.muli %scan3A_62, %mul3A_82 : i32
      %add3A_84 = arith.constant 1 : i32
      %add3A_85 = arith.addi %mul3A_83, %add3A_84 : i32
      %dma_wait3A_86 = arith.constant 1 : i32
      %dma_wait3A_87 = arith.constant 1 : i32
      %dma_wait3A_88 = arith.constant 0 : i32
      %dma_wait3A_89 = arith.constant 0 : i32
      %dma_wait3A_90 = tpu.memref_slice %arg9[%dma_wait3A_87, %dma_wait3A_88, %dma_wait3A_89] : memref<5x128x64xf32, #tpu.memory_space<vmem>> -> memref<1x128x64xf32, #tpu.memory_space<vmem>>
      %dma_wait3A_91 = tpu.memref_squeeze %dma_wait3A_90 : memref<1x128x64xf32, #tpu.memory_space<vmem>> -> memref<128x64xf32, #tpu.memory_space<vmem>>
      %dma_wait3A_92 = arith.constant 0 : i32
      %dma_wait3A_93 = tpu.memref_slice %arg7[%dma_wait3A_86, %dma_wait3A_92] : memref<80x128xi32, #tpu.memory_space<vmem>> -> memref<1x128xi32, #tpu.memory_space<vmem>>
      %dma_wait3A_94 = tpu.memref_squeeze %dma_wait3A_93 : memref<1x128xi32, #tpu.memory_space<vmem>> -> memref<128xi32, #tpu.memory_space<vmem>>
      %dma_wait3A_95 = arith.constant 0 : i32
      %dma_wait3A_96 = arith.constant 0 : i32
      %dma_wait3A_97 = tpu.memref_slice %arg4[%dma_wait3A_95, %dma_wait3A_96] : memref<10240x64xf32, #tpu.memory_space<hbm>> -> memref<10240x64xf32, #tpu.memory_space<hbm>>
      tpu.wait_indirect_dma semaphore(%arg12 : memref<!tpu.dma_semaphore, #tpu.memory_space<semaphore_mem>>) src(%dma_wait3A_97 : memref<10240x64xf32, #tpu.memory_space<hbm>>) dst(%dma_wait3A_91 : memref<128x64xf32, #tpu.memory_space<vmem>>)
      %run_scoped3A_98 = arith.constant 1 : i32
      "tpu.region"() ({
        %run_scoped3A_178 = tpu.sem_alloc : memref<!tpu.dma_semaphore, #tpu.memory_space<semaphore_mem>>
        %dma_start3A_179 = arith.constant 0 : i32
        %dma_start3A_180 = arith.constant 0 : i32
        %dma_start3A_181 = tpu.memref_slice %arg9[%run_scoped3A_98, %dma_start3A_179, %dma_start3A_180] : memref<5x128x64xf32, #tpu.memory_space<vmem>> -> memref<1x128x64xf32, #tpu.memory_space<vmem>>
        %dma_start3A_182 = tpu.memref_squeeze %dma_start3A_181 : memref<1x128x64xf32, #tpu.memory_space<vmem>> -> memref<128x64xf32, #tpu.memory_space<vmem>>
        %dma_start3A_183 = arith.constant 0 : i32
        %dma_start3A_184 = tpu.memref_slice %arg8[%add3A_85, %dma_start3A_183] : memref<80x128xi32, #tpu.memory_space<vmem>> -> memref<1x128xi32, #tpu.memory_space<vmem>>
        %dma_start3A_185 = tpu.memref_squeeze %dma_start3A_184 : memref<1x128xi32, #tpu.memory_space<vmem>> -> memref<128xi32, #tpu.memory_space<vmem>>
        %dma_start3A_186 = arith.constant 0 : i32
        %dma_start3A_187 = arith.constant 0 : i32
        %dma_start3A_188 = tpu.memref_slice %arg10[%dma_start3A_186, %dma_start3A_187] : memref<10240x64xf32, #tpu.memory_space<vmem_shared>> -> memref<10240x64xf32, #tpu.memory_space<vmem_shared>>
        tpu.enqueue_indirect_dma source(%dma_start3A_182 : memref<128x64xf32, #tpu.memory_space<vmem>>) target(%dma_start3A_188 : memref<10240x64xf32, #tpu.memory_space<vmem_shared>>) offsets(%dma_start3A_185 : memref<128xi32, #tpu.memory_space<vmem>>) semaphore(%run_scoped3A_178 : memref<!tpu.dma_semaphore, #tpu.memory_space<semaphore_mem>>) {add = true}
        %dma_wait3A_189 = arith.constant 0 : i32
        %dma_wait3A_190 = arith.constant 0 : i32
        %dma_wait3A_191 = tpu.memref_slice %arg9[%run_scoped3A_98, %dma_wait3A_189, %dma_wait3A_190] : memref<5x128x64xf32, #tpu.memory_space<vmem>> -> memref<1x128x64xf32, #tpu.memory_space<vmem>>
        %dma_wait3A_192 = tpu.memref_squeeze %dma_wait3A_191 : memref<1x128x64xf32, #tpu.memory_space<vmem>> -> memref<128x64xf32, #tpu.memory_space<vmem>>
        %dma_wait3A_193 = arith.constant 0 : i32
        %dma_wait3A_194 = tpu.memref_slice %arg8[%add3A_85, %dma_wait3A_193] : memref<80x128xi32, #tpu.memory_space<vmem>> -> memref<1x128xi32, #tpu.memory_space<vmem>>
        %dma_wait3A_195 = tpu.memref_squeeze %dma_wait3A_194 : memref<1x128xi32, #tpu.memory_space<vmem>> -> memref<128xi32, #tpu.memory_space<vmem>>
        %dma_wait3A_196 = arith.constant 0 : i32
        %dma_wait3A_197 = arith.constant 0 : i32
        %dma_wait3A_198 = tpu.memref_slice %arg10[%dma_wait3A_196, %dma_wait3A_197] : memref<10240x64xf32, #tpu.memory_space<vmem_shared>> -> memref<10240x64xf32, #tpu.memory_space<vmem_shared>>
        tpu.wait_indirect_dma semaphore(%run_scoped3A_178 : memref<!tpu.dma_semaphore, #tpu.memory_space<semaphore_mem>>) src(%dma_wait3A_192 : memref<128x64xf32, #tpu.memory_space<vmem>>) dst(%dma_wait3A_198 : memref<10240x64xf32, #tpu.memory_space<vmem_shared>>)
        tpu.yield
      }) : () -> ()
      %add3A_99 = arith.constant 4 : i32
      %add3A_100 = arith.addi %add3A_85, %add3A_99 : i32
      %lt3A_101 = arith.constant 80 : i32
      %lt3A_102 = arith.cmpi slt, %add3A_100, %lt3A_101 : i32
      %convert_element_type3A_103 = arith.extui %lt3A_102 : i1 to i32
      %cond3A_104 = arith.constant 0 : i32
      %cond3A_105 = arith.cmpi ne, %convert_element_type3A_103, %cond3A_104 : i32
      scf.if %cond3A_105 {
        %add3A_178 = arith.constant 4 : i32
        %add3A_179 = arith.addi %add3A_85, %add3A_178 : i32
        %dma_start3A_180 = arith.constant 0 : i32
        %dma_start3A_181 = arith.constant 0 : i32
        %dma_start3A_182 = arith.constant 0 : i32
        %dma_start3A_183 = tpu.memref_slice %arg9[%dma_start3A_180, %dma_start3A_181, %dma_start3A_182] : memref<5x128x64xf32, #tpu.memory_space<vmem>> -> memref<1x128x64xf32, #tpu.memory_space<vmem>>
        %dma_start3A_184 = tpu.memref_squeeze %dma_start3A_183 : memref<1x128x64xf32, #tpu.memory_space<vmem>> -> memref<128x64xf32, #tpu.memory_space<vmem>>
        %dma_start3A_185 = arith.constant 0 : i32
        %dma_start3A_186 = tpu.memref_slice %arg7[%add3A_179, %dma_start3A_185] : memref<80x128xi32, #tpu.memory_space<vmem>> -> memref<1x128xi32, #tpu.memory_space<vmem>>
        %dma_start3A_187 = tpu.memref_squeeze %dma_start3A_186 : memref<1x128xi32, #tpu.memory_space<vmem>> -> memref<128xi32, #tpu.memory_space<vmem>>
        %dma_start3A_188 = arith.constant 0 : i32
        %dma_start3A_189 = arith.constant 0 : i32
        %dma_start3A_190 = tpu.memref_slice %arg4[%dma_start3A_188, %dma_start3A_189] : memref<10240x64xf32, #tpu.memory_space<hbm>> -> memref<10240x64xf32, #tpu.memory_space<hbm>>
        tpu.enqueue_indirect_dma source(%dma_start3A_190 : memref<10240x64xf32, #tpu.memory_space<hbm>>) target(%dma_start3A_184 : memref<128x64xf32, #tpu.memory_space<vmem>>) offsets(%dma_start3A_187 : memref<128xi32, #tpu.memory_space<vmem>>) semaphore(%arg11 : memref<!tpu.dma_semaphore, #tpu.memory_space<semaphore_mem>>)
      } else {
      }
      %mul3A_106 = arith.constant 5 : i32
      %mul3A_107 = arith.muli %scan3A_62, %mul3A_106 : i32
      %add3A_108 = arith.constant 2 : i32
      %add3A_109 = arith.addi %mul3A_107, %add3A_108 : i32
      %dma_wait3A_110 = arith.constant 2 : i32
      %dma_wait3A_111 = arith.constant 2 : i32
      %dma_wait3A_112 = arith.constant 0 : i32
      %dma_wait3A_113 = arith.constant 0 : i32
      %dma_wait3A_114 = tpu.memref_slice %arg9[%dma_wait3A_111, %dma_wait3A_112, %dma_wait3A_113] : memref<5x128x64xf32, #tpu.memory_space<vmem>> -> memref<1x128x64xf32, #tpu.memory_space<vmem>>
      %dma_wait3A_115 = tpu.memref_squeeze %dma_wait3A_114 : memref<1x128x64xf32, #tpu.memory_space<vmem>> -> memref<128x64xf32, #tpu.memory_space<vmem>>
      %dma_wait3A_116 = arith.constant 0 : i32
      %dma_wait3A_117 = tpu.memref_slice %arg7[%dma_wait3A_110, %dma_wait3A_116] : memref<80x128xi32, #tpu.memory_space<vmem>> -> memref<1x128xi32, #tpu.memory_space<vmem>>
      %dma_wait3A_118 = tpu.memref_squeeze %dma_wait3A_117 : memref<1x128xi32, #tpu.memory_space<vmem>> -> memref<128xi32, #tpu.memory_space<vmem>>
      %dma_wait3A_119 = arith.constant 0 : i32
      %dma_wait3A_120 = arith.constant 0 : i32
      %dma_wait3A_121 = tpu.memref_slice %arg4[%dma_wait3A_119, %dma_wait3A_120] : memref<10240x64xf32, #tpu.memory_space<hbm>> -> memref<10240x64xf32, #tpu.memory_space<hbm>>
      tpu.wait_indirect_dma semaphore(%arg13 : memref<!tpu.dma_semaphore, #tpu.memory_space<semaphore_mem>>) src(%dma_wait3A_121 : memref<10240x64xf32, #tpu.memory_space<hbm>>) dst(%dma_wait3A_115 : memref<128x64xf32, #tpu.memory_space<vmem>>)
      %run_scoped3A_122 = arith.constant 2 : i32
      "tpu.region"() ({
        %run_scoped3A_178 = tpu.sem_alloc : memref<!tpu.dma_semaphore, #tpu.memory_space<semaphore_mem>>
        %dma_start3A_179 = arith.constant 0 : i32
        %dma_start3A_180 = arith.constant 0 : i32
        %dma_start3A_181 = tpu.memref_slice %arg9[%run_scoped3A_122, %dma_start3A_179, %dma_start3A_180] : memref<5x128x64xf32, #tpu.memory_space<vmem>> -> memref<1x128x64xf32, #tpu.memory_space<vmem>>
        %dma_start3A_182 = tpu.memref_squeeze %dma_start3A_181 : memref<1x128x64xf32, #tpu.memory_space<vmem>> -> memref<128x64xf32, #tpu.memory_space<vmem>>
        %dma_start3A_183 = arith.constant 0 : i32
        %dma_start3A_184 = tpu.memref_slice %arg8[%add3A_109, %dma_start3A_183] : memref<80x128xi32, #tpu.memory_space<vmem>> -> memref<1x128xi32, #tpu.memory_space<vmem>>
        %dma_start3A_185 = tpu.memref_squeeze %dma_start3A_184 : memref<1x128xi32, #tpu.memory_space<vmem>> -> memref<128xi32, #tpu.memory_space<vmem>>
        %dma_start3A_186 = arith.constant 0 : i32
        %dma_start3A_187 = arith.constant 0 : i32
        %dma_start3A_188 = tpu.memref_slice %arg10[%dma_start3A_186, %dma_start3A_187] : memref<10240x64xf32, #tpu.memory_space<vmem_shared>> -> memref<10240x64xf32, #tpu.memory_space<vmem_shared>>
        tpu.enqueue_indirect_dma source(%dma_start3A_182 : memref<128x64xf32, #tpu.memory_space<vmem>>) target(%dma_start3A_188 : memref<10240x64xf32, #tpu.memory_space<vmem_shared>>) offsets(%dma_start3A_185 : memref<128xi32, #tpu.memory_space<vmem>>) semaphore(%run_scoped3A_178 : memref<!tpu.dma_semaphore, #tpu.memory_space<semaphore_mem>>) {add = true}
        %dma_wait3A_189 = arith.constant 0 : i32
        %dma_wait3A_190 = arith.constant 0 : i32
        %dma_wait3A_191 = tpu.memref_slice %arg9[%run_scoped3A_122, %dma_wait3A_189, %dma_wait3A_190] : memref<5x128x64xf32, #tpu.memory_space<vmem>> -> memref<1x128x64xf32, #tpu.memory_space<vmem>>
        %dma_wait3A_192 = tpu.memref_squeeze %dma_wait3A_191 : memref<1x128x64xf32, #tpu.memory_space<vmem>> -> memref<128x64xf32, #tpu.memory_space<vmem>>
        %dma_wait3A_193 = arith.constant 0 : i32
        %dma_wait3A_194 = tpu.memref_slice %arg8[%add3A_109, %dma_wait3A_193] : memref<80x128xi32, #tpu.memory_space<vmem>> -> memref<1x128xi32, #tpu.memory_space<vmem>>
        %dma_wait3A_195 = tpu.memref_squeeze %dma_wait3A_194 : memref<1x128xi32, #tpu.memory_space<vmem>> -> memref<128xi32, #tpu.memory_space<vmem>>
        %dma_wait3A_196 = arith.constant 0 : i32
        %dma_wait3A_197 = arith.constant 0 : i32
        %dma_wait3A_198 = tpu.memref_slice %arg10[%dma_wait3A_196, %dma_wait3A_197] : memref<10240x64xf32, #tpu.memory_space<vmem_shared>> -> memref<10240x64xf32, #tpu.memory_space<vmem_shared>>
        tpu.wait_indirect_dma semaphore(%run_scoped3A_178 : memref<!tpu.dma_semaphore, #tpu.memory_space<semaphore_mem>>) src(%dma_wait3A_192 : memref<128x64xf32, #tpu.memory_space<vmem>>) dst(%dma_wait3A_198 : memref<10240x64xf32, #tpu.memory_space<vmem_shared>>)
        tpu.yield
      }) : () -> ()
      %add3A_123 = arith.constant 4 : i32
      %add3A_124 = arith.addi %add3A_109, %add3A_123 : i32
      %lt3A_125 = arith.constant 80 : i32
      %lt3A_126 = arith.cmpi slt, %add3A_124, %lt3A_125 : i32
      %convert_element_type3A_127 = arith.extui %lt3A_126 : i1 to i32
      %cond3A_128 = arith.constant 0 : i32
      %cond3A_129 = arith.cmpi ne, %convert_element_type3A_127, %cond3A_128 : i32
      scf.if %cond3A_129 {
        %add3A_178 = arith.constant 4 : i32
        %add3A_179 = arith.addi %add3A_109, %add3A_178 : i32
        %dma_start3A_180 = arith.constant 1 : i32
        %dma_start3A_181 = arith.constant 0 : i32
        %dma_start3A_182 = arith.constant 0 : i32
        %dma_start3A_183 = tpu.memref_slice %arg9[%dma_start3A_180, %dma_start3A_181, %dma_start3A_182] : memref<5x128x64xf32, #tpu.memory_space<vmem>> -> memref<1x128x64xf32, #tpu.memory_space<vmem>>
        %dma_start3A_184 = tpu.memref_squeeze %dma_start3A_183 : memref<1x128x64xf32, #tpu.memory_space<vmem>> -> memref<128x64xf32, #tpu.memory_space<vmem>>
        %dma_start3A_185 = arith.constant 0 : i32
        %dma_start3A_186 = tpu.memref_slice %arg7[%add3A_179, %dma_start3A_185] : memref<80x128xi32, #tpu.memory_space<vmem>> -> memref<1x128xi32, #tpu.memory_space<vmem>>
        %dma_start3A_187 = tpu.memref_squeeze %dma_start3A_186 : memref<1x128xi32, #tpu.memory_space<vmem>> -> memref<128xi32, #tpu.memory_space<vmem>>
        %dma_start3A_188 = arith.constant 0 : i32
        %dma_start3A_189 = arith.constant 0 : i32
        %dma_start3A_190 = tpu.memref_slice %arg4[%dma_start3A_188, %dma_start3A_189] : memref<10240x64xf32, #tpu.memory_space<hbm>> -> memref<10240x64xf32, #tpu.memory_space<hbm>>
        tpu.enqueue_indirect_dma source(%dma_start3A_190 : memref<10240x64xf32, #tpu.memory_space<hbm>>) target(%dma_start3A_184 : memref<128x64xf32, #tpu.memory_space<vmem>>) offsets(%dma_start3A_187 : memref<128xi32, #tpu.memory_space<vmem>>) semaphore(%arg12 : memref<!tpu.dma_semaphore, #tpu.memory_space<semaphore_mem>>)
      } else {
      }
      %mul3A_130 = arith.constant 5 : i32
      %mul3A_131 = arith.muli %scan3A_62, %mul3A_130 : i32
      %add3A_132 = arith.constant 3 : i32
      %add3A_133 = arith.addi %mul3A_131, %add3A_132 : i32
      %dma_wait3A_134 = arith.constant 3 : i32
      %dma_wait3A_135 = arith.constant 3 : i32
      %dma_wait3A_136 = arith.constant 0 : i32
      %dma_wait3A_137 = arith.constant 0 : i32
      %dma_wait3A_138 = tpu.memref_slice %arg9[%dma_wait3A_135, %dma_wait3A_136, %dma_wait3A_137] : memref<5x128x64xf32, #tpu.memory_space<vmem>> -> memref<1x128x64xf32, #tpu.memory_space<vmem>>
      %dma_wait3A_139 = tpu.memref_squeeze %dma_wait3A_138 : memref<1x128x64xf32, #tpu.memory_space<vmem>> -> memref<128x64xf32, #tpu.memory_space<vmem>>
      %dma_wait3A_140 = arith.constant 0 : i32
      %dma_wait3A_141 = tpu.memref_slice %arg7[%dma_wait3A_134, %dma_wait3A_140] : memref<80x128xi32, #tpu.memory_space<vmem>> -> memref<1x128xi32, #tpu.memory_space<vmem>>
      %dma_wait3A_142 = tpu.memref_squeeze %dma_wait3A_141 : memref<1x128xi32, #tpu.memory_space<vmem>> -> memref<128xi32, #tpu.memory_space<vmem>>
      %dma_wait3A_143 = arith.constant 0 : i32
      %dma_wait3A_144 = arith.constant 0 : i32
      %dma_wait3A_145 = tpu.memref_slice %arg4[%dma_wait3A_143, %dma_wait3A_144] : memref<10240x64xf32, #tpu.memory_space<hbm>> -> memref<10240x64xf32, #tpu.memory_space<hbm>>
      tpu.wait_indirect_dma semaphore(%arg14 : memref<!tpu.dma_semaphore, #tpu.memory_space<semaphore_mem>>) src(%dma_wait3A_145 : memref<10240x64xf32, #tpu.memory_space<hbm>>) dst(%dma_wait3A_139 : memref<128x64xf32, #tpu.memory_space<vmem>>)
      %run_scoped3A_146 = arith.constant 3 : i32
      "tpu.region"() ({
        %run_scoped3A_178 = tpu.sem_alloc : memref<!tpu.dma_semaphore, #tpu.memory_space<semaphore_mem>>
        %dma_start3A_179 = arith.constant 0 : i32
        %dma_start3A_180 = arith.constant 0 : i32
        %dma_start3A_181 = tpu.memref_slice %arg9[%run_scoped3A_146, %dma_start3A_179, %dma_start3A_180] : memref<5x128x64xf32, #tpu.memory_space<vmem>> -> memref<1x128x64xf32, #tpu.memory_space<vmem>>
        %dma_start3A_182 = tpu.memref_squeeze %dma_start3A_181 : memref<1x128x64xf32, #tpu.memory_space<vmem>> -> memref<128x64xf32, #tpu.memory_space<vmem>>
        %dma_start3A_183 = arith.constant 0 : i32
        %dma_start3A_184 = tpu.memref_slice %arg8[%add3A_133, %dma_start3A_183] : memref<80x128xi32, #tpu.memory_space<vmem>> -> memref<1x128xi32, #tpu.memory_space<vmem>>
        %dma_start3A_185 = tpu.memref_squeeze %dma_start3A_184 : memref<1x128xi32, #tpu.memory_space<vmem>> -> memref<128xi32, #tpu.memory_space<vmem>>
        %dma_start3A_186 = arith.constant 0 : i32
        %dma_start3A_187 = arith.constant 0 : i32
        %dma_start3A_188 = tpu.memref_slice %arg10[%dma_start3A_186, %dma_start3A_187] : memref<10240x64xf32, #tpu.memory_space<vmem_shared>> -> memref<10240x64xf32, #tpu.memory_space<vmem_shared>>
        tpu.enqueue_indirect_dma source(%dma_start3A_182 : memref<128x64xf32, #tpu.memory_space<vmem>>) target(%dma_start3A_188 : memref<10240x64xf32, #tpu.memory_space<vmem_shared>>) offsets(%dma_start3A_185 : memref<128xi32, #tpu.memory_space<vmem>>) semaphore(%run_scoped3A_178 : memref<!tpu.dma_semaphore, #tpu.memory_space<semaphore_mem>>) {add = true}
        %dma_wait3A_189 = arith.constant 0 : i32
        %dma_wait3A_190 = arith.constant 0 : i32
        %dma_wait3A_191 = tpu.memref_slice %arg9[%run_scoped3A_146, %dma_wait3A_189, %dma_wait3A_190] : memref<5x128x64xf32, #tpu.memory_space<vmem>> -> memref<1x128x64xf32, #tpu.memory_space<vmem>>
        %dma_wait3A_192 = tpu.memref_squeeze %dma_wait3A_191 : memref<1x128x64xf32, #tpu.memory_space<vmem>> -> memref<128x64xf32, #tpu.memory_space<vmem>>
        %dma_wait3A_193 = arith.constant 0 : i32
        %dma_wait3A_194 = tpu.memref_slice %arg8[%add3A_133, %dma_wait3A_193] : memref<80x128xi32, #tpu.memory_space<vmem>> -> memref<1x128xi32, #tpu.memory_space<vmem>>
        %dma_wait3A_195 = tpu.memref_squeeze %dma_wait3A_194 : memref<1x128xi32, #tpu.memory_space<vmem>> -> memref<128xi32, #tpu.memory_space<vmem>>
        %dma_wait3A_196 = arith.constant 0 : i32
        %dma_wait3A_197 = arith.constant 0 : i32
        %dma_wait3A_198 = tpu.memref_slice %arg10[%dma_wait3A_196, %dma_wait3A_197] : memref<10240x64xf32, #tpu.memory_space<vmem_shared>> -> memref<10240x64xf32, #tpu.memory_space<vmem_shared>>
        tpu.wait_indirect_dma semaphore(%run_scoped3A_178 : memref<!tpu.dma_semaphore, #tpu.memory_space<semaphore_mem>>) src(%dma_wait3A_192 : memref<128x64xf32, #tpu.memory_space<vmem>>) dst(%dma_wait3A_198 : memref<10240x64xf32, #tpu.memory_space<vmem_shared>>)
        tpu.yield
      }) : () -> ()
      %add3A_147 = arith.constant 4 : i32
      %add3A_148 = arith.addi %add3A_133, %add3A_147 : i32
      %lt3A_149 = arith.constant 80 : i32
      %lt3A_150 = arith.cmpi slt, %add3A_148, %lt3A_149 : i32
      %convert_element_type3A_151 = arith.extui %lt3A_150 : i1 to i32
      %cond3A_152 = arith.constant 0 : i32
      %cond3A_153 = arith.cmpi ne, %convert_element_type3A_151, %cond3A_152 : i32
      scf.if %cond3A_153 {
        %add3A_178 = arith.constant 4 : i32
        %add3A_179 = arith.addi %add3A_133, %add3A_178 : i32
        %dma_start3A_180 = arith.constant 2 : i32
        %dma_start3A_181 = arith.constant 0 : i32
        %dma_start3A_182 = arith.constant 0 : i32
        %dma_start3A_183 = tpu.memref_slice %arg9[%dma_start3A_180, %dma_start3A_181, %dma_start3A_182] : memref<5x128x64xf32, #tpu.memory_space<vmem>> -> memref<1x128x64xf32, #tpu.memory_space<vmem>>
        %dma_start3A_184 = tpu.memref_squeeze %dma_start3A_183 : memref<1x128x64xf32, #tpu.memory_space<vmem>> -> memref<128x64xf32, #tpu.memory_space<vmem>>
        %dma_start3A_185 = arith.constant 0 : i32
        %dma_start3A_186 = tpu.memref_slice %arg7[%add3A_179, %dma_start3A_185] : memref<80x128xi32, #tpu.memory_space<vmem>> -> memref<1x128xi32, #tpu.memory_space<vmem>>
        %dma_start3A_187 = tpu.memref_squeeze %dma_start3A_186 : memref<1x128xi32, #tpu.memory_space<vmem>> -> memref<128xi32, #tpu.memory_space<vmem>>
        %dma_start3A_188 = arith.constant 0 : i32
        %dma_start3A_189 = arith.constant 0 : i32
        %dma_start3A_190 = tpu.memref_slice %arg4[%dma_start3A_188, %dma_start3A_189] : memref<10240x64xf32, #tpu.memory_space<hbm>> -> memref<10240x64xf32, #tpu.memory_space<hbm>>
        tpu.enqueue_indirect_dma source(%dma_start3A_190 : memref<10240x64xf32, #tpu.memory_space<hbm>>) target(%dma_start3A_184 : memref<128x64xf32, #tpu.memory_space<vmem>>) offsets(%dma_start3A_187 : memref<128xi32, #tpu.memory_space<vmem>>) semaphore(%arg13 : memref<!tpu.dma_semaphore, #tpu.memory_space<semaphore_mem>>)
      } else {
      }
      %mul3A_154 = arith.constant 5 : i32
      %mul3A_155 = arith.muli %scan3A_62, %mul3A_154 : i32
      %add3A_156 = arith.constant 4 : i32
      %add3A_157 = arith.addi %mul3A_155, %add3A_156 : i32
      %dma_wait3A_158 = arith.constant 4 : i32
      %dma_wait3A_159 = arith.constant 4 : i32
      %dma_wait3A_160 = arith.constant 0 : i32
      %dma_wait3A_161 = arith.constant 0 : i32
      %dma_wait3A_162 = tpu.memref_slice %arg9[%dma_wait3A_159, %dma_wait3A_160, %dma_wait3A_161] : memref<5x128x64xf32, #tpu.memory_space<vmem>> -> memref<1x128x64xf32, #tpu.memory_space<vmem>>
      %dma_wait3A_163 = tpu.memref_squeeze %dma_wait3A_162 : memref<1x128x64xf32, #tpu.memory_space<vmem>> -> memref<128x64xf32, #tpu.memory_space<vmem>>
      %dma_wait3A_164 = arith.constant 0 : i32
      %dma_wait3A_165 = tpu.memref_slice %arg7[%dma_wait3A_158, %dma_wait3A_164] : memref<80x128xi32, #tpu.memory_space<vmem>> -> memref<1x128xi32, #tpu.memory_space<vmem>>
      %dma_wait3A_166 = tpu.memref_squeeze %dma_wait3A_165 : memref<1x128xi32, #tpu.memory_space<vmem>> -> memref<128xi32, #tpu.memory_space<vmem>>
      %dma_wait3A_167 = arith.constant 0 : i32
      %dma_wait3A_168 = arith.constant 0 : i32
      %dma_wait3A_169 = tpu.memref_slice %arg4[%dma_wait3A_167, %dma_wait3A_168] : memref<10240x64xf32, #tpu.memory_space<hbm>> -> memref<10240x64xf32, #tpu.memory_space<hbm>>
      tpu.wait_indirect_dma semaphore(%arg15 : memref<!tpu.dma_semaphore, #tpu.memory_space<semaphore_mem>>) src(%dma_wait3A_169 : memref<10240x64xf32, #tpu.memory_space<hbm>>) dst(%dma_wait3A_163 : memref<128x64xf32, #tpu.memory_space<vmem>>)
      %run_scoped3A_170 = arith.constant 4 : i32
      "tpu.region"() ({
        %run_scoped3A_178 = tpu.sem_alloc : memref<!tpu.dma_semaphore, #tpu.memory_space<semaphore_mem>>
        %dma_start3A_179 = arith.constant 0 : i32
        %dma_start3A_180 = arith.constant 0 : i32
        %dma_start3A_181 = tpu.memref_slice %arg9[%run_scoped3A_170, %dma_start3A_179, %dma_start3A_180] : memref<5x128x64xf32, #tpu.memory_space<vmem>> -> memref<1x128x64xf32, #tpu.memory_space<vmem>>
        %dma_start3A_182 = tpu.memref_squeeze %dma_start3A_181 : memref<1x128x64xf32, #tpu.memory_space<vmem>> -> memref<128x64xf32, #tpu.memory_space<vmem>>
        %dma_start3A_183 = arith.constant 0 : i32
        %dma_start3A_184 = tpu.memref_slice %arg8[%add3A_157, %dma_start3A_183] : memref<80x128xi32, #tpu.memory_space<vmem>> -> memref<1x128xi32, #tpu.memory_space<vmem>>
        %dma_start3A_185 = tpu.memref_squeeze %dma_start3A_184 : memref<1x128xi32, #tpu.memory_space<vmem>> -> memref<128xi32, #tpu.memory_space<vmem>>
        %dma_start3A_186 = arith.constant 0 : i32
        %dma_start3A_187 = arith.constant 0 : i32
        %dma_start3A_188 = tpu.memref_slice %arg10[%dma_start3A_186, %dma_start3A_187] : memref<10240x64xf32, #tpu.memory_space<vmem_shared>> -> memref<10240x64xf32, #tpu.memory_space<vmem_shared>>
        tpu.enqueue_indirect_dma source(%dma_start3A_182 : memref<128x64xf32, #tpu.memory_space<vmem>>) target(%dma_start3A_188 : memref<10240x64xf32, #tpu.memory_space<vmem_shared>>) offsets(%dma_start3A_185 : memref<128xi32, #tpu.memory_space<vmem>>) semaphore(%run_scoped3A_178 : memref<!tpu.dma_semaphore, #tpu.memory_space<semaphore_mem>>) {add = true}
        %dma_wait3A_189 = arith.constant 0 : i32
        %dma_wait3A_190 = arith.constant 0 : i32
        %dma_wait3A_191 = tpu.memref_slice %arg9[%run_scoped3A_170, %dma_wait3A_189, %dma_wait3A_190] : memref<5x128x64xf32, #tpu.memory_space<vmem>> -> memref<1x128x64xf32, #tpu.memory_space<vmem>>
        %dma_wait3A_192 = tpu.memref_squeeze %dma_wait3A_191 : memref<1x128x64xf32, #tpu.memory_space<vmem>> -> memref<128x64xf32, #tpu.memory_space<vmem>>
        %dma_wait3A_193 = arith.constant 0 : i32
        %dma_wait3A_194 = tpu.memref_slice %arg8[%add3A_157, %dma_wait3A_193] : memref<80x128xi32, #tpu.memory_space<vmem>> -> memref<1x128xi32, #tpu.memory_space<vmem>>
        %dma_wait3A_195 = tpu.memref_squeeze %dma_wait3A_194 : memref<1x128xi32, #tpu.memory_space<vmem>> -> memref<128xi32, #tpu.memory_space<vmem>>
        %dma_wait3A_196 = arith.constant 0 : i32
        %dma_wait3A_197 = arith.constant 0 : i32
        %dma_wait3A_198 = tpu.memref_slice %arg10[%dma_wait3A_196, %dma_wait3A_197] : memref<10240x64xf32, #tpu.memory_space<vmem_shared>> -> memref<10240x64xf32, #tpu.memory_space<vmem_shared>>
        tpu.wait_indirect_dma semaphore(%run_scoped3A_178 : memref<!tpu.dma_semaphore, #tpu.memory_space<semaphore_mem>>) src(%dma_wait3A_192 : memref<128x64xf32, #tpu.memory_space<vmem>>) dst(%dma_wait3A_198 : memref<10240x64xf32, #tpu.memory_space<vmem_shared>>)
        tpu.yield
      }) : () -> ()
      %add3A_171 = arith.constant 4 : i32
      %add3A_172 = arith.addi %add3A_157, %add3A_171 : i32
      %lt3A_173 = arith.constant 80 : i32
      %lt3A_174 = arith.cmpi slt, %add3A_172, %lt3A_173 : i32
      %convert_element_type3A_175 = arith.extui %lt3A_174 : i1 to i32
      %cond3A_176 = arith.constant 0 : i32
      %cond3A_177 = arith.cmpi ne, %convert_element_type3A_175, %cond3A_176 : i32
      scf.if %cond3A_177 {
        %add3A_178 = arith.constant 4 : i32
        %add3A_179 = arith.addi %add3A_157, %add3A_178 : i32
        %dma_start3A_180 = arith.constant 3 : i32
        %dma_start3A_181 = arith.constant 0 : i32
        %dma_start3A_182 = arith.constant 0 : i32
        %dma_start3A_183 = tpu.memref_slice %arg9[%dma_start3A_180, %dma_start3A_181, %dma_start3A_182] : memref<5x128x64xf32, #tpu.memory_space<vmem>> -> memref<1x128x64xf32, #tpu.memory_space<vmem>>
        %dma_start3A_184 = tpu.memref_squeeze %dma_start3A_183 : memref<1x128x64xf32, #tpu.memory_space<vmem>> -> memref<128x64xf32, #tpu.memory_space<vmem>>
        %dma_start3A_185 = arith.constant 0 : i32
        %dma_start3A_186 = tpu.memref_slice %arg7[%add3A_179, %dma_start3A_185] : memref<80x128xi32, #tpu.memory_space<vmem>> -> memref<1x128xi32, #tpu.memory_space<vmem>>
        %dma_start3A_187 = tpu.memref_squeeze %dma_start3A_186 : memref<1x128xi32, #tpu.memory_space<vmem>> -> memref<128xi32, #tpu.memory_space<vmem>>
        %dma_start3A_188 = arith.constant 0 : i32
        %dma_start3A_189 = arith.constant 0 : i32
        %dma_start3A_190 = tpu.memref_slice %arg4[%dma_start3A_188, %dma_start3A_189] : memref<10240x64xf32, #tpu.memory_space<hbm>> -> memref<10240x64xf32, #tpu.memory_space<hbm>>
        tpu.enqueue_indirect_dma source(%dma_start3A_190 : memref<10240x64xf32, #tpu.memory_space<hbm>>) target(%dma_start3A_184 : memref<128x64xf32, #tpu.memory_space<vmem>>) offsets(%dma_start3A_187 : memref<128xi32, #tpu.memory_space<vmem>>) semaphore(%arg14 : memref<!tpu.dma_semaphore, #tpu.memory_space<semaphore_mem>>)
      } else {
      }
    }
    %scan3A_56 = arith.constant 16 : i32
    %barrier3A_57 = arith.constant 0 : index
    tpu.barrier barrier_id(%barrier3A_57)
    %mul3A_58 = arith.constant 640 : i32
    %mul3A_59 = arith.muli %arg1, %mul3A_58 : i32
    %mul3A_60 = arith.constant 640 : i32
    %mul3A_61 = arith.muli %arg1, %mul3A_60 : i32
    "tpu.region"() ({
      %run_scoped3A = tpu.sem_alloc : memref<!tpu.dma_semaphore, #tpu.memory_space<semaphore_mem>>
      %dma_start3A_62 = arith.constant 0 : i32
      %dma_start3A_63 = tpu.memref_slice %arg6[%arg0, %mul3A_61, %dma_start3A_62] : memref<2x10240x64xf32, #tpu.memory_space<hbm>> -> memref<1x640x64xf32, #tpu.memory_space<hbm>>
      %dma_start3A_64 = tpu.memref_squeeze %dma_start3A_63 : memref<1x640x64xf32, #tpu.memory_space<hbm>> -> memref<640x64xf32, #tpu.memory_space<hbm>>
      %dma_start3A_65 = arith.constant 0 : i32
      %dma_start3A_66 = tpu.memref_slice %arg10[%mul3A_59, %dma_start3A_65] : memref<10240x64xf32, #tpu.memory_space<vmem_shared>> -> memref<640x64xf32, #tpu.memory_space<vmem_shared>>
      tpu.enqueue_dma source(%dma_start3A_66 : memref<640x64xf32, #tpu.memory_space<vmem_shared>>) target(%dma_start3A_64 : memref<640x64xf32, #tpu.memory_space<hbm>>) target_semaphore(%run_scoped3A : memref<!tpu.dma_semaphore, #tpu.memory_space<semaphore_mem>>)
      %dma_wait3A = arith.constant 0 : i32
      %dma_wait3A_67 = tpu.memref_slice %arg6[%arg0, %mul3A_61, %dma_wait3A] : memref<2x10240x64xf32, #tpu.memory_space<hbm>> -> memref<1x640x64xf32, #tpu.memory_space<hbm>>
      %dma_wait3A_68 = tpu.memref_squeeze %dma_wait3A_67 : memref<1x640x64xf32, #tpu.memory_space<hbm>> -> memref<640x64xf32, #tpu.memory_space<hbm>>
      %dma_wait3A_69 = arith.constant 0 : i32
      %dma_wait3A_70 = tpu.memref_slice %arg10[%mul3A_59, %dma_wait3A_69] : memref<10240x64xf32, #tpu.memory_space<vmem_shared>> -> memref<640x64xf32, #tpu.memory_space<vmem_shared>>
      tpu.wait_dma2 semaphore(%run_scoped3A : memref<!tpu.dma_semaphore, #tpu.memory_space<semaphore_mem>>) src(%dma_wait3A_70 : memref<640x64xf32, #tpu.memory_space<vmem_shared>>) dst(%dma_wait3A_68 : memref<640x64xf32, #tpu.memory_space<hbm>>)
      tpu.yield
    }) : () -> ()
    return
  }
}

module attributes {stable_mosaic.version = 14 : i64} {
  func.func @_kan1_body(%arg0: i32, %arg1: memref<512x128xf32, #tpu.memory_space<vmem>>, %arg2: memref<512x1xf32, #tpu.memory_space<vmem>>, %arg3: memref<512x1xf32, #tpu.memory_space<vmem>>, %arg4: memref<11xf32, #tpu.memory_space<smem>>, %arg5: memref<128x64xf32, #tpu.memory_space<vmem>>, %arg6: memref<7x128x64xf32, #tpu.memory_space<vmem>>, %arg7: memref<128x64xf32, #tpu.memory_space<vmem>>, %arg8: memref<512x64xf32, #tpu.memory_space<vmem>>, %arg9: memref<512x1xf32, #tpu.memory_space<vmem>>) attributes {dimension_semantics = [#tpu.dimension_semantics<arbitrary>], iteration_bounds = array<i64: 20>, scalar_prefetch = 0 : i64, scratch_operands = 0 : i64, tpu.core_type = #tpu.core_type<tc>, window_params = [{transform_indices = @transform_0, window_bounds = array<i64: 512, 128>}, {transform_indices = @transform_1, window_bounds = array<i64: 512, 1>}, {transform_indices = @transform_2, window_bounds = array<i64: 512, 1>}, {transform_indices = @transform_3, window_bounds = array<i64: 11>}, {pipeline_mode = #tpu.pipeline_mode<synchronous>, transform_indices = @transform_4, window_bounds = array<i64: 128, 64>}, {pipeline_mode = #tpu.pipeline_mode<synchronous>, transform_indices = @transform_5, window_bounds = array<i64: 7, 128, 64>}, {pipeline_mode = #tpu.pipeline_mode<synchronous>, transform_indices = @transform_6, window_bounds = array<i64: 128, 64>}, {transform_indices = @transform_7, window_bounds = array<i64: 512, 64>}, {transform_indices = @transform_8, window_bounds = array<i64: 512, 1>}]} {
    %get3A = arith.constant 0 : index
    %get3A_0 = arith.constant 0 : index
    %get3A_1 = vector.load %arg2[%get3A, %get3A_0] : memref<512x1xf32, #tpu.memory_space<vmem>>, vector<512x1xf32>
    %get3A_2 = arith.constant 0 : index
    %get3A_3 = arith.constant 0 : index
    %get3A_4 = vector.load %arg3[%get3A_2, %get3A_3] : memref<512x1xf32, #tpu.memory_space<vmem>>, vector<512x1xf32>
    %add3A = arith.addf %get3A_1, %get3A_4 : vector<512x1xf32>
    %add3A_5 = arith.constant 1.000000e+00 : f32
    %add3A_6 = vector.broadcast %add3A_5 : f32 to vector<512x1xf32>
    %add3A_7 = arith.addf %add3A, %add3A_6 : vector<512x1xf32>
    %rsqrt3A = math.rsqrt %add3A_7 : vector<512x1xf32>
    %get3A_8 = arith.constant 0 : index
    %get3A_9 = arith.constant 0 : index
    %get3A_10 = vector.load %arg1[%get3A_8, %get3A_9] : memref<512x128xf32, #tpu.memory_space<vmem>>, vector<512x128xf32>
    %get3A_11 = arith.constant 0 : index
    %get3A_12 = memref.load %arg4[%get3A_11] : memref<11xf32, #tpu.memory_space<smem>>
    %get3A_13 = arith.constant 1 : index
    %get3A_14 = memref.load %arg4[%get3A_13] : memref<11xf32, #tpu.memory_space<smem>>
    %get3A_15 = arith.constant 2 : index
    %get3A_16 = memref.load %arg4[%get3A_15] : memref<11xf32, #tpu.memory_space<smem>>
    %get3A_17 = arith.constant 3 : index
    %get3A_18 = memref.load %arg4[%get3A_17] : memref<11xf32, #tpu.memory_space<smem>>
    %get3A_19 = arith.constant 4 : index
    %get3A_20 = memref.load %arg4[%get3A_19] : memref<11xf32, #tpu.memory_space<smem>>
    %get3A_21 = arith.constant 5 : index
    %get3A_22 = memref.load %arg4[%get3A_21] : memref<11xf32, #tpu.memory_space<smem>>
    %get3A_23 = arith.constant 6 : index
    %get3A_24 = memref.load %arg4[%get3A_23] : memref<11xf32, #tpu.memory_space<smem>>
    %get3A_25 = arith.constant 7 : index
    %get3A_26 = memref.load %arg4[%get3A_25] : memref<11xf32, #tpu.memory_space<smem>>
    %get3A_27 = arith.constant 8 : index
    %get3A_28 = memref.load %arg4[%get3A_27] : memref<11xf32, #tpu.memory_space<smem>>
    %get3A_29 = arith.constant 9 : index
    %get3A_30 = memref.load %arg4[%get3A_29] : memref<11xf32, #tpu.memory_space<smem>>
    %get3A_31 = arith.constant 10 : index
    %get3A_32 = memref.load %arg4[%get3A_31] : memref<11xf32, #tpu.memory_space<smem>>
    %neg3A = arith.constant 0.000000e+00 : f32
    %neg3A_33 = vector.broadcast %neg3A : f32 to vector<512x128xf32>
    %neg3A_34 = arith.subf %neg3A_33, %get3A_10 : vector<512x128xf32>
    %exp3A = math.exp %neg3A_34 : vector<512x128xf32>
    %add3A_35 = arith.constant 1.000000e+00 : f32
    %add3A_36 = vector.broadcast %add3A_35 : f32 to vector<512x128xf32>
    %add3A_37 = arith.addf %add3A_36, %exp3A : vector<512x128xf32>
    %div3A = arith.constant 1.000000e+00 : f32
    %div3A_38 = vector.broadcast %div3A : f32 to vector<512x128xf32>
    %div3A_39 = arith.divf %div3A_38, %add3A_37 : vector<512x128xf32>
    %mul3A = arith.mulf %get3A_10, %div3A_39 : vector<512x128xf32>
    %get3A_40 = arith.constant 0 : index
    %get3A_41 = arith.constant 0 : index
    %get3A_42 = vector.load %arg5[%get3A_40, %get3A_41] : memref<128x64xf32, #tpu.memory_space<vmem>>, vector<128x64xf32>
    %dot_general3A = arith.constant dense<0.000000e+00> : vector<512x64xf32>
    %dot_general3A_43 = tpu.matmul %mul3A, %get3A_42, %dot_general3A {dimension_numbers = #tpu.dot_dimension_numbers<[1], [0], [0], [1], [0, 0, 1, 1], [], []>, transpose_lhs_hint = false} : vector<512x128xf32>, vector<128x64xf32>, vector<512x64xf32> -> vector<512x64xf32>
    %ge3A = vector.broadcast %get3A_12 : f32 to vector<512x128xf32>
    %ge3A_44 = arith.cmpf oge, %get3A_10, %ge3A : vector<512x128xf32>
    %lt3A = vector.broadcast %get3A_14 : f32 to vector<512x128xf32>
    %lt3A_45 = arith.cmpf olt, %get3A_10, %lt3A : vector<512x128xf32>
    %and3A = arith.andi %ge3A_44, %lt3A_45 : vector<512x128xi1>
    %jit3A = arith.constant 1.000000e+00 : f32
    %jit3A_46 = arith.constant 0.000000e+00 : f32
    %broadcast_in_dim3A = vector.broadcast %jit3A : f32 to vector<512x128xf32>
    %broadcast_in_dim3A_47 = vector.broadcast %jit3A_46 : f32 to vector<512x128xf32>
    %select_n3A = arith.select %and3A, %broadcast_in_dim3A, %broadcast_in_dim3A_47 : vector<512x128xi1>, vector<512x128xf32>
    %ge3A_48 = vector.broadcast %get3A_14 : f32 to vector<512x128xf32>
    %ge3A_49 = arith.cmpf oge, %get3A_10, %ge3A_48 : vector<512x128xf32>
    %lt3A_50 = vector.broadcast %get3A_16 : f32 to vector<512x128xf32>
    %lt3A_51 = arith.cmpf olt, %get3A_10, %lt3A_50 : vector<512x128xf32>
    %and3A_52 = arith.andi %ge3A_49, %lt3A_51 : vector<512x128xi1>
    %jit3A_53 = arith.constant 1.000000e+00 : f32
    %jit3A_54 = arith.constant 0.000000e+00 : f32
    %broadcast_in_dim3A_55 = vector.broadcast %jit3A_53 : f32 to vector<512x128xf32>
    %broadcast_in_dim3A_56 = vector.broadcast %jit3A_54 : f32 to vector<512x128xf32>
    %select_n3A_57 = arith.select %and3A_52, %broadcast_in_dim3A_55, %broadcast_in_dim3A_56 : vector<512x128xi1>, vector<512x128xf32>
    %ge3A_58 = vector.broadcast %get3A_16 : f32 to vector<512x128xf32>
    %ge3A_59 = arith.cmpf oge, %get3A_10, %ge3A_58 : vector<512x128xf32>
    %lt3A_60 = vector.broadcast %get3A_18 : f32 to vector<512x128xf32>
    %lt3A_61 = arith.cmpf olt, %get3A_10, %lt3A_60 : vector<512x128xf32>
    %and3A_62 = arith.andi %ge3A_59, %lt3A_61 : vector<512x128xi1>
    %jit3A_63 = arith.constant 1.000000e+00 : f32
    %jit3A_64 = arith.constant 0.000000e+00 : f32
    %broadcast_in_dim3A_65 = vector.broadcast %jit3A_63 : f32 to vector<512x128xf32>
    %broadcast_in_dim3A_66 = vector.broadcast %jit3A_64 : f32 to vector<512x128xf32>
    %select_n3A_67 = arith.select %and3A_62, %broadcast_in_dim3A_65, %broadcast_in_dim3A_66 : vector<512x128xi1>, vector<512x128xf32>
    %ge3A_68 = vector.broadcast %get3A_18 : f32 to vector<512x128xf32>
    %ge3A_69 = arith.cmpf oge, %get3A_10, %ge3A_68 : vector<512x128xf32>
    %lt3A_70 = vector.broadcast %get3A_20 : f32 to vector<512x128xf32>
    %lt3A_71 = arith.cmpf olt, %get3A_10, %lt3A_70 : vector<512x128xf32>
    %and3A_72 = arith.andi %ge3A_69, %lt3A_71 : vector<512x128xi1>
    %jit3A_73 = arith.constant 1.000000e+00 : f32
    %jit3A_74 = arith.constant 0.000000e+00 : f32
    %broadcast_in_dim3A_75 = vector.broadcast %jit3A_73 : f32 to vector<512x128xf32>
    %broadcast_in_dim3A_76 = vector.broadcast %jit3A_74 : f32 to vector<512x128xf32>
    %select_n3A_77 = arith.select %and3A_72, %broadcast_in_dim3A_75, %broadcast_in_dim3A_76 : vector<512x128xi1>, vector<512x128xf32>
    %ge3A_78 = vector.broadcast %get3A_20 : f32 to vector<512x128xf32>
    %ge3A_79 = arith.cmpf oge, %get3A_10, %ge3A_78 : vector<512x128xf32>
    %lt3A_80 = vector.broadcast %get3A_22 : f32 to vector<512x128xf32>
    %lt3A_81 = arith.cmpf olt, %get3A_10, %lt3A_80 : vector<512x128xf32>
    %and3A_82 = arith.andi %ge3A_79, %lt3A_81 : vector<512x128xi1>
    %jit3A_83 = arith.constant 1.000000e+00 : f32
    %jit3A_84 = arith.constant 0.000000e+00 : f32
    %broadcast_in_dim3A_85 = vector.broadcast %jit3A_83 : f32 to vector<512x128xf32>
    %broadcast_in_dim3A_86 = vector.broadcast %jit3A_84 : f32 to vector<512x128xf32>
    %select_n3A_87 = arith.select %and3A_82, %broadcast_in_dim3A_85, %broadcast_in_dim3A_86 : vector<512x128xi1>, vector<512x128xf32>
    %ge3A_88 = vector.broadcast %get3A_22 : f32 to vector<512x128xf32>
    %ge3A_89 = arith.cmpf oge, %get3A_10, %ge3A_88 : vector<512x128xf32>
    %lt3A_90 = vector.broadcast %get3A_24 : f32 to vector<512x128xf32>
    %lt3A_91 = arith.cmpf olt, %get3A_10, %lt3A_90 : vector<512x128xf32>
    %and3A_92 = arith.andi %ge3A_89, %lt3A_91 : vector<512x128xi1>
    %jit3A_93 = arith.constant 1.000000e+00 : f32
    %jit3A_94 = arith.constant 0.000000e+00 : f32
    %broadcast_in_dim3A_95 = vector.broadcast %jit3A_93 : f32 to vector<512x128xf32>
    %broadcast_in_dim3A_96 = vector.broadcast %jit3A_94 : f32 to vector<512x128xf32>
    %select_n3A_97 = arith.select %and3A_92, %broadcast_in_dim3A_95, %broadcast_in_dim3A_96 : vector<512x128xi1>, vector<512x128xf32>
    %ge3A_98 = vector.broadcast %get3A_24 : f32 to vector<512x128xf32>
    %ge3A_99 = arith.cmpf oge, %get3A_10, %ge3A_98 : vector<512x128xf32>
    %lt3A_100 = vector.broadcast %get3A_26 : f32 to vector<512x128xf32>
    %lt3A_101 = arith.cmpf olt, %get3A_10, %lt3A_100 : vector<512x128xf32>
    %and3A_102 = arith.andi %ge3A_99, %lt3A_101 : vector<512x128xi1>
    %jit3A_103 = arith.constant 1.000000e+00 : f32
    %jit3A_104 = arith.constant 0.000000e+00 : f32
    %broadcast_in_dim3A_105 = vector.broadcast %jit3A_103 : f32 to vector<512x128xf32>
    %broadcast_in_dim3A_106 = vector.broadcast %jit3A_104 : f32 to vector<512x128xf32>
    %select_n3A_107 = arith.select %and3A_102, %broadcast_in_dim3A_105, %broadcast_in_dim3A_106 : vector<512x128xi1>, vector<512x128xf32>
    %ge3A_108 = vector.broadcast %get3A_26 : f32 to vector<512x128xf32>
    %ge3A_109 = arith.cmpf oge, %get3A_10, %ge3A_108 : vector<512x128xf32>
    %lt3A_110 = vector.broadcast %get3A_28 : f32 to vector<512x128xf32>
    %lt3A_111 = arith.cmpf olt, %get3A_10, %lt3A_110 : vector<512x128xf32>
    %and3A_112 = arith.andi %ge3A_109, %lt3A_111 : vector<512x128xi1>
    %jit3A_113 = arith.constant 1.000000e+00 : f32
    %jit3A_114 = arith.constant 0.000000e+00 : f32
    %broadcast_in_dim3A_115 = vector.broadcast %jit3A_113 : f32 to vector<512x128xf32>
    %broadcast_in_dim3A_116 = vector.broadcast %jit3A_114 : f32 to vector<512x128xf32>
    %select_n3A_117 = arith.select %and3A_112, %broadcast_in_dim3A_115, %broadcast_in_dim3A_116 : vector<512x128xi1>, vector<512x128xf32>
    %ge3A_118 = vector.broadcast %get3A_28 : f32 to vector<512x128xf32>
    %ge3A_119 = arith.cmpf oge, %get3A_10, %ge3A_118 : vector<512x128xf32>
    %lt3A_120 = vector.broadcast %get3A_30 : f32 to vector<512x128xf32>
    %lt3A_121 = arith.cmpf olt, %get3A_10, %lt3A_120 : vector<512x128xf32>
    %and3A_122 = arith.andi %ge3A_119, %lt3A_121 : vector<512x128xi1>
    %jit3A_123 = arith.constant 1.000000e+00 : f32
    %jit3A_124 = arith.constant 0.000000e+00 : f32
    %broadcast_in_dim3A_125 = vector.broadcast %jit3A_123 : f32 to vector<512x128xf32>
    %broadcast_in_dim3A_126 = vector.broadcast %jit3A_124 : f32 to vector<512x128xf32>
    %select_n3A_127 = arith.select %and3A_122, %broadcast_in_dim3A_125, %broadcast_in_dim3A_126 : vector<512x128xi1>, vector<512x128xf32>
    %ge3A_128 = vector.broadcast %get3A_30 : f32 to vector<512x128xf32>
    %ge3A_129 = arith.cmpf oge, %get3A_10, %ge3A_128 : vector<512x128xf32>
    %lt3A_130 = vector.broadcast %get3A_32 : f32 to vector<512x128xf32>
    %lt3A_131 = arith.cmpf olt, %get3A_10, %lt3A_130 : vector<512x128xf32>
    %and3A_132 = arith.andi %ge3A_129, %lt3A_131 : vector<512x128xi1>
    %jit3A_133 = arith.constant 1.000000e+00 : f32
    %jit3A_134 = arith.constant 0.000000e+00 : f32
    %broadcast_in_dim3A_135 = vector.broadcast %jit3A_133 : f32 to vector<512x128xf32>
    %broadcast_in_dim3A_136 = vector.broadcast %jit3A_134 : f32 to vector<512x128xf32>
    %select_n3A_137 = arith.select %and3A_132, %broadcast_in_dim3A_135, %broadcast_in_dim3A_136 : vector<512x128xi1>, vector<512x128xf32>
    %sub3A = vector.broadcast %get3A_12 : f32 to vector<512x128xf32>
    %sub3A_138 = arith.subf %get3A_10, %sub3A : vector<512x128xf32>
    %sub3A_139 = arith.subf %get3A_14, %get3A_12 : f32
    %div3A_140 = vector.broadcast %sub3A_139 : f32 to vector<512x128xf32>
    %div3A_141 = arith.divf %sub3A_138, %div3A_140 : vector<512x128xf32>
    %mul3A_142 = arith.mulf %div3A_141, %select_n3A : vector<512x128xf32>
    %sub3A_143 = vector.broadcast %get3A_16 : f32 to vector<512x128xf32>
    %sub3A_144 = arith.subf %sub3A_143, %get3A_10 : vector<512x128xf32>
    %sub3A_145 = arith.subf %get3A_16, %get3A_14 : f32
    %div3A_146 = vector.broadcast %sub3A_145 : f32 to vector<512x128xf32>
    %div3A_147 = arith.divf %sub3A_144, %div3A_146 : vector<512x128xf32>
    %mul3A_148 = arith.mulf %div3A_147, %select_n3A_57 : vector<512x128xf32>
    %add3A_149 = arith.addf %mul3A_142, %mul3A_148 : vector<512x128xf32>
    %sub3A_150 = vector.broadcast %get3A_14 : f32 to vector<512x128xf32>
    %sub3A_151 = arith.subf %get3A_10, %sub3A_150 : vector<512x128xf32>
    %sub3A_152 = arith.subf %get3A_16, %get3A_14 : f32
    %div3A_153 = vector.broadcast %sub3A_152 : f32 to vector<512x128xf32>
    %div3A_154 = arith.divf %sub3A_151, %div3A_153 : vector<512x128xf32>
    %mul3A_155 = arith.mulf %div3A_154, %select_n3A_57 : vector<512x128xf32>
    %sub3A_156 = vector.broadcast %get3A_18 : f32 to vector<512x128xf32>
    %sub3A_157 = arith.subf %sub3A_156, %get3A_10 : vector<512x128xf32>
    %sub3A_158 = arith.subf %get3A_18, %get3A_16 : f32
    %div3A_159 = vector.broadcast %sub3A_158 : f32 to vector<512x128xf32>
    %div3A_160 = arith.divf %sub3A_157, %div3A_159 : vector<512x128xf32>
    %mul3A_161 = arith.mulf %div3A_160, %select_n3A_67 : vector<512x128xf32>
    %add3A_162 = arith.addf %mul3A_155, %mul3A_161 : vector<512x128xf32>
    %sub3A_163 = vector.broadcast %get3A_16 : f32 to vector<512x128xf32>
    %sub3A_164 = arith.subf %get3A_10, %sub3A_163 : vector<512x128xf32>
    %sub3A_165 = arith.subf %get3A_18, %get3A_16 : f32
    %div3A_166 = vector.broadcast %sub3A_165 : f32 to vector<512x128xf32>
    %div3A_167 = arith.divf %sub3A_164, %div3A_166 : vector<512x128xf32>
    %mul3A_168 = arith.mulf %div3A_167, %select_n3A_67 : vector<512x128xf32>
    %sub3A_169 = vector.broadcast %get3A_20 : f32 to vector<512x128xf32>
    %sub3A_170 = arith.subf %sub3A_169, %get3A_10 : vector<512x128xf32>
    %sub3A_171 = arith.subf %get3A_20, %get3A_18 : f32
    %div3A_172 = vector.broadcast %sub3A_171 : f32 to vector<512x128xf32>
    %div3A_173 = arith.divf %sub3A_170, %div3A_172 : vector<512x128xf32>
    %mul3A_174 = arith.mulf %div3A_173, %select_n3A_77 : vector<512x128xf32>
    %add3A_175 = arith.addf %mul3A_168, %mul3A_174 : vector<512x128xf32>
    %sub3A_176 = vector.broadcast %get3A_18 : f32 to vector<512x128xf32>
    %sub3A_177 = arith.subf %get3A_10, %sub3A_176 : vector<512x128xf32>
    %sub3A_178 = arith.subf %get3A_20, %get3A_18 : f32
    %div3A_179 = vector.broadcast %sub3A_178 : f32 to vector<512x128xf32>
    %div3A_180 = arith.divf %sub3A_177, %div3A_179 : vector<512x128xf32>
    %mul3A_181 = arith.mulf %div3A_180, %select_n3A_77 : vector<512x128xf32>
    %sub3A_182 = vector.broadcast %get3A_22 : f32 to vector<512x128xf32>
    %sub3A_183 = arith.subf %sub3A_182, %get3A_10 : vector<512x128xf32>
    %sub3A_184 = arith.subf %get3A_22, %get3A_20 : f32
    %div3A_185 = vector.broadcast %sub3A_184 : f32 to vector<512x128xf32>
    %div3A_186 = arith.divf %sub3A_183, %div3A_185 : vector<512x128xf32>
    %mul3A_187 = arith.mulf %div3A_186, %select_n3A_87 : vector<512x128xf32>
    %add3A_188 = arith.addf %mul3A_181, %mul3A_187 : vector<512x128xf32>
    %sub3A_189 = vector.broadcast %get3A_20 : f32 to vector<512x128xf32>
    %sub3A_190 = arith.subf %get3A_10, %sub3A_189 : vector<512x128xf32>
    %sub3A_191 = arith.subf %get3A_22, %get3A_20 : f32
    %div3A_192 = vector.broadcast %sub3A_191 : f32 to vector<512x128xf32>
    %div3A_193 = arith.divf %sub3A_190, %div3A_192 : vector<512x128xf32>
    %mul3A_194 = arith.mulf %div3A_193, %select_n3A_87 : vector<512x128xf32>
    %sub3A_195 = vector.broadcast %get3A_24 : f32 to vector<512x128xf32>
    %sub3A_196 = arith.subf %sub3A_195, %get3A_10 : vector<512x128xf32>
    %sub3A_197 = arith.subf %get3A_24, %get3A_22 : f32
    %div3A_198 = vector.broadcast %sub3A_197 : f32 to vector<512x128xf32>
    %div3A_199 = arith.divf %sub3A_196, %div3A_198 : vector<512x128xf32>
    %mul3A_200 = arith.mulf %div3A_199, %select_n3A_97 : vector<512x128xf32>
    %add3A_201 = arith.addf %mul3A_194, %mul3A_200 : vector<512x128xf32>
    %sub3A_202 = vector.broadcast %get3A_22 : f32 to vector<512x128xf32>
    %sub3A_203 = arith.subf %get3A_10, %sub3A_202 : vector<512x128xf32>
    %sub3A_204 = arith.subf %get3A_24, %get3A_22 : f32
    %div3A_205 = vector.broadcast %sub3A_204 : f32 to vector<512x128xf32>
    %div3A_206 = arith.divf %sub3A_203, %div3A_205 : vector<512x128xf32>
    %mul3A_207 = arith.mulf %div3A_206, %select_n3A_97 : vector<512x128xf32>
    %sub3A_208 = vector.broadcast %get3A_26 : f32 to vector<512x128xf32>
    %sub3A_209 = arith.subf %sub3A_208, %get3A_10 : vector<512x128xf32>
    %sub3A_210 = arith.subf %get3A_26, %get3A_24 : f32
    %div3A_211 = vector.broadcast %sub3A_210 : f32 to vector<512x128xf32>
    %div3A_212 = arith.divf %sub3A_209, %div3A_211 : vector<512x128xf32>
    %mul3A_213 = arith.mulf %div3A_212, %select_n3A_107 : vector<512x128xf32>
    %add3A_214 = arith.addf %mul3A_207, %mul3A_213 : vector<512x128xf32>
    %sub3A_215 = vector.broadcast %get3A_24 : f32 to vector<512x128xf32>
    %sub3A_216 = arith.subf %get3A_10, %sub3A_215 : vector<512x128xf32>
    %sub3A_217 = arith.subf %get3A_26, %get3A_24 : f32
    %div3A_218 = vector.broadcast %sub3A_217 : f32 to vector<512x128xf32>
    %div3A_219 = arith.divf %sub3A_216, %div3A_218 : vector<512x128xf32>
    %mul3A_220 = arith.mulf %div3A_219, %select_n3A_107 : vector<512x128xf32>
    %sub3A_221 = vector.broadcast %get3A_28 : f32 to vector<512x128xf32>
    %sub3A_222 = arith.subf %sub3A_221, %get3A_10 : vector<512x128xf32>
    %sub3A_223 = arith.subf %get3A_28, %get3A_26 : f32
    %div3A_224 = vector.broadcast %sub3A_223 : f32 to vector<512x128xf32>
    %div3A_225 = arith.divf %sub3A_222, %div3A_224 : vector<512x128xf32>
    %mul3A_226 = arith.mulf %div3A_225, %select_n3A_117 : vector<512x128xf32>
    %add3A_227 = arith.addf %mul3A_220, %mul3A_226 : vector<512x128xf32>
    %sub3A_228 = vector.broadcast %get3A_26 : f32 to vector<512x128xf32>
    %sub3A_229 = arith.subf %get3A_10, %sub3A_228 : vector<512x128xf32>
    %sub3A_230 = arith.subf %get3A_28, %get3A_26 : f32
    %div3A_231 = vector.broadcast %sub3A_230 : f32 to vector<512x128xf32>
    %div3A_232 = arith.divf %sub3A_229, %div3A_231 : vector<512x128xf32>
    %mul3A_233 = arith.mulf %div3A_232, %select_n3A_117 : vector<512x128xf32>
    %sub3A_234 = vector.broadcast %get3A_30 : f32 to vector<512x128xf32>
    %sub3A_235 = arith.subf %sub3A_234, %get3A_10 : vector<512x128xf32>
    %sub3A_236 = arith.subf %get3A_30, %get3A_28 : f32
    %div3A_237 = vector.broadcast %sub3A_236 : f32 to vector<512x128xf32>
    %div3A_238 = arith.divf %sub3A_235, %div3A_237 : vector<512x128xf32>
    %mul3A_239 = arith.mulf %div3A_238, %select_n3A_127 : vector<512x128xf32>
    %add3A_240 = arith.addf %mul3A_233, %mul3A_239 : vector<512x128xf32>
    %sub3A_241 = vector.broadcast %get3A_28 : f32 to vector<512x128xf32>
    %sub3A_242 = arith.subf %get3A_10, %sub3A_241 : vector<512x128xf32>
    %sub3A_243 = arith.subf %get3A_30, %get3A_28 : f32
    %div3A_244 = vector.broadcast %sub3A_243 : f32 to vector<512x128xf32>
    %div3A_245 = arith.divf %sub3A_242, %div3A_244 : vector<512x128xf32>
    %mul3A_246 = arith.mulf %div3A_245, %select_n3A_127 : vector<512x128xf32>
    %sub3A_247 = vector.broadcast %get3A_32 : f32 to vector<512x128xf32>
    %sub3A_248 = arith.subf %sub3A_247, %get3A_10 : vector<512x128xf32>
    %sub3A_249 = arith.subf %get3A_32, %get3A_30 : f32
    %div3A_250 = vector.broadcast %sub3A_249 : f32 to vector<512x128xf32>
    %div3A_251 = arith.divf %sub3A_248, %div3A_250 : vector<512x128xf32>
    %mul3A_252 = arith.mulf %div3A_251, %select_n3A_137 : vector<512x128xf32>
    %add3A_253 = arith.addf %mul3A_246, %mul3A_252 : vector<512x128xf32>
    %sub3A_254 = vector.broadcast %get3A_12 : f32 to vector<512x128xf32>
    %sub3A_255 = arith.subf %get3A_10, %sub3A_254 : vector<512x128xf32>
    %sub3A_256 = arith.subf %get3A_16, %get3A_12 : f32
    %div3A_257 = vector.broadcast %sub3A_256 : f32 to vector<512x128xf32>
    %div3A_258 = arith.divf %sub3A_255, %div3A_257 : vector<512x128xf32>
    %mul3A_259 = arith.mulf %div3A_258, %add3A_149 : vector<512x128xf32>
    %sub3A_260 = vector.broadcast %get3A_18 : f32 to vector<512x128xf32>
    %sub3A_261 = arith.subf %sub3A_260, %get3A_10 : vector<512x128xf32>
    %sub3A_262 = arith.subf %get3A_18, %get3A_14 : f32
    %div3A_263 = vector.broadcast %sub3A_262 : f32 to vector<512x128xf32>
    %div3A_264 = arith.divf %sub3A_261, %div3A_263 : vector<512x128xf32>
    %mul3A_265 = arith.mulf %div3A_264, %add3A_162 : vector<512x128xf32>
    %add3A_266 = arith.addf %mul3A_259, %mul3A_265 : vector<512x128xf32>
    %sub3A_267 = vector.broadcast %get3A_14 : f32 to vector<512x128xf32>
    %sub3A_268 = arith.subf %get3A_10, %sub3A_267 : vector<512x128xf32>
    %sub3A_269 = arith.subf %get3A_18, %get3A_14 : f32
    %div3A_270 = vector.broadcast %sub3A_269 : f32 to vector<512x128xf32>
    %div3A_271 = arith.divf %sub3A_268, %div3A_270 : vector<512x128xf32>
    %mul3A_272 = arith.mulf %div3A_271, %add3A_162 : vector<512x128xf32>
    %sub3A_273 = vector.broadcast %get3A_20 : f32 to vector<512x128xf32>
    %sub3A_274 = arith.subf %sub3A_273, %get3A_10 : vector<512x128xf32>
    %sub3A_275 = arith.subf %get3A_20, %get3A_16 : f32
    %div3A_276 = vector.broadcast %sub3A_275 : f32 to vector<512x128xf32>
    %div3A_277 = arith.divf %sub3A_274, %div3A_276 : vector<512x128xf32>
    %mul3A_278 = arith.mulf %div3A_277, %add3A_175 : vector<512x128xf32>
    %add3A_279 = arith.addf %mul3A_272, %mul3A_278 : vector<512x128xf32>
    %sub3A_280 = vector.broadcast %get3A_16 : f32 to vector<512x128xf32>
    %sub3A_281 = arith.subf %get3A_10, %sub3A_280 : vector<512x128xf32>
    %sub3A_282 = arith.subf %get3A_20, %get3A_16 : f32
    %div3A_283 = vector.broadcast %sub3A_282 : f32 to vector<512x128xf32>
    %div3A_284 = arith.divf %sub3A_281, %div3A_283 : vector<512x128xf32>
    %mul3A_285 = arith.mulf %div3A_284, %add3A_175 : vector<512x128xf32>
    %sub3A_286 = vector.broadcast %get3A_22 : f32 to vector<512x128xf32>
    %sub3A_287 = arith.subf %sub3A_286, %get3A_10 : vector<512x128xf32>
    %sub3A_288 = arith.subf %get3A_22, %get3A_18 : f32
    %div3A_289 = vector.broadcast %sub3A_288 : f32 to vector<512x128xf32>
    %div3A_290 = arith.divf %sub3A_287, %div3A_289 : vector<512x128xf32>
    %mul3A_291 = arith.mulf %div3A_290, %add3A_188 : vector<512x128xf32>
    %add3A_292 = arith.addf %mul3A_285, %mul3A_291 : vector<512x128xf32>
    %sub3A_293 = vector.broadcast %get3A_18 : f32 to vector<512x128xf32>
    %sub3A_294 = arith.subf %get3A_10, %sub3A_293 : vector<512x128xf32>
    %sub3A_295 = arith.subf %get3A_22, %get3A_18 : f32
    %div3A_296 = vector.broadcast %sub3A_295 : f32 to vector<512x128xf32>
    %div3A_297 = arith.divf %sub3A_294, %div3A_296 : vector<512x128xf32>
    %mul3A_298 = arith.mulf %div3A_297, %add3A_188 : vector<512x128xf32>
    %sub3A_299 = vector.broadcast %get3A_24 : f32 to vector<512x128xf32>
    %sub3A_300 = arith.subf %sub3A_299, %get3A_10 : vector<512x128xf32>
    %sub3A_301 = arith.subf %get3A_24, %get3A_20 : f32
    %div3A_302 = vector.broadcast %sub3A_301 : f32 to vector<512x128xf32>
    %div3A_303 = arith.divf %sub3A_300, %div3A_302 : vector<512x128xf32>
    %mul3A_304 = arith.mulf %div3A_303, %add3A_201 : vector<512x128xf32>
    %add3A_305 = arith.addf %mul3A_298, %mul3A_304 : vector<512x128xf32>
    %sub3A_306 = vector.broadcast %get3A_20 : f32 to vector<512x128xf32>
    %sub3A_307 = arith.subf %get3A_10, %sub3A_306 : vector<512x128xf32>
    %sub3A_308 = arith.subf %get3A_24, %get3A_20 : f32
    %div3A_309 = vector.broadcast %sub3A_308 : f32 to vector<512x128xf32>
    %div3A_310 = arith.divf %sub3A_307, %div3A_309 : vector<512x128xf32>
    %mul3A_311 = arith.mulf %div3A_310, %add3A_201 : vector<512x128xf32>
    %sub3A_312 = vector.broadcast %get3A_26 : f32 to vector<512x128xf32>
    %sub3A_313 = arith.subf %sub3A_312, %get3A_10 : vector<512x128xf32>
    %sub3A_314 = arith.subf %get3A_26, %get3A_22 : f32
    %div3A_315 = vector.broadcast %sub3A_314 : f32 to vector<512x128xf32>
    %div3A_316 = arith.divf %sub3A_313, %div3A_315 : vector<512x128xf32>
    %mul3A_317 = arith.mulf %div3A_316, %add3A_214 : vector<512x128xf32>
    %add3A_318 = arith.addf %mul3A_311, %mul3A_317 : vector<512x128xf32>
    %sub3A_319 = vector.broadcast %get3A_22 : f32 to vector<512x128xf32>
    %sub3A_320 = arith.subf %get3A_10, %sub3A_319 : vector<512x128xf32>
    %sub3A_321 = arith.subf %get3A_26, %get3A_22 : f32
    %div3A_322 = vector.broadcast %sub3A_321 : f32 to vector<512x128xf32>
    %div3A_323 = arith.divf %sub3A_320, %div3A_322 : vector<512x128xf32>
    %mul3A_324 = arith.mulf %div3A_323, %add3A_214 : vector<512x128xf32>
    %sub3A_325 = vector.broadcast %get3A_28 : f32 to vector<512x128xf32>
    %sub3A_326 = arith.subf %sub3A_325, %get3A_10 : vector<512x128xf32>
    %sub3A_327 = arith.subf %get3A_28, %get3A_24 : f32
    %div3A_328 = vector.broadcast %sub3A_327 : f32 to vector<512x128xf32>
    %div3A_329 = arith.divf %sub3A_326, %div3A_328 : vector<512x128xf32>
    %mul3A_330 = arith.mulf %div3A_329, %add3A_227 : vector<512x128xf32>
    %add3A_331 = arith.addf %mul3A_324, %mul3A_330 : vector<512x128xf32>
    %sub3A_332 = vector.broadcast %get3A_24 : f32 to vector<512x128xf32>
    %sub3A_333 = arith.subf %get3A_10, %sub3A_332 : vector<512x128xf32>
    %sub3A_334 = arith.subf %get3A_28, %get3A_24 : f32
    %div3A_335 = vector.broadcast %sub3A_334 : f32 to vector<512x128xf32>
    %div3A_336 = arith.divf %sub3A_333, %div3A_335 : vector<512x128xf32>
    %mul3A_337 = arith.mulf %div3A_336, %add3A_227 : vector<512x128xf32>
    %sub3A_338 = vector.broadcast %get3A_30 : f32 to vector<512x128xf32>
    %sub3A_339 = arith.subf %sub3A_338, %get3A_10 : vector<512x128xf32>
    %sub3A_340 = arith.subf %get3A_30, %get3A_26 : f32
    %div3A_341 = vector.broadcast %sub3A_340 : f32 to vector<512x128xf32>
    %div3A_342 = arith.divf %sub3A_339, %div3A_341 : vector<512x128xf32>
    %mul3A_343 = arith.mulf %div3A_342, %add3A_240 : vector<512x128xf32>
    %add3A_344 = arith.addf %mul3A_337, %mul3A_343 : vector<512x128xf32>
    %sub3A_345 = vector.broadcast %get3A_26 : f32 to vector<512x128xf32>
    %sub3A_346 = arith.subf %get3A_10, %sub3A_345 : vector<512x128xf32>
    %sub3A_347 = arith.subf %get3A_30, %get3A_26 : f32
    %div3A_348 = vector.broadcast %sub3A_347 : f32 to vector<512x128xf32>
    %div3A_349 = arith.divf %sub3A_346, %div3A_348 : vector<512x128xf32>
    %mul3A_350 = arith.mulf %div3A_349, %add3A_240 : vector<512x128xf32>
    %sub3A_351 = vector.broadcast %get3A_32 : f32 to vector<512x128xf32>
    %sub3A_352 = arith.subf %sub3A_351, %get3A_10 : vector<512x128xf32>
    %sub3A_353 = arith.subf %get3A_32, %get3A_28 : f32
    %div3A_354 = vector.broadcast %sub3A_353 : f32 to vector<512x128xf32>
    %div3A_355 = arith.divf %sub3A_352, %div3A_354 : vector<512x128xf32>
    %mul3A_356 = arith.mulf %div3A_355, %add3A_253 : vector<512x128xf32>
    %add3A_357 = arith.addf %mul3A_350, %mul3A_356 : vector<512x128xf32>
    %sub3A_358 = vector.broadcast %get3A_12 : f32 to vector<512x128xf32>
    %sub3A_359 = arith.subf %get3A_10, %sub3A_358 : vector<512x128xf32>
    %sub3A_360 = arith.subf %get3A_18, %get3A_12 : f32
    %div3A_361 = vector.broadcast %sub3A_360 : f32 to vector<512x128xf32>
    %div3A_362 = arith.divf %sub3A_359, %div3A_361 : vector<512x128xf32>
    %mul3A_363 = arith.mulf %div3A_362, %add3A_266 : vector<512x128xf32>
    %sub3A_364 = vector.broadcast %get3A_20 : f32 to vector<512x128xf32>
    %sub3A_365 = arith.subf %sub3A_364, %get3A_10 : vector<512x128xf32>
    %sub3A_366 = arith.subf %get3A_20, %get3A_14 : f32
    %div3A_367 = vector.broadcast %sub3A_366 : f32 to vector<512x128xf32>
    %div3A_368 = arith.divf %sub3A_365, %div3A_367 : vector<512x128xf32>
    %mul3A_369 = arith.mulf %div3A_368, %add3A_279 : vector<512x128xf32>
    %add3A_370 = arith.addf %mul3A_363, %mul3A_369 : vector<512x128xf32>
    %sub3A_371 = vector.broadcast %get3A_14 : f32 to vector<512x128xf32>
    %sub3A_372 = arith.subf %get3A_10, %sub3A_371 : vector<512x128xf32>
    %sub3A_373 = arith.subf %get3A_20, %get3A_14 : f32
    %div3A_374 = vector.broadcast %sub3A_373 : f32 to vector<512x128xf32>
    %div3A_375 = arith.divf %sub3A_372, %div3A_374 : vector<512x128xf32>
    %mul3A_376 = arith.mulf %div3A_375, %add3A_279 : vector<512x128xf32>
    %sub3A_377 = vector.broadcast %get3A_22 : f32 to vector<512x128xf32>
    %sub3A_378 = arith.subf %sub3A_377, %get3A_10 : vector<512x128xf32>
    %sub3A_379 = arith.subf %get3A_22, %get3A_16 : f32
    %div3A_380 = vector.broadcast %sub3A_379 : f32 to vector<512x128xf32>
    %div3A_381 = arith.divf %sub3A_378, %div3A_380 : vector<512x128xf32>
    %mul3A_382 = arith.mulf %div3A_381, %add3A_292 : vector<512x128xf32>
    %add3A_383 = arith.addf %mul3A_376, %mul3A_382 : vector<512x128xf32>
    %sub3A_384 = vector.broadcast %get3A_16 : f32 to vector<512x128xf32>
    %sub3A_385 = arith.subf %get3A_10, %sub3A_384 : vector<512x128xf32>
    %sub3A_386 = arith.subf %get3A_22, %get3A_16 : f32
    %div3A_387 = vector.broadcast %sub3A_386 : f32 to vector<512x128xf32>
    %div3A_388 = arith.divf %sub3A_385, %div3A_387 : vector<512x128xf32>
    %mul3A_389 = arith.mulf %div3A_388, %add3A_292 : vector<512x128xf32>
    %sub3A_390 = vector.broadcast %get3A_24 : f32 to vector<512x128xf32>
    %sub3A_391 = arith.subf %sub3A_390, %get3A_10 : vector<512x128xf32>
    %sub3A_392 = arith.subf %get3A_24, %get3A_18 : f32
    %div3A_393 = vector.broadcast %sub3A_392 : f32 to vector<512x128xf32>
    %div3A_394 = arith.divf %sub3A_391, %div3A_393 : vector<512x128xf32>
    %mul3A_395 = arith.mulf %div3A_394, %add3A_305 : vector<512x128xf32>
    %add3A_396 = arith.addf %mul3A_389, %mul3A_395 : vector<512x128xf32>
    %sub3A_397 = vector.broadcast %get3A_18 : f32 to vector<512x128xf32>
    %sub3A_398 = arith.subf %get3A_10, %sub3A_397 : vector<512x128xf32>
    %sub3A_399 = arith.subf %get3A_24, %get3A_18 : f32
    %div3A_400 = vector.broadcast %sub3A_399 : f32 to vector<512x128xf32>
    %div3A_401 = arith.divf %sub3A_398, %div3A_400 : vector<512x128xf32>
    %mul3A_402 = arith.mulf %div3A_401, %add3A_305 : vector<512x128xf32>
    %sub3A_403 = vector.broadcast %get3A_26 : f32 to vector<512x128xf32>
    %sub3A_404 = arith.subf %sub3A_403, %get3A_10 : vector<512x128xf32>
    %sub3A_405 = arith.subf %get3A_26, %get3A_20 : f32
    %div3A_406 = vector.broadcast %sub3A_405 : f32 to vector<512x128xf32>
    %div3A_407 = arith.divf %sub3A_404, %div3A_406 : vector<512x128xf32>
    %mul3A_408 = arith.mulf %div3A_407, %add3A_318 : vector<512x128xf32>
    %add3A_409 = arith.addf %mul3A_402, %mul3A_408 : vector<512x128xf32>
    %sub3A_410 = vector.broadcast %get3A_20 : f32 to vector<512x128xf32>
    %sub3A_411 = arith.subf %get3A_10, %sub3A_410 : vector<512x128xf32>
    %sub3A_412 = arith.subf %get3A_26, %get3A_20 : f32
    %div3A_413 = vector.broadcast %sub3A_412 : f32 to vector<512x128xf32>
    %div3A_414 = arith.divf %sub3A_411, %div3A_413 : vector<512x128xf32>
    %mul3A_415 = arith.mulf %div3A_414, %add3A_318 : vector<512x128xf32>
    %sub3A_416 = vector.broadcast %get3A_28 : f32 to vector<512x128xf32>
    %sub3A_417 = arith.subf %sub3A_416, %get3A_10 : vector<512x128xf32>
    %sub3A_418 = arith.subf %get3A_28, %get3A_22 : f32
    %div3A_419 = vector.broadcast %sub3A_418 : f32 to vector<512x128xf32>
    %div3A_420 = arith.divf %sub3A_417, %div3A_419 : vector<512x128xf32>
    %mul3A_421 = arith.mulf %div3A_420, %add3A_331 : vector<512x128xf32>
    %add3A_422 = arith.addf %mul3A_415, %mul3A_421 : vector<512x128xf32>
    %sub3A_423 = vector.broadcast %get3A_22 : f32 to vector<512x128xf32>
    %sub3A_424 = arith.subf %get3A_10, %sub3A_423 : vector<512x128xf32>
    %sub3A_425 = arith.subf %get3A_28, %get3A_22 : f32
    %div3A_426 = vector.broadcast %sub3A_425 : f32 to vector<512x128xf32>
    %div3A_427 = arith.divf %sub3A_424, %div3A_426 : vector<512x128xf32>
    %mul3A_428 = arith.mulf %div3A_427, %add3A_331 : vector<512x128xf32>
    %sub3A_429 = vector.broadcast %get3A_30 : f32 to vector<512x128xf32>
    %sub3A_430 = arith.subf %sub3A_429, %get3A_10 : vector<512x128xf32>
    %sub3A_431 = arith.subf %get3A_30, %get3A_24 : f32
    %div3A_432 = vector.broadcast %sub3A_431 : f32 to vector<512x128xf32>
    %div3A_433 = arith.divf %sub3A_430, %div3A_432 : vector<512x128xf32>
    %mul3A_434 = arith.mulf %div3A_433, %add3A_344 : vector<512x128xf32>
    %add3A_435 = arith.addf %mul3A_428, %mul3A_434 : vector<512x128xf32>
    %sub3A_436 = vector.broadcast %get3A_24 : f32 to vector<512x128xf32>
    %sub3A_437 = arith.subf %get3A_10, %sub3A_436 : vector<512x128xf32>
    %sub3A_438 = arith.subf %get3A_30, %get3A_24 : f32
    %div3A_439 = vector.broadcast %sub3A_438 : f32 to vector<512x128xf32>
    %div3A_440 = arith.divf %sub3A_437, %div3A_439 : vector<512x128xf32>
    %mul3A_441 = arith.mulf %div3A_440, %add3A_344 : vector<512x128xf32>
    %sub3A_442 = vector.broadcast %get3A_32 : f32 to vector<512x128xf32>
    %sub3A_443 = arith.subf %sub3A_442, %get3A_10 : vector<512x128xf32>
    %sub3A_444 = arith.subf %get3A_32, %get3A_26 : f32
    %div3A_445 = vector.broadcast %sub3A_444 : f32 to vector<512x128xf32>
    %div3A_446 = arith.divf %sub3A_443, %div3A_445 : vector<512x128xf32>
    %mul3A_447 = arith.mulf %div3A_446, %add3A_357 : vector<512x128xf32>
    %add3A_448 = arith.addf %mul3A_441, %mul3A_447 : vector<512x128xf32>
    %get3A_449 = arith.constant 0 : index
    %get3A_450 = arith.constant 0 : index
    %get3A_451 = vector.load %arg7[%get3A_449, %get3A_450] : memref<128x64xf32, #tpu.memory_space<vmem>>, vector<128x64xf32>
    %get3A_452 = arith.constant 0 : index
    %get3A_453 = arith.constant 0 : index
    %get3A_454 = arith.constant 0 : index
    %get3A_455 = vector.load %arg6[%get3A_452, %get3A_453, %get3A_454] : memref<7x128x64xf32, #tpu.memory_space<vmem>>, vector<1x128x64xf32>
    %get3A_456 = vector.shape_cast %get3A_455 : vector<1x128x64xf32> to vector<128x64xf32>
    %mul3A_457 = arith.mulf %get3A_456, %get3A_451 : vector<128x64xf32>
    %dot_general3A_458 = arith.constant dense<0.000000e+00> : vector<512x64xf32>
    %dot_general3A_459 = tpu.matmul %add3A_370, %mul3A_457, %dot_general3A_458 {dimension_numbers = #tpu.dot_dimension_numbers<[1], [0], [0], [1], [0, 0, 1, 1], [], []>, transpose_lhs_hint = false} : vector<512x128xf32>, vector<128x64xf32>, vector<512x64xf32> -> vector<512x64xf32>
    %add3A_460 = arith.addf %dot_general3A_43, %dot_general3A_459 : vector<512x64xf32>
    %get3A_461 = arith.constant 1 : index
    %get3A_462 = arith.constant 0 : index
    %get3A_463 = arith.constant 0 : index
    %get3A_464 = vector.load %arg6[%get3A_461, %get3A_462, %get3A_463] : memref<7x128x64xf32, #tpu.memory_space<vmem>>, vector<1x128x64xf32>
    %get3A_465 = vector.shape_cast %get3A_464 : vector<1x128x64xf32> to vector<128x64xf32>
    %mul3A_466 = arith.mulf %get3A_465, %get3A_451 : vector<128x64xf32>
    %dot_general3A_467 = arith.constant dense<0.000000e+00> : vector<512x64xf32>
    %dot_general3A_468 = tpu.matmul %add3A_383, %mul3A_466, %dot_general3A_467 {dimension_numbers = #tpu.dot_dimension_numbers<[1], [0], [0], [1], [0, 0, 1, 1], [], []>, transpose_lhs_hint = false} : vector<512x128xf32>, vector<128x64xf32>, vector<512x64xf32> -> vector<512x64xf32>
    %add3A_469 = arith.addf %add3A_460, %dot_general3A_468 : vector<512x64xf32>
    %get3A_470 = arith.constant 2 : index
    %get3A_471 = arith.constant 0 : index
    %get3A_472 = arith.constant 0 : index
    %get3A_473 = vector.load %arg6[%get3A_470, %get3A_471, %get3A_472] : memref<7x128x64xf32, #tpu.memory_space<vmem>>, vector<1x128x64xf32>
    %get3A_474 = vector.shape_cast %get3A_473 : vector<1x128x64xf32> to vector<128x64xf32>
    %mul3A_475 = arith.mulf %get3A_474, %get3A_451 : vector<128x64xf32>
    %dot_general3A_476 = arith.constant dense<0.000000e+00> : vector<512x64xf32>
    %dot_general3A_477 = tpu.matmul %add3A_396, %mul3A_475, %dot_general3A_476 {dimension_numbers = #tpu.dot_dimension_numbers<[1], [0], [0], [1], [0, 0, 1, 1], [], []>, transpose_lhs_hint = false} : vector<512x128xf32>, vector<128x64xf32>, vector<512x64xf32> -> vector<512x64xf32>
    %add3A_478 = arith.addf %add3A_469, %dot_general3A_477 : vector<512x64xf32>
    %get3A_479 = arith.constant 3 : index
    %get3A_480 = arith.constant 0 : index
    %get3A_481 = arith.constant 0 : index
    %get3A_482 = vector.load %arg6[%get3A_479, %get3A_480, %get3A_481] : memref<7x128x64xf32, #tpu.memory_space<vmem>>, vector<1x128x64xf32>
    %get3A_483 = vector.shape_cast %get3A_482 : vector<1x128x64xf32> to vector<128x64xf32>
    %mul3A_484 = arith.mulf %get3A_483, %get3A_451 : vector<128x64xf32>
    %dot_general3A_485 = arith.constant dense<0.000000e+00> : vector<512x64xf32>
    %dot_general3A_486 = tpu.matmul %add3A_409, %mul3A_484, %dot_general3A_485 {dimension_numbers = #tpu.dot_dimension_numbers<[1], [0], [0], [1], [0, 0, 1, 1], [], []>, transpose_lhs_hint = false} : vector<512x128xf32>, vector<128x64xf32>, vector<512x64xf32> -> vector<512x64xf32>
    %add3A_487 = arith.addf %add3A_478, %dot_general3A_486 : vector<512x64xf32>
    %get3A_488 = arith.constant 4 : index
    %get3A_489 = arith.constant 0 : index
    %get3A_490 = arith.constant 0 : index
    %get3A_491 = vector.load %arg6[%get3A_488, %get3A_489, %get3A_490] : memref<7x128x64xf32, #tpu.memory_space<vmem>>, vector<1x128x64xf32>
    %get3A_492 = vector.shape_cast %get3A_491 : vector<1x128x64xf32> to vector<128x64xf32>
    %mul3A_493 = arith.mulf %get3A_492, %get3A_451 : vector<128x64xf32>
    %dot_general3A_494 = arith.constant dense<0.000000e+00> : vector<512x64xf32>
    %dot_general3A_495 = tpu.matmul %add3A_422, %mul3A_493, %dot_general3A_494 {dimension_numbers = #tpu.dot_dimension_numbers<[1], [0], [0], [1], [0, 0, 1, 1], [], []>, transpose_lhs_hint = false} : vector<512x128xf32>, vector<128x64xf32>, vector<512x64xf32> -> vector<512x64xf32>
    %add3A_496 = arith.addf %add3A_487, %dot_general3A_495 : vector<512x64xf32>
    %get3A_497 = arith.constant 5 : index
    %get3A_498 = arith.constant 0 : index
    %get3A_499 = arith.constant 0 : index
    %get3A_500 = vector.load %arg6[%get3A_497, %get3A_498, %get3A_499] : memref<7x128x64xf32, #tpu.memory_space<vmem>>, vector<1x128x64xf32>
    %get3A_501 = vector.shape_cast %get3A_500 : vector<1x128x64xf32> to vector<128x64xf32>
    %mul3A_502 = arith.mulf %get3A_501, %get3A_451 : vector<128x64xf32>
    %dot_general3A_503 = arith.constant dense<0.000000e+00> : vector<512x64xf32>
    %dot_general3A_504 = tpu.matmul %add3A_435, %mul3A_502, %dot_general3A_503 {dimension_numbers = #tpu.dot_dimension_numbers<[1], [0], [0], [1], [0, 0, 1, 1], [], []>, transpose_lhs_hint = false} : vector<512x128xf32>, vector<128x64xf32>, vector<512x64xf32> -> vector<512x64xf32>
    %add3A_505 = arith.addf %add3A_496, %dot_general3A_504 : vector<512x64xf32>
    %get3A_506 = arith.constant 6 : index
    %get3A_507 = arith.constant 0 : index
    %get3A_508 = arith.constant 0 : index
    %get3A_509 = vector.load %arg6[%get3A_506, %get3A_507, %get3A_508] : memref<7x128x64xf32, #tpu.memory_space<vmem>>, vector<1x128x64xf32>
    %get3A_510 = vector.shape_cast %get3A_509 : vector<1x128x64xf32> to vector<128x64xf32>
    %mul3A_511 = arith.mulf %get3A_510, %get3A_451 : vector<128x64xf32>
    %dot_general3A_512 = arith.constant dense<0.000000e+00> : vector<512x64xf32>
    %dot_general3A_513 = tpu.matmul %add3A_448, %mul3A_511, %dot_general3A_512 {dimension_numbers = #tpu.dot_dimension_numbers<[1], [0], [0], [1], [0, 0, 1, 1], [], []>, transpose_lhs_hint = false} : vector<512x128xf32>, vector<128x64xf32>, vector<512x64xf32> -> vector<512x64xf32>
    %add3A_514 = arith.addf %add3A_505, %dot_general3A_513 : vector<512x64xf32>
    %mul3A_515 = arith.constant 512 : i32
    %mul3A_516 = arith.muli %arg0, %mul3A_515 : i32
    %iota3A = tpu.iota {dimensions = array<i32: 0>} : vector<512x1xi32>
    %add3A_517 = vector.broadcast %mul3A_516 : i32 to vector<512x1xi32>
    %add3A_518 = arith.addi %add3A_517, %iota3A : vector<512x1xi32>
    %lt3A_519 = arith.constant 10000 : i32
    %lt3A_520 = vector.broadcast %lt3A_519 : i32 to vector<512x1xi32>
    %lt3A_521 = arith.cmpi slt, %add3A_518, %lt3A_520 : vector<512x1xi32>
    %jit3A_522 = arith.constant 1.000000e+00 : f32
    %jit3A_523 = arith.constant 0.000000e+00 : f32
    %broadcast_in_dim3A_524 = vector.broadcast %jit3A_522 : f32 to vector<512x1xf32>
    %broadcast_in_dim3A_525 = vector.broadcast %jit3A_523 : f32 to vector<512x1xf32>
    %select_n3A_526 = arith.select %lt3A_521, %broadcast_in_dim3A_524, %broadcast_in_dim3A_525 : vector<512x1xi1>, vector<512x1xf32>
    %mul3A_527 = vector.broadcast %rsqrt3A : vector<512x1xf32> to vector<512x64xf32>
    %mul3A_528 = arith.mulf %add3A_514, %mul3A_527 : vector<512x64xf32>
    %mul3A_529 = vector.broadcast %select_n3A_526 : vector<512x1xf32> to vector<512x64xf32>
    %mul3A_530 = arith.mulf %mul3A_528, %mul3A_529 : vector<512x64xf32>
    %swap3A = arith.constant 0 : index
    %swap3A_531 = arith.constant 0 : index
    %swap3A_532 = vector.load %arg8[%swap3A, %swap3A_531] : memref<512x64xf32, #tpu.memory_space<vmem>>, vector<512x64xf32>
    tpu.vector_store %arg8[%swap3A, %swap3A_531], %mul3A_530 {strides = array<i32>} : memref<512x64xf32, #tpu.memory_space<vmem>>, vector<512x64xf32>,
    %swap3A_533 = arith.constant 0 : index
    %swap3A_534 = arith.constant 0 : index
    %swap3A_535 = vector.load %arg9[%swap3A_533, %swap3A_534] : memref<512x1xf32, #tpu.memory_space<vmem>>, vector<512x1xf32>
    tpu.vector_store %arg9[%swap3A_533, %swap3A_534], %rsqrt3A {strides = array<i32>} : memref<512x1xf32, #tpu.memory_space<vmem>>, vector<512x1xf32>,
    return
  }
  func.func @transform_0(%arg0: i32) -> (i32, i32) {
    %c0_i32 = arith.constant 0 : i32
    %c0_i32_0 = arith.constant 0 : i32
    return %arg0, %c0_i32 : i32, i32
  }
  func.func @transform_1(%arg0: i32) -> (i32, i32) {
    %c0_i32 = arith.constant 0 : i32
    %c0_i32_0 = arith.constant 0 : i32
    return %arg0, %c0_i32 : i32, i32
  }
  func.func @transform_2(%arg0: i32) -> (i32, i32) {
    %c0_i32 = arith.constant 0 : i32
    %c0_i32_0 = arith.constant 0 : i32
    return %arg0, %c0_i32 : i32, i32
  }
  func.func @transform_3(%arg0: i32) -> i32 {
    %c0_i32 = arith.constant 0 : i32
    %c0_i32_0 = arith.constant 0 : i32
    return %c0_i32 : i32
  }
  func.func @transform_4(%arg0: i32) -> (i32, i32) {
    %c0_i32 = arith.constant 0 : i32
    %c0_i32_0 = arith.constant 0 : i32
    %c0_i32_1 = arith.constant 0 : i32
    return %c0_i32, %c0_i32_0 : i32, i32
  }
  func.func @transform_5(%arg0: i32) -> (i32, i32, i32) {
    %c0_i32 = arith.constant 0 : i32
    %c0_i32_0 = arith.constant 0 : i32
    %c0_i32_1 = arith.constant 0 : i32
    %c0_i32_2 = arith.constant 0 : i32
    return %c0_i32, %c0_i32_0, %c0_i32_1 : i32, i32, i32
  }
  func.func @transform_6(%arg0: i32) -> (i32, i32) {
    %c0_i32 = arith.constant 0 : i32
    %c0_i32_0 = arith.constant 0 : i32
    %c0_i32_1 = arith.constant 0 : i32
    return %c0_i32, %c0_i32_0 : i32, i32
  }
  func.func @transform_7(%arg0: i32) -> (i32, i32) {
    %c0_i32 = arith.constant 0 : i32
    %c0_i32_0 = arith.constant 0 : i32
    return %arg0, %c0_i32 : i32, i32
  }
  func.func @transform_8(%arg0: i32) -> (i32, i32) {
    %c0_i32 = arith.constant 0 : i32
    %c0_i32_0 = arith.constant 0 : i32
    return %arg0, %c0_i32 : i32, i32
  }
}

module attributes {stable_mosaic.version = 14 : i64} {
  func.func @_bn_body(%arg0: memref<10240x64xf32, #tpu.memory_space<vmem>>, %arg1: memref<10240x64xf32, #tpu.memory_space<vmem>>, %arg2: memref<10240x64xf32, #tpu.memory_space<vmem>>, %arg3: memref<10240x1xf32, #tpu.memory_space<vmem>>, %arg4: memref<1x64xf32, #tpu.memory_space<vmem>>, %arg5: memref<1x64xf32, #tpu.memory_space<vmem>>, %arg6: memref<1x64xf32, #tpu.memory_space<vmem>>, %arg7: memref<10240x64xf32, #tpu.memory_space<vmem>>) attributes {dimension_semantics = [], scalar_prefetch = 0 : i64, scratch_operands = 0 : i64, tpu.core_type = #tpu.core_type<tc>} {
    %get3A = arith.constant 0 : index
    %get3A_0 = arith.constant 0 : index
    %get3A_1 = vector.load %arg0[%get3A, %get3A_0] : memref<10240x64xf32, #tpu.memory_space<vmem>>, vector<10240x64xf32>
    %get3A_2 = arith.constant 0 : index
    %get3A_3 = arith.constant 0 : index
    %get3A_4 = vector.load %arg1[%get3A_2, %get3A_3] : memref<10240x64xf32, #tpu.memory_space<vmem>>, vector<10240x64xf32>
    %add3A = arith.addf %get3A_1, %get3A_4 : vector<10240x64xf32>
    %get3A_5 = arith.constant 0 : index
    %get3A_6 = arith.constant 0 : index
    %get3A_7 = vector.load %arg2[%get3A_5, %get3A_6] : memref<10240x64xf32, #tpu.memory_space<vmem>>, vector<10240x64xf32>
    %add3A_8 = arith.addf %add3A, %get3A_7 : vector<10240x64xf32>
    %get3A_9 = arith.constant 0 : index
    %get3A_10 = arith.constant 0 : index
    %get3A_11 = vector.load %arg3[%get3A_9, %get3A_10] : memref<10240x1xf32, #tpu.memory_space<vmem>>, vector<10240x1xf32>
    %mul3A = vector.broadcast %get3A_11 : vector<10240x1xf32> to vector<10240x64xf32>
    %mul3A_12 = arith.mulf %add3A_8, %mul3A : vector<10240x64xf32>
    %get3A_13 = arith.constant 0 : index
    %get3A_14 = arith.constant 0 : index
    %get3A_15 = vector.load %arg4[%get3A_13, %get3A_14] : memref<1x64xf32, #tpu.memory_space<vmem>>, vector<1x64xf32>
    %add3A_16 = vector.broadcast %get3A_15 : vector<1x64xf32> to vector<10240x64xf32>
    %add3A_17 = arith.addf %mul3A_12, %add3A_16 : vector<10240x64xf32>
    %iota3A = tpu.iota {dimensions = array<i32: 0>} : vector<10240x1xi32>
    %lt3A = arith.constant 10000 : i32
    %lt3A_18 = vector.broadcast %lt3A : i32 to vector<10240x1xi32>
    %lt3A_19 = arith.cmpi slt, %iota3A, %lt3A_18 : vector<10240x1xi32>
    %jit3A = arith.constant 1.000000e+00 : f32
    %jit3A_20 = arith.constant 0.000000e+00 : f32
    %broadcast_in_dim3A = vector.broadcast %jit3A : f32 to vector<10240x1xf32>
    %broadcast_in_dim3A_21 = vector.broadcast %jit3A_20 : f32 to vector<10240x1xf32>
    %select_n3A = arith.select %lt3A_19, %broadcast_in_dim3A, %broadcast_in_dim3A_21 : vector<10240x1xi1>, vector<10240x1xf32>
    %mul3A_22 = vector.broadcast %select_n3A : vector<10240x1xf32> to vector<10240x64xf32>
    %mul3A_23 = arith.mulf %add3A_17, %mul3A_22 : vector<10240x64xf32>
    %reduce_sum3A = arith.constant dense<0.000000e+00> : vector<64xf32>
    %reduce_sum3A_24 = vector.multi_reduction <add>, %mul3A_23, %reduce_sum3A [0] : vector<10240x64xf32> to vector<64xf32>
    %broadcast_in_dim3A_25 = vector.shape_cast %reduce_sum3A_24 : vector<64xf32> to vector<1x64xf32>
    %mul3A_26 = arith.constant 9.99999974E-5 : f32
    %mul3A_27 = vector.broadcast %mul3A_26 : f32 to vector<1x64xf32>
    %mul3A_28 = arith.mulf %broadcast_in_dim3A_25, %mul3A_27 : vector<1x64xf32>
    %sub3A = vector.broadcast %mul3A_28 : vector<1x64xf32> to vector<10240x64xf32>
    %sub3A_29 = arith.subf %add3A_17, %sub3A : vector<10240x64xf32>
    %integer_pow3A = arith.mulf %sub3A_29, %sub3A_29 : vector<10240x64xf32>
    %mul3A_30 = vector.broadcast %select_n3A : vector<10240x1xf32> to vector<10240x64xf32>
    %mul3A_31 = arith.mulf %integer_pow3A, %mul3A_30 : vector<10240x64xf32>
    %reduce_sum3A_32 = arith.constant dense<0.000000e+00> : vector<64xf32>
    %reduce_sum3A_33 = vector.multi_reduction <add>, %mul3A_31, %reduce_sum3A_32 [0] : vector<10240x64xf32> to vector<64xf32>
    %broadcast_in_dim3A_34 = vector.shape_cast %reduce_sum3A_33 : vector<64xf32> to vector<1x64xf32>
    %mul3A_35 = arith.constant 9.99999974E-5 : f32
    %mul3A_36 = vector.broadcast %mul3A_35 : f32 to vector<1x64xf32>
    %mul3A_37 = arith.mulf %broadcast_in_dim3A_34, %mul3A_36 : vector<1x64xf32>
    %sub3A_38 = vector.broadcast %mul3A_28 : vector<1x64xf32> to vector<10240x64xf32>
    %sub3A_39 = arith.subf %add3A_17, %sub3A_38 : vector<10240x64xf32>
    %add3A_40 = arith.constant 9.99999974E-6 : f32
    %add3A_41 = vector.broadcast %add3A_40 : f32 to vector<1x64xf32>
    %add3A_42 = arith.addf %mul3A_37, %add3A_41 : vector<1x64xf32>
    %rsqrt3A = math.rsqrt %add3A_42 : vector<1x64xf32>
    %mul3A_43 = vector.broadcast %rsqrt3A : vector<1x64xf32> to vector<10240x64xf32>
    %mul3A_44 = arith.mulf %sub3A_39, %mul3A_43 : vector<10240x64xf32>
    %get3A_45 = arith.constant 0 : index
    %get3A_46 = arith.constant 0 : index
    %get3A_47 = vector.load %arg5[%get3A_45, %get3A_46] : memref<1x64xf32, #tpu.memory_space<vmem>>, vector<1x64xf32>
    %mul3A_48 = vector.broadcast %get3A_47 : vector<1x64xf32> to vector<10240x64xf32>
    %mul3A_49 = arith.mulf %mul3A_44, %mul3A_48 : vector<10240x64xf32>
    %get3A_50 = arith.constant 0 : index
    %get3A_51 = arith.constant 0 : index
    %get3A_52 = vector.load %arg6[%get3A_50, %get3A_51] : memref<1x64xf32, #tpu.memory_space<vmem>>, vector<1x64xf32>
    %add3A_53 = vector.broadcast %get3A_52 : vector<1x64xf32> to vector<10240x64xf32>
    %add3A_54 = arith.addf %mul3A_49, %add3A_53 : vector<10240x64xf32>
    %swap3A = arith.constant 0 : index
    %swap3A_55 = arith.constant 0 : index
    %swap3A_56 = vector.load %arg7[%swap3A, %swap3A_55] : memref<10240x64xf32, #tpu.memory_space<vmem>>, vector<10240x64xf32>
    tpu.vector_store %arg7[%swap3A, %swap3A_55], %add3A_54 {strides = array<i32>} : memref<10240x64xf32, #tpu.memory_space<vmem>>, vector<10240x64xf32>,
    return
  }
}

module attributes {stable_mosaic.version = 14 : i64} {
  func.func @_kan2_body(%arg0: i32, %arg1: memref<512x64xf32, #tpu.memory_space<vmem>>, %arg2: memref<512x1xf32, #tpu.memory_space<vmem>>, %arg3: memref<11xf32, #tpu.memory_space<smem>>, %arg4: memref<64x64xf32, #tpu.memory_space<vmem>>, %arg5: memref<7x64x64xf32, #tpu.memory_space<vmem>>, %arg6: memref<64x64xf32, #tpu.memory_space<vmem>>, %arg7: memref<512x64xf32, #tpu.memory_space<vmem>>) attributes {dimension_semantics = [#tpu.dimension_semantics<arbitrary>], iteration_bounds = array<i64: 20>, scalar_prefetch = 0 : i64, scratch_operands = 0 : i64, tpu.core_type = #tpu.core_type<tc>, window_params = [{transform_indices = @transform_0, window_bounds = array<i64: 512, 64>}, {transform_indices = @transform_1, window_bounds = array<i64: 512, 1>}, {transform_indices = @transform_2, window_bounds = array<i64: 11>}, {pipeline_mode = #tpu.pipeline_mode<synchronous>, transform_indices = @transform_3, window_bounds = array<i64: 64, 64>}, {pipeline_mode = #tpu.pipeline_mode<synchronous>, transform_indices = @transform_4, window_bounds = array<i64: 7, 64, 64>}, {pipeline_mode = #tpu.pipeline_mode<synchronous>, transform_indices = @transform_5, window_bounds = array<i64: 64, 64>}, {transform_indices = @transform_6, window_bounds = array<i64: 512, 64>}]} {
    %get3A = arith.constant 0 : index
    %get3A_0 = arith.constant 0 : index
    %get3A_1 = vector.load %arg1[%get3A, %get3A_0] : memref<512x64xf32, #tpu.memory_space<vmem>>, vector<512x64xf32>
    %get3A_2 = arith.constant 0 : index
    %get3A_3 = memref.load %arg3[%get3A_2] : memref<11xf32, #tpu.memory_space<smem>>
    %get3A_4 = arith.constant 1 : index
    %get3A_5 = memref.load %arg3[%get3A_4] : memref<11xf32, #tpu.memory_space<smem>>
    %get3A_6 = arith.constant 2 : index
    %get3A_7 = memref.load %arg3[%get3A_6] : memref<11xf32, #tpu.memory_space<smem>>
    %get3A_8 = arith.constant 3 : index
    %get3A_9 = memref.load %arg3[%get3A_8] : memref<11xf32, #tpu.memory_space<smem>>
    %get3A_10 = arith.constant 4 : index
    %get3A_11 = memref.load %arg3[%get3A_10] : memref<11xf32, #tpu.memory_space<smem>>
    %get3A_12 = arith.constant 5 : index
    %get3A_13 = memref.load %arg3[%get3A_12] : memref<11xf32, #tpu.memory_space<smem>>
    %get3A_14 = arith.constant 6 : index
    %get3A_15 = memref.load %arg3[%get3A_14] : memref<11xf32, #tpu.memory_space<smem>>
    %get3A_16 = arith.constant 7 : index
    %get3A_17 = memref.load %arg3[%get3A_16] : memref<11xf32, #tpu.memory_space<smem>>
    %get3A_18 = arith.constant 8 : index
    %get3A_19 = memref.load %arg3[%get3A_18] : memref<11xf32, #tpu.memory_space<smem>>
    %get3A_20 = arith.constant 9 : index
    %get3A_21 = memref.load %arg3[%get3A_20] : memref<11xf32, #tpu.memory_space<smem>>
    %get3A_22 = arith.constant 10 : index
    %get3A_23 = memref.load %arg3[%get3A_22] : memref<11xf32, #tpu.memory_space<smem>>
    %neg3A = arith.constant 0.000000e+00 : f32
    %neg3A_24 = vector.broadcast %neg3A : f32 to vector<512x64xf32>
    %neg3A_25 = arith.subf %neg3A_24, %get3A_1 : vector<512x64xf32>
    %exp3A = math.exp %neg3A_25 : vector<512x64xf32>
    %add3A = arith.constant 1.000000e+00 : f32
    %add3A_26 = vector.broadcast %add3A : f32 to vector<512x64xf32>
    %add3A_27 = arith.addf %add3A_26, %exp3A : vector<512x64xf32>
    %div3A = arith.constant 1.000000e+00 : f32
    %div3A_28 = vector.broadcast %div3A : f32 to vector<512x64xf32>
    %div3A_29 = arith.divf %div3A_28, %add3A_27 : vector<512x64xf32>
    %mul3A = arith.mulf %get3A_1, %div3A_29 : vector<512x64xf32>
    %get3A_30 = arith.constant 0 : index
    %get3A_31 = arith.constant 0 : index
    %get3A_32 = vector.load %arg4[%get3A_30, %get3A_31] : memref<64x64xf32, #tpu.memory_space<vmem>>, vector<64x64xf32>
    %dot_general3A = arith.constant dense<0.000000e+00> : vector<512x64xf32>
    %dot_general3A_33 = tpu.matmul %mul3A, %get3A_32, %dot_general3A {dimension_numbers = #tpu.dot_dimension_numbers<[1], [0], [0], [1], [0, 0, 1, 1], [], []>, transpose_lhs_hint = false} : vector<512x64xf32>, vector<64x64xf32>, vector<512x64xf32> -> vector<512x64xf32>
    %ge3A = vector.broadcast %get3A_3 : f32 to vector<512x64xf32>
    %ge3A_34 = arith.cmpf oge, %get3A_1, %ge3A : vector<512x64xf32>
    %lt3A = vector.broadcast %get3A_5 : f32 to vector<512x64xf32>
    %lt3A_35 = arith.cmpf olt, %get3A_1, %lt3A : vector<512x64xf32>
    %and3A = arith.andi %ge3A_34, %lt3A_35 : vector<512x64xi1>
    %jit3A = arith.constant 1.000000e+00 : f32
    %jit3A_36 = arith.constant 0.000000e+00 : f32
    %broadcast_in_dim3A = vector.broadcast %jit3A : f32 to vector<512x64xf32>
    %broadcast_in_dim3A_37 = vector.broadcast %jit3A_36 : f32 to vector<512x64xf32>
    %select_n3A = arith.select %and3A, %broadcast_in_dim3A, %broadcast_in_dim3A_37 : vector<512x64xi1>, vector<512x64xf32>
    %ge3A_38 = vector.broadcast %get3A_5 : f32 to vector<512x64xf32>
    %ge3A_39 = arith.cmpf oge, %get3A_1, %ge3A_38 : vector<512x64xf32>
    %lt3A_40 = vector.broadcast %get3A_7 : f32 to vector<512x64xf32>
    %lt3A_41 = arith.cmpf olt, %get3A_1, %lt3A_40 : vector<512x64xf32>
    %and3A_42 = arith.andi %ge3A_39, %lt3A_41 : vector<512x64xi1>
    %jit3A_43 = arith.constant 1.000000e+00 : f32
    %jit3A_44 = arith.constant 0.000000e+00 : f32
    %broadcast_in_dim3A_45 = vector.broadcast %jit3A_43 : f32 to vector<512x64xf32>
    %broadcast_in_dim3A_46 = vector.broadcast %jit3A_44 : f32 to vector<512x64xf32>
    %select_n3A_47 = arith.select %and3A_42, %broadcast_in_dim3A_45, %broadcast_in_dim3A_46 : vector<512x64xi1>, vector<512x64xf32>
    %ge3A_48 = vector.broadcast %get3A_7 : f32 to vector<512x64xf32>
    %ge3A_49 = arith.cmpf oge, %get3A_1, %ge3A_48 : vector<512x64xf32>
    %lt3A_50 = vector.broadcast %get3A_9 : f32 to vector<512x64xf32>
    %lt3A_51 = arith.cmpf olt, %get3A_1, %lt3A_50 : vector<512x64xf32>
    %and3A_52 = arith.andi %ge3A_49, %lt3A_51 : vector<512x64xi1>
    %jit3A_53 = arith.constant 1.000000e+00 : f32
    %jit3A_54 = arith.constant 0.000000e+00 : f32
    %broadcast_in_dim3A_55 = vector.broadcast %jit3A_53 : f32 to vector<512x64xf32>
    %broadcast_in_dim3A_56 = vector.broadcast %jit3A_54 : f32 to vector<512x64xf32>
    %select_n3A_57 = arith.select %and3A_52, %broadcast_in_dim3A_55, %broadcast_in_dim3A_56 : vector<512x64xi1>, vector<512x64xf32>
    %ge3A_58 = vector.broadcast %get3A_9 : f32 to vector<512x64xf32>
    %ge3A_59 = arith.cmpf oge, %get3A_1, %ge3A_58 : vector<512x64xf32>
    %lt3A_60 = vector.broadcast %get3A_11 : f32 to vector<512x64xf32>
    %lt3A_61 = arith.cmpf olt, %get3A_1, %lt3A_60 : vector<512x64xf32>
    %and3A_62 = arith.andi %ge3A_59, %lt3A_61 : vector<512x64xi1>
    %jit3A_63 = arith.constant 1.000000e+00 : f32
    %jit3A_64 = arith.constant 0.000000e+00 : f32
    %broadcast_in_dim3A_65 = vector.broadcast %jit3A_63 : f32 to vector<512x64xf32>
    %broadcast_in_dim3A_66 = vector.broadcast %jit3A_64 : f32 to vector<512x64xf32>
    %select_n3A_67 = arith.select %and3A_62, %broadcast_in_dim3A_65, %broadcast_in_dim3A_66 : vector<512x64xi1>, vector<512x64xf32>
    %ge3A_68 = vector.broadcast %get3A_11 : f32 to vector<512x64xf32>
    %ge3A_69 = arith.cmpf oge, %get3A_1, %ge3A_68 : vector<512x64xf32>
    %lt3A_70 = vector.broadcast %get3A_13 : f32 to vector<512x64xf32>
    %lt3A_71 = arith.cmpf olt, %get3A_1, %lt3A_70 : vector<512x64xf32>
    %and3A_72 = arith.andi %ge3A_69, %lt3A_71 : vector<512x64xi1>
    %jit3A_73 = arith.constant 1.000000e+00 : f32
    %jit3A_74 = arith.constant 0.000000e+00 : f32
    %broadcast_in_dim3A_75 = vector.broadcast %jit3A_73 : f32 to vector<512x64xf32>
    %broadcast_in_dim3A_76 = vector.broadcast %jit3A_74 : f32 to vector<512x64xf32>
    %select_n3A_77 = arith.select %and3A_72, %broadcast_in_dim3A_75, %broadcast_in_dim3A_76 : vector<512x64xi1>, vector<512x64xf32>
    %ge3A_78 = vector.broadcast %get3A_13 : f32 to vector<512x64xf32>
    %ge3A_79 = arith.cmpf oge, %get3A_1, %ge3A_78 : vector<512x64xf32>
    %lt3A_80 = vector.broadcast %get3A_15 : f32 to vector<512x64xf32>
    %lt3A_81 = arith.cmpf olt, %get3A_1, %lt3A_80 : vector<512x64xf32>
    %and3A_82 = arith.andi %ge3A_79, %lt3A_81 : vector<512x64xi1>
    %jit3A_83 = arith.constant 1.000000e+00 : f32
    %jit3A_84 = arith.constant 0.000000e+00 : f32
    %broadcast_in_dim3A_85 = vector.broadcast %jit3A_83 : f32 to vector<512x64xf32>
    %broadcast_in_dim3A_86 = vector.broadcast %jit3A_84 : f32 to vector<512x64xf32>
    %select_n3A_87 = arith.select %and3A_82, %broadcast_in_dim3A_85, %broadcast_in_dim3A_86 : vector<512x64xi1>, vector<512x64xf32>
    %ge3A_88 = vector.broadcast %get3A_15 : f32 to vector<512x64xf32>
    %ge3A_89 = arith.cmpf oge, %get3A_1, %ge3A_88 : vector<512x64xf32>
    %lt3A_90 = vector.broadcast %get3A_17 : f32 to vector<512x64xf32>
    %lt3A_91 = arith.cmpf olt, %get3A_1, %lt3A_90 : vector<512x64xf32>
    %and3A_92 = arith.andi %ge3A_89, %lt3A_91 : vector<512x64xi1>
    %jit3A_93 = arith.constant 1.000000e+00 : f32
    %jit3A_94 = arith.constant 0.000000e+00 : f32
    %broadcast_in_dim3A_95 = vector.broadcast %jit3A_93 : f32 to vector<512x64xf32>
    %broadcast_in_dim3A_96 = vector.broadcast %jit3A_94 : f32 to vector<512x64xf32>
    %select_n3A_97 = arith.select %and3A_92, %broadcast_in_dim3A_95, %broadcast_in_dim3A_96 : vector<512x64xi1>, vector<512x64xf32>
    %ge3A_98 = vector.broadcast %get3A_17 : f32 to vector<512x64xf32>
    %ge3A_99 = arith.cmpf oge, %get3A_1, %ge3A_98 : vector<512x64xf32>
    %lt3A_100 = vector.broadcast %get3A_19 : f32 to vector<512x64xf32>
    %lt3A_101 = arith.cmpf olt, %get3A_1, %lt3A_100 : vector<512x64xf32>
    %and3A_102 = arith.andi %ge3A_99, %lt3A_101 : vector<512x64xi1>
    %jit3A_103 = arith.constant 1.000000e+00 : f32
    %jit3A_104 = arith.constant 0.000000e+00 : f32
    %broadcast_in_dim3A_105 = vector.broadcast %jit3A_103 : f32 to vector<512x64xf32>
    %broadcast_in_dim3A_106 = vector.broadcast %jit3A_104 : f32 to vector<512x64xf32>
    %select_n3A_107 = arith.select %and3A_102, %broadcast_in_dim3A_105, %broadcast_in_dim3A_106 : vector<512x64xi1>, vector<512x64xf32>
    %ge3A_108 = vector.broadcast %get3A_19 : f32 to vector<512x64xf32>
    %ge3A_109 = arith.cmpf oge, %get3A_1, %ge3A_108 : vector<512x64xf32>
    %lt3A_110 = vector.broadcast %get3A_21 : f32 to vector<512x64xf32>
    %lt3A_111 = arith.cmpf olt, %get3A_1, %lt3A_110 : vector<512x64xf32>
    %and3A_112 = arith.andi %ge3A_109, %lt3A_111 : vector<512x64xi1>
    %jit3A_113 = arith.constant 1.000000e+00 : f32
    %jit3A_114 = arith.constant 0.000000e+00 : f32
    %broadcast_in_dim3A_115 = vector.broadcast %jit3A_113 : f32 to vector<512x64xf32>
    %broadcast_in_dim3A_116 = vector.broadcast %jit3A_114 : f32 to vector<512x64xf32>
    %select_n3A_117 = arith.select %and3A_112, %broadcast_in_dim3A_115, %broadcast_in_dim3A_116 : vector<512x64xi1>, vector<512x64xf32>
    %ge3A_118 = vector.broadcast %get3A_21 : f32 to vector<512x64xf32>
    %ge3A_119 = arith.cmpf oge, %get3A_1, %ge3A_118 : vector<512x64xf32>
    %lt3A_120 = vector.broadcast %get3A_23 : f32 to vector<512x64xf32>
    %lt3A_121 = arith.cmpf olt, %get3A_1, %lt3A_120 : vector<512x64xf32>
    %and3A_122 = arith.andi %ge3A_119, %lt3A_121 : vector<512x64xi1>
    %jit3A_123 = arith.constant 1.000000e+00 : f32
    %jit3A_124 = arith.constant 0.000000e+00 : f32
    %broadcast_in_dim3A_125 = vector.broadcast %jit3A_123 : f32 to vector<512x64xf32>
    %broadcast_in_dim3A_126 = vector.broadcast %jit3A_124 : f32 to vector<512x64xf32>
    %select_n3A_127 = arith.select %and3A_122, %broadcast_in_dim3A_125, %broadcast_in_dim3A_126 : vector<512x64xi1>, vector<512x64xf32>
    %sub3A = vector.broadcast %get3A_3 : f32 to vector<512x64xf32>
    %sub3A_128 = arith.subf %get3A_1, %sub3A : vector<512x64xf32>
    %sub3A_129 = arith.subf %get3A_5, %get3A_3 : f32
    %div3A_130 = vector.broadcast %sub3A_129 : f32 to vector<512x64xf32>
    %div3A_131 = arith.divf %sub3A_128, %div3A_130 : vector<512x64xf32>
    %mul3A_132 = arith.mulf %div3A_131, %select_n3A : vector<512x64xf32>
    %sub3A_133 = vector.broadcast %get3A_7 : f32 to vector<512x64xf32>
    %sub3A_134 = arith.subf %sub3A_133, %get3A_1 : vector<512x64xf32>
    %sub3A_135 = arith.subf %get3A_7, %get3A_5 : f32
    %div3A_136 = vector.broadcast %sub3A_135 : f32 to vector<512x64xf32>
    %div3A_137 = arith.divf %sub3A_134, %div3A_136 : vector<512x64xf32>
    %mul3A_138 = arith.mulf %div3A_137, %select_n3A_47 : vector<512x64xf32>
    %add3A_139 = arith.addf %mul3A_132, %mul3A_138 : vector<512x64xf32>
    %sub3A_140 = vector.broadcast %get3A_5 : f32 to vector<512x64xf32>
    %sub3A_141 = arith.subf %get3A_1, %sub3A_140 : vector<512x64xf32>
    %sub3A_142 = arith.subf %get3A_7, %get3A_5 : f32
    %div3A_143 = vector.broadcast %sub3A_142 : f32 to vector<512x64xf32>
    %div3A_144 = arith.divf %sub3A_141, %div3A_143 : vector<512x64xf32>
    %mul3A_145 = arith.mulf %div3A_144, %select_n3A_47 : vector<512x64xf32>
    %sub3A_146 = vector.broadcast %get3A_9 : f32 to vector<512x64xf32>
    %sub3A_147 = arith.subf %sub3A_146, %get3A_1 : vector<512x64xf32>
    %sub3A_148 = arith.subf %get3A_9, %get3A_7 : f32
    %div3A_149 = vector.broadcast %sub3A_148 : f32 to vector<512x64xf32>
    %div3A_150 = arith.divf %sub3A_147, %div3A_149 : vector<512x64xf32>
    %mul3A_151 = arith.mulf %div3A_150, %select_n3A_57 : vector<512x64xf32>
    %add3A_152 = arith.addf %mul3A_145, %mul3A_151 : vector<512x64xf32>
    %sub3A_153 = vector.broadcast %get3A_7 : f32 to vector<512x64xf32>
    %sub3A_154 = arith.subf %get3A_1, %sub3A_153 : vector<512x64xf32>
    %sub3A_155 = arith.subf %get3A_9, %get3A_7 : f32
    %div3A_156 = vector.broadcast %sub3A_155 : f32 to vector<512x64xf32>
    %div3A_157 = arith.divf %sub3A_154, %div3A_156 : vector<512x64xf32>
    %mul3A_158 = arith.mulf %div3A_157, %select_n3A_57 : vector<512x64xf32>
    %sub3A_159 = vector.broadcast %get3A_11 : f32 to vector<512x64xf32>
    %sub3A_160 = arith.subf %sub3A_159, %get3A_1 : vector<512x64xf32>
    %sub3A_161 = arith.subf %get3A_11, %get3A_9 : f32
    %div3A_162 = vector.broadcast %sub3A_161 : f32 to vector<512x64xf32>
    %div3A_163 = arith.divf %sub3A_160, %div3A_162 : vector<512x64xf32>
    %mul3A_164 = arith.mulf %div3A_163, %select_n3A_67 : vector<512x64xf32>
    %add3A_165 = arith.addf %mul3A_158, %mul3A_164 : vector<512x64xf32>
    %sub3A_166 = vector.broadcast %get3A_9 : f32 to vector<512x64xf32>
    %sub3A_167 = arith.subf %get3A_1, %sub3A_166 : vector<512x64xf32>
    %sub3A_168 = arith.subf %get3A_11, %get3A_9 : f32
    %div3A_169 = vector.broadcast %sub3A_168 : f32 to vector<512x64xf32>
    %div3A_170 = arith.divf %sub3A_167, %div3A_169 : vector<512x64xf32>
    %mul3A_171 = arith.mulf %div3A_170, %select_n3A_67 : vector<512x64xf32>
    %sub3A_172 = vector.broadcast %get3A_13 : f32 to vector<512x64xf32>
    %sub3A_173 = arith.subf %sub3A_172, %get3A_1 : vector<512x64xf32>
    %sub3A_174 = arith.subf %get3A_13, %get3A_11 : f32
    %div3A_175 = vector.broadcast %sub3A_174 : f32 to vector<512x64xf32>
    %div3A_176 = arith.divf %sub3A_173, %div3A_175 : vector<512x64xf32>
    %mul3A_177 = arith.mulf %div3A_176, %select_n3A_77 : vector<512x64xf32>
    %add3A_178 = arith.addf %mul3A_171, %mul3A_177 : vector<512x64xf32>
    %sub3A_179 = vector.broadcast %get3A_11 : f32 to vector<512x64xf32>
    %sub3A_180 = arith.subf %get3A_1, %sub3A_179 : vector<512x64xf32>
    %sub3A_181 = arith.subf %get3A_13, %get3A_11 : f32
    %div3A_182 = vector.broadcast %sub3A_181 : f32 to vector<512x64xf32>
    %div3A_183 = arith.divf %sub3A_180, %div3A_182 : vector<512x64xf32>
    %mul3A_184 = arith.mulf %div3A_183, %select_n3A_77 : vector<512x64xf32>
    %sub3A_185 = vector.broadcast %get3A_15 : f32 to vector<512x64xf32>
    %sub3A_186 = arith.subf %sub3A_185, %get3A_1 : vector<512x64xf32>
    %sub3A_187 = arith.subf %get3A_15, %get3A_13 : f32
    %div3A_188 = vector.broadcast %sub3A_187 : f32 to vector<512x64xf32>
    %div3A_189 = arith.divf %sub3A_186, %div3A_188 : vector<512x64xf32>
    %mul3A_190 = arith.mulf %div3A_189, %select_n3A_87 : vector<512x64xf32>
    %add3A_191 = arith.addf %mul3A_184, %mul3A_190 : vector<512x64xf32>
    %sub3A_192 = vector.broadcast %get3A_13 : f32 to vector<512x64xf32>
    %sub3A_193 = arith.subf %get3A_1, %sub3A_192 : vector<512x64xf32>
    %sub3A_194 = arith.subf %get3A_15, %get3A_13 : f32
    %div3A_195 = vector.broadcast %sub3A_194 : f32 to vector<512x64xf32>
    %div3A_196 = arith.divf %sub3A_193, %div3A_195 : vector<512x64xf32>
    %mul3A_197 = arith.mulf %div3A_196, %select_n3A_87 : vector<512x64xf32>
    %sub3A_198 = vector.broadcast %get3A_17 : f32 to vector<512x64xf32>
    %sub3A_199 = arith.subf %sub3A_198, %get3A_1 : vector<512x64xf32>
    %sub3A_200 = arith.subf %get3A_17, %get3A_15 : f32
    %div3A_201 = vector.broadcast %sub3A_200 : f32 to vector<512x64xf32>
    %div3A_202 = arith.divf %sub3A_199, %div3A_201 : vector<512x64xf32>
    %mul3A_203 = arith.mulf %div3A_202, %select_n3A_97 : vector<512x64xf32>
    %add3A_204 = arith.addf %mul3A_197, %mul3A_203 : vector<512x64xf32>
    %sub3A_205 = vector.broadcast %get3A_15 : f32 to vector<512x64xf32>
    %sub3A_206 = arith.subf %get3A_1, %sub3A_205 : vector<512x64xf32>
    %sub3A_207 = arith.subf %get3A_17, %get3A_15 : f32
    %div3A_208 = vector.broadcast %sub3A_207 : f32 to vector<512x64xf32>
    %div3A_209 = arith.divf %sub3A_206, %div3A_208 : vector<512x64xf32>
    %mul3A_210 = arith.mulf %div3A_209, %select_n3A_97 : vector<512x64xf32>
    %sub3A_211 = vector.broadcast %get3A_19 : f32 to vector<512x64xf32>
    %sub3A_212 = arith.subf %sub3A_211, %get3A_1 : vector<512x64xf32>
    %sub3A_213 = arith.subf %get3A_19, %get3A_17 : f32
    %div3A_214 = vector.broadcast %sub3A_213 : f32 to vector<512x64xf32>
    %div3A_215 = arith.divf %sub3A_212, %div3A_214 : vector<512x64xf32>
    %mul3A_216 = arith.mulf %div3A_215, %select_n3A_107 : vector<512x64xf32>
    %add3A_217 = arith.addf %mul3A_210, %mul3A_216 : vector<512x64xf32>
    %sub3A_218 = vector.broadcast %get3A_17 : f32 to vector<512x64xf32>
    %sub3A_219 = arith.subf %get3A_1, %sub3A_218 : vector<512x64xf32>
    %sub3A_220 = arith.subf %get3A_19, %get3A_17 : f32
    %div3A_221 = vector.broadcast %sub3A_220 : f32 to vector<512x64xf32>
    %div3A_222 = arith.divf %sub3A_219, %div3A_221 : vector<512x64xf32>
    %mul3A_223 = arith.mulf %div3A_222, %select_n3A_107 : vector<512x64xf32>
    %sub3A_224 = vector.broadcast %get3A_21 : f32 to vector<512x64xf32>
    %sub3A_225 = arith.subf %sub3A_224, %get3A_1 : vector<512x64xf32>
    %sub3A_226 = arith.subf %get3A_21, %get3A_19 : f32
    %div3A_227 = vector.broadcast %sub3A_226 : f32 to vector<512x64xf32>
    %div3A_228 = arith.divf %sub3A_225, %div3A_227 : vector<512x64xf32>
    %mul3A_229 = arith.mulf %div3A_228, %select_n3A_117 : vector<512x64xf32>
    %add3A_230 = arith.addf %mul3A_223, %mul3A_229 : vector<512x64xf32>
    %sub3A_231 = vector.broadcast %get3A_19 : f32 to vector<512x64xf32>
    %sub3A_232 = arith.subf %get3A_1, %sub3A_231 : vector<512x64xf32>
    %sub3A_233 = arith.subf %get3A_21, %get3A_19 : f32
    %div3A_234 = vector.broadcast %sub3A_233 : f32 to vector<512x64xf32>
    %div3A_235 = arith.divf %sub3A_232, %div3A_234 : vector<512x64xf32>
    %mul3A_236 = arith.mulf %div3A_235, %select_n3A_117 : vector<512x64xf32>
    %sub3A_237 = vector.broadcast %get3A_23 : f32 to vector<512x64xf32>
    %sub3A_238 = arith.subf %sub3A_237, %get3A_1 : vector<512x64xf32>
    %sub3A_239 = arith.subf %get3A_23, %get3A_21 : f32
    %div3A_240 = vector.broadcast %sub3A_239 : f32 to vector<512x64xf32>
    %div3A_241 = arith.divf %sub3A_238, %div3A_240 : vector<512x64xf32>
    %mul3A_242 = arith.mulf %div3A_241, %select_n3A_127 : vector<512x64xf32>
    %add3A_243 = arith.addf %mul3A_236, %mul3A_242 : vector<512x64xf32>
    %sub3A_244 = vector.broadcast %get3A_3 : f32 to vector<512x64xf32>
    %sub3A_245 = arith.subf %get3A_1, %sub3A_244 : vector<512x64xf32>
    %sub3A_246 = arith.subf %get3A_7, %get3A_3 : f32
    %div3A_247 = vector.broadcast %sub3A_246 : f32 to vector<512x64xf32>
    %div3A_248 = arith.divf %sub3A_245, %div3A_247 : vector<512x64xf32>
    %mul3A_249 = arith.mulf %div3A_248, %add3A_139 : vector<512x64xf32>
    %sub3A_250 = vector.broadcast %get3A_9 : f32 to vector<512x64xf32>
    %sub3A_251 = arith.subf %sub3A_250, %get3A_1 : vector<512x64xf32>
    %sub3A_252 = arith.subf %get3A_9, %get3A_5 : f32
    %div3A_253 = vector.broadcast %sub3A_252 : f32 to vector<512x64xf32>
    %div3A_254 = arith.divf %sub3A_251, %div3A_253 : vector<512x64xf32>
    %mul3A_255 = arith.mulf %div3A_254, %add3A_152 : vector<512x64xf32>
    %add3A_256 = arith.addf %mul3A_249, %mul3A_255 : vector<512x64xf32>
    %sub3A_257 = vector.broadcast %get3A_5 : f32 to vector<512x64xf32>
    %sub3A_258 = arith.subf %get3A_1, %sub3A_257 : vector<512x64xf32>
    %sub3A_259 = arith.subf %get3A_9, %get3A_5 : f32
    %div3A_260 = vector.broadcast %sub3A_259 : f32 to vector<512x64xf32>
    %div3A_261 = arith.divf %sub3A_258, %div3A_260 : vector<512x64xf32>
    %mul3A_262 = arith.mulf %div3A_261, %add3A_152 : vector<512x64xf32>
    %sub3A_263 = vector.broadcast %get3A_11 : f32 to vector<512x64xf32>
    %sub3A_264 = arith.subf %sub3A_263, %get3A_1 : vector<512x64xf32>
    %sub3A_265 = arith.subf %get3A_11, %get3A_7 : f32
    %div3A_266 = vector.broadcast %sub3A_265 : f32 to vector<512x64xf32>
    %div3A_267 = arith.divf %sub3A_264, %div3A_266 : vector<512x64xf32>
    %mul3A_268 = arith.mulf %div3A_267, %add3A_165 : vector<512x64xf32>
    %add3A_269 = arith.addf %mul3A_262, %mul3A_268 : vector<512x64xf32>
    %sub3A_270 = vector.broadcast %get3A_7 : f32 to vector<512x64xf32>
    %sub3A_271 = arith.subf %get3A_1, %sub3A_270 : vector<512x64xf32>
    %sub3A_272 = arith.subf %get3A_11, %get3A_7 : f32
    %div3A_273 = vector.broadcast %sub3A_272 : f32 to vector<512x64xf32>
    %div3A_274 = arith.divf %sub3A_271, %div3A_273 : vector<512x64xf32>
    %mul3A_275 = arith.mulf %div3A_274, %add3A_165 : vector<512x64xf32>
    %sub3A_276 = vector.broadcast %get3A_13 : f32 to vector<512x64xf32>
    %sub3A_277 = arith.subf %sub3A_276, %get3A_1 : vector<512x64xf32>
    %sub3A_278 = arith.subf %get3A_13, %get3A_9 : f32
    %div3A_279 = vector.broadcast %sub3A_278 : f32 to vector<512x64xf32>
    %div3A_280 = arith.divf %sub3A_277, %div3A_279 : vector<512x64xf32>
    %mul3A_281 = arith.mulf %div3A_280, %add3A_178 : vector<512x64xf32>
    %add3A_282 = arith.addf %mul3A_275, %mul3A_281 : vector<512x64xf32>
    %sub3A_283 = vector.broadcast %get3A_9 : f32 to vector<512x64xf32>
    %sub3A_284 = arith.subf %get3A_1, %sub3A_283 : vector<512x64xf32>
    %sub3A_285 = arith.subf %get3A_13, %get3A_9 : f32
    %div3A_286 = vector.broadcast %sub3A_285 : f32 to vector<512x64xf32>
    %div3A_287 = arith.divf %sub3A_284, %div3A_286 : vector<512x64xf32>
    %mul3A_288 = arith.mulf %div3A_287, %add3A_178 : vector<512x64xf32>
    %sub3A_289 = vector.broadcast %get3A_15 : f32 to vector<512x64xf32>
    %sub3A_290 = arith.subf %sub3A_289, %get3A_1 : vector<512x64xf32>
    %sub3A_291 = arith.subf %get3A_15, %get3A_11 : f32
    %div3A_292 = vector.broadcast %sub3A_291 : f32 to vector<512x64xf32>
    %div3A_293 = arith.divf %sub3A_290, %div3A_292 : vector<512x64xf32>
    %mul3A_294 = arith.mulf %div3A_293, %add3A_191 : vector<512x64xf32>
    %add3A_295 = arith.addf %mul3A_288, %mul3A_294 : vector<512x64xf32>
    %sub3A_296 = vector.broadcast %get3A_11 : f32 to vector<512x64xf32>
    %sub3A_297 = arith.subf %get3A_1, %sub3A_296 : vector<512x64xf32>
    %sub3A_298 = arith.subf %get3A_15, %get3A_11 : f32
    %div3A_299 = vector.broadcast %sub3A_298 : f32 to vector<512x64xf32>
    %div3A_300 = arith.divf %sub3A_297, %div3A_299 : vector<512x64xf32>
    %mul3A_301 = arith.mulf %div3A_300, %add3A_191 : vector<512x64xf32>
    %sub3A_302 = vector.broadcast %get3A_17 : f32 to vector<512x64xf32>
    %sub3A_303 = arith.subf %sub3A_302, %get3A_1 : vector<512x64xf32>
    %sub3A_304 = arith.subf %get3A_17, %get3A_13 : f32
    %div3A_305 = vector.broadcast %sub3A_304 : f32 to vector<512x64xf32>
    %div3A_306 = arith.divf %sub3A_303, %div3A_305 : vector<512x64xf32>
    %mul3A_307 = arith.mulf %div3A_306, %add3A_204 : vector<512x64xf32>
    %add3A_308 = arith.addf %mul3A_301, %mul3A_307 : vector<512x64xf32>
    %sub3A_309 = vector.broadcast %get3A_13 : f32 to vector<512x64xf32>
    %sub3A_310 = arith.subf %get3A_1, %sub3A_309 : vector<512x64xf32>
    %sub3A_311 = arith.subf %get3A_17, %get3A_13 : f32
    %div3A_312 = vector.broadcast %sub3A_311 : f32 to vector<512x64xf32>
    %div3A_313 = arith.divf %sub3A_310, %div3A_312 : vector<512x64xf32>
    %mul3A_314 = arith.mulf %div3A_313, %add3A_204 : vector<512x64xf32>
    %sub3A_315 = vector.broadcast %get3A_19 : f32 to vector<512x64xf32>
    %sub3A_316 = arith.subf %sub3A_315, %get3A_1 : vector<512x64xf32>
    %sub3A_317 = arith.subf %get3A_19, %get3A_15 : f32
    %div3A_318 = vector.broadcast %sub3A_317 : f32 to vector<512x64xf32>
    %div3A_319 = arith.divf %sub3A_316, %div3A_318 : vector<512x64xf32>
    %mul3A_320 = arith.mulf %div3A_319, %add3A_217 : vector<512x64xf32>
    %add3A_321 = arith.addf %mul3A_314, %mul3A_320 : vector<512x64xf32>
    %sub3A_322 = vector.broadcast %get3A_15 : f32 to vector<512x64xf32>
    %sub3A_323 = arith.subf %get3A_1, %sub3A_322 : vector<512x64xf32>
    %sub3A_324 = arith.subf %get3A_19, %get3A_15 : f32
    %div3A_325 = vector.broadcast %sub3A_324 : f32 to vector<512x64xf32>
    %div3A_326 = arith.divf %sub3A_323, %div3A_325 : vector<512x64xf32>
    %mul3A_327 = arith.mulf %div3A_326, %add3A_217 : vector<512x64xf32>
    %sub3A_328 = vector.broadcast %get3A_21 : f32 to vector<512x64xf32>
    %sub3A_329 = arith.subf %sub3A_328, %get3A_1 : vector<512x64xf32>
    %sub3A_330 = arith.subf %get3A_21, %get3A_17 : f32
    %div3A_331 = vector.broadcast %sub3A_330 : f32 to vector<512x64xf32>
    %div3A_332 = arith.divf %sub3A_329, %div3A_331 : vector<512x64xf32>
    %mul3A_333 = arith.mulf %div3A_332, %add3A_230 : vector<512x64xf32>
    %add3A_334 = arith.addf %mul3A_327, %mul3A_333 : vector<512x64xf32>
    %sub3A_335 = vector.broadcast %get3A_17 : f32 to vector<512x64xf32>
    %sub3A_336 = arith.subf %get3A_1, %sub3A_335 : vector<512x64xf32>
    %sub3A_337 = arith.subf %get3A_21, %get3A_17 : f32
    %div3A_338 = vector.broadcast %sub3A_337 : f32 to vector<512x64xf32>
    %div3A_339 = arith.divf %sub3A_336, %div3A_338 : vector<512x64xf32>
    %mul3A_340 = arith.mulf %div3A_339, %add3A_230 : vector<512x64xf32>
    %sub3A_341 = vector.broadcast %get3A_23 : f32 to vector<512x64xf32>
    %sub3A_342 = arith.subf %sub3A_341, %get3A_1 : vector<512x64xf32>
    %sub3A_343 = arith.subf %get3A_23, %get3A_19 : f32
    %div3A_344 = vector.broadcast %sub3A_343 : f32 to vector<512x64xf32>
    %div3A_345 = arith.divf %sub3A_342, %div3A_344 : vector<512x64xf32>
    %mul3A_346 = arith.mulf %div3A_345, %add3A_243 : vector<512x64xf32>
    %add3A_347 = arith.addf %mul3A_340, %mul3A_346 : vector<512x64xf32>
    %sub3A_348 = vector.broadcast %get3A_3 : f32 to vector<512x64xf32>
    %sub3A_349 = arith.subf %get3A_1, %sub3A_348 : vector<512x64xf32>
    %sub3A_350 = arith.subf %get3A_9, %get3A_3 : f32
    %div3A_351 = vector.broadcast %sub3A_350 : f32 to vector<512x64xf32>
    %div3A_352 = arith.divf %sub3A_349, %div3A_351 : vector<512x64xf32>
    %mul3A_353 = arith.mulf %div3A_352, %add3A_256 : vector<512x64xf32>
    %sub3A_354 = vector.broadcast %get3A_11 : f32 to vector<512x64xf32>
    %sub3A_355 = arith.subf %sub3A_354, %get3A_1 : vector<512x64xf32>
    %sub3A_356 = arith.subf %get3A_11, %get3A_5 : f32
    %div3A_357 = vector.broadcast %sub3A_356 : f32 to vector<512x64xf32>
    %div3A_358 = arith.divf %sub3A_355, %div3A_357 : vector<512x64xf32>
    %mul3A_359 = arith.mulf %div3A_358, %add3A_269 : vector<512x64xf32>
    %add3A_360 = arith.addf %mul3A_353, %mul3A_359 : vector<512x64xf32>
    %sub3A_361 = vector.broadcast %get3A_5 : f32 to vector<512x64xf32>
    %sub3A_362 = arith.subf %get3A_1, %sub3A_361 : vector<512x64xf32>
    %sub3A_363 = arith.subf %get3A_11, %get3A_5 : f32
    %div3A_364 = vector.broadcast %sub3A_363 : f32 to vector<512x64xf32>
    %div3A_365 = arith.divf %sub3A_362, %div3A_364 : vector<512x64xf32>
    %mul3A_366 = arith.mulf %div3A_365, %add3A_269 : vector<512x64xf32>
    %sub3A_367 = vector.broadcast %get3A_13 : f32 to vector<512x64xf32>
    %sub3A_368 = arith.subf %sub3A_367, %get3A_1 : vector<512x64xf32>
    %sub3A_369 = arith.subf %get3A_13, %get3A_7 : f32
    %div3A_370 = vector.broadcast %sub3A_369 : f32 to vector<512x64xf32>
    %div3A_371 = arith.divf %sub3A_368, %div3A_370 : vector<512x64xf32>
    %mul3A_372 = arith.mulf %div3A_371, %add3A_282 : vector<512x64xf32>
    %add3A_373 = arith.addf %mul3A_366, %mul3A_372 : vector<512x64xf32>
    %sub3A_374 = vector.broadcast %get3A_7 : f32 to vector<512x64xf32>
    %sub3A_375 = arith.subf %get3A_1, %sub3A_374 : vector<512x64xf32>
    %sub3A_376 = arith.subf %get3A_13, %get3A_7 : f32
    %div3A_377 = vector.broadcast %sub3A_376 : f32 to vector<512x64xf32>
    %div3A_378 = arith.divf %sub3A_375, %div3A_377 : vector<512x64xf32>
    %mul3A_379 = arith.mulf %div3A_378, %add3A_282 : vector<512x64xf32>
    %sub3A_380 = vector.broadcast %get3A_15 : f32 to vector<512x64xf32>
    %sub3A_381 = arith.subf %sub3A_380, %get3A_1 : vector<512x64xf32>
    %sub3A_382 = arith.subf %get3A_15, %get3A_9 : f32
    %div3A_383 = vector.broadcast %sub3A_382 : f32 to vector<512x64xf32>
    %div3A_384 = arith.divf %sub3A_381, %div3A_383 : vector<512x64xf32>
    %mul3A_385 = arith.mulf %div3A_384, %add3A_295 : vector<512x64xf32>
    %add3A_386 = arith.addf %mul3A_379, %mul3A_385 : vector<512x64xf32>
    %sub3A_387 = vector.broadcast %get3A_9 : f32 to vector<512x64xf32>
    %sub3A_388 = arith.subf %get3A_1, %sub3A_387 : vector<512x64xf32>
    %sub3A_389 = arith.subf %get3A_15, %get3A_9 : f32
    %div3A_390 = vector.broadcast %sub3A_389 : f32 to vector<512x64xf32>
    %div3A_391 = arith.divf %sub3A_388, %div3A_390 : vector<512x64xf32>
    %mul3A_392 = arith.mulf %div3A_391, %add3A_295 : vector<512x64xf32>
    %sub3A_393 = vector.broadcast %get3A_17 : f32 to vector<512x64xf32>
    %sub3A_394 = arith.subf %sub3A_393, %get3A_1 : vector<512x64xf32>
    %sub3A_395 = arith.subf %get3A_17, %get3A_11 : f32
    %div3A_396 = vector.broadcast %sub3A_395 : f32 to vector<512x64xf32>
    %div3A_397 = arith.divf %sub3A_394, %div3A_396 : vector<512x64xf32>
    %mul3A_398 = arith.mulf %div3A_397, %add3A_308 : vector<512x64xf32>
    %add3A_399 = arith.addf %mul3A_392, %mul3A_398 : vector<512x64xf32>
    %sub3A_400 = vector.broadcast %get3A_11 : f32 to vector<512x64xf32>
    %sub3A_401 = arith.subf %get3A_1, %sub3A_400 : vector<512x64xf32>
    %sub3A_402 = arith.subf %get3A_17, %get3A_11 : f32
    %div3A_403 = vector.broadcast %sub3A_402 : f32 to vector<512x64xf32>
    %div3A_404 = arith.divf %sub3A_401, %div3A_403 : vector<512x64xf32>
    %mul3A_405 = arith.mulf %div3A_404, %add3A_308 : vector<512x64xf32>
    %sub3A_406 = vector.broadcast %get3A_19 : f32 to vector<512x64xf32>
    %sub3A_407 = arith.subf %sub3A_406, %get3A_1 : vector<512x64xf32>
    %sub3A_408 = arith.subf %get3A_19, %get3A_13 : f32
    %div3A_409 = vector.broadcast %sub3A_408 : f32 to vector<512x64xf32>
    %div3A_410 = arith.divf %sub3A_407, %div3A_409 : vector<512x64xf32>
    %mul3A_411 = arith.mulf %div3A_410, %add3A_321 : vector<512x64xf32>
    %add3A_412 = arith.addf %mul3A_405, %mul3A_411 : vector<512x64xf32>
    %sub3A_413 = vector.broadcast %get3A_13 : f32 to vector<512x64xf32>
    %sub3A_414 = arith.subf %get3A_1, %sub3A_413 : vector<512x64xf32>
    %sub3A_415 = arith.subf %get3A_19, %get3A_13 : f32
    %div3A_416 = vector.broadcast %sub3A_415 : f32 to vector<512x64xf32>
    %div3A_417 = arith.divf %sub3A_414, %div3A_416 : vector<512x64xf32>
    %mul3A_418 = arith.mulf %div3A_417, %add3A_321 : vector<512x64xf32>
    %sub3A_419 = vector.broadcast %get3A_21 : f32 to vector<512x64xf32>
    %sub3A_420 = arith.subf %sub3A_419, %get3A_1 : vector<512x64xf32>
    %sub3A_421 = arith.subf %get3A_21, %get3A_15 : f32
    %div3A_422 = vector.broadcast %sub3A_421 : f32 to vector<512x64xf32>
    %div3A_423 = arith.divf %sub3A_420, %div3A_422 : vector<512x64xf32>
    %mul3A_424 = arith.mulf %div3A_423, %add3A_334 : vector<512x64xf32>
    %add3A_425 = arith.addf %mul3A_418, %mul3A_424 : vector<512x64xf32>
    %sub3A_426 = vector.broadcast %get3A_15 : f32 to vector<512x64xf32>
    %sub3A_427 = arith.subf %get3A_1, %sub3A_426 : vector<512x64xf32>
    %sub3A_428 = arith.subf %get3A_21, %get3A_15 : f32
    %div3A_429 = vector.broadcast %sub3A_428 : f32 to vector<512x64xf32>
    %div3A_430 = arith.divf %sub3A_427, %div3A_429 : vector<512x64xf32>
    %mul3A_431 = arith.mulf %div3A_430, %add3A_334 : vector<512x64xf32>
    %sub3A_432 = vector.broadcast %get3A_23 : f32 to vector<512x64xf32>
    %sub3A_433 = arith.subf %sub3A_432, %get3A_1 : vector<512x64xf32>
    %sub3A_434 = arith.subf %get3A_23, %get3A_17 : f32
    %div3A_435 = vector.broadcast %sub3A_434 : f32 to vector<512x64xf32>
    %div3A_436 = arith.divf %sub3A_433, %div3A_435 : vector<512x64xf32>
    %mul3A_437 = arith.mulf %div3A_436, %add3A_347 : vector<512x64xf32>
    %add3A_438 = arith.addf %mul3A_431, %mul3A_437 : vector<512x64xf32>
    %get3A_439 = arith.constant 0 : index
    %get3A_440 = arith.constant 0 : index
    %get3A_441 = vector.load %arg6[%get3A_439, %get3A_440] : memref<64x64xf32, #tpu.memory_space<vmem>>, vector<64x64xf32>
    %get3A_442 = arith.constant 0 : index
    %get3A_443 = arith.constant 0 : index
    %get3A_444 = arith.constant 0 : index
    %get3A_445 = vector.load %arg5[%get3A_442, %get3A_443, %get3A_444] : memref<7x64x64xf32, #tpu.memory_space<vmem>>, vector<1x64x64xf32>
    %get3A_446 = vector.shape_cast %get3A_445 : vector<1x64x64xf32> to vector<64x64xf32>
    %mul3A_447 = arith.mulf %get3A_446, %get3A_441 : vector<64x64xf32>
    %dot_general3A_448 = arith.constant dense<0.000000e+00> : vector<512x64xf32>
    %dot_general3A_449 = tpu.matmul %add3A_360, %mul3A_447, %dot_general3A_448 {dimension_numbers = #tpu.dot_dimension_numbers<[1], [0], [0], [1], [0, 0, 1, 1], [], []>, transpose_lhs_hint = false} : vector<512x64xf32>, vector<64x64xf32>, vector<512x64xf32> -> vector<512x64xf32>
    %add3A_450 = arith.addf %dot_general3A_33, %dot_general3A_449 : vector<512x64xf32>
    %get3A_451 = arith.constant 1 : index
    %get3A_452 = arith.constant 0 : index
    %get3A_453 = arith.constant 0 : index
    %get3A_454 = vector.load %arg5[%get3A_451, %get3A_452, %get3A_453] : memref<7x64x64xf32, #tpu.memory_space<vmem>>, vector<1x64x64xf32>
    %get3A_455 = vector.shape_cast %get3A_454 : vector<1x64x64xf32> to vector<64x64xf32>
    %mul3A_456 = arith.mulf %get3A_455, %get3A_441 : vector<64x64xf32>
    %dot_general3A_457 = arith.constant dense<0.000000e+00> : vector<512x64xf32>
    %dot_general3A_458 = tpu.matmul %add3A_373, %mul3A_456, %dot_general3A_457 {dimension_numbers = #tpu.dot_dimension_numbers<[1], [0], [0], [1], [0, 0, 1, 1], [], []>, transpose_lhs_hint = false} : vector<512x64xf32>, vector<64x64xf32>, vector<512x64xf32> -> vector<512x64xf32>
    %add3A_459 = arith.addf %add3A_450, %dot_general3A_458 : vector<512x64xf32>
    %get3A_460 = arith.constant 2 : index
    %get3A_461 = arith.constant 0 : index
    %get3A_462 = arith.constant 0 : index
    %get3A_463 = vector.load %arg5[%get3A_460, %get3A_461, %get3A_462] : memref<7x64x64xf32, #tpu.memory_space<vmem>>, vector<1x64x64xf32>
    %get3A_464 = vector.shape_cast %get3A_463 : vector<1x64x64xf32> to vector<64x64xf32>
    %mul3A_465 = arith.mulf %get3A_464, %get3A_441 : vector<64x64xf32>
    %dot_general3A_466 = arith.constant dense<0.000000e+00> : vector<512x64xf32>
    %dot_general3A_467 = tpu.matmul %add3A_386, %mul3A_465, %dot_general3A_466 {dimension_numbers = #tpu.dot_dimension_numbers<[1], [0], [0], [1], [0, 0, 1, 1], [], []>, transpose_lhs_hint = false} : vector<512x64xf32>, vector<64x64xf32>, vector<512x64xf32> -> vector<512x64xf32>
    %add3A_468 = arith.addf %add3A_459, %dot_general3A_467 : vector<512x64xf32>
    %get3A_469 = arith.constant 3 : index
    %get3A_470 = arith.constant 0 : index
    %get3A_471 = arith.constant 0 : index
    %get3A_472 = vector.load %arg5[%get3A_469, %get3A_470, %get3A_471] : memref<7x64x64xf32, #tpu.memory_space<vmem>>, vector<1x64x64xf32>
    %get3A_473 = vector.shape_cast %get3A_472 : vector<1x64x64xf32> to vector<64x64xf32>
    %mul3A_474 = arith.mulf %get3A_473, %get3A_441 : vector<64x64xf32>
    %dot_general3A_475 = arith.constant dense<0.000000e+00> : vector<512x64xf32>
    %dot_general3A_476 = tpu.matmul %add3A_399, %mul3A_474, %dot_general3A_475 {dimension_numbers = #tpu.dot_dimension_numbers<[1], [0], [0], [1], [0, 0, 1, 1], [], []>, transpose_lhs_hint = false} : vector<512x64xf32>, vector<64x64xf32>, vector<512x64xf32> -> vector<512x64xf32>
    %add3A_477 = arith.addf %add3A_468, %dot_general3A_476 : vector<512x64xf32>
    %get3A_478 = arith.constant 4 : index
    %get3A_479 = arith.constant 0 : index
    %get3A_480 = arith.constant 0 : index
    %get3A_481 = vector.load %arg5[%get3A_478, %get3A_479, %get3A_480] : memref<7x64x64xf32, #tpu.memory_space<vmem>>, vector<1x64x64xf32>
    %get3A_482 = vector.shape_cast %get3A_481 : vector<1x64x64xf32> to vector<64x64xf32>
    %mul3A_483 = arith.mulf %get3A_482, %get3A_441 : vector<64x64xf32>
    %dot_general3A_484 = arith.constant dense<0.000000e+00> : vector<512x64xf32>
    %dot_general3A_485 = tpu.matmul %add3A_412, %mul3A_483, %dot_general3A_484 {dimension_numbers = #tpu.dot_dimension_numbers<[1], [0], [0], [1], [0, 0, 1, 1], [], []>, transpose_lhs_hint = false} : vector<512x64xf32>, vector<64x64xf32>, vector<512x64xf32> -> vector<512x64xf32>
    %add3A_486 = arith.addf %add3A_477, %dot_general3A_485 : vector<512x64xf32>
    %get3A_487 = arith.constant 5 : index
    %get3A_488 = arith.constant 0 : index
    %get3A_489 = arith.constant 0 : index
    %get3A_490 = vector.load %arg5[%get3A_487, %get3A_488, %get3A_489] : memref<7x64x64xf32, #tpu.memory_space<vmem>>, vector<1x64x64xf32>
    %get3A_491 = vector.shape_cast %get3A_490 : vector<1x64x64xf32> to vector<64x64xf32>
    %mul3A_492 = arith.mulf %get3A_491, %get3A_441 : vector<64x64xf32>
    %dot_general3A_493 = arith.constant dense<0.000000e+00> : vector<512x64xf32>
    %dot_general3A_494 = tpu.matmul %add3A_425, %mul3A_492, %dot_general3A_493 {dimension_numbers = #tpu.dot_dimension_numbers<[1], [0], [0], [1], [0, 0, 1, 1], [], []>, transpose_lhs_hint = false} : vector<512x64xf32>, vector<64x64xf32>, vector<512x64xf32> -> vector<512x64xf32>
    %add3A_495 = arith.addf %add3A_486, %dot_general3A_494 : vector<512x64xf32>
    %get3A_496 = arith.constant 6 : index
    %get3A_497 = arith.constant 0 : index
    %get3A_498 = arith.constant 0 : index
    %get3A_499 = vector.load %arg5[%get3A_496, %get3A_497, %get3A_498] : memref<7x64x64xf32, #tpu.memory_space<vmem>>, vector<1x64x64xf32>
    %get3A_500 = vector.shape_cast %get3A_499 : vector<1x64x64xf32> to vector<64x64xf32>
    %mul3A_501 = arith.mulf %get3A_500, %get3A_441 : vector<64x64xf32>
    %dot_general3A_502 = arith.constant dense<0.000000e+00> : vector<512x64xf32>
    %dot_general3A_503 = tpu.matmul %add3A_438, %mul3A_501, %dot_general3A_502 {dimension_numbers = #tpu.dot_dimension_numbers<[1], [0], [0], [1], [0, 0, 1, 1], [], []>, transpose_lhs_hint = false} : vector<512x64xf32>, vector<64x64xf32>, vector<512x64xf32> -> vector<512x64xf32>
    %add3A_504 = arith.addf %add3A_495, %dot_general3A_503 : vector<512x64xf32>
    %mul3A_505 = arith.constant 512 : i32
    %mul3A_506 = arith.muli %arg0, %mul3A_505 : i32
    %iota3A = tpu.iota {dimensions = array<i32: 0>} : vector<512x1xi32>
    %add3A_507 = vector.broadcast %mul3A_506 : i32 to vector<512x1xi32>
    %add3A_508 = arith.addi %add3A_507, %iota3A : vector<512x1xi32>
    %lt3A_509 = arith.constant 10000 : i32
    %lt3A_510 = vector.broadcast %lt3A_509 : i32 to vector<512x1xi32>
    %lt3A_511 = arith.cmpi slt, %add3A_508, %lt3A_510 : vector<512x1xi32>
    %jit3A_512 = arith.constant 1.000000e+00 : f32
    %jit3A_513 = arith.constant 0.000000e+00 : f32
    %broadcast_in_dim3A_514 = vector.broadcast %jit3A_512 : f32 to vector<512x1xf32>
    %broadcast_in_dim3A_515 = vector.broadcast %jit3A_513 : f32 to vector<512x1xf32>
    %select_n3A_516 = arith.select %lt3A_511, %broadcast_in_dim3A_514, %broadcast_in_dim3A_515 : vector<512x1xi1>, vector<512x1xf32>
    %get3A_517 = arith.constant 0 : index
    %get3A_518 = arith.constant 0 : index
    %get3A_519 = vector.load %arg2[%get3A_517, %get3A_518] : memref<512x1xf32, #tpu.memory_space<vmem>>, vector<512x1xf32>
    %mul3A_520 = vector.broadcast %get3A_519 : vector<512x1xf32> to vector<512x64xf32>
    %mul3A_521 = arith.mulf %add3A_504, %mul3A_520 : vector<512x64xf32>
    %mul3A_522 = vector.broadcast %select_n3A_516 : vector<512x1xf32> to vector<512x64xf32>
    %mul3A_523 = arith.mulf %mul3A_521, %mul3A_522 : vector<512x64xf32>
    %swap3A = arith.constant 0 : index
    %swap3A_524 = arith.constant 0 : index
    %swap3A_525 = vector.load %arg7[%swap3A, %swap3A_524] : memref<512x64xf32, #tpu.memory_space<vmem>>, vector<512x64xf32>
    tpu.vector_store %arg7[%swap3A, %swap3A_524], %mul3A_523 {strides = array<i32>} : memref<512x64xf32, #tpu.memory_space<vmem>>, vector<512x64xf32>,
    return
  }
  func.func @transform_0(%arg0: i32) -> (i32, i32) {
    %c0_i32 = arith.constant 0 : i32
    %c0_i32_0 = arith.constant 0 : i32
    return %arg0, %c0_i32 : i32, i32
  }
  func.func @transform_1(%arg0: i32) -> (i32, i32) {
    %c0_i32 = arith.constant 0 : i32
    %c0_i32_0 = arith.constant 0 : i32
    return %arg0, %c0_i32 : i32, i32
  }
  func.func @transform_2(%arg0: i32) -> i32 {
    %c0_i32 = arith.constant 0 : i32
    %c0_i32_0 = arith.constant 0 : i32
    return %c0_i32 : i32
  }
  func.func @transform_3(%arg0: i32) -> (i32, i32) {
    %c0_i32 = arith.constant 0 : i32
    %c0_i32_0 = arith.constant 0 : i32
    %c0_i32_1 = arith.constant 0 : i32
    return %c0_i32, %c0_i32_0 : i32, i32
  }
  func.func @transform_4(%arg0: i32) -> (i32, i32, i32) {
    %c0_i32 = arith.constant 0 : i32
    %c0_i32_0 = arith.constant 0 : i32
    %c0_i32_1 = arith.constant 0 : i32
    %c0_i32_2 = arith.constant 0 : i32
    return %c0_i32, %c0_i32_0, %c0_i32_1 : i32, i32, i32
  }
  func.func @transform_5(%arg0: i32) -> (i32, i32) {
    %c0_i32 = arith.constant 0 : i32
    %c0_i32_0 = arith.constant 0 : i32
    %c0_i32_1 = arith.constant 0 : i32
    return %c0_i32, %c0_i32_0 : i32, i32
  }
  func.func @transform_6(%arg0: i32) -> (i32, i32) {
    %c0_i32 = arith.constant 0 : i32
    %c0_i32_0 = arith.constant 0 : i32
    return %arg0, %c0_i32 : i32, i32
  }
}

module attributes {stable_mosaic.version = 14 : i64} {
  func.func @_kanout_body(%arg0: i32, %arg1: memref<512x128xf32, #tpu.memory_space<vmem>>, %arg2: memref<512x64xf32, #tpu.memory_space<vmem>>, %arg3: memref<512x64xf32, #tpu.memory_space<vmem>>, %arg4: memref<11xf32, #tpu.memory_space<smem>>, %arg5: memref<128x40xf32, #tpu.memory_space<vmem>>, %arg6: memref<7x128x40xf32, #tpu.memory_space<vmem>>, %arg7: memref<128x40xf32, #tpu.memory_space<vmem>>, %arg8: memref<64x40xf32, #tpu.memory_space<vmem>>, %arg9: memref<7x64x40xf32, #tpu.memory_space<vmem>>, %arg10: memref<64x40xf32, #tpu.memory_space<vmem>>, %arg11: memref<64x40xf32, #tpu.memory_space<vmem>>, %arg12: memref<7x64x40xf32, #tpu.memory_space<vmem>>, %arg13: memref<64x40xf32, #tpu.memory_space<vmem>>, %arg14: memref<512x40xf32, #tpu.memory_space<vmem>>) attributes {dimension_semantics = [#tpu.dimension_semantics<arbitrary>], iteration_bounds = array<i64: 20>, scalar_prefetch = 0 : i64, scratch_operands = 0 : i64, tpu.core_type = #tpu.core_type<tc>, window_params = [{transform_indices = @transform_0, window_bounds = array<i64: 512, 128>}, {transform_indices = @transform_1, window_bounds = array<i64: 512, 64>}, {transform_indices = @transform_2, window_bounds = array<i64: 512, 64>}, {transform_indices = @transform_3, window_bounds = array<i64: 11>}, {pipeline_mode = #tpu.pipeline_mode<synchronous>, transform_indices = @transform_4, window_bounds = array<i64: 128, 40>}, {pipeline_mode = #tpu.pipeline_mode<synchronous>, transform_indices = @transform_5, window_bounds = array<i64: 7, 128, 40>}, {pipeline_mode = #tpu.pipeline_mode<synchronous>, transform_indices = @transform_6, window_bounds = array<i64: 128, 40>}, {pipeline_mode = #tpu.pipeline_mode<synchronous>, transform_indices = @transform_7, window_bounds = array<i64: 64, 40>}, {pipeline_mode = #tpu.pipeline_mode<synchronous>, transform_indices = @transform_8, window_bounds = array<i64: 7, 64, 40>}, {pipeline_mode = #tpu.pipeline_mode<synchronous>, transform_indices = @transform_9, window_bounds = array<i64: 64, 40>}, {pipeline_mode = #tpu.pipeline_mode<synchronous>, transform_indices = @transform_10, window_bounds = array<i64: 64, 40>}, {pipeline_mode = #tpu.pipeline_mode<synchronous>, transform_indices = @transform_11, window_bounds = array<i64: 7, 64, 40>}, {pipeline_mode = #tpu.pipeline_mode<synchronous>, transform_indices = @transform_12, window_bounds = array<i64: 64, 40>}, {transform_indices = @transform_13, window_bounds = array<i64: 512, 40>}]} {
    %get3A = arith.constant 0 : index
    %get3A_0 = arith.constant 0 : index
    %get3A_1 = vector.load %arg1[%get3A, %get3A_0] : memref<512x128xf32, #tpu.memory_space<vmem>>, vector<512x128xf32>
    %get3A_2 = arith.constant 0 : index
    %get3A_3 = memref.load %arg4[%get3A_2] : memref<11xf32, #tpu.memory_space<smem>>
    %get3A_4 = arith.constant 1 : index
    %get3A_5 = memref.load %arg4[%get3A_4] : memref<11xf32, #tpu.memory_space<smem>>
    %get3A_6 = arith.constant 2 : index
    %get3A_7 = memref.load %arg4[%get3A_6] : memref<11xf32, #tpu.memory_space<smem>>
    %get3A_8 = arith.constant 3 : index
    %get3A_9 = memref.load %arg4[%get3A_8] : memref<11xf32, #tpu.memory_space<smem>>
    %get3A_10 = arith.constant 4 : index
    %get3A_11 = memref.load %arg4[%get3A_10] : memref<11xf32, #tpu.memory_space<smem>>
    %get3A_12 = arith.constant 5 : index
    %get3A_13 = memref.load %arg4[%get3A_12] : memref<11xf32, #tpu.memory_space<smem>>
    %get3A_14 = arith.constant 6 : index
    %get3A_15 = memref.load %arg4[%get3A_14] : memref<11xf32, #tpu.memory_space<smem>>
    %get3A_16 = arith.constant 7 : index
    %get3A_17 = memref.load %arg4[%get3A_16] : memref<11xf32, #tpu.memory_space<smem>>
    %get3A_18 = arith.constant 8 : index
    %get3A_19 = memref.load %arg4[%get3A_18] : memref<11xf32, #tpu.memory_space<smem>>
    %get3A_20 = arith.constant 9 : index
    %get3A_21 = memref.load %arg4[%get3A_20] : memref<11xf32, #tpu.memory_space<smem>>
    %get3A_22 = arith.constant 10 : index
    %get3A_23 = memref.load %arg4[%get3A_22] : memref<11xf32, #tpu.memory_space<smem>>
    %neg3A = arith.constant 0.000000e+00 : f32
    %neg3A_24 = vector.broadcast %neg3A : f32 to vector<512x128xf32>
    %neg3A_25 = arith.subf %neg3A_24, %get3A_1 : vector<512x128xf32>
    %exp3A = math.exp %neg3A_25 : vector<512x128xf32>
    %add3A = arith.constant 1.000000e+00 : f32
    %add3A_26 = vector.broadcast %add3A : f32 to vector<512x128xf32>
    %add3A_27 = arith.addf %add3A_26, %exp3A : vector<512x128xf32>
    %div3A = arith.constant 1.000000e+00 : f32
    %div3A_28 = vector.broadcast %div3A : f32 to vector<512x128xf32>
    %div3A_29 = arith.divf %div3A_28, %add3A_27 : vector<512x128xf32>
    %mul3A = arith.mulf %get3A_1, %div3A_29 : vector<512x128xf32>
    %get3A_30 = arith.constant 0 : index
    %get3A_31 = arith.constant 0 : index
    %get3A_32 = vector.load %arg5[%get3A_30, %get3A_31] : memref<128x40xf32, #tpu.memory_space<vmem>>, vector<128x40xf32>
    %dot_general3A = arith.constant dense<0.000000e+00> : vector<512x40xf32>
    %dot_general3A_33 = tpu.matmul %mul3A, %get3A_32, %dot_general3A {dimension_numbers = #tpu.dot_dimension_numbers<[1], [0], [0], [1], [0, 0, 1, 1], [], []>, transpose_lhs_hint = false} : vector<512x128xf32>, vector<128x40xf32>, vector<512x40xf32> -> vector<512x40xf32>
    %ge3A = vector.broadcast %get3A_3 : f32 to vector<512x128xf32>
    %ge3A_34 = arith.cmpf oge, %get3A_1, %ge3A : vector<512x128xf32>
    %lt3A = vector.broadcast %get3A_5 : f32 to vector<512x128xf32>
    %lt3A_35 = arith.cmpf olt, %get3A_1, %lt3A : vector<512x128xf32>
    %and3A = arith.andi %ge3A_34, %lt3A_35 : vector<512x128xi1>
    %jit3A = arith.constant 1.000000e+00 : f32
    %jit3A_36 = arith.constant 0.000000e+00 : f32
    %broadcast_in_dim3A = vector.broadcast %jit3A : f32 to vector<512x128xf32>
    %broadcast_in_dim3A_37 = vector.broadcast %jit3A_36 : f32 to vector<512x128xf32>
    %select_n3A = arith.select %and3A, %broadcast_in_dim3A, %broadcast_in_dim3A_37 : vector<512x128xi1>, vector<512x128xf32>
    %ge3A_38 = vector.broadcast %get3A_5 : f32 to vector<512x128xf32>
    %ge3A_39 = arith.cmpf oge, %get3A_1, %ge3A_38 : vector<512x128xf32>
    %lt3A_40 = vector.broadcast %get3A_7 : f32 to vector<512x128xf32>
    %lt3A_41 = arith.cmpf olt, %get3A_1, %lt3A_40 : vector<512x128xf32>
    %and3A_42 = arith.andi %ge3A_39, %lt3A_41 : vector<512x128xi1>
    %jit3A_43 = arith.constant 1.000000e+00 : f32
    %jit3A_44 = arith.constant 0.000000e+00 : f32
    %broadcast_in_dim3A_45 = vector.broadcast %jit3A_43 : f32 to vector<512x128xf32>
    %broadcast_in_dim3A_46 = vector.broadcast %jit3A_44 : f32 to vector<512x128xf32>
    %select_n3A_47 = arith.select %and3A_42, %broadcast_in_dim3A_45, %broadcast_in_dim3A_46 : vector<512x128xi1>, vector<512x128xf32>
    %ge3A_48 = vector.broadcast %get3A_7 : f32 to vector<512x128xf32>
    %ge3A_49 = arith.cmpf oge, %get3A_1, %ge3A_48 : vector<512x128xf32>
    %lt3A_50 = vector.broadcast %get3A_9 : f32 to vector<512x128xf32>
    %lt3A_51 = arith.cmpf olt, %get3A_1, %lt3A_50 : vector<512x128xf32>
    %and3A_52 = arith.andi %ge3A_49, %lt3A_51 : vector<512x128xi1>
    %jit3A_53 = arith.constant 1.000000e+00 : f32
    %jit3A_54 = arith.constant 0.000000e+00 : f32
    %broadcast_in_dim3A_55 = vector.broadcast %jit3A_53 : f32 to vector<512x128xf32>
    %broadcast_in_dim3A_56 = vector.broadcast %jit3A_54 : f32 to vector<512x128xf32>
    %select_n3A_57 = arith.select %and3A_52, %broadcast_in_dim3A_55, %broadcast_in_dim3A_56 : vector<512x128xi1>, vector<512x128xf32>
    %ge3A_58 = vector.broadcast %get3A_9 : f32 to vector<512x128xf32>
    %ge3A_59 = arith.cmpf oge, %get3A_1, %ge3A_58 : vector<512x128xf32>
    %lt3A_60 = vector.broadcast %get3A_11 : f32 to vector<512x128xf32>
    %lt3A_61 = arith.cmpf olt, %get3A_1, %lt3A_60 : vector<512x128xf32>
    %and3A_62 = arith.andi %ge3A_59, %lt3A_61 : vector<512x128xi1>
    %jit3A_63 = arith.constant 1.000000e+00 : f32
    %jit3A_64 = arith.constant 0.000000e+00 : f32
    %broadcast_in_dim3A_65 = vector.broadcast %jit3A_63 : f32 to vector<512x128xf32>
    %broadcast_in_dim3A_66 = vector.broadcast %jit3A_64 : f32 to vector<512x128xf32>
    %select_n3A_67 = arith.select %and3A_62, %broadcast_in_dim3A_65, %broadcast_in_dim3A_66 : vector<512x128xi1>, vector<512x128xf32>
    %ge3A_68 = vector.broadcast %get3A_11 : f32 to vector<512x128xf32>
    %ge3A_69 = arith.cmpf oge, %get3A_1, %ge3A_68 : vector<512x128xf32>
    %lt3A_70 = vector.broadcast %get3A_13 : f32 to vector<512x128xf32>
    %lt3A_71 = arith.cmpf olt, %get3A_1, %lt3A_70 : vector<512x128xf32>
    %and3A_72 = arith.andi %ge3A_69, %lt3A_71 : vector<512x128xi1>
    %jit3A_73 = arith.constant 1.000000e+00 : f32
    %jit3A_74 = arith.constant 0.000000e+00 : f32
    %broadcast_in_dim3A_75 = vector.broadcast %jit3A_73 : f32 to vector<512x128xf32>
    %broadcast_in_dim3A_76 = vector.broadcast %jit3A_74 : f32 to vector<512x128xf32>
    %select_n3A_77 = arith.select %and3A_72, %broadcast_in_dim3A_75, %broadcast_in_dim3A_76 : vector<512x128xi1>, vector<512x128xf32>
    %ge3A_78 = vector.broadcast %get3A_13 : f32 to vector<512x128xf32>
    %ge3A_79 = arith.cmpf oge, %get3A_1, %ge3A_78 : vector<512x128xf32>
    %lt3A_80 = vector.broadcast %get3A_15 : f32 to vector<512x128xf32>
    %lt3A_81 = arith.cmpf olt, %get3A_1, %lt3A_80 : vector<512x128xf32>
    %and3A_82 = arith.andi %ge3A_79, %lt3A_81 : vector<512x128xi1>
    %jit3A_83 = arith.constant 1.000000e+00 : f32
    %jit3A_84 = arith.constant 0.000000e+00 : f32
    %broadcast_in_dim3A_85 = vector.broadcast %jit3A_83 : f32 to vector<512x128xf32>
    %broadcast_in_dim3A_86 = vector.broadcast %jit3A_84 : f32 to vector<512x128xf32>
    %select_n3A_87 = arith.select %and3A_82, %broadcast_in_dim3A_85, %broadcast_in_dim3A_86 : vector<512x128xi1>, vector<512x128xf32>
    %ge3A_88 = vector.broadcast %get3A_15 : f32 to vector<512x128xf32>
    %ge3A_89 = arith.cmpf oge, %get3A_1, %ge3A_88 : vector<512x128xf32>
    %lt3A_90 = vector.broadcast %get3A_17 : f32 to vector<512x128xf32>
    %lt3A_91 = arith.cmpf olt, %get3A_1, %lt3A_90 : vector<512x128xf32>
    %and3A_92 = arith.andi %ge3A_89, %lt3A_91 : vector<512x128xi1>
    %jit3A_93 = arith.constant 1.000000e+00 : f32
    %jit3A_94 = arith.constant 0.000000e+00 : f32
    %broadcast_in_dim3A_95 = vector.broadcast %jit3A_93 : f32 to vector<512x128xf32>
    %broadcast_in_dim3A_96 = vector.broadcast %jit3A_94 : f32 to vector<512x128xf32>
    %select_n3A_97 = arith.select %and3A_92, %broadcast_in_dim3A_95, %broadcast_in_dim3A_96 : vector<512x128xi1>, vector<512x128xf32>
    %ge3A_98 = vector.broadcast %get3A_17 : f32 to vector<512x128xf32>
    %ge3A_99 = arith.cmpf oge, %get3A_1, %ge3A_98 : vector<512x128xf32>
    %lt3A_100 = vector.broadcast %get3A_19 : f32 to vector<512x128xf32>
    %lt3A_101 = arith.cmpf olt, %get3A_1, %lt3A_100 : vector<512x128xf32>
    %and3A_102 = arith.andi %ge3A_99, %lt3A_101 : vector<512x128xi1>
    %jit3A_103 = arith.constant 1.000000e+00 : f32
    %jit3A_104 = arith.constant 0.000000e+00 : f32
    %broadcast_in_dim3A_105 = vector.broadcast %jit3A_103 : f32 to vector<512x128xf32>
    %broadcast_in_dim3A_106 = vector.broadcast %jit3A_104 : f32 to vector<512x128xf32>
    %select_n3A_107 = arith.select %and3A_102, %broadcast_in_dim3A_105, %broadcast_in_dim3A_106 : vector<512x128xi1>, vector<512x128xf32>
    %ge3A_108 = vector.broadcast %get3A_19 : f32 to vector<512x128xf32>
    %ge3A_109 = arith.cmpf oge, %get3A_1, %ge3A_108 : vector<512x128xf32>
    %lt3A_110 = vector.broadcast %get3A_21 : f32 to vector<512x128xf32>
    %lt3A_111 = arith.cmpf olt, %get3A_1, %lt3A_110 : vector<512x128xf32>
    %and3A_112 = arith.andi %ge3A_109, %lt3A_111 : vector<512x128xi1>
    %jit3A_113 = arith.constant 1.000000e+00 : f32
    %jit3A_114 = arith.constant 0.000000e+00 : f32
    %broadcast_in_dim3A_115 = vector.broadcast %jit3A_113 : f32 to vector<512x128xf32>
    %broadcast_in_dim3A_116 = vector.broadcast %jit3A_114 : f32 to vector<512x128xf32>
    %select_n3A_117 = arith.select %and3A_112, %broadcast_in_dim3A_115, %broadcast_in_dim3A_116 : vector<512x128xi1>, vector<512x128xf32>
    %ge3A_118 = vector.broadcast %get3A_21 : f32 to vector<512x128xf32>
    %ge3A_119 = arith.cmpf oge, %get3A_1, %ge3A_118 : vector<512x128xf32>
    %lt3A_120 = vector.broadcast %get3A_23 : f32 to vector<512x128xf32>
    %lt3A_121 = arith.cmpf olt, %get3A_1, %lt3A_120 : vector<512x128xf32>
    %and3A_122 = arith.andi %ge3A_119, %lt3A_121 : vector<512x128xi1>
    %jit3A_123 = arith.constant 1.000000e+00 : f32
    %jit3A_124 = arith.constant 0.000000e+00 : f32
    %broadcast_in_dim3A_125 = vector.broadcast %jit3A_123 : f32 to vector<512x128xf32>
    %broadcast_in_dim3A_126 = vector.broadcast %jit3A_124 : f32 to vector<512x128xf32>
    %select_n3A_127 = arith.select %and3A_122, %broadcast_in_dim3A_125, %broadcast_in_dim3A_126 : vector<512x128xi1>, vector<512x128xf32>
    %sub3A = vector.broadcast %get3A_3 : f32 to vector<512x128xf32>
    %sub3A_128 = arith.subf %get3A_1, %sub3A : vector<512x128xf32>
    %sub3A_129 = arith.subf %get3A_5, %get3A_3 : f32
    %div3A_130 = vector.broadcast %sub3A_129 : f32 to vector<512x128xf32>
    %div3A_131 = arith.divf %sub3A_128, %div3A_130 : vector<512x128xf32>
    %mul3A_132 = arith.mulf %div3A_131, %select_n3A : vector<512x128xf32>
    %sub3A_133 = vector.broadcast %get3A_7 : f32 to vector<512x128xf32>
    %sub3A_134 = arith.subf %sub3A_133, %get3A_1 : vector<512x128xf32>
    %sub3A_135 = arith.subf %get3A_7, %get3A_5 : f32
    %div3A_136 = vector.broadcast %sub3A_135 : f32 to vector<512x128xf32>
    %div3A_137 = arith.divf %sub3A_134, %div3A_136 : vector<512x128xf32>
    %mul3A_138 = arith.mulf %div3A_137, %select_n3A_47 : vector<512x128xf32>
    %add3A_139 = arith.addf %mul3A_132, %mul3A_138 : vector<512x128xf32>
    %sub3A_140 = vector.broadcast %get3A_5 : f32 to vector<512x128xf32>
    %sub3A_141 = arith.subf %get3A_1, %sub3A_140 : vector<512x128xf32>
    %sub3A_142 = arith.subf %get3A_7, %get3A_5 : f32
    %div3A_143 = vector.broadcast %sub3A_142 : f32 to vector<512x128xf32>
    %div3A_144 = arith.divf %sub3A_141, %div3A_143 : vector<512x128xf32>
    %mul3A_145 = arith.mulf %div3A_144, %select_n3A_47 : vector<512x128xf32>
    %sub3A_146 = vector.broadcast %get3A_9 : f32 to vector<512x128xf32>
    %sub3A_147 = arith.subf %sub3A_146, %get3A_1 : vector<512x128xf32>
    %sub3A_148 = arith.subf %get3A_9, %get3A_7 : f32
    %div3A_149 = vector.broadcast %sub3A_148 : f32 to vector<512x128xf32>
    %div3A_150 = arith.divf %sub3A_147, %div3A_149 : vector<512x128xf32>
    %mul3A_151 = arith.mulf %div3A_150, %select_n3A_57 : vector<512x128xf32>
    %add3A_152 = arith.addf %mul3A_145, %mul3A_151 : vector<512x128xf32>
    %sub3A_153 = vector.broadcast %get3A_7 : f32 to vector<512x128xf32>
    %sub3A_154 = arith.subf %get3A_1, %sub3A_153 : vector<512x128xf32>
    %sub3A_155 = arith.subf %get3A_9, %get3A_7 : f32
    %div3A_156 = vector.broadcast %sub3A_155 : f32 to vector<512x128xf32>
    %div3A_157 = arith.divf %sub3A_154, %div3A_156 : vector<512x128xf32>
    %mul3A_158 = arith.mulf %div3A_157, %select_n3A_57 : vector<512x128xf32>
    %sub3A_159 = vector.broadcast %get3A_11 : f32 to vector<512x128xf32>
    %sub3A_160 = arith.subf %sub3A_159, %get3A_1 : vector<512x128xf32>
    %sub3A_161 = arith.subf %get3A_11, %get3A_9 : f32
    %div3A_162 = vector.broadcast %sub3A_161 : f32 to vector<512x128xf32>
    %div3A_163 = arith.divf %sub3A_160, %div3A_162 : vector<512x128xf32>
    %mul3A_164 = arith.mulf %div3A_163, %select_n3A_67 : vector<512x128xf32>
    %add3A_165 = arith.addf %mul3A_158, %mul3A_164 : vector<512x128xf32>
    %sub3A_166 = vector.broadcast %get3A_9 : f32 to vector<512x128xf32>
    %sub3A_167 = arith.subf %get3A_1, %sub3A_166 : vector<512x128xf32>
    %sub3A_168 = arith.subf %get3A_11, %get3A_9 : f32
    %div3A_169 = vector.broadcast %sub3A_168 : f32 to vector<512x128xf32>
    %div3A_170 = arith.divf %sub3A_167, %div3A_169 : vector<512x128xf32>
    %mul3A_171 = arith.mulf %div3A_170, %select_n3A_67 : vector<512x128xf32>
    %sub3A_172 = vector.broadcast %get3A_13 : f32 to vector<512x128xf32>
    %sub3A_173 = arith.subf %sub3A_172, %get3A_1 : vector<512x128xf32>
    %sub3A_174 = arith.subf %get3A_13, %get3A_11 : f32
    %div3A_175 = vector.broadcast %sub3A_174 : f32 to vector<512x128xf32>
    %div3A_176 = arith.divf %sub3A_173, %div3A_175 : vector<512x128xf32>
    %mul3A_177 = arith.mulf %div3A_176, %select_n3A_77 : vector<512x128xf32>
    %add3A_178 = arith.addf %mul3A_171, %mul3A_177 : vector<512x128xf32>
    %sub3A_179 = vector.broadcast %get3A_11 : f32 to vector<512x128xf32>
    %sub3A_180 = arith.subf %get3A_1, %sub3A_179 : vector<512x128xf32>
    %sub3A_181 = arith.subf %get3A_13, %get3A_11 : f32
    %div3A_182 = vector.broadcast %sub3A_181 : f32 to vector<512x128xf32>
    %div3A_183 = arith.divf %sub3A_180, %div3A_182 : vector<512x128xf32>
    %mul3A_184 = arith.mulf %div3A_183, %select_n3A_77 : vector<512x128xf32>
    %sub3A_185 = vector.broadcast %get3A_15 : f32 to vector<512x128xf32>
    %sub3A_186 = arith.subf %sub3A_185, %get3A_1 : vector<512x128xf32>
    %sub3A_187 = arith.subf %get3A_15, %get3A_13 : f32
    %div3A_188 = vector.broadcast %sub3A_187 : f32 to vector<512x128xf32>
    %div3A_189 = arith.divf %sub3A_186, %div3A_188 : vector<512x128xf32>
    %mul3A_190 = arith.mulf %div3A_189, %select_n3A_87 : vector<512x128xf32>
    %add3A_191 = arith.addf %mul3A_184, %mul3A_190 : vector<512x128xf32>
    %sub3A_192 = vector.broadcast %get3A_13 : f32 to vector<512x128xf32>
    %sub3A_193 = arith.subf %get3A_1, %sub3A_192 : vector<512x128xf32>
    %sub3A_194 = arith.subf %get3A_15, %get3A_13 : f32
    %div3A_195 = vector.broadcast %sub3A_194 : f32 to vector<512x128xf32>
    %div3A_196 = arith.divf %sub3A_193, %div3A_195 : vector<512x128xf32>
    %mul3A_197 = arith.mulf %div3A_196, %select_n3A_87 : vector<512x128xf32>
    %sub3A_198 = vector.broadcast %get3A_17 : f32 to vector<512x128xf32>
    %sub3A_199 = arith.subf %sub3A_198, %get3A_1 : vector<512x128xf32>
    %sub3A_200 = arith.subf %get3A_17, %get3A_15 : f32
    %div3A_201 = vector.broadcast %sub3A_200 : f32 to vector<512x128xf32>
    %div3A_202 = arith.divf %sub3A_199, %div3A_201 : vector<512x128xf32>
    %mul3A_203 = arith.mulf %div3A_202, %select_n3A_97 : vector<512x128xf32>
    %add3A_204 = arith.addf %mul3A_197, %mul3A_203 : vector<512x128xf32>
    %sub3A_205 = vector.broadcast %get3A_15 : f32 to vector<512x128xf32>
    %sub3A_206 = arith.subf %get3A_1, %sub3A_205 : vector<512x128xf32>
    %sub3A_207 = arith.subf %get3A_17, %get3A_15 : f32
    %div3A_208 = vector.broadcast %sub3A_207 : f32 to vector<512x128xf32>
    %div3A_209 = arith.divf %sub3A_206, %div3A_208 : vector<512x128xf32>
    %mul3A_210 = arith.mulf %div3A_209, %select_n3A_97 : vector<512x128xf32>
    %sub3A_211 = vector.broadcast %get3A_19 : f32 to vector<512x128xf32>
    %sub3A_212 = arith.subf %sub3A_211, %get3A_1 : vector<512x128xf32>
    %sub3A_213 = arith.subf %get3A_19, %get3A_17 : f32
    %div3A_214 = vector.broadcast %sub3A_213 : f32 to vector<512x128xf32>
    %div3A_215 = arith.divf %sub3A_212, %div3A_214 : vector<512x128xf32>
    %mul3A_216 = arith.mulf %div3A_215, %select_n3A_107 : vector<512x128xf32>
    %add3A_217 = arith.addf %mul3A_210, %mul3A_216 : vector<512x128xf32>
    %sub3A_218 = vector.broadcast %get3A_17 : f32 to vector<512x128xf32>
    %sub3A_219 = arith.subf %get3A_1, %sub3A_218 : vector<512x128xf32>
    %sub3A_220 = arith.subf %get3A_19, %get3A_17 : f32
    %div3A_221 = vector.broadcast %sub3A_220 : f32 to vector<512x128xf32>
    %div3A_222 = arith.divf %sub3A_219, %div3A_221 : vector<512x128xf32>
    %mul3A_223 = arith.mulf %div3A_222, %select_n3A_107 : vector<512x128xf32>
    %sub3A_224 = vector.broadcast %get3A_21 : f32 to vector<512x128xf32>
    %sub3A_225 = arith.subf %sub3A_224, %get3A_1 : vector<512x128xf32>
    %sub3A_226 = arith.subf %get3A_21, %get3A_19 : f32
    %div3A_227 = vector.broadcast %sub3A_226 : f32 to vector<512x128xf32>
    %div3A_228 = arith.divf %sub3A_225, %div3A_227 : vector<512x128xf32>
    %mul3A_229 = arith.mulf %div3A_228, %select_n3A_117 : vector<512x128xf32>
    %add3A_230 = arith.addf %mul3A_223, %mul3A_229 : vector<512x128xf32>
    %sub3A_231 = vector.broadcast %get3A_19 : f32 to vector<512x128xf32>
    %sub3A_232 = arith.subf %get3A_1, %sub3A_231 : vector<512x128xf32>
    %sub3A_233 = arith.subf %get3A_21, %get3A_19 : f32
    %div3A_234 = vector.broadcast %sub3A_233 : f32 to vector<512x128xf32>
    %div3A_235 = arith.divf %sub3A_232, %div3A_234 : vector<512x128xf32>
    %mul3A_236 = arith.mulf %div3A_235, %select_n3A_117 : vector<512x128xf32>
    %sub3A_237 = vector.broadcast %get3A_23 : f32 to vector<512x128xf32>
    %sub3A_238 = arith.subf %sub3A_237, %get3A_1 : vector<512x128xf32>
    %sub3A_239 = arith.subf %get3A_23, %get3A_21 : f32
    %div3A_240 = vector.broadcast %sub3A_239 : f32 to vector<512x128xf32>
    %div3A_241 = arith.divf %sub3A_238, %div3A_240 : vector<512x128xf32>
    %mul3A_242 = arith.mulf %div3A_241, %select_n3A_127 : vector<512x128xf32>
    %add3A_243 = arith.addf %mul3A_236, %mul3A_242 : vector<512x128xf32>
    %sub3A_244 = vector.broadcast %get3A_3 : f32 to vector<512x128xf32>
    %sub3A_245 = arith.subf %get3A_1, %sub3A_244 : vector<512x128xf32>
    %sub3A_246 = arith.subf %get3A_7, %get3A_3 : f32
    %div3A_247 = vector.broadcast %sub3A_246 : f32 to vector<512x128xf32>
    %div3A_248 = arith.divf %sub3A_245, %div3A_247 : vector<512x128xf32>
    %mul3A_249 = arith.mulf %div3A_248, %add3A_139 : vector<512x128xf32>
    %sub3A_250 = vector.broadcast %get3A_9 : f32 to vector<512x128xf32>
    %sub3A_251 = arith.subf %sub3A_250, %get3A_1 : vector<512x128xf32>
    %sub3A_252 = arith.subf %get3A_9, %get3A_5 : f32
    %div3A_253 = vector.broadcast %sub3A_252 : f32 to vector<512x128xf32>
    %div3A_254 = arith.divf %sub3A_251, %div3A_253 : vector<512x128xf32>
    %mul3A_255 = arith.mulf %div3A_254, %add3A_152 : vector<512x128xf32>
    %add3A_256 = arith.addf %mul3A_249, %mul3A_255 : vector<512x128xf32>
    %sub3A_257 = vector.broadcast %get3A_5 : f32 to vector<512x128xf32>
    %sub3A_258 = arith.subf %get3A_1, %sub3A_257 : vector<512x128xf32>
    %sub3A_259 = arith.subf %get3A_9, %get3A_5 : f32
    %div3A_260 = vector.broadcast %sub3A_259 : f32 to vector<512x128xf32>
    %div3A_261 = arith.divf %sub3A_258, %div3A_260 : vector<512x128xf32>
    %mul3A_262 = arith.mulf %div3A_261, %add3A_152 : vector<512x128xf32>
    %sub3A_263 = vector.broadcast %get3A_11 : f32 to vector<512x128xf32>
    %sub3A_264 = arith.subf %sub3A_263, %get3A_1 : vector<512x128xf32>
    %sub3A_265 = arith.subf %get3A_11, %get3A_7 : f32
    %div3A_266 = vector.broadcast %sub3A_265 : f32 to vector<512x128xf32>
    %div3A_267 = arith.divf %sub3A_264, %div3A_266 : vector<512x128xf32>
    %mul3A_268 = arith.mulf %div3A_267, %add3A_165 : vector<512x128xf32>
    %add3A_269 = arith.addf %mul3A_262, %mul3A_268 : vector<512x128xf32>
    %sub3A_270 = vector.broadcast %get3A_7 : f32 to vector<512x128xf32>
    %sub3A_271 = arith.subf %get3A_1, %sub3A_270 : vector<512x128xf32>
    %sub3A_272 = arith.subf %get3A_11, %get3A_7 : f32
    %div3A_273 = vector.broadcast %sub3A_272 : f32 to vector<512x128xf32>
    %div3A_274 = arith.divf %sub3A_271, %div3A_273 : vector<512x128xf32>
    %mul3A_275 = arith.mulf %div3A_274, %add3A_165 : vector<512x128xf32>
    %sub3A_276 = vector.broadcast %get3A_13 : f32 to vector<512x128xf32>
    %sub3A_277 = arith.subf %sub3A_276, %get3A_1 : vector<512x128xf32>
    %sub3A_278 = arith.subf %get3A_13, %get3A_9 : f32
    %div3A_279 = vector.broadcast %sub3A_278 : f32 to vector<512x128xf32>
    %div3A_280 = arith.divf %sub3A_277, %div3A_279 : vector<512x128xf32>
    %mul3A_281 = arith.mulf %div3A_280, %add3A_178 : vector<512x128xf32>
    %add3A_282 = arith.addf %mul3A_275, %mul3A_281 : vector<512x128xf32>
    %sub3A_283 = vector.broadcast %get3A_9 : f32 to vector<512x128xf32>
    %sub3A_284 = arith.subf %get3A_1, %sub3A_283 : vector<512x128xf32>
    %sub3A_285 = arith.subf %get3A_13, %get3A_9 : f32
    %div3A_286 = vector.broadcast %sub3A_285 : f32 to vector<512x128xf32>
    %div3A_287 = arith.divf %sub3A_284, %div3A_286 : vector<512x128xf32>
    %mul3A_288 = arith.mulf %div3A_287, %add3A_178 : vector<512x128xf32>
    %sub3A_289 = vector.broadcast %get3A_15 : f32 to vector<512x128xf32>
    %sub3A_290 = arith.subf %sub3A_289, %get3A_1 : vector<512x128xf32>
    %sub3A_291 = arith.subf %get3A_15, %get3A_11 : f32
    %div3A_292 = vector.broadcast %sub3A_291 : f32 to vector<512x128xf32>
    %div3A_293 = arith.divf %sub3A_290, %div3A_292 : vector<512x128xf32>
    %mul3A_294 = arith.mulf %div3A_293, %add3A_191 : vector<512x128xf32>
    %add3A_295 = arith.addf %mul3A_288, %mul3A_294 : vector<512x128xf32>
    %sub3A_296 = vector.broadcast %get3A_11 : f32 to vector<512x128xf32>
    %sub3A_297 = arith.subf %get3A_1, %sub3A_296 : vector<512x128xf32>
    %sub3A_298 = arith.subf %get3A_15, %get3A_11 : f32
    %div3A_299 = vector.broadcast %sub3A_298 : f32 to vector<512x128xf32>
    %div3A_300 = arith.divf %sub3A_297, %div3A_299 : vector<512x128xf32>
    %mul3A_301 = arith.mulf %div3A_300, %add3A_191 : vector<512x128xf32>
    %sub3A_302 = vector.broadcast %get3A_17 : f32 to vector<512x128xf32>
    %sub3A_303 = arith.subf %sub3A_302, %get3A_1 : vector<512x128xf32>
    %sub3A_304 = arith.subf %get3A_17, %get3A_13 : f32
    %div3A_305 = vector.broadcast %sub3A_304 : f32 to vector<512x128xf32>
    %div3A_306 = arith.divf %sub3A_303, %div3A_305 : vector<512x128xf32>
    %mul3A_307 = arith.mulf %div3A_306, %add3A_204 : vector<512x128xf32>
    %add3A_308 = arith.addf %mul3A_301, %mul3A_307 : vector<512x128xf32>
    %sub3A_309 = vector.broadcast %get3A_13 : f32 to vector<512x128xf32>
    %sub3A_310 = arith.subf %get3A_1, %sub3A_309 : vector<512x128xf32>
    %sub3A_311 = arith.subf %get3A_17, %get3A_13 : f32
    %div3A_312 = vector.broadcast %sub3A_311 : f32 to vector<512x128xf32>
    %div3A_313 = arith.divf %sub3A_310, %div3A_312 : vector<512x128xf32>
    %mul3A_314 = arith.mulf %div3A_313, %add3A_204 : vector<512x128xf32>
    %sub3A_315 = vector.broadcast %get3A_19 : f32 to vector<512x128xf32>
    %sub3A_316 = arith.subf %sub3A_315, %get3A_1 : vector<512x128xf32>
    %sub3A_317 = arith.subf %get3A_19, %get3A_15 : f32
    %div3A_318 = vector.broadcast %sub3A_317 : f32 to vector<512x128xf32>
    %div3A_319 = arith.divf %sub3A_316, %div3A_318 : vector<512x128xf32>
    %mul3A_320 = arith.mulf %div3A_319, %add3A_217 : vector<512x128xf32>
    %add3A_321 = arith.addf %mul3A_314, %mul3A_320 : vector<512x128xf32>
    %sub3A_322 = vector.broadcast %get3A_15 : f32 to vector<512x128xf32>
    %sub3A_323 = arith.subf %get3A_1, %sub3A_322 : vector<512x128xf32>
    %sub3A_324 = arith.subf %get3A_19, %get3A_15 : f32
    %div3A_325 = vector.broadcast %sub3A_324 : f32 to vector<512x128xf32>
    %div3A_326 = arith.divf %sub3A_323, %div3A_325 : vector<512x128xf32>
    %mul3A_327 = arith.mulf %div3A_326, %add3A_217 : vector<512x128xf32>
    %sub3A_328 = vector.broadcast %get3A_21 : f32 to vector<512x128xf32>
    %sub3A_329 = arith.subf %sub3A_328, %get3A_1 : vector<512x128xf32>
    %sub3A_330 = arith.subf %get3A_21, %get3A_17 : f32
    %div3A_331 = vector.broadcast %sub3A_330 : f32 to vector<512x128xf32>
    %div3A_332 = arith.divf %sub3A_329, %div3A_331 : vector<512x128xf32>
    %mul3A_333 = arith.mulf %div3A_332, %add3A_230 : vector<512x128xf32>
    %add3A_334 = arith.addf %mul3A_327, %mul3A_333 : vector<512x128xf32>
    %sub3A_335 = vector.broadcast %get3A_17 : f32 to vector<512x128xf32>
    %sub3A_336 = arith.subf %get3A_1, %sub3A_335 : vector<512x128xf32>
    %sub3A_337 = arith.subf %get3A_21, %get3A_17 : f32
    %div3A_338 = vector.broadcast %sub3A_337 : f32 to vector<512x128xf32>
    %div3A_339 = arith.divf %sub3A_336, %div3A_338 : vector<512x128xf32>
    %mul3A_340 = arith.mulf %div3A_339, %add3A_230 : vector<512x128xf32>
    %sub3A_341 = vector.broadcast %get3A_23 : f32 to vector<512x128xf32>
    %sub3A_342 = arith.subf %sub3A_341, %get3A_1 : vector<512x128xf32>
    %sub3A_343 = arith.subf %get3A_23, %get3A_19 : f32
    %div3A_344 = vector.broadcast %sub3A_343 : f32 to vector<512x128xf32>
    %div3A_345 = arith.divf %sub3A_342, %div3A_344 : vector<512x128xf32>
    %mul3A_346 = arith.mulf %div3A_345, %add3A_243 : vector<512x128xf32>
    %add3A_347 = arith.addf %mul3A_340, %mul3A_346 : vector<512x128xf32>
    %sub3A_348 = vector.broadcast %get3A_3 : f32 to vector<512x128xf32>
    %sub3A_349 = arith.subf %get3A_1, %sub3A_348 : vector<512x128xf32>
    %sub3A_350 = arith.subf %get3A_9, %get3A_3 : f32
    %div3A_351 = vector.broadcast %sub3A_350 : f32 to vector<512x128xf32>
    %div3A_352 = arith.divf %sub3A_349, %div3A_351 : vector<512x128xf32>
    %mul3A_353 = arith.mulf %div3A_352, %add3A_256 : vector<512x128xf32>
    %sub3A_354 = vector.broadcast %get3A_11 : f32 to vector<512x128xf32>
    %sub3A_355 = arith.subf %sub3A_354, %get3A_1 : vector<512x128xf32>
    %sub3A_356 = arith.subf %get3A_11, %get3A_5 : f32
    %div3A_357 = vector.broadcast %sub3A_356 : f32 to vector<512x128xf32>
    %div3A_358 = arith.divf %sub3A_355, %div3A_357 : vector<512x128xf32>
    %mul3A_359 = arith.mulf %div3A_358, %add3A_269 : vector<512x128xf32>
    %add3A_360 = arith.addf %mul3A_353, %mul3A_359 : vector<512x128xf32>
    %sub3A_361 = vector.broadcast %get3A_5 : f32 to vector<512x128xf32>
    %sub3A_362 = arith.subf %get3A_1, %sub3A_361 : vector<512x128xf32>
    %sub3A_363 = arith.subf %get3A_11, %get3A_5 : f32
    %div3A_364 = vector.broadcast %sub3A_363 : f32 to vector<512x128xf32>
    %div3A_365 = arith.divf %sub3A_362, %div3A_364 : vector<512x128xf32>
    %mul3A_366 = arith.mulf %div3A_365, %add3A_269 : vector<512x128xf32>
    %sub3A_367 = vector.broadcast %get3A_13 : f32 to vector<512x128xf32>
    %sub3A_368 = arith.subf %sub3A_367, %get3A_1 : vector<512x128xf32>
    %sub3A_369 = arith.subf %get3A_13, %get3A_7 : f32
    %div3A_370 = vector.broadcast %sub3A_369 : f32 to vector<512x128xf32>
    %div3A_371 = arith.divf %sub3A_368, %div3A_370 : vector<512x128xf32>
    %mul3A_372 = arith.mulf %div3A_371, %add3A_282 : vector<512x128xf32>
    %add3A_373 = arith.addf %mul3A_366, %mul3A_372 : vector<512x128xf32>
    %sub3A_374 = vector.broadcast %get3A_7 : f32 to vector<512x128xf32>
    %sub3A_375 = arith.subf %get3A_1, %sub3A_374 : vector<512x128xf32>
    %sub3A_376 = arith.subf %get3A_13, %get3A_7 : f32
    %div3A_377 = vector.broadcast %sub3A_376 : f32 to vector<512x128xf32>
    %div3A_378 = arith.divf %sub3A_375, %div3A_377 : vector<512x128xf32>
    %mul3A_379 = arith.mulf %div3A_378, %add3A_282 : vector<512x128xf32>
    %sub3A_380 = vector.broadcast %get3A_15 : f32 to vector<512x128xf32>
    %sub3A_381 = arith.subf %sub3A_380, %get3A_1 : vector<512x128xf32>
    %sub3A_382 = arith.subf %get3A_15, %get3A_9 : f32
    %div3A_383 = vector.broadcast %sub3A_382 : f32 to vector<512x128xf32>
    %div3A_384 = arith.divf %sub3A_381, %div3A_383 : vector<512x128xf32>
    %mul3A_385 = arith.mulf %div3A_384, %add3A_295 : vector<512x128xf32>
    %add3A_386 = arith.addf %mul3A_379, %mul3A_385 : vector<512x128xf32>
    %sub3A_387 = vector.broadcast %get3A_9 : f32 to vector<512x128xf32>
    %sub3A_388 = arith.subf %get3A_1, %sub3A_387 : vector<512x128xf32>
    %sub3A_389 = arith.subf %get3A_15, %get3A_9 : f32
    %div3A_390 = vector.broadcast %sub3A_389 : f32 to vector<512x128xf32>
    %div3A_391 = arith.divf %sub3A_388, %div3A_390 : vector<512x128xf32>
    %mul3A_392 = arith.mulf %div3A_391, %add3A_295 : vector<512x128xf32>
    %sub3A_393 = vector.broadcast %get3A_17 : f32 to vector<512x128xf32>
    %sub3A_394 = arith.subf %sub3A_393, %get3A_1 : vector<512x128xf32>
    %sub3A_395 = arith.subf %get3A_17, %get3A_11 : f32
    %div3A_396 = vector.broadcast %sub3A_395 : f32 to vector<512x128xf32>
    %div3A_397 = arith.divf %sub3A_394, %div3A_396 : vector<512x128xf32>
    %mul3A_398 = arith.mulf %div3A_397, %add3A_308 : vector<512x128xf32>
    %add3A_399 = arith.addf %mul3A_392, %mul3A_398 : vector<512x128xf32>
    %sub3A_400 = vector.broadcast %get3A_11 : f32 to vector<512x128xf32>
    %sub3A_401 = arith.subf %get3A_1, %sub3A_400 : vector<512x128xf32>
    %sub3A_402 = arith.subf %get3A_17, %get3A_11 : f32
    %div3A_403 = vector.broadcast %sub3A_402 : f32 to vector<512x128xf32>
    %div3A_404 = arith.divf %sub3A_401, %div3A_403 : vector<512x128xf32>
    %mul3A_405 = arith.mulf %div3A_404, %add3A_308 : vector<512x128xf32>
    %sub3A_406 = vector.broadcast %get3A_19 : f32 to vector<512x128xf32>
    %sub3A_407 = arith.subf %sub3A_406, %get3A_1 : vector<512x128xf32>
    %sub3A_408 = arith.subf %get3A_19, %get3A_13 : f32
    %div3A_409 = vector.broadcast %sub3A_408 : f32 to vector<512x128xf32>
    %div3A_410 = arith.divf %sub3A_407, %div3A_409 : vector<512x128xf32>
    %mul3A_411 = arith.mulf %div3A_410, %add3A_321 : vector<512x128xf32>
    %add3A_412 = arith.addf %mul3A_405, %mul3A_411 : vector<512x128xf32>
    %sub3A_413 = vector.broadcast %get3A_13 : f32 to vector<512x128xf32>
    %sub3A_414 = arith.subf %get3A_1, %sub3A_413 : vector<512x128xf32>
    %sub3A_415 = arith.subf %get3A_19, %get3A_13 : f32
    %div3A_416 = vector.broadcast %sub3A_415 : f32 to vector<512x128xf32>
    %div3A_417 = arith.divf %sub3A_414, %div3A_416 : vector<512x128xf32>
    %mul3A_418 = arith.mulf %div3A_417, %add3A_321 : vector<512x128xf32>
    %sub3A_419 = vector.broadcast %get3A_21 : f32 to vector<512x128xf32>
    %sub3A_420 = arith.subf %sub3A_419, %get3A_1 : vector<512x128xf32>
    %sub3A_421 = arith.subf %get3A_21, %get3A_15 : f32
    %div3A_422 = vector.broadcast %sub3A_421 : f32 to vector<512x128xf32>
    %div3A_423 = arith.divf %sub3A_420, %div3A_422 : vector<512x128xf32>
    %mul3A_424 = arith.mulf %div3A_423, %add3A_334 : vector<512x128xf32>
    %add3A_425 = arith.addf %mul3A_418, %mul3A_424 : vector<512x128xf32>
    %sub3A_426 = vector.broadcast %get3A_15 : f32 to vector<512x128xf32>
    %sub3A_427 = arith.subf %get3A_1, %sub3A_426 : vector<512x128xf32>
    %sub3A_428 = arith.subf %get3A_21, %get3A_15 : f32
    %div3A_429 = vector.broadcast %sub3A_428 : f32 to vector<512x128xf32>
    %div3A_430 = arith.divf %sub3A_427, %div3A_429 : vector<512x128xf32>
    %mul3A_431 = arith.mulf %div3A_430, %add3A_334 : vector<512x128xf32>
    %sub3A_432 = vector.broadcast %get3A_23 : f32 to vector<512x128xf32>
    %sub3A_433 = arith.subf %sub3A_432, %get3A_1 : vector<512x128xf32>
    %sub3A_434 = arith.subf %get3A_23, %get3A_17 : f32
    %div3A_435 = vector.broadcast %sub3A_434 : f32 to vector<512x128xf32>
    %div3A_436 = arith.divf %sub3A_433, %div3A_435 : vector<512x128xf32>
    %mul3A_437 = arith.mulf %div3A_436, %add3A_347 : vector<512x128xf32>
    %add3A_438 = arith.addf %mul3A_431, %mul3A_437 : vector<512x128xf32>
    %get3A_439 = arith.constant 0 : index
    %get3A_440 = arith.constant 0 : index
    %get3A_441 = vector.load %arg7[%get3A_439, %get3A_440] : memref<128x40xf32, #tpu.memory_space<vmem>>, vector<128x40xf32>
    %get3A_442 = arith.constant 0 : index
    %get3A_443 = arith.constant 0 : index
    %get3A_444 = arith.constant 0 : index
    %get3A_445 = vector.load %arg6[%get3A_442, %get3A_443, %get3A_444] : memref<7x128x40xf32, #tpu.memory_space<vmem>>, vector<1x128x40xf32>
    %get3A_446 = vector.shape_cast %get3A_445 : vector<1x128x40xf32> to vector<128x40xf32>
    %mul3A_447 = arith.mulf %get3A_446, %get3A_441 : vector<128x40xf32>
    %dot_general3A_448 = arith.constant dense<0.000000e+00> : vector<512x40xf32>
    %dot_general3A_449 = tpu.matmul %add3A_360, %mul3A_447, %dot_general3A_448 {dimension_numbers = #tpu.dot_dimension_numbers<[1], [0], [0], [1], [0, 0, 1, 1], [], []>, transpose_lhs_hint = false} : vector<512x128xf32>, vector<128x40xf32>, vector<512x40xf32> -> vector<512x40xf32>
    %add3A_450 = arith.addf %dot_general3A_33, %dot_general3A_449 : vector<512x40xf32>
    %get3A_451 = arith.constant 1 : index
    %get3A_452 = arith.constant 0 : index
    %get3A_453 = arith.constant 0 : index
    %get3A_454 = vector.load %arg6[%get3A_451, %get3A_452, %get3A_453] : memref<7x128x40xf32, #tpu.memory_space<vmem>>, vector<1x128x40xf32>
    %get3A_455 = vector.shape_cast %get3A_454 : vector<1x128x40xf32> to vector<128x40xf32>
    %mul3A_456 = arith.mulf %get3A_455, %get3A_441 : vector<128x40xf32>
    %dot_general3A_457 = arith.constant dense<0.000000e+00> : vector<512x40xf32>
    %dot_general3A_458 = tpu.matmul %add3A_373, %mul3A_456, %dot_general3A_457 {dimension_numbers = #tpu.dot_dimension_numbers<[1], [0], [0], [1], [0, 0, 1, 1], [], []>, transpose_lhs_hint = false} : vector<512x128xf32>, vector<128x40xf32>, vector<512x40xf32> -> vector<512x40xf32>
    %add3A_459 = arith.addf %add3A_450, %dot_general3A_458 : vector<512x40xf32>
    %get3A_460 = arith.constant 2 : index
    %get3A_461 = arith.constant 0 : index
    %get3A_462 = arith.constant 0 : index
    %get3A_463 = vector.load %arg6[%get3A_460, %get3A_461, %get3A_462] : memref<7x128x40xf32, #tpu.memory_space<vmem>>, vector<1x128x40xf32>
    %get3A_464 = vector.shape_cast %get3A_463 : vector<1x128x40xf32> to vector<128x40xf32>
    %mul3A_465 = arith.mulf %get3A_464, %get3A_441 : vector<128x40xf32>
    %dot_general3A_466 = arith.constant dense<0.000000e+00> : vector<512x40xf32>
    %dot_general3A_467 = tpu.matmul %add3A_386, %mul3A_465, %dot_general3A_466 {dimension_numbers = #tpu.dot_dimension_numbers<[1], [0], [0], [1], [0, 0, 1, 1], [], []>, transpose_lhs_hint = false} : vector<512x128xf32>, vector<128x40xf32>, vector<512x40xf32> -> vector<512x40xf32>
    %add3A_468 = arith.addf %add3A_459, %dot_general3A_467 : vector<512x40xf32>
    %get3A_469 = arith.constant 3 : index
    %get3A_470 = arith.constant 0 : index
    %get3A_471 = arith.constant 0 : index
    %get3A_472 = vector.load %arg6[%get3A_469, %get3A_470, %get3A_471] : memref<7x128x40xf32, #tpu.memory_space<vmem>>, vector<1x128x40xf32>
    %get3A_473 = vector.shape_cast %get3A_472 : vector<1x128x40xf32> to vector<128x40xf32>
    %mul3A_474 = arith.mulf %get3A_473, %get3A_441 : vector<128x40xf32>
    %dot_general3A_475 = arith.constant dense<0.000000e+00> : vector<512x40xf32>
    %dot_general3A_476 = tpu.matmul %add3A_399, %mul3A_474, %dot_general3A_475 {dimension_numbers = #tpu.dot_dimension_numbers<[1], [0], [0], [1], [0, 0, 1, 1], [], []>, transpose_lhs_hint = false} : vector<512x128xf32>, vector<128x40xf32>, vector<512x40xf32> -> vector<512x40xf32>
    %add3A_477 = arith.addf %add3A_468, %dot_general3A_476 : vector<512x40xf32>
    %get3A_478 = arith.constant 4 : index
    %get3A_479 = arith.constant 0 : index
    %get3A_480 = arith.constant 0 : index
    %get3A_481 = vector.load %arg6[%get3A_478, %get3A_479, %get3A_480] : memref<7x128x40xf32, #tpu.memory_space<vmem>>, vector<1x128x40xf32>
    %get3A_482 = vector.shape_cast %get3A_481 : vector<1x128x40xf32> to vector<128x40xf32>
    %mul3A_483 = arith.mulf %get3A_482, %get3A_441 : vector<128x40xf32>
    %dot_general3A_484 = arith.constant dense<0.000000e+00> : vector<512x40xf32>
    %dot_general3A_485 = tpu.matmul %add3A_412, %mul3A_483, %dot_general3A_484 {dimension_numbers = #tpu.dot_dimension_numbers<[1], [0], [0], [1], [0, 0, 1, 1], [], []>, transpose_lhs_hint = false} : vector<512x128xf32>, vector<128x40xf32>, vector<512x40xf32> -> vector<512x40xf32>
    %add3A_486 = arith.addf %add3A_477, %dot_general3A_485 : vector<512x40xf32>
    %get3A_487 = arith.constant 5 : index
    %get3A_488 = arith.constant 0 : index
    %get3A_489 = arith.constant 0 : index
    %get3A_490 = vector.load %arg6[%get3A_487, %get3A_488, %get3A_489] : memref<7x128x40xf32, #tpu.memory_space<vmem>>, vector<1x128x40xf32>
    %get3A_491 = vector.shape_cast %get3A_490 : vector<1x128x40xf32> to vector<128x40xf32>
    %mul3A_492 = arith.mulf %get3A_491, %get3A_441 : vector<128x40xf32>
    %dot_general3A_493 = arith.constant dense<0.000000e+00> : vector<512x40xf32>
    %dot_general3A_494 = tpu.matmul %add3A_425, %mul3A_492, %dot_general3A_493 {dimension_numbers = #tpu.dot_dimension_numbers<[1], [0], [0], [1], [0, 0, 1, 1], [], []>, transpose_lhs_hint = false} : vector<512x128xf32>, vector<128x40xf32>, vector<512x40xf32> -> vector<512x40xf32>
    %add3A_495 = arith.addf %add3A_486, %dot_general3A_494 : vector<512x40xf32>
    %get3A_496 = arith.constant 6 : index
    %get3A_497 = arith.constant 0 : index
    %get3A_498 = arith.constant 0 : index
    %get3A_499 = vector.load %arg6[%get3A_496, %get3A_497, %get3A_498] : memref<7x128x40xf32, #tpu.memory_space<vmem>>, vector<1x128x40xf32>
    %get3A_500 = vector.shape_cast %get3A_499 : vector<1x128x40xf32> to vector<128x40xf32>
    %mul3A_501 = arith.mulf %get3A_500, %get3A_441 : vector<128x40xf32>
    %dot_general3A_502 = arith.constant dense<0.000000e+00> : vector<512x40xf32>
    %dot_general3A_503 = tpu.matmul %add3A_438, %mul3A_501, %dot_general3A_502 {dimension_numbers = #tpu.dot_dimension_numbers<[1], [0], [0], [1], [0, 0, 1, 1], [], []>, transpose_lhs_hint = false} : vector<512x128xf32>, vector<128x40xf32>, vector<512x40xf32> -> vector<512x40xf32>
    %add3A_504 = arith.addf %add3A_495, %dot_general3A_503 : vector<512x40xf32>
    %get3A_505 = arith.constant 0 : index
    %get3A_506 = arith.constant 0 : index
    %get3A_507 = vector.load %arg2[%get3A_505, %get3A_506] : memref<512x64xf32, #tpu.memory_space<vmem>>, vector<512x64xf32>
    %get3A_508 = arith.constant 0 : index
    %get3A_509 = memref.load %arg4[%get3A_508] : memref<11xf32, #tpu.memory_space<smem>>
    %get3A_510 = arith.constant 1 : index
    %get3A_511 = memref.load %arg4[%get3A_510] : memref<11xf32, #tpu.memory_space<smem>>
    %get3A_512 = arith.constant 2 : index
    %get3A_513 = memref.load %arg4[%get3A_512] : memref<11xf32, #tpu.memory_space<smem>>
    %get3A_514 = arith.constant 3 : index
    %get3A_515 = memref.load %arg4[%get3A_514] : memref<11xf32, #tpu.memory_space<smem>>
    %get3A_516 = arith.constant 4 : index
    %get3A_517 = memref.load %arg4[%get3A_516] : memref<11xf32, #tpu.memory_space<smem>>
    %get3A_518 = arith.constant 5 : index
    %get3A_519 = memref.load %arg4[%get3A_518] : memref<11xf32, #tpu.memory_space<smem>>
    %get3A_520 = arith.constant 6 : index
    %get3A_521 = memref.load %arg4[%get3A_520] : memref<11xf32, #tpu.memory_space<smem>>
    %get3A_522 = arith.constant 7 : index
    %get3A_523 = memref.load %arg4[%get3A_522] : memref<11xf32, #tpu.memory_space<smem>>
    %get3A_524 = arith.constant 8 : index
    %get3A_525 = memref.load %arg4[%get3A_524] : memref<11xf32, #tpu.memory_space<smem>>
    %get3A_526 = arith.constant 9 : index
    %get3A_527 = memref.load %arg4[%get3A_526] : memref<11xf32, #tpu.memory_space<smem>>
    %get3A_528 = arith.constant 10 : index
    %get3A_529 = memref.load %arg4[%get3A_528] : memref<11xf32, #tpu.memory_space<smem>>
    %neg3A_530 = arith.constant 0.000000e+00 : f32
    %neg3A_531 = vector.broadcast %neg3A_530 : f32 to vector<512x64xf32>
    %neg3A_532 = arith.subf %neg3A_531, %get3A_507 : vector<512x64xf32>
    %exp3A_533 = math.exp %neg3A_532 : vector<512x64xf32>
    %add3A_534 = arith.constant 1.000000e+00 : f32
    %add3A_535 = vector.broadcast %add3A_534 : f32 to vector<512x64xf32>
    %add3A_536 = arith.addf %add3A_535, %exp3A_533 : vector<512x64xf32>
    %div3A_537 = arith.constant 1.000000e+00 : f32
    %div3A_538 = vector.broadcast %div3A_537 : f32 to vector<512x64xf32>
    %div3A_539 = arith.divf %div3A_538, %add3A_536 : vector<512x64xf32>
    %mul3A_540 = arith.mulf %get3A_507, %div3A_539 : vector<512x64xf32>
    %get3A_541 = arith.constant 0 : index
    %get3A_542 = arith.constant 0 : index
    %get3A_543 = vector.load %arg8[%get3A_541, %get3A_542] : memref<64x40xf32, #tpu.memory_space<vmem>>, vector<64x40xf32>
    %dot_general3A_544 = arith.constant dense<0.000000e+00> : vector<512x40xf32>
    %dot_general3A_545 = tpu.matmul %mul3A_540, %get3A_543, %dot_general3A_544 {dimension_numbers = #tpu.dot_dimension_numbers<[1], [0], [0], [1], [0, 0, 1, 1], [], []>, transpose_lhs_hint = false} : vector<512x64xf32>, vector<64x40xf32>, vector<512x40xf32> -> vector<512x40xf32>
    %ge3A_546 = vector.broadcast %get3A_509 : f32 to vector<512x64xf32>
    %ge3A_547 = arith.cmpf oge, %get3A_507, %ge3A_546 : vector<512x64xf32>
    %lt3A_548 = vector.broadcast %get3A_511 : f32 to vector<512x64xf32>
    %lt3A_549 = arith.cmpf olt, %get3A_507, %lt3A_548 : vector<512x64xf32>
    %and3A_550 = arith.andi %ge3A_547, %lt3A_549 : vector<512x64xi1>
    %jit3A_551 = arith.constant 1.000000e+00 : f32
    %jit3A_552 = arith.constant 0.000000e+00 : f32
    %broadcast_in_dim3A_553 = vector.broadcast %jit3A_551 : f32 to vector<512x64xf32>
    %broadcast_in_dim3A_554 = vector.broadcast %jit3A_552 : f32 to vector<512x64xf32>
    %select_n3A_555 = arith.select %and3A_550, %broadcast_in_dim3A_553, %broadcast_in_dim3A_554 : vector<512x64xi1>, vector<512x64xf32>
    %ge3A_556 = vector.broadcast %get3A_511 : f32 to vector<512x64xf32>
    %ge3A_557 = arith.cmpf oge, %get3A_507, %ge3A_556 : vector<512x64xf32>
    %lt3A_558 = vector.broadcast %get3A_513 : f32 to vector<512x64xf32>
    %lt3A_559 = arith.cmpf olt, %get3A_507, %lt3A_558 : vector<512x64xf32>
    %and3A_560 = arith.andi %ge3A_557, %lt3A_559 : vector<512x64xi1>
    %jit3A_561 = arith.constant 1.000000e+00 : f32
    %jit3A_562 = arith.constant 0.000000e+00 : f32
    %broadcast_in_dim3A_563 = vector.broadcast %jit3A_561 : f32 to vector<512x64xf32>
    %broadcast_in_dim3A_564 = vector.broadcast %jit3A_562 : f32 to vector<512x64xf32>
    %select_n3A_565 = arith.select %and3A_560, %broadcast_in_dim3A_563, %broadcast_in_dim3A_564 : vector<512x64xi1>, vector<512x64xf32>
    %ge3A_566 = vector.broadcast %get3A_513 : f32 to vector<512x64xf32>
    %ge3A_567 = arith.cmpf oge, %get3A_507, %ge3A_566 : vector<512x64xf32>
    %lt3A_568 = vector.broadcast %get3A_515 : f32 to vector<512x64xf32>
    %lt3A_569 = arith.cmpf olt, %get3A_507, %lt3A_568 : vector<512x64xf32>
    %and3A_570 = arith.andi %ge3A_567, %lt3A_569 : vector<512x64xi1>
    %jit3A_571 = arith.constant 1.000000e+00 : f32
    %jit3A_572 = arith.constant 0.000000e+00 : f32
    %broadcast_in_dim3A_573 = vector.broadcast %jit3A_571 : f32 to vector<512x64xf32>
    %broadcast_in_dim3A_574 = vector.broadcast %jit3A_572 : f32 to vector<512x64xf32>
    %select_n3A_575 = arith.select %and3A_570, %broadcast_in_dim3A_573, %broadcast_in_dim3A_574 : vector<512x64xi1>, vector<512x64xf32>
    %ge3A_576 = vector.broadcast %get3A_515 : f32 to vector<512x64xf32>
    %ge3A_577 = arith.cmpf oge, %get3A_507, %ge3A_576 : vector<512x64xf32>
    %lt3A_578 = vector.broadcast %get3A_517 : f32 to vector<512x64xf32>
    %lt3A_579 = arith.cmpf olt, %get3A_507, %lt3A_578 : vector<512x64xf32>
    %and3A_580 = arith.andi %ge3A_577, %lt3A_579 : vector<512x64xi1>
    %jit3A_581 = arith.constant 1.000000e+00 : f32
    %jit3A_582 = arith.constant 0.000000e+00 : f32
    %broadcast_in_dim3A_583 = vector.broadcast %jit3A_581 : f32 to vector<512x64xf32>
    %broadcast_in_dim3A_584 = vector.broadcast %jit3A_582 : f32 to vector<512x64xf32>
    %select_n3A_585 = arith.select %and3A_580, %broadcast_in_dim3A_583, %broadcast_in_dim3A_584 : vector<512x64xi1>, vector<512x64xf32>
    %ge3A_586 = vector.broadcast %get3A_517 : f32 to vector<512x64xf32>
    %ge3A_587 = arith.cmpf oge, %get3A_507, %ge3A_586 : vector<512x64xf32>
    %lt3A_588 = vector.broadcast %get3A_519 : f32 to vector<512x64xf32>
    %lt3A_589 = arith.cmpf olt, %get3A_507, %lt3A_588 : vector<512x64xf32>
    %and3A_590 = arith.andi %ge3A_587, %lt3A_589 : vector<512x64xi1>
    %jit3A_591 = arith.constant 1.000000e+00 : f32
    %jit3A_592 = arith.constant 0.000000e+00 : f32
    %broadcast_in_dim3A_593 = vector.broadcast %jit3A_591 : f32 to vector<512x64xf32>
    %broadcast_in_dim3A_594 = vector.broadcast %jit3A_592 : f32 to vector<512x64xf32>
    %select_n3A_595 = arith.select %and3A_590, %broadcast_in_dim3A_593, %broadcast_in_dim3A_594 : vector<512x64xi1>, vector<512x64xf32>
    %ge3A_596 = vector.broadcast %get3A_519 : f32 to vector<512x64xf32>
    %ge3A_597 = arith.cmpf oge, %get3A_507, %ge3A_596 : vector<512x64xf32>
    %lt3A_598 = vector.broadcast %get3A_521 : f32 to vector<512x64xf32>
    %lt3A_599 = arith.cmpf olt, %get3A_507, %lt3A_598 : vector<512x64xf32>
    %and3A_600 = arith.andi %ge3A_597, %lt3A_599 : vector<512x64xi1>
    %jit3A_601 = arith.constant 1.000000e+00 : f32
    %jit3A_602 = arith.constant 0.000000e+00 : f32
    %broadcast_in_dim3A_603 = vector.broadcast %jit3A_601 : f32 to vector<512x64xf32>
    %broadcast_in_dim3A_604 = vector.broadcast %jit3A_602 : f32 to vector<512x64xf32>
    %select_n3A_605 = arith.select %and3A_600, %broadcast_in_dim3A_603, %broadcast_in_dim3A_604 : vector<512x64xi1>, vector<512x64xf32>
    %ge3A_606 = vector.broadcast %get3A_521 : f32 to vector<512x64xf32>
    %ge3A_607 = arith.cmpf oge, %get3A_507, %ge3A_606 : vector<512x64xf32>
    %lt3A_608 = vector.broadcast %get3A_523 : f32 to vector<512x64xf32>
    %lt3A_609 = arith.cmpf olt, %get3A_507, %lt3A_608 : vector<512x64xf32>
    %and3A_610 = arith.andi %ge3A_607, %lt3A_609 : vector<512x64xi1>
    %jit3A_611 = arith.constant 1.000000e+00 : f32
    %jit3A_612 = arith.constant 0.000000e+00 : f32
    %broadcast_in_dim3A_613 = vector.broadcast %jit3A_611 : f32 to vector<512x64xf32>
    %broadcast_in_dim3A_614 = vector.broadcast %jit3A_612 : f32 to vector<512x64xf32>
    %select_n3A_615 = arith.select %and3A_610, %broadcast_in_dim3A_613, %broadcast_in_dim3A_614 : vector<512x64xi1>, vector<512x64xf32>
    %ge3A_616 = vector.broadcast %get3A_523 : f32 to vector<512x64xf32>
    %ge3A_617 = arith.cmpf oge, %get3A_507, %ge3A_616 : vector<512x64xf32>
    %lt3A_618 = vector.broadcast %get3A_525 : f32 to vector<512x64xf32>
    %lt3A_619 = arith.cmpf olt, %get3A_507, %lt3A_618 : vector<512x64xf32>
    %and3A_620 = arith.andi %ge3A_617, %lt3A_619 : vector<512x64xi1>
    %jit3A_621 = arith.constant 1.000000e+00 : f32
    %jit3A_622 = arith.constant 0.000000e+00 : f32
    %broadcast_in_dim3A_623 = vector.broadcast %jit3A_621 : f32 to vector<512x64xf32>
    %broadcast_in_dim3A_624 = vector.broadcast %jit3A_622 : f32 to vector<512x64xf32>
    %select_n3A_625 = arith.select %and3A_620, %broadcast_in_dim3A_623, %broadcast_in_dim3A_624 : vector<512x64xi1>, vector<512x64xf32>
    %ge3A_626 = vector.broadcast %get3A_525 : f32 to vector<512x64xf32>
    %ge3A_627 = arith.cmpf oge, %get3A_507, %ge3A_626 : vector<512x64xf32>
    %lt3A_628 = vector.broadcast %get3A_527 : f32 to vector<512x64xf32>
    %lt3A_629 = arith.cmpf olt, %get3A_507, %lt3A_628 : vector<512x64xf32>
    %and3A_630 = arith.andi %ge3A_627, %lt3A_629 : vector<512x64xi1>
    %jit3A_631 = arith.constant 1.000000e+00 : f32
    %jit3A_632 = arith.constant 0.000000e+00 : f32
    %broadcast_in_dim3A_633 = vector.broadcast %jit3A_631 : f32 to vector<512x64xf32>
    %broadcast_in_dim3A_634 = vector.broadcast %jit3A_632 : f32 to vector<512x64xf32>
    %select_n3A_635 = arith.select %and3A_630, %broadcast_in_dim3A_633, %broadcast_in_dim3A_634 : vector<512x64xi1>, vector<512x64xf32>
    %ge3A_636 = vector.broadcast %get3A_527 : f32 to vector<512x64xf32>
    %ge3A_637 = arith.cmpf oge, %get3A_507, %ge3A_636 : vector<512x64xf32>
    %lt3A_638 = vector.broadcast %get3A_529 : f32 to vector<512x64xf32>
    %lt3A_639 = arith.cmpf olt, %get3A_507, %lt3A_638 : vector<512x64xf32>
    %and3A_640 = arith.andi %ge3A_637, %lt3A_639 : vector<512x64xi1>
    %jit3A_641 = arith.constant 1.000000e+00 : f32
    %jit3A_642 = arith.constant 0.000000e+00 : f32
    %broadcast_in_dim3A_643 = vector.broadcast %jit3A_641 : f32 to vector<512x64xf32>
    %broadcast_in_dim3A_644 = vector.broadcast %jit3A_642 : f32 to vector<512x64xf32>
    %select_n3A_645 = arith.select %and3A_640, %broadcast_in_dim3A_643, %broadcast_in_dim3A_644 : vector<512x64xi1>, vector<512x64xf32>
    %sub3A_646 = vector.broadcast %get3A_509 : f32 to vector<512x64xf32>
    %sub3A_647 = arith.subf %get3A_507, %sub3A_646 : vector<512x64xf32>
    %sub3A_648 = arith.subf %get3A_511, %get3A_509 : f32
    %div3A_649 = vector.broadcast %sub3A_648 : f32 to vector<512x64xf32>
    %div3A_650 = arith.divf %sub3A_647, %div3A_649 : vector<512x64xf32>
    %mul3A_651 = arith.mulf %div3A_650, %select_n3A_555 : vector<512x64xf32>
    %sub3A_652 = vector.broadcast %get3A_513 : f32 to vector<512x64xf32>
    %sub3A_653 = arith.subf %sub3A_652, %get3A_507 : vector<512x64xf32>
    %sub3A_654 = arith.subf %get3A_513, %get3A_511 : f32
    %div3A_655 = vector.broadcast %sub3A_654 : f32 to vector<512x64xf32>
    %div3A_656 = arith.divf %sub3A_653, %div3A_655 : vector<512x64xf32>
    %mul3A_657 = arith.mulf %div3A_656, %select_n3A_565 : vector<512x64xf32>
    %add3A_658 = arith.addf %mul3A_651, %mul3A_657 : vector<512x64xf32>
    %sub3A_659 = vector.broadcast %get3A_511 : f32 to vector<512x64xf32>
    %sub3A_660 = arith.subf %get3A_507, %sub3A_659 : vector<512x64xf32>
    %sub3A_661 = arith.subf %get3A_513, %get3A_511 : f32
    %div3A_662 = vector.broadcast %sub3A_661 : f32 to vector<512x64xf32>
    %div3A_663 = arith.divf %sub3A_660, %div3A_662 : vector<512x64xf32>
    %mul3A_664 = arith.mulf %div3A_663, %select_n3A_565 : vector<512x64xf32>
    %sub3A_665 = vector.broadcast %get3A_515 : f32 to vector<512x64xf32>
    %sub3A_666 = arith.subf %sub3A_665, %get3A_507 : vector<512x64xf32>
    %sub3A_667 = arith.subf %get3A_515, %get3A_513 : f32
    %div3A_668 = vector.broadcast %sub3A_667 : f32 to vector<512x64xf32>
    %div3A_669 = arith.divf %sub3A_666, %div3A_668 : vector<512x64xf32>
    %mul3A_670 = arith.mulf %div3A_669, %select_n3A_575 : vector<512x64xf32>
    %add3A_671 = arith.addf %mul3A_664, %mul3A_670 : vector<512x64xf32>
    %sub3A_672 = vector.broadcast %get3A_513 : f32 to vector<512x64xf32>
    %sub3A_673 = arith.subf %get3A_507, %sub3A_672 : vector<512x64xf32>
    %sub3A_674 = arith.subf %get3A_515, %get3A_513 : f32
    %div3A_675 = vector.broadcast %sub3A_674 : f32 to vector<512x64xf32>
    %div3A_676 = arith.divf %sub3A_673, %div3A_675 : vector<512x64xf32>
    %mul3A_677 = arith.mulf %div3A_676, %select_n3A_575 : vector<512x64xf32>
    %sub3A_678 = vector.broadcast %get3A_517 : f32 to vector<512x64xf32>
    %sub3A_679 = arith.subf %sub3A_678, %get3A_507 : vector<512x64xf32>
    %sub3A_680 = arith.subf %get3A_517, %get3A_515 : f32
    %div3A_681 = vector.broadcast %sub3A_680 : f32 to vector<512x64xf32>
    %div3A_682 = arith.divf %sub3A_679, %div3A_681 : vector<512x64xf32>
    %mul3A_683 = arith.mulf %div3A_682, %select_n3A_585 : vector<512x64xf32>
    %add3A_684 = arith.addf %mul3A_677, %mul3A_683 : vector<512x64xf32>
    %sub3A_685 = vector.broadcast %get3A_515 : f32 to vector<512x64xf32>
    %sub3A_686 = arith.subf %get3A_507, %sub3A_685 : vector<512x64xf32>
    %sub3A_687 = arith.subf %get3A_517, %get3A_515 : f32
    %div3A_688 = vector.broadcast %sub3A_687 : f32 to vector<512x64xf32>
    %div3A_689 = arith.divf %sub3A_686, %div3A_688 : vector<512x64xf32>
    %mul3A_690 = arith.mulf %div3A_689, %select_n3A_585 : vector<512x64xf32>
    %sub3A_691 = vector.broadcast %get3A_519 : f32 to vector<512x64xf32>
    %sub3A_692 = arith.subf %sub3A_691, %get3A_507 : vector<512x64xf32>
    %sub3A_693 = arith.subf %get3A_519, %get3A_517 : f32
    %div3A_694 = vector.broadcast %sub3A_693 : f32 to vector<512x64xf32>
    %div3A_695 = arith.divf %sub3A_692, %div3A_694 : vector<512x64xf32>
    %mul3A_696 = arith.mulf %div3A_695, %select_n3A_595 : vector<512x64xf32>
    %add3A_697 = arith.addf %mul3A_690, %mul3A_696 : vector<512x64xf32>
    %sub3A_698 = vector.broadcast %get3A_517 : f32 to vector<512x64xf32>
    %sub3A_699 = arith.subf %get3A_507, %sub3A_698 : vector<512x64xf32>
    %sub3A_700 = arith.subf %get3A_519, %get3A_517 : f32
    %div3A_701 = vector.broadcast %sub3A_700 : f32 to vector<512x64xf32>
    %div3A_702 = arith.divf %sub3A_699, %div3A_701 : vector<512x64xf32>
    %mul3A_703 = arith.mulf %div3A_702, %select_n3A_595 : vector<512x64xf32>
    %sub3A_704 = vector.broadcast %get3A_521 : f32 to vector<512x64xf32>
    %sub3A_705 = arith.subf %sub3A_704, %get3A_507 : vector<512x64xf32>
    %sub3A_706 = arith.subf %get3A_521, %get3A_519 : f32
    %div3A_707 = vector.broadcast %sub3A_706 : f32 to vector<512x64xf32>
    %div3A_708 = arith.divf %sub3A_705, %div3A_707 : vector<512x64xf32>
    %mul3A_709 = arith.mulf %div3A_708, %select_n3A_605 : vector<512x64xf32>
    %add3A_710 = arith.addf %mul3A_703, %mul3A_709 : vector<512x64xf32>
    %sub3A_711 = vector.broadcast %get3A_519 : f32 to vector<512x64xf32>
    %sub3A_712 = arith.subf %get3A_507, %sub3A_711 : vector<512x64xf32>
    %sub3A_713 = arith.subf %get3A_521, %get3A_519 : f32
    %div3A_714 = vector.broadcast %sub3A_713 : f32 to vector<512x64xf32>
    %div3A_715 = arith.divf %sub3A_712, %div3A_714 : vector<512x64xf32>
    %mul3A_716 = arith.mulf %div3A_715, %select_n3A_605 : vector<512x64xf32>
    %sub3A_717 = vector.broadcast %get3A_523 : f32 to vector<512x64xf32>
    %sub3A_718 = arith.subf %sub3A_717, %get3A_507 : vector<512x64xf32>
    %sub3A_719 = arith.subf %get3A_523, %get3A_521 : f32
    %div3A_720 = vector.broadcast %sub3A_719 : f32 to vector<512x64xf32>
    %div3A_721 = arith.divf %sub3A_718, %div3A_720 : vector<512x64xf32>
    %mul3A_722 = arith.mulf %div3A_721, %select_n3A_615 : vector<512x64xf32>
    %add3A_723 = arith.addf %mul3A_716, %mul3A_722 : vector<512x64xf32>
    %sub3A_724 = vector.broadcast %get3A_521 : f32 to vector<512x64xf32>
    %sub3A_725 = arith.subf %get3A_507, %sub3A_724 : vector<512x64xf32>
    %sub3A_726 = arith.subf %get3A_523, %get3A_521 : f32
    %div3A_727 = vector.broadcast %sub3A_726 : f32 to vector<512x64xf32>
    %div3A_728 = arith.divf %sub3A_725, %div3A_727 : vector<512x64xf32>
    %mul3A_729 = arith.mulf %div3A_728, %select_n3A_615 : vector<512x64xf32>
    %sub3A_730 = vector.broadcast %get3A_525 : f32 to vector<512x64xf32>
    %sub3A_731 = arith.subf %sub3A_730, %get3A_507 : vector<512x64xf32>
    %sub3A_732 = arith.subf %get3A_525, %get3A_523 : f32
    %div3A_733 = vector.broadcast %sub3A_732 : f32 to vector<512x64xf32>
    %div3A_734 = arith.divf %sub3A_731, %div3A_733 : vector<512x64xf32>
    %mul3A_735 = arith.mulf %div3A_734, %select_n3A_625 : vector<512x64xf32>
    %add3A_736 = arith.addf %mul3A_729, %mul3A_735 : vector<512x64xf32>
    %sub3A_737 = vector.broadcast %get3A_523 : f32 to vector<512x64xf32>
    %sub3A_738 = arith.subf %get3A_507, %sub3A_737 : vector<512x64xf32>
    %sub3A_739 = arith.subf %get3A_525, %get3A_523 : f32
    %div3A_740 = vector.broadcast %sub3A_739 : f32 to vector<512x64xf32>
    %div3A_741 = arith.divf %sub3A_738, %div3A_740 : vector<512x64xf32>
    %mul3A_742 = arith.mulf %div3A_741, %select_n3A_625 : vector<512x64xf32>
    %sub3A_743 = vector.broadcast %get3A_527 : f32 to vector<512x64xf32>
    %sub3A_744 = arith.subf %sub3A_743, %get3A_507 : vector<512x64xf32>
    %sub3A_745 = arith.subf %get3A_527, %get3A_525 : f32
    %div3A_746 = vector.broadcast %sub3A_745 : f32 to vector<512x64xf32>
    %div3A_747 = arith.divf %sub3A_744, %div3A_746 : vector<512x64xf32>
    %mul3A_748 = arith.mulf %div3A_747, %select_n3A_635 : vector<512x64xf32>
    %add3A_749 = arith.addf %mul3A_742, %mul3A_748 : vector<512x64xf32>
    %sub3A_750 = vector.broadcast %get3A_525 : f32 to vector<512x64xf32>
    %sub3A_751 = arith.subf %get3A_507, %sub3A_750 : vector<512x64xf32>
    %sub3A_752 = arith.subf %get3A_527, %get3A_525 : f32
    %div3A_753 = vector.broadcast %sub3A_752 : f32 to vector<512x64xf32>
    %div3A_754 = arith.divf %sub3A_751, %div3A_753 : vector<512x64xf32>
    %mul3A_755 = arith.mulf %div3A_754, %select_n3A_635 : vector<512x64xf32>
    %sub3A_756 = vector.broadcast %get3A_529 : f32 to vector<512x64xf32>
    %sub3A_757 = arith.subf %sub3A_756, %get3A_507 : vector<512x64xf32>
    %sub3A_758 = arith.subf %get3A_529, %get3A_527 : f32
    %div3A_759 = vector.broadcast %sub3A_758 : f32 to vector<512x64xf32>
    %div3A_760 = arith.divf %sub3A_757, %div3A_759 : vector<512x64xf32>
    %mul3A_761 = arith.mulf %div3A_760, %select_n3A_645 : vector<512x64xf32>
    %add3A_762 = arith.addf %mul3A_755, %mul3A_761 : vector<512x64xf32>
    %sub3A_763 = vector.broadcast %get3A_509 : f32 to vector<512x64xf32>
    %sub3A_764 = arith.subf %get3A_507, %sub3A_763 : vector<512x64xf32>
    %sub3A_765 = arith.subf %get3A_513, %get3A_509 : f32
    %div3A_766 = vector.broadcast %sub3A_765 : f32 to vector<512x64xf32>
    %div3A_767 = arith.divf %sub3A_764, %div3A_766 : vector<512x64xf32>
    %mul3A_768 = arith.mulf %div3A_767, %add3A_658 : vector<512x64xf32>
    %sub3A_769 = vector.broadcast %get3A_515 : f32 to vector<512x64xf32>
    %sub3A_770 = arith.subf %sub3A_769, %get3A_507 : vector<512x64xf32>
    %sub3A_771 = arith.subf %get3A_515, %get3A_511 : f32
    %div3A_772 = vector.broadcast %sub3A_771 : f32 to vector<512x64xf32>
    %div3A_773 = arith.divf %sub3A_770, %div3A_772 : vector<512x64xf32>
    %mul3A_774 = arith.mulf %div3A_773, %add3A_671 : vector<512x64xf32>
    %add3A_775 = arith.addf %mul3A_768, %mul3A_774 : vector<512x64xf32>
    %sub3A_776 = vector.broadcast %get3A_511 : f32 to vector<512x64xf32>
    %sub3A_777 = arith.subf %get3A_507, %sub3A_776 : vector<512x64xf32>
    %sub3A_778 = arith.subf %get3A_515, %get3A_511 : f32
    %div3A_779 = vector.broadcast %sub3A_778 : f32 to vector<512x64xf32>
    %div3A_780 = arith.divf %sub3A_777, %div3A_779 : vector<512x64xf32>
    %mul3A_781 = arith.mulf %div3A_780, %add3A_671 : vector<512x64xf32>
    %sub3A_782 = vector.broadcast %get3A_517 : f32 to vector<512x64xf32>
    %sub3A_783 = arith.subf %sub3A_782, %get3A_507 : vector<512x64xf32>
    %sub3A_784 = arith.subf %get3A_517, %get3A_513 : f32
    %div3A_785 = vector.broadcast %sub3A_784 : f32 to vector<512x64xf32>
    %div3A_786 = arith.divf %sub3A_783, %div3A_785 : vector<512x64xf32>
    %mul3A_787 = arith.mulf %div3A_786, %add3A_684 : vector<512x64xf32>
    %add3A_788 = arith.addf %mul3A_781, %mul3A_787 : vector<512x64xf32>
    %sub3A_789 = vector.broadcast %get3A_513 : f32 to vector<512x64xf32>
    %sub3A_790 = arith.subf %get3A_507, %sub3A_789 : vector<512x64xf32>
    %sub3A_791 = arith.subf %get3A_517, %get3A_513 : f32
    %div3A_792 = vector.broadcast %sub3A_791 : f32 to vector<512x64xf32>
    %div3A_793 = arith.divf %sub3A_790, %div3A_792 : vector<512x64xf32>
    %mul3A_794 = arith.mulf %div3A_793, %add3A_684 : vector<512x64xf32>
    %sub3A_795 = vector.broadcast %get3A_519 : f32 to vector<512x64xf32>
    %sub3A_796 = arith.subf %sub3A_795, %get3A_507 : vector<512x64xf32>
    %sub3A_797 = arith.subf %get3A_519, %get3A_515 : f32
    %div3A_798 = vector.broadcast %sub3A_797 : f32 to vector<512x64xf32>
    %div3A_799 = arith.divf %sub3A_796, %div3A_798 : vector<512x64xf32>
    %mul3A_800 = arith.mulf %div3A_799, %add3A_697 : vector<512x64xf32>
    %add3A_801 = arith.addf %mul3A_794, %mul3A_800 : vector<512x64xf32>
    %sub3A_802 = vector.broadcast %get3A_515 : f32 to vector<512x64xf32>
    %sub3A_803 = arith.subf %get3A_507, %sub3A_802 : vector<512x64xf32>
    %sub3A_804 = arith.subf %get3A_519, %get3A_515 : f32
    %div3A_805 = vector.broadcast %sub3A_804 : f32 to vector<512x64xf32>
    %div3A_806 = arith.divf %sub3A_803, %div3A_805 : vector<512x64xf32>
    %mul3A_807 = arith.mulf %div3A_806, %add3A_697 : vector<512x64xf32>
    %sub3A_808 = vector.broadcast %get3A_521 : f32 to vector<512x64xf32>
    %sub3A_809 = arith.subf %sub3A_808, %get3A_507 : vector<512x64xf32>
    %sub3A_810 = arith.subf %get3A_521, %get3A_517 : f32
    %div3A_811 = vector.broadcast %sub3A_810 : f32 to vector<512x64xf32>
    %div3A_812 = arith.divf %sub3A_809, %div3A_811 : vector<512x64xf32>
    %mul3A_813 = arith.mulf %div3A_812, %add3A_710 : vector<512x64xf32>
    %add3A_814 = arith.addf %mul3A_807, %mul3A_813 : vector<512x64xf32>
    %sub3A_815 = vector.broadcast %get3A_517 : f32 to vector<512x64xf32>
    %sub3A_816 = arith.subf %get3A_507, %sub3A_815 : vector<512x64xf32>
    %sub3A_817 = arith.subf %get3A_521, %get3A_517 : f32
    %div3A_818 = vector.broadcast %sub3A_817 : f32 to vector<512x64xf32>
    %div3A_819 = arith.divf %sub3A_816, %div3A_818 : vector<512x64xf32>
    %mul3A_820 = arith.mulf %div3A_819, %add3A_710 : vector<512x64xf32>
    %sub3A_821 = vector.broadcast %get3A_523 : f32 to vector<512x64xf32>
    %sub3A_822 = arith.subf %sub3A_821, %get3A_507 : vector<512x64xf32>
    %sub3A_823 = arith.subf %get3A_523, %get3A_519 : f32
    %div3A_824 = vector.broadcast %sub3A_823 : f32 to vector<512x64xf32>
    %div3A_825 = arith.divf %sub3A_822, %div3A_824 : vector<512x64xf32>
    %mul3A_826 = arith.mulf %div3A_825, %add3A_723 : vector<512x64xf32>
    %add3A_827 = arith.addf %mul3A_820, %mul3A_826 : vector<512x64xf32>
    %sub3A_828 = vector.broadcast %get3A_519 : f32 to vector<512x64xf32>
    %sub3A_829 = arith.subf %get3A_507, %sub3A_828 : vector<512x64xf32>
    %sub3A_830 = arith.subf %get3A_523, %get3A_519 : f32
    %div3A_831 = vector.broadcast %sub3A_830 : f32 to vector<512x64xf32>
    %div3A_832 = arith.divf %sub3A_829, %div3A_831 : vector<512x64xf32>
    %mul3A_833 = arith.mulf %div3A_832, %add3A_723 : vector<512x64xf32>
    %sub3A_834 = vector.broadcast %get3A_525 : f32 to vector<512x64xf32>
    %sub3A_835 = arith.subf %sub3A_834, %get3A_507 : vector<512x64xf32>
    %sub3A_836 = arith.subf %get3A_525, %get3A_521 : f32
    %div3A_837 = vector.broadcast %sub3A_836 : f32 to vector<512x64xf32>
    %div3A_838 = arith.divf %sub3A_835, %div3A_837 : vector<512x64xf32>
    %mul3A_839 = arith.mulf %div3A_838, %add3A_736 : vector<512x64xf32>
    %add3A_840 = arith.addf %mul3A_833, %mul3A_839 : vector<512x64xf32>
    %sub3A_841 = vector.broadcast %get3A_521 : f32 to vector<512x64xf32>
    %sub3A_842 = arith.subf %get3A_507, %sub3A_841 : vector<512x64xf32>
    %sub3A_843 = arith.subf %get3A_525, %get3A_521 : f32
    %div3A_844 = vector.broadcast %sub3A_843 : f32 to vector<512x64xf32>
    %div3A_845 = arith.divf %sub3A_842, %div3A_844 : vector<512x64xf32>
    %mul3A_846 = arith.mulf %div3A_845, %add3A_736 : vector<512x64xf32>
    %sub3A_847 = vector.broadcast %get3A_527 : f32 to vector<512x64xf32>
    %sub3A_848 = arith.subf %sub3A_847, %get3A_507 : vector<512x64xf32>
    %sub3A_849 = arith.subf %get3A_527, %get3A_523 : f32
    %div3A_850 = vector.broadcast %sub3A_849 : f32 to vector<512x64xf32>
    %div3A_851 = arith.divf %sub3A_848, %div3A_850 : vector<512x64xf32>
    %mul3A_852 = arith.mulf %div3A_851, %add3A_749 : vector<512x64xf32>
    %add3A_853 = arith.addf %mul3A_846, %mul3A_852 : vector<512x64xf32>
    %sub3A_854 = vector.broadcast %get3A_523 : f32 to vector<512x64xf32>
    %sub3A_855 = arith.subf %get3A_507, %sub3A_854 : vector<512x64xf32>
    %sub3A_856 = arith.subf %get3A_527, %get3A_523 : f32
    %div3A_857 = vector.broadcast %sub3A_856 : f32 to vector<512x64xf32>
    %div3A_858 = arith.divf %sub3A_855, %div3A_857 : vector<512x64xf32>
    %mul3A_859 = arith.mulf %div3A_858, %add3A_749 : vector<512x64xf32>
    %sub3A_860 = vector.broadcast %get3A_529 : f32 to vector<512x64xf32>
    %sub3A_861 = arith.subf %sub3A_860, %get3A_507 : vector<512x64xf32>
    %sub3A_862 = arith.subf %get3A_529, %get3A_525 : f32
    %div3A_863 = vector.broadcast %sub3A_862 : f32 to vector<512x64xf32>
    %div3A_864 = arith.divf %sub3A_861, %div3A_863 : vector<512x64xf32>
    %mul3A_865 = arith.mulf %div3A_864, %add3A_762 : vector<512x64xf32>
    %add3A_866 = arith.addf %mul3A_859, %mul3A_865 : vector<512x64xf32>
    %sub3A_867 = vector.broadcast %get3A_509 : f32 to vector<512x64xf32>
    %sub3A_868 = arith.subf %get3A_507, %sub3A_867 : vector<512x64xf32>
    %sub3A_869 = arith.subf %get3A_515, %get3A_509 : f32
    %div3A_870 = vector.broadcast %sub3A_869 : f32 to vector<512x64xf32>
    %div3A_871 = arith.divf %sub3A_868, %div3A_870 : vector<512x64xf32>
    %mul3A_872 = arith.mulf %div3A_871, %add3A_775 : vector<512x64xf32>
    %sub3A_873 = vector.broadcast %get3A_517 : f32 to vector<512x64xf32>
    %sub3A_874 = arith.subf %sub3A_873, %get3A_507 : vector<512x64xf32>
    %sub3A_875 = arith.subf %get3A_517, %get3A_511 : f32
    %div3A_876 = vector.broadcast %sub3A_875 : f32 to vector<512x64xf32>
    %div3A_877 = arith.divf %sub3A_874, %div3A_876 : vector<512x64xf32>
    %mul3A_878 = arith.mulf %div3A_877, %add3A_788 : vector<512x64xf32>
    %add3A_879 = arith.addf %mul3A_872, %mul3A_878 : vector<512x64xf32>
    %sub3A_880 = vector.broadcast %get3A_511 : f32 to vector<512x64xf32>
    %sub3A_881 = arith.subf %get3A_507, %sub3A_880 : vector<512x64xf32>
    %sub3A_882 = arith.subf %get3A_517, %get3A_511 : f32
    %div3A_883 = vector.broadcast %sub3A_882 : f32 to vector<512x64xf32>
    %div3A_884 = arith.divf %sub3A_881, %div3A_883 : vector<512x64xf32>
    %mul3A_885 = arith.mulf %div3A_884, %add3A_788 : vector<512x64xf32>
    %sub3A_886 = vector.broadcast %get3A_519 : f32 to vector<512x64xf32>
    %sub3A_887 = arith.subf %sub3A_886, %get3A_507 : vector<512x64xf32>
    %sub3A_888 = arith.subf %get3A_519, %get3A_513 : f32
    %div3A_889 = vector.broadcast %sub3A_888 : f32 to vector<512x64xf32>
    %div3A_890 = arith.divf %sub3A_887, %div3A_889 : vector<512x64xf32>
    %mul3A_891 = arith.mulf %div3A_890, %add3A_801 : vector<512x64xf32>
    %add3A_892 = arith.addf %mul3A_885, %mul3A_891 : vector<512x64xf32>
    %sub3A_893 = vector.broadcast %get3A_513 : f32 to vector<512x64xf32>
    %sub3A_894 = arith.subf %get3A_507, %sub3A_893 : vector<512x64xf32>
    %sub3A_895 = arith.subf %get3A_519, %get3A_513 : f32
    %div3A_896 = vector.broadcast %sub3A_895 : f32 to vector<512x64xf32>
    %div3A_897 = arith.divf %sub3A_894, %div3A_896 : vector<512x64xf32>
    %mul3A_898 = arith.mulf %div3A_897, %add3A_801 : vector<512x64xf32>
    %sub3A_899 = vector.broadcast %get3A_521 : f32 to vector<512x64xf32>
    %sub3A_900 = arith.subf %sub3A_899, %get3A_507 : vector<512x64xf32>
    %sub3A_901 = arith.subf %get3A_521, %get3A_515 : f32
    %div3A_902 = vector.broadcast %sub3A_901 : f32 to vector<512x64xf32>
    %div3A_903 = arith.divf %sub3A_900, %div3A_902 : vector<512x64xf32>
    %mul3A_904 = arith.mulf %div3A_903, %add3A_814 : vector<512x64xf32>
    %add3A_905 = arith.addf %mul3A_898, %mul3A_904 : vector<512x64xf32>
    %sub3A_906 = vector.broadcast %get3A_515 : f32 to vector<512x64xf32>
    %sub3A_907 = arith.subf %get3A_507, %sub3A_906 : vector<512x64xf32>
    %sub3A_908 = arith.subf %get3A_521, %get3A_515 : f32
    %div3A_909 = vector.broadcast %sub3A_908 : f32 to vector<512x64xf32>
    %div3A_910 = arith.divf %sub3A_907, %div3A_909 : vector<512x64xf32>
    %mul3A_911 = arith.mulf %div3A_910, %add3A_814 : vector<512x64xf32>
    %sub3A_912 = vector.broadcast %get3A_523 : f32 to vector<512x64xf32>
    %sub3A_913 = arith.subf %sub3A_912, %get3A_507 : vector<512x64xf32>
    %sub3A_914 = arith.subf %get3A_523, %get3A_517 : f32
    %div3A_915 = vector.broadcast %sub3A_914 : f32 to vector<512x64xf32>
    %div3A_916 = arith.divf %sub3A_913, %div3A_915 : vector<512x64xf32>
    %mul3A_917 = arith.mulf %div3A_916, %add3A_827 : vector<512x64xf32>
    %add3A_918 = arith.addf %mul3A_911, %mul3A_917 : vector<512x64xf32>
    %sub3A_919 = vector.broadcast %get3A_517 : f32 to vector<512x64xf32>
    %sub3A_920 = arith.subf %get3A_507, %sub3A_919 : vector<512x64xf32>
    %sub3A_921 = arith.subf %get3A_523, %get3A_517 : f32
    %div3A_922 = vector.broadcast %sub3A_921 : f32 to vector<512x64xf32>
    %div3A_923 = arith.divf %sub3A_920, %div3A_922 : vector<512x64xf32>
    %mul3A_924 = arith.mulf %div3A_923, %add3A_827 : vector<512x64xf32>
    %sub3A_925 = vector.broadcast %get3A_525 : f32 to vector<512x64xf32>
    %sub3A_926 = arith.subf %sub3A_925, %get3A_507 : vector<512x64xf32>
    %sub3A_927 = arith.subf %get3A_525, %get3A_519 : f32
    %div3A_928 = vector.broadcast %sub3A_927 : f32 to vector<512x64xf32>
    %div3A_929 = arith.divf %sub3A_926, %div3A_928 : vector<512x64xf32>
    %mul3A_930 = arith.mulf %div3A_929, %add3A_840 : vector<512x64xf32>
    %add3A_931 = arith.addf %mul3A_924, %mul3A_930 : vector<512x64xf32>
    %sub3A_932 = vector.broadcast %get3A_519 : f32 to vector<512x64xf32>
    %sub3A_933 = arith.subf %get3A_507, %sub3A_932 : vector<512x64xf32>
    %sub3A_934 = arith.subf %get3A_525, %get3A_519 : f32
    %div3A_935 = vector.broadcast %sub3A_934 : f32 to vector<512x64xf32>
    %div3A_936 = arith.divf %sub3A_933, %div3A_935 : vector<512x64xf32>
    %mul3A_937 = arith.mulf %div3A_936, %add3A_840 : vector<512x64xf32>
    %sub3A_938 = vector.broadcast %get3A_527 : f32 to vector<512x64xf32>
    %sub3A_939 = arith.subf %sub3A_938, %get3A_507 : vector<512x64xf32>
    %sub3A_940 = arith.subf %get3A_527, %get3A_521 : f32
    %div3A_941 = vector.broadcast %sub3A_940 : f32 to vector<512x64xf32>
    %div3A_942 = arith.divf %sub3A_939, %div3A_941 : vector<512x64xf32>
    %mul3A_943 = arith.mulf %div3A_942, %add3A_853 : vector<512x64xf32>
    %add3A_944 = arith.addf %mul3A_937, %mul3A_943 : vector<512x64xf32>
    %sub3A_945 = vector.broadcast %get3A_521 : f32 to vector<512x64xf32>
    %sub3A_946 = arith.subf %get3A_507, %sub3A_945 : vector<512x64xf32>
    %sub3A_947 = arith.subf %get3A_527, %get3A_521 : f32
    %div3A_948 = vector.broadcast %sub3A_947 : f32 to vector<512x64xf32>
    %div3A_949 = arith.divf %sub3A_946, %div3A_948 : vector<512x64xf32>
    %mul3A_950 = arith.mulf %div3A_949, %add3A_853 : vector<512x64xf32>
    %sub3A_951 = vector.broadcast %get3A_529 : f32 to vector<512x64xf32>
    %sub3A_952 = arith.subf %sub3A_951, %get3A_507 : vector<512x64xf32>
    %sub3A_953 = arith.subf %get3A_529, %get3A_523 : f32
    %div3A_954 = vector.broadcast %sub3A_953 : f32 to vector<512x64xf32>
    %div3A_955 = arith.divf %sub3A_952, %div3A_954 : vector<512x64xf32>
    %mul3A_956 = arith.mulf %div3A_955, %add3A_866 : vector<512x64xf32>
    %add3A_957 = arith.addf %mul3A_950, %mul3A_956 : vector<512x64xf32>
    %get3A_958 = arith.constant 0 : index
    %get3A_959 = arith.constant 0 : index
    %get3A_960 = vector.load %arg10[%get3A_958, %get3A_959] : memref<64x40xf32, #tpu.memory_space<vmem>>, vector<64x40xf32>
    %get3A_961 = arith.constant 0 : index
    %get3A_962 = arith.constant 0 : index
    %get3A_963 = arith.constant 0 : index
    %get3A_964 = vector.load %arg9[%get3A_961, %get3A_962, %get3A_963] : memref<7x64x40xf32, #tpu.memory_space<vmem>>, vector<1x64x40xf32>
    %get3A_965 = vector.shape_cast %get3A_964 : vector<1x64x40xf32> to vector<64x40xf32>
    %mul3A_966 = arith.mulf %get3A_965, %get3A_960 : vector<64x40xf32>
    %dot_general3A_967 = arith.constant dense<0.000000e+00> : vector<512x40xf32>
    %dot_general3A_968 = tpu.matmul %add3A_879, %mul3A_966, %dot_general3A_967 {dimension_numbers = #tpu.dot_dimension_numbers<[1], [0], [0], [1], [0, 0, 1, 1], [], []>, transpose_lhs_hint = false} : vector<512x64xf32>, vector<64x40xf32>, vector<512x40xf32> -> vector<512x40xf32>
    %add3A_969 = arith.addf %dot_general3A_545, %dot_general3A_968 : vector<512x40xf32>
    %get3A_970 = arith.constant 1 : index
    %get3A_971 = arith.constant 0 : index
    %get3A_972 = arith.constant 0 : index
    %get3A_973 = vector.load %arg9[%get3A_970, %get3A_971, %get3A_972] : memref<7x64x40xf32, #tpu.memory_space<vmem>>, vector<1x64x40xf32>
    %get3A_974 = vector.shape_cast %get3A_973 : vector<1x64x40xf32> to vector<64x40xf32>
    %mul3A_975 = arith.mulf %get3A_974, %get3A_960 : vector<64x40xf32>
    %dot_general3A_976 = arith.constant dense<0.000000e+00> : vector<512x40xf32>
    %dot_general3A_977 = tpu.matmul %add3A_892, %mul3A_975, %dot_general3A_976 {dimension_numbers = #tpu.dot_dimension_numbers<[1], [0], [0], [1], [0, 0, 1, 1], [], []>, transpose_lhs_hint = false} : vector<512x64xf32>, vector<64x40xf32>, vector<512x40xf32> -> vector<512x40xf32>
    %add3A_978 = arith.addf %add3A_969, %dot_general3A_977 : vector<512x40xf32>
    %get3A_979 = arith.constant 2 : index
    %get3A_980 = arith.constant 0 : index
    %get3A_981 = arith.constant 0 : index
    %get3A_982 = vector.load %arg9[%get3A_979, %get3A_980, %get3A_981] : memref<7x64x40xf32, #tpu.memory_space<vmem>>, vector<1x64x40xf32>
    %get3A_983 = vector.shape_cast %get3A_982 : vector<1x64x40xf32> to vector<64x40xf32>
    %mul3A_984 = arith.mulf %get3A_983, %get3A_960 : vector<64x40xf32>
    %dot_general3A_985 = arith.constant dense<0.000000e+00> : vector<512x40xf32>
    %dot_general3A_986 = tpu.matmul %add3A_905, %mul3A_984, %dot_general3A_985 {dimension_numbers = #tpu.dot_dimension_numbers<[1], [0], [0], [1], [0, 0, 1, 1], [], []>, transpose_lhs_hint = false} : vector<512x64xf32>, vector<64x40xf32>, vector<512x40xf32> -> vector<512x40xf32>
    %add3A_987 = arith.addf %add3A_978, %dot_general3A_986 : vector<512x40xf32>
    %get3A_988 = arith.constant 3 : index
    %get3A_989 = arith.constant 0 : index
    %get3A_990 = arith.constant 0 : index
    %get3A_991 = vector.load %arg9[%get3A_988, %get3A_989, %get3A_990] : memref<7x64x40xf32, #tpu.memory_space<vmem>>, vector<1x64x40xf32>
    %get3A_992 = vector.shape_cast %get3A_991 : vector<1x64x40xf32> to vector<64x40xf32>
    %mul3A_993 = arith.mulf %get3A_992, %get3A_960 : vector<64x40xf32>
    %dot_general3A_994 = arith.constant dense<0.000000e+00> : vector<512x40xf32>
    %dot_general3A_995 = tpu.matmul %add3A_918, %mul3A_993, %dot_general3A_994 {dimension_numbers = #tpu.dot_dimension_numbers<[1], [0], [0], [1], [0, 0, 1, 1], [], []>, transpose_lhs_hint = false} : vector<512x64xf32>, vector<64x40xf32>, vector<512x40xf32> -> vector<512x40xf32>
    %add3A_996 = arith.addf %add3A_987, %dot_general3A_995 : vector<512x40xf32>
    %get3A_997 = arith.constant 4 : index
    %get3A_998 = arith.constant 0 : index
    %get3A_999 = arith.constant 0 : index
    %get3A_1000 = vector.load %arg9[%get3A_997, %get3A_998, %get3A_999] : memref<7x64x40xf32, #tpu.memory_space<vmem>>, vector<1x64x40xf32>
    %get3A_1001 = vector.shape_cast %get3A_1000 : vector<1x64x40xf32> to vector<64x40xf32>
    %mul3A_1002 = arith.mulf %get3A_1001, %get3A_960 : vector<64x40xf32>
    %dot_general3A_1003 = arith.constant dense<0.000000e+00> : vector<512x40xf32>
    %dot_general3A_1004 = tpu.matmul %add3A_931, %mul3A_1002, %dot_general3A_1003 {dimension_numbers = #tpu.dot_dimension_numbers<[1], [0], [0], [1], [0, 0, 1, 1], [], []>, transpose_lhs_hint = false} : vector<512x64xf32>, vector<64x40xf32>, vector<512x40xf32> -> vector<512x40xf32>
    %add3A_1005 = arith.addf %add3A_996, %dot_general3A_1004 : vector<512x40xf32>
    %get3A_1006 = arith.constant 5 : index
    %get3A_1007 = arith.constant 0 : index
    %get3A_1008 = arith.constant 0 : index
    %get3A_1009 = vector.load %arg9[%get3A_1006, %get3A_1007, %get3A_1008] : memref<7x64x40xf32, #tpu.memory_space<vmem>>, vector<1x64x40xf32>
    %get3A_1010 = vector.shape_cast %get3A_1009 : vector<1x64x40xf32> to vector<64x40xf32>
    %mul3A_1011 = arith.mulf %get3A_1010, %get3A_960 : vector<64x40xf32>
    %dot_general3A_1012 = arith.constant dense<0.000000e+00> : vector<512x40xf32>
    %dot_general3A_1013 = tpu.matmul %add3A_944, %mul3A_1011, %dot_general3A_1012 {dimension_numbers = #tpu.dot_dimension_numbers<[1], [0], [0], [1], [0, 0, 1, 1], [], []>, transpose_lhs_hint = false} : vector<512x64xf32>, vector<64x40xf32>, vector<512x40xf32> -> vector<512x40xf32>
    %add3A_1014 = arith.addf %add3A_1005, %dot_general3A_1013 : vector<512x40xf32>
    %get3A_1015 = arith.constant 6 : index
    %get3A_1016 = arith.constant 0 : index
    %get3A_1017 = arith.constant 0 : index
    %get3A_1018 = vector.load %arg9[%get3A_1015, %get3A_1016, %get3A_1017] : memref<7x64x40xf32, #tpu.memory_space<vmem>>, vector<1x64x40xf32>
    %get3A_1019 = vector.shape_cast %get3A_1018 : vector<1x64x40xf32> to vector<64x40xf32>
    %mul3A_1020 = arith.mulf %get3A_1019, %get3A_960 : vector<64x40xf32>
    %dot_general3A_1021 = arith.constant dense<0.000000e+00> : vector<512x40xf32>
    %dot_general3A_1022 = tpu.matmul %add3A_957, %mul3A_1020, %dot_general3A_1021 {dimension_numbers = #tpu.dot_dimension_numbers<[1], [0], [0], [1], [0, 0, 1, 1], [], []>, transpose_lhs_hint = false} : vector<512x64xf32>, vector<64x40xf32>, vector<512x40xf32> -> vector<512x40xf32>
    %add3A_1023 = arith.addf %add3A_1014, %dot_general3A_1022 : vector<512x40xf32>
    %add3A_1024 = arith.addf %add3A_504, %add3A_1023 : vector<512x40xf32>
    %get3A_1025 = arith.constant 0 : index
    %get3A_1026 = arith.constant 0 : index
    %get3A_1027 = vector.load %arg3[%get3A_1025, %get3A_1026] : memref<512x64xf32, #tpu.memory_space<vmem>>, vector<512x64xf32>
    %get3A_1028 = arith.constant 0 : index
    %get3A_1029 = memref.load %arg4[%get3A_1028] : memref<11xf32, #tpu.memory_space<smem>>
    %get3A_1030 = arith.constant 1 : index
    %get3A_1031 = memref.load %arg4[%get3A_1030] : memref<11xf32, #tpu.memory_space<smem>>
    %get3A_1032 = arith.constant 2 : index
    %get3A_1033 = memref.load %arg4[%get3A_1032] : memref<11xf32, #tpu.memory_space<smem>>
    %get3A_1034 = arith.constant 3 : index
    %get3A_1035 = memref.load %arg4[%get3A_1034] : memref<11xf32, #tpu.memory_space<smem>>
    %get3A_1036 = arith.constant 4 : index
    %get3A_1037 = memref.load %arg4[%get3A_1036] : memref<11xf32, #tpu.memory_space<smem>>
    %get3A_1038 = arith.constant 5 : index
    %get3A_1039 = memref.load %arg4[%get3A_1038] : memref<11xf32, #tpu.memory_space<smem>>
    %get3A_1040 = arith.constant 6 : index
    %get3A_1041 = memref.load %arg4[%get3A_1040] : memref<11xf32, #tpu.memory_space<smem>>
    %get3A_1042 = arith.constant 7 : index
    %get3A_1043 = memref.load %arg4[%get3A_1042] : memref<11xf32, #tpu.memory_space<smem>>
    %get3A_1044 = arith.constant 8 : index
    %get3A_1045 = memref.load %arg4[%get3A_1044] : memref<11xf32, #tpu.memory_space<smem>>
    %get3A_1046 = arith.constant 9 : index
    %get3A_1047 = memref.load %arg4[%get3A_1046] : memref<11xf32, #tpu.memory_space<smem>>
    %get3A_1048 = arith.constant 10 : index
    %get3A_1049 = memref.load %arg4[%get3A_1048] : memref<11xf32, #tpu.memory_space<smem>>
    %neg3A_1050 = arith.constant 0.000000e+00 : f32
    %neg3A_1051 = vector.broadcast %neg3A_1050 : f32 to vector<512x64xf32>
    %neg3A_1052 = arith.subf %neg3A_1051, %get3A_1027 : vector<512x64xf32>
    %exp3A_1053 = math.exp %neg3A_1052 : vector<512x64xf32>
    %add3A_1054 = arith.constant 1.000000e+00 : f32
    %add3A_1055 = vector.broadcast %add3A_1054 : f32 to vector<512x64xf32>
    %add3A_1056 = arith.addf %add3A_1055, %exp3A_1053 : vector<512x64xf32>
    %div3A_1057 = arith.constant 1.000000e+00 : f32
    %div3A_1058 = vector.broadcast %div3A_1057 : f32 to vector<512x64xf32>
    %div3A_1059 = arith.divf %div3A_1058, %add3A_1056 : vector<512x64xf32>
    %mul3A_1060 = arith.mulf %get3A_1027, %div3A_1059 : vector<512x64xf32>
    %get3A_1061 = arith.constant 0 : index
    %get3A_1062 = arith.constant 0 : index
    %get3A_1063 = vector.load %arg11[%get3A_1061, %get3A_1062] : memref<64x40xf32, #tpu.memory_space<vmem>>, vector<64x40xf32>
    %dot_general3A_1064 = arith.constant dense<0.000000e+00> : vector<512x40xf32>
    %dot_general3A_1065 = tpu.matmul %mul3A_1060, %get3A_1063, %dot_general3A_1064 {dimension_numbers = #tpu.dot_dimension_numbers<[1], [0], [0], [1], [0, 0, 1, 1], [], []>, transpose_lhs_hint = false} : vector<512x64xf32>, vector<64x40xf32>, vector<512x40xf32> -> vector<512x40xf32>
    %ge3A_1066 = vector.broadcast %get3A_1029 : f32 to vector<512x64xf32>
    %ge3A_1067 = arith.cmpf oge, %get3A_1027, %ge3A_1066 : vector<512x64xf32>
    %lt3A_1068 = vector.broadcast %get3A_1031 : f32 to vector<512x64xf32>
    %lt3A_1069 = arith.cmpf olt, %get3A_1027, %lt3A_1068 : vector<512x64xf32>
    %and3A_1070 = arith.andi %ge3A_1067, %lt3A_1069 : vector<512x64xi1>
    %jit3A_1071 = arith.constant 1.000000e+00 : f32
    %jit3A_1072 = arith.constant 0.000000e+00 : f32
    %broadcast_in_dim3A_1073 = vector.broadcast %jit3A_1071 : f32 to vector<512x64xf32>
    %broadcast_in_dim3A_1074 = vector.broadcast %jit3A_1072 : f32 to vector<512x64xf32>
    %select_n3A_1075 = arith.select %and3A_1070, %broadcast_in_dim3A_1073, %broadcast_in_dim3A_1074 : vector<512x64xi1>, vector<512x64xf32>
    %ge3A_1076 = vector.broadcast %get3A_1031 : f32 to vector<512x64xf32>
    %ge3A_1077 = arith.cmpf oge, %get3A_1027, %ge3A_1076 : vector<512x64xf32>
    %lt3A_1078 = vector.broadcast %get3A_1033 : f32 to vector<512x64xf32>
    %lt3A_1079 = arith.cmpf olt, %get3A_1027, %lt3A_1078 : vector<512x64xf32>
    %and3A_1080 = arith.andi %ge3A_1077, %lt3A_1079 : vector<512x64xi1>
    %jit3A_1081 = arith.constant 1.000000e+00 : f32
    %jit3A_1082 = arith.constant 0.000000e+00 : f32
    %broadcast_in_dim3A_1083 = vector.broadcast %jit3A_1081 : f32 to vector<512x64xf32>
    %broadcast_in_dim3A_1084 = vector.broadcast %jit3A_1082 : f32 to vector<512x64xf32>
    %select_n3A_1085 = arith.select %and3A_1080, %broadcast_in_dim3A_1083, %broadcast_in_dim3A_1084 : vector<512x64xi1>, vector<512x64xf32>
    %ge3A_1086 = vector.broadcast %get3A_1033 : f32 to vector<512x64xf32>
    %ge3A_1087 = arith.cmpf oge, %get3A_1027, %ge3A_1086 : vector<512x64xf32>
    %lt3A_1088 = vector.broadcast %get3A_1035 : f32 to vector<512x64xf32>
    %lt3A_1089 = arith.cmpf olt, %get3A_1027, %lt3A_1088 : vector<512x64xf32>
    %and3A_1090 = arith.andi %ge3A_1087, %lt3A_1089 : vector<512x64xi1>
    %jit3A_1091 = arith.constant 1.000000e+00 : f32
    %jit3A_1092 = arith.constant 0.000000e+00 : f32
    %broadcast_in_dim3A_1093 = vector.broadcast %jit3A_1091 : f32 to vector<512x64xf32>
    %broadcast_in_dim3A_1094 = vector.broadcast %jit3A_1092 : f32 to vector<512x64xf32>
    %select_n3A_1095 = arith.select %and3A_1090, %broadcast_in_dim3A_1093, %broadcast_in_dim3A_1094 : vector<512x64xi1>, vector<512x64xf32>
    %ge3A_1096 = vector.broadcast %get3A_1035 : f32 to vector<512x64xf32>
    %ge3A_1097 = arith.cmpf oge, %get3A_1027, %ge3A_1096 : vector<512x64xf32>
    %lt3A_1098 = vector.broadcast %get3A_1037 : f32 to vector<512x64xf32>
    %lt3A_1099 = arith.cmpf olt, %get3A_1027, %lt3A_1098 : vector<512x64xf32>
    %and3A_1100 = arith.andi %ge3A_1097, %lt3A_1099 : vector<512x64xi1>
    %jit3A_1101 = arith.constant 1.000000e+00 : f32
    %jit3A_1102 = arith.constant 0.000000e+00 : f32
    %broadcast_in_dim3A_1103 = vector.broadcast %jit3A_1101 : f32 to vector<512x64xf32>
    %broadcast_in_dim3A_1104 = vector.broadcast %jit3A_1102 : f32 to vector<512x64xf32>
    %select_n3A_1105 = arith.select %and3A_1100, %broadcast_in_dim3A_1103, %broadcast_in_dim3A_1104 : vector<512x64xi1>, vector<512x64xf32>
    %ge3A_1106 = vector.broadcast %get3A_1037 : f32 to vector<512x64xf32>
    %ge3A_1107 = arith.cmpf oge, %get3A_1027, %ge3A_1106 : vector<512x64xf32>
    %lt3A_1108 = vector.broadcast %get3A_1039 : f32 to vector<512x64xf32>
    %lt3A_1109 = arith.cmpf olt, %get3A_1027, %lt3A_1108 : vector<512x64xf32>
    %and3A_1110 = arith.andi %ge3A_1107, %lt3A_1109 : vector<512x64xi1>
    %jit3A_1111 = arith.constant 1.000000e+00 : f32
    %jit3A_1112 = arith.constant 0.000000e+00 : f32
    %broadcast_in_dim3A_1113 = vector.broadcast %jit3A_1111 : f32 to vector<512x64xf32>
    %broadcast_in_dim3A_1114 = vector.broadcast %jit3A_1112 : f32 to vector<512x64xf32>
    %select_n3A_1115 = arith.select %and3A_1110, %broadcast_in_dim3A_1113, %broadcast_in_dim3A_1114 : vector<512x64xi1>, vector<512x64xf32>
    %ge3A_1116 = vector.broadcast %get3A_1039 : f32 to vector<512x64xf32>
    %ge3A_1117 = arith.cmpf oge, %get3A_1027, %ge3A_1116 : vector<512x64xf32>
    %lt3A_1118 = vector.broadcast %get3A_1041 : f32 to vector<512x64xf32>
    %lt3A_1119 = arith.cmpf olt, %get3A_1027, %lt3A_1118 : vector<512x64xf32>
    %and3A_1120 = arith.andi %ge3A_1117, %lt3A_1119 : vector<512x64xi1>
    %jit3A_1121 = arith.constant 1.000000e+00 : f32
    %jit3A_1122 = arith.constant 0.000000e+00 : f32
    %broadcast_in_dim3A_1123 = vector.broadcast %jit3A_1121 : f32 to vector<512x64xf32>
    %broadcast_in_dim3A_1124 = vector.broadcast %jit3A_1122 : f32 to vector<512x64xf32>
    %select_n3A_1125 = arith.select %and3A_1120, %broadcast_in_dim3A_1123, %broadcast_in_dim3A_1124 : vector<512x64xi1>, vector<512x64xf32>
    %ge3A_1126 = vector.broadcast %get3A_1041 : f32 to vector<512x64xf32>
    %ge3A_1127 = arith.cmpf oge, %get3A_1027, %ge3A_1126 : vector<512x64xf32>
    %lt3A_1128 = vector.broadcast %get3A_1043 : f32 to vector<512x64xf32>
    %lt3A_1129 = arith.cmpf olt, %get3A_1027, %lt3A_1128 : vector<512x64xf32>
    %and3A_1130 = arith.andi %ge3A_1127, %lt3A_1129 : vector<512x64xi1>
    %jit3A_1131 = arith.constant 1.000000e+00 : f32
    %jit3A_1132 = arith.constant 0.000000e+00 : f32
    %broadcast_in_dim3A_1133 = vector.broadcast %jit3A_1131 : f32 to vector<512x64xf32>
    %broadcast_in_dim3A_1134 = vector.broadcast %jit3A_1132 : f32 to vector<512x64xf32>
    %select_n3A_1135 = arith.select %and3A_1130, %broadcast_in_dim3A_1133, %broadcast_in_dim3A_1134 : vector<512x64xi1>, vector<512x64xf32>
    %ge3A_1136 = vector.broadcast %get3A_1043 : f32 to vector<512x64xf32>
    %ge3A_1137 = arith.cmpf oge, %get3A_1027, %ge3A_1136 : vector<512x64xf32>
    %lt3A_1138 = vector.broadcast %get3A_1045 : f32 to vector<512x64xf32>
    %lt3A_1139 = arith.cmpf olt, %get3A_1027, %lt3A_1138 : vector<512x64xf32>
    %and3A_1140 = arith.andi %ge3A_1137, %lt3A_1139 : vector<512x64xi1>
    %jit3A_1141 = arith.constant 1.000000e+00 : f32
    %jit3A_1142 = arith.constant 0.000000e+00 : f32
    %broadcast_in_dim3A_1143 = vector.broadcast %jit3A_1141 : f32 to vector<512x64xf32>
    %broadcast_in_dim3A_1144 = vector.broadcast %jit3A_1142 : f32 to vector<512x64xf32>
    %select_n3A_1145 = arith.select %and3A_1140, %broadcast_in_dim3A_1143, %broadcast_in_dim3A_1144 : vector<512x64xi1>, vector<512x64xf32>
    %ge3A_1146 = vector.broadcast %get3A_1045 : f32 to vector<512x64xf32>
    %ge3A_1147 = arith.cmpf oge, %get3A_1027, %ge3A_1146 : vector<512x64xf32>
    %lt3A_1148 = vector.broadcast %get3A_1047 : f32 to vector<512x64xf32>
    %lt3A_1149 = arith.cmpf olt, %get3A_1027, %lt3A_1148 : vector<512x64xf32>
    %and3A_1150 = arith.andi %ge3A_1147, %lt3A_1149 : vector<512x64xi1>
    %jit3A_1151 = arith.constant 1.000000e+00 : f32
    %jit3A_1152 = arith.constant 0.000000e+00 : f32
    %broadcast_in_dim3A_1153 = vector.broadcast %jit3A_1151 : f32 to vector<512x64xf32>
    %broadcast_in_dim3A_1154 = vector.broadcast %jit3A_1152 : f32 to vector<512x64xf32>
    %select_n3A_1155 = arith.select %and3A_1150, %broadcast_in_dim3A_1153, %broadcast_in_dim3A_1154 : vector<512x64xi1>, vector<512x64xf32>
    %ge3A_1156 = vector.broadcast %get3A_1047 : f32 to vector<512x64xf32>
    %ge3A_1157 = arith.cmpf oge, %get3A_1027, %ge3A_1156 : vector<512x64xf32>
    %lt3A_1158 = vector.broadcast %get3A_1049 : f32 to vector<512x64xf32>
    %lt3A_1159 = arith.cmpf olt, %get3A_1027, %lt3A_1158 : vector<512x64xf32>
    %and3A_1160 = arith.andi %ge3A_1157, %lt3A_1159 : vector<512x64xi1>
    %jit3A_1161 = arith.constant 1.000000e+00 : f32
    %jit3A_1162 = arith.constant 0.000000e+00 : f32
    %broadcast_in_dim3A_1163 = vector.broadcast %jit3A_1161 : f32 to vector<512x64xf32>
    %broadcast_in_dim3A_1164 = vector.broadcast %jit3A_1162 : f32 to vector<512x64xf32>
    %select_n3A_1165 = arith.select %and3A_1160, %broadcast_in_dim3A_1163, %broadcast_in_dim3A_1164 : vector<512x64xi1>, vector<512x64xf32>
    %sub3A_1166 = vector.broadcast %get3A_1029 : f32 to vector<512x64xf32>
    %sub3A_1167 = arith.subf %get3A_1027, %sub3A_1166 : vector<512x64xf32>
    %sub3A_1168 = arith.subf %get3A_1031, %get3A_1029 : f32
    %div3A_1169 = vector.broadcast %sub3A_1168 : f32 to vector<512x64xf32>
    %div3A_1170 = arith.divf %sub3A_1167, %div3A_1169 : vector<512x64xf32>
    %mul3A_1171 = arith.mulf %div3A_1170, %select_n3A_1075 : vector<512x64xf32>
    %sub3A_1172 = vector.broadcast %get3A_1033 : f32 to vector<512x64xf32>
    %sub3A_1173 = arith.subf %sub3A_1172, %get3A_1027 : vector<512x64xf32>
    %sub3A_1174 = arith.subf %get3A_1033, %get3A_1031 : f32
    %div3A_1175 = vector.broadcast %sub3A_1174 : f32 to vector<512x64xf32>
    %div3A_1176 = arith.divf %sub3A_1173, %div3A_1175 : vector<512x64xf32>
    %mul3A_1177 = arith.mulf %div3A_1176, %select_n3A_1085 : vector<512x64xf32>
    %add3A_1178 = arith.addf %mul3A_1171, %mul3A_1177 : vector<512x64xf32>
    %sub3A_1179 = vector.broadcast %get3A_1031 : f32 to vector<512x64xf32>
    %sub3A_1180 = arith.subf %get3A_1027, %sub3A_1179 : vector<512x64xf32>
    %sub3A_1181 = arith.subf %get3A_1033, %get3A_1031 : f32
    %div3A_1182 = vector.broadcast %sub3A_1181 : f32 to vector<512x64xf32>
    %div3A_1183 = arith.divf %sub3A_1180, %div3A_1182 : vector<512x64xf32>
    %mul3A_1184 = arith.mulf %div3A_1183, %select_n3A_1085 : vector<512x64xf32>
    %sub3A_1185 = vector.broadcast %get3A_1035 : f32 to vector<512x64xf32>
    %sub3A_1186 = arith.subf %sub3A_1185, %get3A_1027 : vector<512x64xf32>
    %sub3A_1187 = arith.subf %get3A_1035, %get3A_1033 : f32
    %div3A_1188 = vector.broadcast %sub3A_1187 : f32 to vector<512x64xf32>
    %div3A_1189 = arith.divf %sub3A_1186, %div3A_1188 : vector<512x64xf32>
    %mul3A_1190 = arith.mulf %div3A_1189, %select_n3A_1095 : vector<512x64xf32>
    %add3A_1191 = arith.addf %mul3A_1184, %mul3A_1190 : vector<512x64xf32>
    %sub3A_1192 = vector.broadcast %get3A_1033 : f32 to vector<512x64xf32>
    %sub3A_1193 = arith.subf %get3A_1027, %sub3A_1192 : vector<512x64xf32>
    %sub3A_1194 = arith.subf %get3A_1035, %get3A_1033 : f32
    %div3A_1195 = vector.broadcast %sub3A_1194 : f32 to vector<512x64xf32>
    %div3A_1196 = arith.divf %sub3A_1193, %div3A_1195 : vector<512x64xf32>
    %mul3A_1197 = arith.mulf %div3A_1196, %select_n3A_1095 : vector<512x64xf32>
    %sub3A_1198 = vector.broadcast %get3A_1037 : f32 to vector<512x64xf32>
    %sub3A_1199 = arith.subf %sub3A_1198, %get3A_1027 : vector<512x64xf32>
    %sub3A_1200 = arith.subf %get3A_1037, %get3A_1035 : f32
    %div3A_1201 = vector.broadcast %sub3A_1200 : f32 to vector<512x64xf32>
    %div3A_1202 = arith.divf %sub3A_1199, %div3A_1201 : vector<512x64xf32>
    %mul3A_1203 = arith.mulf %div3A_1202, %select_n3A_1105 : vector<512x64xf32>
    %add3A_1204 = arith.addf %mul3A_1197, %mul3A_1203 : vector<512x64xf32>
    %sub3A_1205 = vector.broadcast %get3A_1035 : f32 to vector<512x64xf32>
    %sub3A_1206 = arith.subf %get3A_1027, %sub3A_1205 : vector<512x64xf32>
    %sub3A_1207 = arith.subf %get3A_1037, %get3A_1035 : f32
    %div3A_1208 = vector.broadcast %sub3A_1207 : f32 to vector<512x64xf32>
    %div3A_1209 = arith.divf %sub3A_1206, %div3A_1208 : vector<512x64xf32>
    %mul3A_1210 = arith.mulf %div3A_1209, %select_n3A_1105 : vector<512x64xf32>
    %sub3A_1211 = vector.broadcast %get3A_1039 : f32 to vector<512x64xf32>
    %sub3A_1212 = arith.subf %sub3A_1211, %get3A_1027 : vector<512x64xf32>
    %sub3A_1213 = arith.subf %get3A_1039, %get3A_1037 : f32
    %div3A_1214 = vector.broadcast %sub3A_1213 : f32 to vector<512x64xf32>
    %div3A_1215 = arith.divf %sub3A_1212, %div3A_1214 : vector<512x64xf32>
    %mul3A_1216 = arith.mulf %div3A_1215, %select_n3A_1115 : vector<512x64xf32>
    %add3A_1217 = arith.addf %mul3A_1210, %mul3A_1216 : vector<512x64xf32>
    %sub3A_1218 = vector.broadcast %get3A_1037 : f32 to vector<512x64xf32>
    %sub3A_1219 = arith.subf %get3A_1027, %sub3A_1218 : vector<512x64xf32>
    %sub3A_1220 = arith.subf %get3A_1039, %get3A_1037 : f32
    %div3A_1221 = vector.broadcast %sub3A_1220 : f32 to vector<512x64xf32>
    %div3A_1222 = arith.divf %sub3A_1219, %div3A_1221 : vector<512x64xf32>
    %mul3A_1223 = arith.mulf %div3A_1222, %select_n3A_1115 : vector<512x64xf32>
    %sub3A_1224 = vector.broadcast %get3A_1041 : f32 to vector<512x64xf32>
    %sub3A_1225 = arith.subf %sub3A_1224, %get3A_1027 : vector<512x64xf32>
    %sub3A_1226 = arith.subf %get3A_1041, %get3A_1039 : f32
    %div3A_1227 = vector.broadcast %sub3A_1226 : f32 to vector<512x64xf32>
    %div3A_1228 = arith.divf %sub3A_1225, %div3A_1227 : vector<512x64xf32>
    %mul3A_1229 = arith.mulf %div3A_1228, %select_n3A_1125 : vector<512x64xf32>
    %add3A_1230 = arith.addf %mul3A_1223, %mul3A_1229 : vector<512x64xf32>
    %sub3A_1231 = vector.broadcast %get3A_1039 : f32 to vector<512x64xf32>
    %sub3A_1232 = arith.subf %get3A_1027, %sub3A_1231 : vector<512x64xf32>
    %sub3A_1233 = arith.subf %get3A_1041, %get3A_1039 : f32
    %div3A_1234 = vector.broadcast %sub3A_1233 : f32 to vector<512x64xf32>
    %div3A_1235 = arith.divf %sub3A_1232, %div3A_1234 : vector<512x64xf32>
    %mul3A_1236 = arith.mulf %div3A_1235, %select_n3A_1125 : vector<512x64xf32>
    %sub3A_1237 = vector.broadcast %get3A_1043 : f32 to vector<512x64xf32>
    %sub3A_1238 = arith.subf %sub3A_1237, %get3A_1027 : vector<512x64xf32>
    %sub3A_1239 = arith.subf %get3A_1043, %get3A_1041 : f32
    %div3A_1240 = vector.broadcast %sub3A_1239 : f32 to vector<512x64xf32>
    %div3A_1241 = arith.divf %sub3A_1238, %div3A_1240 : vector<512x64xf32>
    %mul3A_1242 = arith.mulf %div3A_1241, %select_n3A_1135 : vector<512x64xf32>
    %add3A_1243 = arith.addf %mul3A_1236, %mul3A_1242 : vector<512x64xf32>
    %sub3A_1244 = vector.broadcast %get3A_1041 : f32 to vector<512x64xf32>
    %sub3A_1245 = arith.subf %get3A_1027, %sub3A_1244 : vector<512x64xf32>
    %sub3A_1246 = arith.subf %get3A_1043, %get3A_1041 : f32
    %div3A_1247 = vector.broadcast %sub3A_1246 : f32 to vector<512x64xf32>
    %div3A_1248 = arith.divf %sub3A_1245, %div3A_1247 : vector<512x64xf32>
    %mul3A_1249 = arith.mulf %div3A_1248, %select_n3A_1135 : vector<512x64xf32>
    %sub3A_1250 = vector.broadcast %get3A_1045 : f32 to vector<512x64xf32>
    %sub3A_1251 = arith.subf %sub3A_1250, %get3A_1027 : vector<512x64xf32>
    %sub3A_1252 = arith.subf %get3A_1045, %get3A_1043 : f32
    %div3A_1253 = vector.broadcast %sub3A_1252 : f32 to vector<512x64xf32>
    %div3A_1254 = arith.divf %sub3A_1251, %div3A_1253 : vector<512x64xf32>
    %mul3A_1255 = arith.mulf %div3A_1254, %select_n3A_1145 : vector<512x64xf32>
    %add3A_1256 = arith.addf %mul3A_1249, %mul3A_1255 : vector<512x64xf32>
    %sub3A_1257 = vector.broadcast %get3A_1043 : f32 to vector<512x64xf32>
    %sub3A_1258 = arith.subf %get3A_1027, %sub3A_1257 : vector<512x64xf32>
    %sub3A_1259 = arith.subf %get3A_1045, %get3A_1043 : f32
    %div3A_1260 = vector.broadcast %sub3A_1259 : f32 to vector<512x64xf32>
    %div3A_1261 = arith.divf %sub3A_1258, %div3A_1260 : vector<512x64xf32>
    %mul3A_1262 = arith.mulf %div3A_1261, %select_n3A_1145 : vector<512x64xf32>
    %sub3A_1263 = vector.broadcast %get3A_1047 : f32 to vector<512x64xf32>
    %sub3A_1264 = arith.subf %sub3A_1263, %get3A_1027 : vector<512x64xf32>
    %sub3A_1265 = arith.subf %get3A_1047, %get3A_1045 : f32
    %div3A_1266 = vector.broadcast %sub3A_1265 : f32 to vector<512x64xf32>
    %div3A_1267 = arith.divf %sub3A_1264, %div3A_1266 : vector<512x64xf32>
    %mul3A_1268 = arith.mulf %div3A_1267, %select_n3A_1155 : vector<512x64xf32>
    %add3A_1269 = arith.addf %mul3A_1262, %mul3A_1268 : vector<512x64xf32>
    %sub3A_1270 = vector.broadcast %get3A_1045 : f32 to vector<512x64xf32>
    %sub3A_1271 = arith.subf %get3A_1027, %sub3A_1270 : vector<512x64xf32>
    %sub3A_1272 = arith.subf %get3A_1047, %get3A_1045 : f32
    %div3A_1273 = vector.broadcast %sub3A_1272 : f32 to vector<512x64xf32>
    %div3A_1274 = arith.divf %sub3A_1271, %div3A_1273 : vector<512x64xf32>
    %mul3A_1275 = arith.mulf %div3A_1274, %select_n3A_1155 : vector<512x64xf32>
    %sub3A_1276 = vector.broadcast %get3A_1049 : f32 to vector<512x64xf32>
    %sub3A_1277 = arith.subf %sub3A_1276, %get3A_1027 : vector<512x64xf32>
    %sub3A_1278 = arith.subf %get3A_1049, %get3A_1047 : f32
    %div3A_1279 = vector.broadcast %sub3A_1278 : f32 to vector<512x64xf32>
    %div3A_1280 = arith.divf %sub3A_1277, %div3A_1279 : vector<512x64xf32>
    %mul3A_1281 = arith.mulf %div3A_1280, %select_n3A_1165 : vector<512x64xf32>
    %add3A_1282 = arith.addf %mul3A_1275, %mul3A_1281 : vector<512x64xf32>
    %sub3A_1283 = vector.broadcast %get3A_1029 : f32 to vector<512x64xf32>
    %sub3A_1284 = arith.subf %get3A_1027, %sub3A_1283 : vector<512x64xf32>
    %sub3A_1285 = arith.subf %get3A_1033, %get3A_1029 : f32
    %div3A_1286 = vector.broadcast %sub3A_1285 : f32 to vector<512x64xf32>
    %div3A_1287 = arith.divf %sub3A_1284, %div3A_1286 : vector<512x64xf32>
    %mul3A_1288 = arith.mulf %div3A_1287, %add3A_1178 : vector<512x64xf32>
    %sub3A_1289 = vector.broadcast %get3A_1035 : f32 to vector<512x64xf32>
    %sub3A_1290 = arith.subf %sub3A_1289, %get3A_1027 : vector<512x64xf32>
    %sub3A_1291 = arith.subf %get3A_1035, %get3A_1031 : f32
    %div3A_1292 = vector.broadcast %sub3A_1291 : f32 to vector<512x64xf32>
    %div3A_1293 = arith.divf %sub3A_1290, %div3A_1292 : vector<512x64xf32>
    %mul3A_1294 = arith.mulf %div3A_1293, %add3A_1191 : vector<512x64xf32>
    %add3A_1295 = arith.addf %mul3A_1288, %mul3A_1294 : vector<512x64xf32>
    %sub3A_1296 = vector.broadcast %get3A_1031 : f32 to vector<512x64xf32>
    %sub3A_1297 = arith.subf %get3A_1027, %sub3A_1296 : vector<512x64xf32>
    %sub3A_1298 = arith.subf %get3A_1035, %get3A_1031 : f32
    %div3A_1299 = vector.broadcast %sub3A_1298 : f32 to vector<512x64xf32>
    %div3A_1300 = arith.divf %sub3A_1297, %div3A_1299 : vector<512x64xf32>
    %mul3A_1301 = arith.mulf %div3A_1300, %add3A_1191 : vector<512x64xf32>
    %sub3A_1302 = vector.broadcast %get3A_1037 : f32 to vector<512x64xf32>
    %sub3A_1303 = arith.subf %sub3A_1302, %get3A_1027 : vector<512x64xf32>
    %sub3A_1304 = arith.subf %get3A_1037, %get3A_1033 : f32
    %div3A_1305 = vector.broadcast %sub3A_1304 : f32 to vector<512x64xf32>
    %div3A_1306 = arith.divf %sub3A_1303, %div3A_1305 : vector<512x64xf32>
    %mul3A_1307 = arith.mulf %div3A_1306, %add3A_1204 : vector<512x64xf32>
    %add3A_1308 = arith.addf %mul3A_1301, %mul3A_1307 : vector<512x64xf32>
    %sub3A_1309 = vector.broadcast %get3A_1033 : f32 to vector<512x64xf32>
    %sub3A_1310 = arith.subf %get3A_1027, %sub3A_1309 : vector<512x64xf32>
    %sub3A_1311 = arith.subf %get3A_1037, %get3A_1033 : f32
    %div3A_1312 = vector.broadcast %sub3A_1311 : f32 to vector<512x64xf32>
    %div3A_1313 = arith.divf %sub3A_1310, %div3A_1312 : vector<512x64xf32>
    %mul3A_1314 = arith.mulf %div3A_1313, %add3A_1204 : vector<512x64xf32>
    %sub3A_1315 = vector.broadcast %get3A_1039 : f32 to vector<512x64xf32>
    %sub3A_1316 = arith.subf %sub3A_1315, %get3A_1027 : vector<512x64xf32>
    %sub3A_1317 = arith.subf %get3A_1039, %get3A_1035 : f32
    %div3A_1318 = vector.broadcast %sub3A_1317 : f32 to vector<512x64xf32>
    %div3A_1319 = arith.divf %sub3A_1316, %div3A_1318 : vector<512x64xf32>
    %mul3A_1320 = arith.mulf %div3A_1319, %add3A_1217 : vector<512x64xf32>
    %add3A_1321 = arith.addf %mul3A_1314, %mul3A_1320 : vector<512x64xf32>
    %sub3A_1322 = vector.broadcast %get3A_1035 : f32 to vector<512x64xf32>
    %sub3A_1323 = arith.subf %get3A_1027, %sub3A_1322 : vector<512x64xf32>
    %sub3A_1324 = arith.subf %get3A_1039, %get3A_1035 : f32
    %div3A_1325 = vector.broadcast %sub3A_1324 : f32 to vector<512x64xf32>
    %div3A_1326 = arith.divf %sub3A_1323, %div3A_1325 : vector<512x64xf32>
    %mul3A_1327 = arith.mulf %div3A_1326, %add3A_1217 : vector<512x64xf32>
    %sub3A_1328 = vector.broadcast %get3A_1041 : f32 to vector<512x64xf32>
    %sub3A_1329 = arith.subf %sub3A_1328, %get3A_1027 : vector<512x64xf32>
    %sub3A_1330 = arith.subf %get3A_1041, %get3A_1037 : f32
    %div3A_1331 = vector.broadcast %sub3A_1330 : f32 to vector<512x64xf32>
    %div3A_1332 = arith.divf %sub3A_1329, %div3A_1331 : vector<512x64xf32>
    %mul3A_1333 = arith.mulf %div3A_1332, %add3A_1230 : vector<512x64xf32>
    %add3A_1334 = arith.addf %mul3A_1327, %mul3A_1333 : vector<512x64xf32>
    %sub3A_1335 = vector.broadcast %get3A_1037 : f32 to vector<512x64xf32>
    %sub3A_1336 = arith.subf %get3A_1027, %sub3A_1335 : vector<512x64xf32>
    %sub3A_1337 = arith.subf %get3A_1041, %get3A_1037 : f32
    %div3A_1338 = vector.broadcast %sub3A_1337 : f32 to vector<512x64xf32>
    %div3A_1339 = arith.divf %sub3A_1336, %div3A_1338 : vector<512x64xf32>
    %mul3A_1340 = arith.mulf %div3A_1339, %add3A_1230 : vector<512x64xf32>
    %sub3A_1341 = vector.broadcast %get3A_1043 : f32 to vector<512x64xf32>
    %sub3A_1342 = arith.subf %sub3A_1341, %get3A_1027 : vector<512x64xf32>
    %sub3A_1343 = arith.subf %get3A_1043, %get3A_1039 : f32
    %div3A_1344 = vector.broadcast %sub3A_1343 : f32 to vector<512x64xf32>
    %div3A_1345 = arith.divf %sub3A_1342, %div3A_1344 : vector<512x64xf32>
    %mul3A_1346 = arith.mulf %div3A_1345, %add3A_1243 : vector<512x64xf32>
    %add3A_1347 = arith.addf %mul3A_1340, %mul3A_1346 : vector<512x64xf32>
    %sub3A_1348 = vector.broadcast %get3A_1039 : f32 to vector<512x64xf32>
    %sub3A_1349 = arith.subf %get3A_1027, %sub3A_1348 : vector<512x64xf32>
    %sub3A_1350 = arith.subf %get3A_1043, %get3A_1039 : f32
    %div3A_1351 = vector.broadcast %sub3A_1350 : f32 to vector<512x64xf32>
    %div3A_1352 = arith.divf %sub3A_1349, %div3A_1351 : vector<512x64xf32>
    %mul3A_1353 = arith.mulf %div3A_1352, %add3A_1243 : vector<512x64xf32>
    %sub3A_1354 = vector.broadcast %get3A_1045 : f32 to vector<512x64xf32>
    %sub3A_1355 = arith.subf %sub3A_1354, %get3A_1027 : vector<512x64xf32>
    %sub3A_1356 = arith.subf %get3A_1045, %get3A_1041 : f32
    %div3A_1357 = vector.broadcast %sub3A_1356 : f32 to vector<512x64xf32>
    %div3A_1358 = arith.divf %sub3A_1355, %div3A_1357 : vector<512x64xf32>
    %mul3A_1359 = arith.mulf %div3A_1358, %add3A_1256 : vector<512x64xf32>
    %add3A_1360 = arith.addf %mul3A_1353, %mul3A_1359 : vector<512x64xf32>
    %sub3A_1361 = vector.broadcast %get3A_1041 : f32 to vector<512x64xf32>
    %sub3A_1362 = arith.subf %get3A_1027, %sub3A_1361 : vector<512x64xf32>
    %sub3A_1363 = arith.subf %get3A_1045, %get3A_1041 : f32
    %div3A_1364 = vector.broadcast %sub3A_1363 : f32 to vector<512x64xf32>
    %div3A_1365 = arith.divf %sub3A_1362, %div3A_1364 : vector<512x64xf32>
    %mul3A_1366 = arith.mulf %div3A_1365, %add3A_1256 : vector<512x64xf32>
    %sub3A_1367 = vector.broadcast %get3A_1047 : f32 to vector<512x64xf32>
    %sub3A_1368 = arith.subf %sub3A_1367, %get3A_1027 : vector<512x64xf32>
    %sub3A_1369 = arith.subf %get3A_1047, %get3A_1043 : f32
    %div3A_1370 = vector.broadcast %sub3A_1369 : f32 to vector<512x64xf32>
    %div3A_1371 = arith.divf %sub3A_1368, %div3A_1370 : vector<512x64xf32>
    %mul3A_1372 = arith.mulf %div3A_1371, %add3A_1269 : vector<512x64xf32>
    %add3A_1373 = arith.addf %mul3A_1366, %mul3A_1372 : vector<512x64xf32>
    %sub3A_1374 = vector.broadcast %get3A_1043 : f32 to vector<512x64xf32>
    %sub3A_1375 = arith.subf %get3A_1027, %sub3A_1374 : vector<512x64xf32>
    %sub3A_1376 = arith.subf %get3A_1047, %get3A_1043 : f32
    %div3A_1377 = vector.broadcast %sub3A_1376 : f32 to vector<512x64xf32>
    %div3A_1378 = arith.divf %sub3A_1375, %div3A_1377 : vector<512x64xf32>
    %mul3A_1379 = arith.mulf %div3A_1378, %add3A_1269 : vector<512x64xf32>
    %sub3A_1380 = vector.broadcast %get3A_1049 : f32 to vector<512x64xf32>
    %sub3A_1381 = arith.subf %sub3A_1380, %get3A_1027 : vector<512x64xf32>
    %sub3A_1382 = arith.subf %get3A_1049, %get3A_1045 : f32
    %div3A_1383 = vector.broadcast %sub3A_1382 : f32 to vector<512x64xf32>
    %div3A_1384 = arith.divf %sub3A_1381, %div3A_1383 : vector<512x64xf32>
    %mul3A_1385 = arith.mulf %div3A_1384, %add3A_1282 : vector<512x64xf32>
    %add3A_1386 = arith.addf %mul3A_1379, %mul3A_1385 : vector<512x64xf32>
    %sub3A_1387 = vector.broadcast %get3A_1029 : f32 to vector<512x64xf32>
    %sub3A_1388 = arith.subf %get3A_1027, %sub3A_1387 : vector<512x64xf32>
    %sub3A_1389 = arith.subf %get3A_1035, %get3A_1029 : f32
    %div3A_1390 = vector.broadcast %sub3A_1389 : f32 to vector<512x64xf32>
    %div3A_1391 = arith.divf %sub3A_1388, %div3A_1390 : vector<512x64xf32>
    %mul3A_1392 = arith.mulf %div3A_1391, %add3A_1295 : vector<512x64xf32>
    %sub3A_1393 = vector.broadcast %get3A_1037 : f32 to vector<512x64xf32>
    %sub3A_1394 = arith.subf %sub3A_1393, %get3A_1027 : vector<512x64xf32>
    %sub3A_1395 = arith.subf %get3A_1037, %get3A_1031 : f32
    %div3A_1396 = vector.broadcast %sub3A_1395 : f32 to vector<512x64xf32>
    %div3A_1397 = arith.divf %sub3A_1394, %div3A_1396 : vector<512x64xf32>
    %mul3A_1398 = arith.mulf %div3A_1397, %add3A_1308 : vector<512x64xf32>
    %add3A_1399 = arith.addf %mul3A_1392, %mul3A_1398 : vector<512x64xf32>
    %sub3A_1400 = vector.broadcast %get3A_1031 : f32 to vector<512x64xf32>
    %sub3A_1401 = arith.subf %get3A_1027, %sub3A_1400 : vector<512x64xf32>
    %sub3A_1402 = arith.subf %get3A_1037, %get3A_1031 : f32
    %div3A_1403 = vector.broadcast %sub3A_1402 : f32 to vector<512x64xf32>
    %div3A_1404 = arith.divf %sub3A_1401, %div3A_1403 : vector<512x64xf32>
    %mul3A_1405 = arith.mulf %div3A_1404, %add3A_1308 : vector<512x64xf32>
    %sub3A_1406 = vector.broadcast %get3A_1039 : f32 to vector<512x64xf32>
    %sub3A_1407 = arith.subf %sub3A_1406, %get3A_1027 : vector<512x64xf32>
    %sub3A_1408 = arith.subf %get3A_1039, %get3A_1033 : f32
    %div3A_1409 = vector.broadcast %sub3A_1408 : f32 to vector<512x64xf32>
    %div3A_1410 = arith.divf %sub3A_1407, %div3A_1409 : vector<512x64xf32>
    %mul3A_1411 = arith.mulf %div3A_1410, %add3A_1321 : vector<512x64xf32>
    %add3A_1412 = arith.addf %mul3A_1405, %mul3A_1411 : vector<512x64xf32>
    %sub3A_1413 = vector.broadcast %get3A_1033 : f32 to vector<512x64xf32>
    %sub3A_1414 = arith.subf %get3A_1027, %sub3A_1413 : vector<512x64xf32>
    %sub3A_1415 = arith.subf %get3A_1039, %get3A_1033 : f32
    %div3A_1416 = vector.broadcast %sub3A_1415 : f32 to vector<512x64xf32>
    %div3A_1417 = arith.divf %sub3A_1414, %div3A_1416 : vector<512x64xf32>
    %mul3A_1418 = arith.mulf %div3A_1417, %add3A_1321 : vector<512x64xf32>
    %sub3A_1419 = vector.broadcast %get3A_1041 : f32 to vector<512x64xf32>
    %sub3A_1420 = arith.subf %sub3A_1419, %get3A_1027 : vector<512x64xf32>
    %sub3A_1421 = arith.subf %get3A_1041, %get3A_1035 : f32
    %div3A_1422 = vector.broadcast %sub3A_1421 : f32 to vector<512x64xf32>
    %div3A_1423 = arith.divf %sub3A_1420, %div3A_1422 : vector<512x64xf32>
    %mul3A_1424 = arith.mulf %div3A_1423, %add3A_1334 : vector<512x64xf32>
    %add3A_1425 = arith.addf %mul3A_1418, %mul3A_1424 : vector<512x64xf32>
    %sub3A_1426 = vector.broadcast %get3A_1035 : f32 to vector<512x64xf32>
    %sub3A_1427 = arith.subf %get3A_1027, %sub3A_1426 : vector<512x64xf32>
    %sub3A_1428 = arith.subf %get3A_1041, %get3A_1035 : f32
    %div3A_1429 = vector.broadcast %sub3A_1428 : f32 to vector<512x64xf32>
    %div3A_1430 = arith.divf %sub3A_1427, %div3A_1429 : vector<512x64xf32>
    %mul3A_1431 = arith.mulf %div3A_1430, %add3A_1334 : vector<512x64xf32>
    %sub3A_1432 = vector.broadcast %get3A_1043 : f32 to vector<512x64xf32>
    %sub3A_1433 = arith.subf %sub3A_1432, %get3A_1027 : vector<512x64xf32>
    %sub3A_1434 = arith.subf %get3A_1043, %get3A_1037 : f32
    %div3A_1435 = vector.broadcast %sub3A_1434 : f32 to vector<512x64xf32>
    %div3A_1436 = arith.divf %sub3A_1433, %div3A_1435 : vector<512x64xf32>
    %mul3A_1437 = arith.mulf %div3A_1436, %add3A_1347 : vector<512x64xf32>
    %add3A_1438 = arith.addf %mul3A_1431, %mul3A_1437 : vector<512x64xf32>
    %sub3A_1439 = vector.broadcast %get3A_1037 : f32 to vector<512x64xf32>
    %sub3A_1440 = arith.subf %get3A_1027, %sub3A_1439 : vector<512x64xf32>
    %sub3A_1441 = arith.subf %get3A_1043, %get3A_1037 : f32
    %div3A_1442 = vector.broadcast %sub3A_1441 : f32 to vector<512x64xf32>
    %div3A_1443 = arith.divf %sub3A_1440, %div3A_1442 : vector<512x64xf32>
    %mul3A_1444 = arith.mulf %div3A_1443, %add3A_1347 : vector<512x64xf32>
    %sub3A_1445 = vector.broadcast %get3A_1045 : f32 to vector<512x64xf32>
    %sub3A_1446 = arith.subf %sub3A_1445, %get3A_1027 : vector<512x64xf32>
    %sub3A_1447 = arith.subf %get3A_1045, %get3A_1039 : f32
    %div3A_1448 = vector.broadcast %sub3A_1447 : f32 to vector<512x64xf32>
    %div3A_1449 = arith.divf %sub3A_1446, %div3A_1448 : vector<512x64xf32>
    %mul3A_1450 = arith.mulf %div3A_1449, %add3A_1360 : vector<512x64xf32>
    %add3A_1451 = arith.addf %mul3A_1444, %mul3A_1450 : vector<512x64xf32>
    %sub3A_1452 = vector.broadcast %get3A_1039 : f32 to vector<512x64xf32>
    %sub3A_1453 = arith.subf %get3A_1027, %sub3A_1452 : vector<512x64xf32>
    %sub3A_1454 = arith.subf %get3A_1045, %get3A_1039 : f32
    %div3A_1455 = vector.broadcast %sub3A_1454 : f32 to vector<512x64xf32>
    %div3A_1456 = arith.divf %sub3A_1453, %div3A_1455 : vector<512x64xf32>
    %mul3A_1457 = arith.mulf %div3A_1456, %add3A_1360 : vector<512x64xf32>
    %sub3A_1458 = vector.broadcast %get3A_1047 : f32 to vector<512x64xf32>
    %sub3A_1459 = arith.subf %sub3A_1458, %get3A_1027 : vector<512x64xf32>
    %sub3A_1460 = arith.subf %get3A_1047, %get3A_1041 : f32
    %div3A_1461 = vector.broadcast %sub3A_1460 : f32 to vector<512x64xf32>
    %div3A_1462 = arith.divf %sub3A_1459, %div3A_1461 : vector<512x64xf32>
    %mul3A_1463 = arith.mulf %div3A_1462, %add3A_1373 : vector<512x64xf32>
    %add3A_1464 = arith.addf %mul3A_1457, %mul3A_1463 : vector<512x64xf32>
    %sub3A_1465 = vector.broadcast %get3A_1041 : f32 to vector<512x64xf32>
    %sub3A_1466 = arith.subf %get3A_1027, %sub3A_1465 : vector<512x64xf32>
    %sub3A_1467 = arith.subf %get3A_1047, %get3A_1041 : f32
    %div3A_1468 = vector.broadcast %sub3A_1467 : f32 to vector<512x64xf32>
    %div3A_1469 = arith.divf %sub3A_1466, %div3A_1468 : vector<512x64xf32>
    %mul3A_1470 = arith.mulf %div3A_1469, %add3A_1373 : vector<512x64xf32>
    %sub3A_1471 = vector.broadcast %get3A_1049 : f32 to vector<512x64xf32>
    %sub3A_1472 = arith.subf %sub3A_1471, %get3A_1027 : vector<512x64xf32>
    %sub3A_1473 = arith.subf %get3A_1049, %get3A_1043 : f32
    %div3A_1474 = vector.broadcast %sub3A_1473 : f32 to vector<512x64xf32>
    %div3A_1475 = arith.divf %sub3A_1472, %div3A_1474 : vector<512x64xf32>
    %mul3A_1476 = arith.mulf %div3A_1475, %add3A_1386 : vector<512x64xf32>
    %add3A_1477 = arith.addf %mul3A_1470, %mul3A_1476 : vector<512x64xf32>
    %get3A_1478 = arith.constant 0 : index
    %get3A_1479 = arith.constant 0 : index
    %get3A_1480 = vector.load %arg13[%get3A_1478, %get3A_1479] : memref<64x40xf32, #tpu.memory_space<vmem>>, vector<64x40xf32>
    %get3A_1481 = arith.constant 0 : index
    %get3A_1482 = arith.constant 0 : index
    %get3A_1483 = arith.constant 0 : index
    %get3A_1484 = vector.load %arg12[%get3A_1481, %get3A_1482, %get3A_1483] : memref<7x64x40xf32, #tpu.memory_space<vmem>>, vector<1x64x40xf32>
    %get3A_1485 = vector.shape_cast %get3A_1484 : vector<1x64x40xf32> to vector<64x40xf32>
    %mul3A_1486 = arith.mulf %get3A_1485, %get3A_1480 : vector<64x40xf32>
    %dot_general3A_1487 = arith.constant dense<0.000000e+00> : vector<512x40xf32>
    %dot_general3A_1488 = tpu.matmul %add3A_1399, %mul3A_1486, %dot_general3A_1487 {dimension_numbers = #tpu.dot_dimension_numbers<[1], [0], [0], [1], [0, 0, 1, 1], [], []>, transpose_lhs_hint = false} : vector<512x64xf32>, vector<64x40xf32>, vector<512x40xf32> -> vector<512x40xf32>
    %add3A_1489 = arith.addf %dot_general3A_1065, %dot_general3A_1488 : vector<512x40xf32>
    %get3A_1490 = arith.constant 1 : index
    %get3A_1491 = arith.constant 0 : index
    %get3A_1492 = arith.constant 0 : index
    %get3A_1493 = vector.load %arg12[%get3A_1490, %get3A_1491, %get3A_1492] : memref<7x64x40xf32, #tpu.memory_space<vmem>>, vector<1x64x40xf32>
    %get3A_1494 = vector.shape_cast %get3A_1493 : vector<1x64x40xf32> to vector<64x40xf32>
    %mul3A_1495 = arith.mulf %get3A_1494, %get3A_1480 : vector<64x40xf32>
    %dot_general3A_1496 = arith.constant dense<0.000000e+00> : vector<512x40xf32>
    %dot_general3A_1497 = tpu.matmul %add3A_1412, %mul3A_1495, %dot_general3A_1496 {dimension_numbers = #tpu.dot_dimension_numbers<[1], [0], [0], [1], [0, 0, 1, 1], [], []>, transpose_lhs_hint = false} : vector<512x64xf32>, vector<64x40xf32>, vector<512x40xf32> -> vector<512x40xf32>
    %add3A_1498 = arith.addf %add3A_1489, %dot_general3A_1497 : vector<512x40xf32>
    %get3A_1499 = arith.constant 2 : index
    %get3A_1500 = arith.constant 0 : index
    %get3A_1501 = arith.constant 0 : index
    %get3A_1502 = vector.load %arg12[%get3A_1499, %get3A_1500, %get3A_1501] : memref<7x64x40xf32, #tpu.memory_space<vmem>>, vector<1x64x40xf32>
    %get3A_1503 = vector.shape_cast %get3A_1502 : vector<1x64x40xf32> to vector<64x40xf32>
    %mul3A_1504 = arith.mulf %get3A_1503, %get3A_1480 : vector<64x40xf32>
    %dot_general3A_1505 = arith.constant dense<0.000000e+00> : vector<512x40xf32>
    %dot_general3A_1506 = tpu.matmul %add3A_1425, %mul3A_1504, %dot_general3A_1505 {dimension_numbers = #tpu.dot_dimension_numbers<[1], [0], [0], [1], [0, 0, 1, 1], [], []>, transpose_lhs_hint = false} : vector<512x64xf32>, vector<64x40xf32>, vector<512x40xf32> -> vector<512x40xf32>
    %add3A_1507 = arith.addf %add3A_1498, %dot_general3A_1506 : vector<512x40xf32>
    %get3A_1508 = arith.constant 3 : index
    %get3A_1509 = arith.constant 0 : index
    %get3A_1510 = arith.constant 0 : index
    %get3A_1511 = vector.load %arg12[%get3A_1508, %get3A_1509, %get3A_1510] : memref<7x64x40xf32, #tpu.memory_space<vmem>>, vector<1x64x40xf32>
    %get3A_1512 = vector.shape_cast %get3A_1511 : vector<1x64x40xf32> to vector<64x40xf32>
    %mul3A_1513 = arith.mulf %get3A_1512, %get3A_1480 : vector<64x40xf32>
    %dot_general3A_1514 = arith.constant dense<0.000000e+00> : vector<512x40xf32>
    %dot_general3A_1515 = tpu.matmul %add3A_1438, %mul3A_1513, %dot_general3A_1514 {dimension_numbers = #tpu.dot_dimension_numbers<[1], [0], [0], [1], [0, 0, 1, 1], [], []>, transpose_lhs_hint = false} : vector<512x64xf32>, vector<64x40xf32>, vector<512x40xf32> -> vector<512x40xf32>
    %add3A_1516 = arith.addf %add3A_1507, %dot_general3A_1515 : vector<512x40xf32>
    %get3A_1517 = arith.constant 4 : index
    %get3A_1518 = arith.constant 0 : index
    %get3A_1519 = arith.constant 0 : index
    %get3A_1520 = vector.load %arg12[%get3A_1517, %get3A_1518, %get3A_1519] : memref<7x64x40xf32, #tpu.memory_space<vmem>>, vector<1x64x40xf32>
    %get3A_1521 = vector.shape_cast %get3A_1520 : vector<1x64x40xf32> to vector<64x40xf32>
    %mul3A_1522 = arith.mulf %get3A_1521, %get3A_1480 : vector<64x40xf32>
    %dot_general3A_1523 = arith.constant dense<0.000000e+00> : vector<512x40xf32>
    %dot_general3A_1524 = tpu.matmul %add3A_1451, %mul3A_1522, %dot_general3A_1523 {dimension_numbers = #tpu.dot_dimension_numbers<[1], [0], [0], [1], [0, 0, 1, 1], [], []>, transpose_lhs_hint = false} : vector<512x64xf32>, vector<64x40xf32>, vector<512x40xf32> -> vector<512x40xf32>
    %add3A_1525 = arith.addf %add3A_1516, %dot_general3A_1524 : vector<512x40xf32>
    %get3A_1526 = arith.constant 5 : index
    %get3A_1527 = arith.constant 0 : index
    %get3A_1528 = arith.constant 0 : index
    %get3A_1529 = vector.load %arg12[%get3A_1526, %get3A_1527, %get3A_1528] : memref<7x64x40xf32, #tpu.memory_space<vmem>>, vector<1x64x40xf32>
    %get3A_1530 = vector.shape_cast %get3A_1529 : vector<1x64x40xf32> to vector<64x40xf32>
    %mul3A_1531 = arith.mulf %get3A_1530, %get3A_1480 : vector<64x40xf32>
    %dot_general3A_1532 = arith.constant dense<0.000000e+00> : vector<512x40xf32>
    %dot_general3A_1533 = tpu.matmul %add3A_1464, %mul3A_1531, %dot_general3A_1532 {dimension_numbers = #tpu.dot_dimension_numbers<[1], [0], [0], [1], [0, 0, 1, 1], [], []>, transpose_lhs_hint = false} : vector<512x64xf32>, vector<64x40xf32>, vector<512x40xf32> -> vector<512x40xf32>
    %add3A_1534 = arith.addf %add3A_1525, %dot_general3A_1533 : vector<512x40xf32>
    %get3A_1535 = arith.constant 6 : index
    %get3A_1536 = arith.constant 0 : index
    %get3A_1537 = arith.constant 0 : index
    %get3A_1538 = vector.load %arg12[%get3A_1535, %get3A_1536, %get3A_1537] : memref<7x64x40xf32, #tpu.memory_space<vmem>>, vector<1x64x40xf32>
    %get3A_1539 = vector.shape_cast %get3A_1538 : vector<1x64x40xf32> to vector<64x40xf32>
    %mul3A_1540 = arith.mulf %get3A_1539, %get3A_1480 : vector<64x40xf32>
    %dot_general3A_1541 = arith.constant dense<0.000000e+00> : vector<512x40xf32>
    %dot_general3A_1542 = tpu.matmul %add3A_1477, %mul3A_1540, %dot_general3A_1541 {dimension_numbers = #tpu.dot_dimension_numbers<[1], [0], [0], [1], [0, 0, 1, 1], [], []>, transpose_lhs_hint = false} : vector<512x64xf32>, vector<64x40xf32>, vector<512x40xf32> -> vector<512x40xf32>
    %add3A_1543 = arith.addf %add3A_1534, %dot_general3A_1542 : vector<512x40xf32>
    %add3A_1544 = arith.addf %add3A_1024, %add3A_1543 : vector<512x40xf32>
    %swap3A = arith.constant 0 : index
    %swap3A_1545 = arith.constant 0 : index
    %swap3A_1546 = vector.load %arg14[%swap3A, %swap3A_1545] : memref<512x40xf32, #tpu.memory_space<vmem>>, vector<512x40xf32>
    tpu.vector_store %arg14[%swap3A, %swap3A_1545], %add3A_1544 {strides = array<i32>} : memref<512x40xf32, #tpu.memory_space<vmem>>, vector<512x40xf32>,
    return
  }
  func.func @transform_0(%arg0: i32) -> (i32, i32) {
    %c0_i32 = arith.constant 0 : i32
    %c0_i32_0 = arith.constant 0 : i32
    return %arg0, %c0_i32 : i32, i32
  }
  func.func @transform_1(%arg0: i32) -> (i32, i32) {
    %c0_i32 = arith.constant 0 : i32
    %c0_i32_0 = arith.constant 0 : i32
    return %arg0, %c0_i32 : i32, i32
  }
  func.func @transform_2(%arg0: i32) -> (i32, i32) {
    %c0_i32 = arith.constant 0 : i32
    %c0_i32_0 = arith.constant 0 : i32
    return %arg0, %c0_i32 : i32, i32
  }
  func.func @transform_3(%arg0: i32) -> i32 {
    %c0_i32 = arith.constant 0 : i32
    %c0_i32_0 = arith.constant 0 : i32
    return %c0_i32 : i32
  }
  func.func @transform_4(%arg0: i32) -> (i32, i32) {
    %c0_i32 = arith.constant 0 : i32
    %c0_i32_0 = arith.constant 0 : i32
    %c0_i32_1 = arith.constant 0 : i32
    return %c0_i32, %c0_i32_0 : i32, i32
  }
  func.func @transform_5(%arg0: i32) -> (i32, i32, i32) {
    %c0_i32 = arith.constant 0 : i32
    %c0_i32_0 = arith.constant 0 : i32
    %c0_i32_1 = arith.constant 0 : i32
    %c0_i32_2 = arith.constant 0 : i32
    return %c0_i32, %c0_i32_0, %c0_i32_1 : i32, i32, i32
  }
  func.func @transform_6(%arg0: i32) -> (i32, i32) {
    %c0_i32 = arith.constant 0 : i32
    %c0_i32_0 = arith.constant 0 : i32
    %c0_i32_1 = arith.constant 0 : i32
    return %c0_i32, %c0_i32_0 : i32, i32
  }
  func.func @transform_7(%arg0: i32) -> (i32, i32) {
    %c0_i32 = arith.constant 0 : i32
    %c0_i32_0 = arith.constant 0 : i32
    %c0_i32_1 = arith.constant 0 : i32
    return %c0_i32, %c0_i32_0 : i32, i32
  }
  func.func @transform_8(%arg0: i32) -> (i32, i32, i32) {
    %c0_i32 = arith.constant 0 : i32
    %c0_i32_0 = arith.constant 0 : i32
    %c0_i32_1 = arith.constant 0 : i32
    %c0_i32_2 = arith.constant 0 : i32
    return %c0_i32, %c0_i32_0, %c0_i32_1 : i32, i32, i32
  }
  func.func @transform_9(%arg0: i32) -> (i32, i32) {
    %c0_i32 = arith.constant 0 : i32
    %c0_i32_0 = arith.constant 0 : i32
    %c0_i32_1 = arith.constant 0 : i32
    return %c0_i32, %c0_i32_0 : i32, i32
  }
  func.func @transform_10(%arg0: i32) -> (i32, i32) {
    %c0_i32 = arith.constant 0 : i32
    %c0_i32_0 = arith.constant 0 : i32
    %c0_i32_1 = arith.constant 0 : i32
    return %c0_i32, %c0_i32_0 : i32, i32
  }
  func.func @transform_11(%arg0: i32) -> (i32, i32, i32) {
    %c0_i32 = arith.constant 0 : i32
    %c0_i32_0 = arith.constant 0 : i32
    %c0_i32_1 = arith.constant 0 : i32
    %c0_i32_2 = arith.constant 0 : i32
    return %c0_i32, %c0_i32_0, %c0_i32_1 : i32, i32, i32
  }
  func.func @transform_12(%arg0: i32) -> (i32, i32) {
    %c0_i32 = arith.constant 0 : i32
    %c0_i32_0 = arith.constant 0 : i32
    %c0_i32_1 = arith.constant 0 : i32
    return %c0_i32, %c0_i32_0 : i32, i32
  }
  func.func @transform_13(%arg0: i32) -> (i32, i32) {
    %c0_i32 = arith.constant 0 : i32
    %c0_i32_0 = arith.constant 0 : i32
    return %arg0, %c0_i32 : i32, i32
  }
}

</mosaic_0001>

<sc_bundles>
// kernel: kernel.10.cloned.1.call-start
scs
__scs_entry_jumppad:
0x0: {  	(pc) =	sbr.rel $0x88, $3  }
0x1: {  	(tag) =	ssettag $0x0;
	lr =	simm.s32 $0x1  }
0x2: {  	[smem:$0x3F8D] =	sst lr;
	_ =	strace $0xD0000000  }
0x3: {  	_ = 	snop  }
0x4: {  	_ = 	snop  }
0x5: {  	_ = 	snop  }
0x6: {  	_ = 	snop  }
0x7: {  	_ = 	snop  }
__scs_overlays_trampoline_lowered:
0x8: {  	[smem:$0x3F9C] =	sst s0  }
0x9: {  	[smem:$0x3F9D] =	sst s1  }
0xa: {  	[smem:$0x3F9E] =	sst s2  }
0xb: {  	[smem:$0x3F9F] =	sst s3  }
0xc: {  	[smem:$0x3FA0] =	sst s4  }
0xd: {  	[smem:$0x3FA1] =	sst s5  }
0xe: {  	[smem:$0x3FA2] =	sst s6  }
0xf: {  	[smem:$0x3FA3] =	sst s7  }
0x10: {  	[smem:$0x3FA4] =	sst s8  }
0x11: {  	[smem:$0x3FA5] =	sst s9;
	s0 =	simm.s32 @!p0 $0x0  }
0x12: {  	s1 =	sld [smem:$0x3F8B];
	s0 =	simm.s32 @p0 $0x1  }
0x13: {  	[smem:$0x3FA6] =	sst s0;
	s0 =	simm.s32 @!p1 $0x0  }
0x14: {  	s2 =	sld [smem:$0x3F8A];
	s0 =	simm.s32 @p1 $0x1  }
0x15: {  	[smem:$0x3FA7] =	sst s0;
	s0 =	simm.s32 @!p2 $0x0  }
0x16: {  	s3 =	sld [smem:$0x3FDB];
	s0 =	simm.s32 @p2 $0x1  }
0x17: {  	s4 =	simm.s32 $0x1BF5;
	[smem:$0x3FA9] =	sst s0  }
0x18: {  	s0 =	sld [smem:$0x3F8C];
	_ =	swait.ge [sflag:s4], $0x0  }
0x19: {  	s7 =	sld [smem:$0x3F8D]  }
0x1a: {  	s8 =	sadd.s32 $0xFFFFE003, lr  }
0x1b: {  	s9 =	sadd.s32 $0xFFFFFEF7, lr;
	s5 =	simm.s32 $0xFFFFFFFF;
	p2 =	slt.u32 s8, $0xFFFFF086  }
0x1c: {  	p1 =	slt.u32 s9, $0xF7A;
	s5 =	simm.s32 @!p2 $0x0  }
0x1d: {  	s5 =	simm.s32 @p1 $0x1;
	p0 =	seq.s32 s7, s2  }
0x1e: {  	s7 =	smul.u32 @!p0 $0xF7A, s2;
	p2 =	seq.s32 @!p0 s5, $0x0  }
0x1f: {  	s9 =	smul.u32 $0xF7A, s1;
	s8 =	simm.s32 @!p0 $0x1BF5;
	p2 =	por !p2, p0  }
0x20: {  	[sflag:s8] =	ssyncset.s32 @!p0 $0xFFFFF086;
	s6 =	sadd.s32 @!p0 s3, s7;
	s7 =	simm.s32 @!p0 $0x108  }
0x21: {  	s3 =	sadd.s32 s3, s9;
	s6 =	sadd.s32 @!p0 $0x88, s6;
	s7 =	simm.s32 @p2 $0x1082  }
0x22: {  	[simem:s7], [sflag:s8] =	dma.local @!p0 [hbm:s6], $0xF7A  }
0x23: {  	s9 =	sor.u32 $0xD0000000, s2;
	s6 =	simm.s32 $0x108;
	_ =	swait.ge @!p0 [sflag:s8], $0x0  }
0x24: {  	s3 =	sadd.s32 $0x88, s3;
	s6 =	simm.s32 @!p1 $0x1082;
	[sflag:s4] =	ssyncset.s32 $0xFFFFF086  }
0x25: {  	[simem:s6], [sflag:s4] =	dma.local [hbm:s3], $0xF7A  }
0x26: {  	[smem:$0x3F8D] =	sst s1;
	(tag) =	ssettag s2;
	_ =	strace s9  }
0x27: {  	s1 =	sld [smem:$0x3F9D]  }
0x28: {  	s2 =	sld [smem:$0x3F9E]  }
0x29: {  	s4 =	sld [smem:$0x3FA0]  }
0x2a: {  	p0 =	seq.s32 s5, $0x0;
	s5 =	sld [smem:$0x3FA1]  }
0x2b: {  	s6 =	sld [smem:$0x3FA2]  }
0x2c: {  	s7 =	sld [smem:$0x3FA3]  }
0x2d: {  	s3 =	simm.s32 $0x108;
	s8 =	sld [smem:$0x3FA4]  }
0x2e: {  	s3 =	simm.s32 @!p0 $0x1082;
	s9 =	sld [smem:$0x3FA5]  }
0x2f: {  	lr =	sadd.s32 s0, s3;
	s0 =	sld [smem:$0x3F9C]  }
0x30: {  	s3 =	sld [smem:$0x3F9F]  }
0x31: {  	[smem:$0x3FA8] =	sst s10  }
0x32: {  	s10 =	sld [smem:$0x3FA6];
	_ =	sdelay $0x3  }
0x33: {  	p0 =	seq.s32 s10, $0x1;
	s10 =	sld [smem:$0x3FA8];
	_ =	sdelay $0x3  }
0x34: {  	[smem:$0x3FA8] =	sst s10  }
0x35: {  	s10 =	sld [smem:$0x3FA7];
	_ =	sdelay $0x3  }
0x36: {  	p1 =	seq.s32 s10, $0x1;
	s10 =	sld [smem:$0x3FA8];
	_ =	sdelay $0x3  }
0x37: {  	[smem:$0x3FA8] =	sst s10  }
0x38: {  	s10 =	sld [smem:$0x3FA9]  }
0x39: {  	_ = 	snop;
	(pc) =	sbr.ind lr, $3  }
0x3a: {  	_ = 	snop  }
0x3b: {  	_ = 	snop  }
0x3c: {  	p2 =	seq.s32 s10, $0x1;
	s10 =	sld [smem:$0x3FA8]  }
0x3d: {  	_ =	shalt  }
0x3e: {  	_ =	shalt  }
0x3f: {  	_ =	shalt  }
0x40: {  	_ =	shalt  }
0x41: {  	_ =	shalt  }
0x42: {  	_ =	shalt  }
0x43: {  	_ =	shalt  }
0x44: {  	_ =	shalt  }
0x45: {  	_ =	shalt  }
0x46: {  	_ =	shalt  }
0x47: {  	_ =	shalt  }
0x48: {  	_ =	shalt  }
0x49: {  	_ =	shalt  }
0x4a: {  	_ =	shalt  }
0x4b: {  	_ =	shalt  }
0x4c: {  	_ =	shalt  }
0x4d: {  	_ =	shalt  }
0x4e: {  	_ =	shalt  }
0x4f: {  	_ =	shalt  }
0x50: {  	_ =	shalt  }
0x51: {  	_ =	shalt  }
0x52: {  	_ =	shalt  }
0x53: {  	_ =	shalt  }
0x54: {  	_ =	shalt  }
0x55: {  	_ =	shalt  }
0x56: {  	_ =	shalt  }
0x57: {  	_ =	shalt  }
0x58: {  	_ =	shalt  }
0x59: {  	_ =	shalt  }
0x5a: {  	_ =	shalt  }
0x5b: {  	_ =	shalt  }
0x5c: {  	_ =	shalt  }
0x5d: {  	_ =	shalt  }
0x5e: {  	_ =	shalt  }
0x5f: {  	_ =	shalt  }
0x60: {  	_ =	shalt  }
0x61: {  	_ =	shalt  }
0x62: {  	_ =	shalt  }
0x63: {  	_ =	shalt  }
0x64: {  	_ =	shalt  }
0x65: {  	_ =	shalt  }
0x66: {  	_ =	shalt  }
0x67: {  	_ =	shalt  }
0x68: {  	_ =	shalt  }
0x69: {  	_ =	shalt  }
0x6a: {  	_ =	shalt  }
0x6b: {  	_ =	shalt  }
0x6c: {  	_ =	shalt  }
0x6d: {  	_ =	shalt  }
0x6e: {  	_ =	shalt  }
0x6f: {  	_ =	shalt  }
0x70: {  	_ =	shalt  }
0x71: {  	_ =	shalt  }
0x72: {  	_ =	shalt  }
0x73: {  	_ =	shalt  }
0x74: {  	_ =	shalt  }
0x75: {  	_ =	shalt  }
0x76: {  	_ =	shalt  }
0x77: {  	_ =	shalt  }
0x78: {  	_ =	shalt  }
0x79: {  	_ =	shalt  }
0x7a: {  	_ =	shalt  }
0x7b: {  	_ =	shalt  }
0x7c: {  	_ =	shalt  }
0x7d: {  	_ =	shalt  }
0x7e: {  	_ =	shalt  }
0x7f: {  	_ =	shalt  }
0x80: {  	_ =	shalt  }
0x81: {  	_ =	shalt  }
0x82: {  	_ =	shalt  }
0x83: {  	_ =	shalt  }
0x84: {  	_ =	shalt  }
0x85: {  	_ =	shalt  }
0x86: {  	_ =	shalt  }
0x87: {  	_ =	shalt  }
.Lfunc_end0:
.L_simem_size_0:
called_computation_lowered:
.L_overlay_start_0:
0x88: {  	s2 =	sld [smem:$0x3FD9]  }
0x89: {  	s3 =	sld [smem:$0x3FFE];
	_ =	sdelay $0x1  }
0x8a: {  	s1 =	srdreg.scid  }
0x8b: {  	s0 =	sand.u32 $0x1, s1  }
0x8c: {  	s16 =	sshll.u32 s0, $0xA;
	s2 =	sadd.s32 s3, s2  }
0x8d: {  	s2 =	sadd.s32 s2, s16  }
0x8e: {  	[smem:$0x3FB4] =	sst s2  }
0x8f: {  	_ = 	snop  }
0x90: {  	(tm) =	ssettm $0x1  }
0x91: {  	s17 =	sld [smem:$0x3FFB];
	_ =	sdelay $0x3  }
0x92: {  	_ =	strace s17  }
0x93: {  	s2 =	sld [smem:$0x3FFC];
	_ =	sdelay $0x3  }
0x94: {  	_ =	strace s2  }
0x95: {  	s2 =	sld [smem:$0x3FFD];
	_ =	sdelay $0x3  }
0x96: {  	_ =	strace s2  }
0x97: {  	_ =	strace $0x8FFFFFFF  }
0x98: {  	s18 =	sld [smem:$0x3FDB];
	_ =	sdelay $0x1  }
0x99: {  	s19 =	simm.s32 $_scs_section_size  }
0x9a: {  	s4 =	simm.s32 $_size__tile_overlayer_lowered;
	s5 =	simm.s32 $_tile_overlayer_lowered  }
0x9b: {  	s22 =	simm.s32 $0x1BFF;
	s21 =	sshll.u32 s5, $0x1;
	s2 =	sadd.s32 s19, s18  }
0x9c: {  	s6 =	simm.s32 $0x0;
	s20 =	sshll.u32 s4, $0x1;
	s4 =	sadd.s32 s21, s2  }
0x9d: {  	[timem:s6], [sflag:s22] =	dma.local [hbm:s4], s20  }
0x9e: {  	_ =	swait.ge [sflag:s22], s20  }
0x9f: {  	s3 =	ssub.s32 $0x0, s20;
	[sflag:s22] =	ssyncset.done $0x0  }
0xa0: {  	[sflag:s22] =	ssyncadd.s32 s3;
	_ =	sdelay $0x1  }
0xa1: {  	s23 =	simm.s32 $0x1B8B  }
0xa2: {  	_ =	swait.ge [sflag:s23], $0x1  }
0xa3: {  	[sflag:s23] =	ssyncset.done $0x0  }
0xa4: {  	s25 =	simm.s32 $0x1B8E;
	s24 =	sld [smem:$0x3FFE];
	[sflag:s23] =	ssyncadd.s32 $0xFFFFFFFF  }
0xa5: {  	s26 =	simm.s32 $execute0_lowered;
	[smem:$0x3FD2] =	sst s25  }
0xa6: {  	s4 =	sshll.u32 s26, $0x1;
	_ =	strace $0x80000046;
	[dreg:$0x1] =	wrdreg $0xFFFFFFFF  }
0xa7: {  	s28 =	simm.s32 $_size_execute0_lowered;
	s2 =	sadd.s32 s2, s4;
	[dreg:$0x0] =	wrdreg $0x0  }
0xa8: {  	s4 =	sshll.u32 s28, $0x1;
	[dreg:$0x2] =	wrdreg s2  }
0xa9: {  	[dreg:$0x3] =	wrdreg s4  }
0xaa: {  	[dreg:$0x4] =	wrdreg $0xC0  }
0xab: {  	_ =	task [dreg:s6], $0x5FFFF  }
0xac: {  	[dreg:$0x1] =	wrdreg $0xFFFFFFFF  }
0xad: {  	[dreg:$0x0] =	wrdreg $0x60  }
0xae: {  	[dreg:$0x2] =	wrdreg s24  }
0xaf: {  	[dreg:$0x3] =	wrdreg $0x28800  }
0xb0: {  	[dreg:$0x4] =	wrdreg $0x9  }
0xb1: {  	_ =	task.clear_ibuf [dreg:s6], $0x5FFFF;
	_ =	strace $0x90000046  }
0xb2: {  	s29 =	simm.s32 $0x9;
	_ =	strace $0x80000048  }
0xb3: {  	_ =	swait.ge [sflag:s29], $0x1  }
0xb4: {  	[sflag:s29] =	ssyncadd.s32 $0xFFFFFFFF  }
0xb5: {  	_ =	strace $0x90000048  }
0xb6: {  	_ =	sfence  }
0xb7: {  	s30 =	sld [smem:$0x0];
	_ =	sdelay $0x2  }
0xb8: {  	s31 =	sshll.u32 s1, $0xD;
	s1 =	sshrl.u32 s1, $0x2  }
0xb9: {  	s3 =	sand.u32 $0x4000, s31;
	s1 =	sadd.s32 s1, s30  }
0xba: {  	s0 =	sor.u32 s3, s0;
	s1 =	sshll.u32 s1, $0x11  }
0xbb: {  	s0 =	sor.u32 s1, s0  }
0xbc: {  	s0 =	sadd.s32 $0x8F2B, s0  }
0xbd: {  	[sflag:s0] =	ssyncadd.remote.s32 $0x1  }
0xbe: {  	_ =	sfence.sel $0xFFFF  }
0xbf: {  	[dreg:$0x0] =	wrdreg $0xFFFFFFFF;
	(pc) =	sbr.abs _section_cstart, $3  }
0xc0: {  	[dreg:$0x1] =	wrdreg $0xFFFFFFFF  }
0xc1: {  	_ =	task.clear_ibuf [dreg:s6], $0x2FFFF;
	_ =	strace $0x9FFFFFFF  }
0xc2: {  	(tm) =	ssettm $0x7FFFFFFF  }
0xc3: {  	_ =	shalt  }
tec
execute0_lowered:
.L_overlay_start_1:
0x0: {  	(tag) =	ssettag $0x1  }
0x1: {  	s1 =	srdreg.scid  }
0x2: {  	s0 =	stileid.u32;
	s5 =	rddreg [dreg:$0x0]  }
0x3: {  	s2 =	rddreg [dreg:$0x1];
	s3 =	simm.s32 $0x0;
	s14 =	simm.s32 $0x20  }
0x4: {  	s15 =	simm.s32 $0x10;
	s16 =	simm.s32 $0x0;
	s6 =	sand.u32 $0x1, s1  }
0x5: {  	s28 =	sshll.u32 s0, $0x1;
	s1 =	rddreg [dreg:$0x2];
	s7 =	smul.u32 $0x500, s0  }
0x6: {  	[smem:$0x7FF] =	sst s3;
	s8 =	smul.u32 $0x280, s0;
	s31 =	sshll.u32 s0, $0x6  }
0x7: {  	s4 =	sor.u32 s6, s28;
	_ =	strace $0x80000047;
	s9 =	sshll.u32 s6, $0x7  }
0x8: {  	s6 =	ssub.s32 $0x2, s6;
	s4 =	smul.u32 $0x500, s4;
	s7 =	sor.u32 s9, s7  }
0x9: {  	s29 =	sshrl.u32 s8, $0x3;
	s30 =	sshrl.u32 s6, $0x1;
	s13 =	sadd.s32 s8, s2  }
0xa: {  	s7 =	sshrl.u32 s7, $0x3;
	s9 =	sadd.s32 s29, s5;
	s12 =	ssub.s32 s6, s30  }
0xb: {  	s6 =	sor.u32 $0x1C01, s31;
	s10 =	sadd.s32 s4, s5;
	s4 =	sadd.s32 $0x10000, s5  }
0xc: {  	s11 =	sadd.s32 s7, s5;
	s5 =	sadd.s32 $0xFA00, s9;
	s9 =	smax.u32 s12, $0x1  }
0xd: {  	s12 =	simm.s32 $0x2800;
	s7 =	sadd.s32 $0x5A00, s10;
	s8 =	sadd.s32 $0x10200, s11  }
0xe: {  	s10 =	sshrl.u32 s13, $0x3;
	s11 =	simm.s32 $0x1;
	s13 =	simm.s32 $0x80  }
.LBB2_1:
0xf: {  	[spmem:s10], [sflag:s6] =	dma.local [hbm:s5], $0x50  }
0x10: {  	_ =	swait.ge [sflag:s11], $0x50  }
0x11: {  	[sflag:s11] =	ssyncset.done $0x0  }
0x12: {  	[sflag:s11] =	ssyncadd.s32 $0xFFFFFFB0  }
0x13: {  	[tilespmem:s3], [sflag:$0x1] =	stream.linear.gather [hbm4b:s7+s3], $0x2800, $0x38;
	[tilespmem:$0x2B00] =	vst v63  }
0x14: {  	_ =	swait.ge [sflag:s11], $0x2800  }
0x15: {  	[sflag:s11] =	ssyncset.done $0x0  }
0x16: {  	[sflag:s11] =	ssyncadd.s32 $0xFFFFD800  }
0x17: {  	[tilespmem:s12], [sflag:$0x1] =	stream.linear.gather [hbm4b:s4+s3], $0x80, $0x38;
	[tilespmem:$0x2B00] =	vst v63  }
0x18: {  	_ =	swait.ge [sflag:s11], $0x80  }
0x19: {  	[sflag:s11] =	ssyncset.done $0x0  }
0x1a: {  	[sflag:s11] =	ssyncadd.s32 $0xFFFFFF80  }
0x1b: {  	s17 =	simm.s32 $0x0;
	[bflag:$0x0] =	sbarrier.arrive $0xFFFF  }
0x1c: {  	[spmem:s2] =	stream.indirect.scatter.add.f32 [tilespmem:s12], [sflag:$0x1], $0x1, s17, s13, $0xb8;
	[tilespmem:$0x2B00] =	vst v63  }
0x1d: {  	_ =	swait.ge [sflag:s11], $0x80  }
0x1e: {  	s17 =	simm.s32 $0x200;
	[sflag:s11] =	ssyncset.done $0x0  }
.LBB2_2:
0x1f: {  	s18 =	sshra.s32 s17, $0x2;
	[sflag:s11] =	ssyncadd.s32 $0xFFFFFF80;
	p0 =	sne.s32 s17, $0x9E00  }
0x20: {  	[spmem:s2] =	stream.indirect.scatter.add.f32 [tilespmem:s12], [sflag:$0x1], $0x1, s18, s13, $0xb8;
	[tilespmem:$0x2B00] =	vst v63  }
.Ltmp0:
0x21: {  	_ = 	snop;
	(pc) =	sbr.rel @p0 .LBB2_2-.Ltmp0, $4  }
0x22: {  	_ = 	snop  }
0x23: {  	s17 =	sadd.s32 $0x200, s17  }
0x24: {  	_ =	swait.ge [sflag:s11], $0x80  }
0x25: {  	[sflag:s11] =	ssyncset.done $0x0  }
0x26: {  	s16 =	sadd.s32 $0x1, s16  }
0x27: {  	[sflag:s11] =	ssyncadd.s32 $0xFFFFFF80;
	p0 =	sne.s32 s16, s9  }
.Ltmp1:
0x28: {  	[bflag:$0x0] =	sbarrier.arrive $0xFFFF;
	(pc) =	sbr.rel @p0 .LBB2_1-.Ltmp1, $4  }
0x29: {  	[hbm:s8@s14], [sflag:s6] =	dma.strided [spmem:s10@s15], $0x50, s11, $0x10   }
0x2a: {  	_ =	swait.ge [sflag:s11], $0x50  }
0x2b: {  	[sflag:s11] =	ssyncset.done $0x0  }
0x2c: {  	[sflag:s11] =	ssyncadd.s32 $0xFFFFFFB0  }
0x2d: {  	_ =	sfence.sel $0x180000  }
0x2e: {  	[bflag:$0x0] =	sbarrier.arrive $0xFFFF  }
0x2f: {  	p0 =	sne.s32 s0, $0x0;
	_ =	strace $0x90000047  }
0x30: {  	s0 =	sadd.s32 @!p0 $0x100000, s1;
	[bflag:$0x2] =	sbarrier.arrive $0xFFFF  }
0x31: {  	[sflag:s0] =	ssyncadd.tile.s32 @!p0 $0x1;
	_ =	shalt  }
.Lfunc_end2:
_tile_overlayer_lowered:
.L_overlay_start_2:
0x32: {  	(tag) =	ssettag $0x2  }
0x33: {  	s0 =	rddreg [dreg:$0x0];
	s2 =	stileid.u32  }
0x34: {  	s1 =	rddreg [dreg:$0x1];
	p0 =	sne.s32 s2, $0x0  }
0x35: {  	s3 =	rddreg [dreg:$0x2];
	[bflag:$0x3] =	sbarrier.arrive $0xFFFF;
	s2 =	simm.s32 @!p0 $0x1C01  }
0x36: {  	[timem:s3], [sflag:s2] =	dma.local @!p0 [hbm:s0], s1  }
0x37: {  	s0 =	simm.s32 @!p0 $0x1  }
0x38: {  	_ =	swait.ge @!p0 [sflag:s0], s1  }
0x39: {  	s1 =	ssub.s32 @!p0 $0x0, s1;
	[sflag:s0] =	ssyncset.done @!p0 $0x0  }
0x3a: {  	[sflag:s0] =	ssyncadd.s32 @!p0 s1  }
0x3b: {  	[bflag:$0x3] =	sbarrier.arrive $0xFFFF  }
0x3c: {  	_ =	shalt  }

// kernel: kernel.13.cloned.1.call-start
scs
__scs_entry_jumppad:
0x0: {  	(pc) =	sbr.rel $0x88, $3  }
0x1: {  	(tag) =	ssettag $0x0;
	lr =	simm.s32 $0x1  }
0x2: {  	[smem:$0x3F8D] =	sst lr;
	_ =	strace $0xD0000000  }
0x3: {  	_ = 	snop  }
0x4: {  	_ = 	snop  }
0x5: {  	_ = 	snop  }
0x6: {  	_ = 	snop  }
0x7: {  	_ = 	snop  }
__scs_overlays_trampoline_lowered:
0x8: {  	[smem:$0x3F9C] =	sst s0  }
0x9: {  	[smem:$0x3F9D] =	sst s1  }
0xa: {  	[smem:$0x3F9E] =	sst s2  }
0xb: {  	[smem:$0x3F9F] =	sst s3  }
0xc: {  	[smem:$0x3FA0] =	sst s4  }
0xd: {  	[smem:$0x3FA1] =	sst s5  }
0xe: {  	[smem:$0x3FA2] =	sst s6  }
0xf: {  	[smem:$0x3FA3] =	sst s7  }
0x10: {  	[smem:$0x3FA4] =	sst s8  }
0x11: {  	[smem:$0x3FA5] =	sst s9;
	s0 =	simm.s32 @!p0 $0x0  }
0x12: {  	s1 =	sld [smem:$0x3F8B];
	s0 =	simm.s32 @p0 $0x1  }
0x13: {  	[smem:$0x3FA6] =	sst s0;
	s0 =	simm.s32 @!p1 $0x0  }
0x14: {  	s2 =	sld [smem:$0x3F8A];
	s0 =	simm.s32 @p1 $0x1  }
0x15: {  	[smem:$0x3FA7] =	sst s0;
	s0 =	simm.s32 @!p2 $0x0  }
0x16: {  	s3 =	sld [smem:$0x3FDB];
	s0 =	simm.s32 @p2 $0x1  }
0x17: {  	s4 =	simm.s32 $0x1BF5;
	[smem:$0x3FA9] =	sst s0  }
0x18: {  	s0 =	sld [smem:$0x3F8C];
	_ =	swait.ge [sflag:s4], $0x0  }
0x19: {  	s7 =	sld [smem:$0x3F8D]  }
0x1a: {  	s8 =	sadd.s32 $0xFFFFE003, lr  }
0x1b: {  	s9 =	sadd.s32 $0xFFFFFEF7, lr;
	s5 =	simm.s32 $0xFFFFFFFF;
	p2 =	slt.u32 s8, $0xFFFFF086  }
0x1c: {  	p1 =	slt.u32 s9, $0xF7A;
	s5 =	simm.s32 @!p2 $0x0  }
0x1d: {  	s5 =	simm.s32 @p1 $0x1;
	p0 =	seq.s32 s7, s2  }
0x1e: {  	s7 =	smul.u32 @!p0 $0xF7A, s2;
	p2 =	seq.s32 @!p0 s5, $0x0  }
0x1f: {  	s9 =	smul.u32 $0xF7A, s1;
	s8 =	simm.s32 @!p0 $0x1BF5;
	p2 =	por !p2, p0  }
0x20: {  	[sflag:s8] =	ssyncset.s32 @!p0 $0xFFFFF086;
	s6 =	sadd.s32 @!p0 s3, s7;
	s7 =	simm.s32 @!p0 $0x108  }
0x21: {  	s3 =	sadd.s32 s3, s9;
	s6 =	sadd.s32 @!p0 $0x88, s6;
	s7 =	simm.s32 @p2 $0x1082  }
0x22: {  	[simem:s7], [sflag:s8] =	dma.local @!p0 [hbm:s6], $0xF7A  }
0x23: {  	s9 =	sor.u32 $0xD0000000, s2;
	s6 =	simm.s32 $0x108;
	_ =	swait.ge @!p0 [sflag:s8], $0x0  }
0x24: {  	s3 =	sadd.s32 $0x88, s3;
	s6 =	simm.s32 @!p1 $0x1082;
	[sflag:s4] =	ssyncset.s32 $0xFFFFF086  }
0x25: {  	[simem:s6], [sflag:s4] =	dma.local [hbm:s3], $0xF7A  }
0x26: {  	[smem:$0x3F8D] =	sst s1;
	(tag) =	ssettag s2;
	_ =	strace s9  }
0x27: {  	s1 =	sld [smem:$0x3F9D]  }
0x28: {  	s2 =	sld [smem:$0x3F9E]  }
0x29: {  	s4 =	sld [smem:$0x3FA0]  }
0x2a: {  	p0 =	seq.s32 s5, $0x0;
	s5 =	sld [smem:$0x3FA1]  }
0x2b: {  	s6 =	sld [smem:$0x3FA2]  }
0x2c: {  	s7 =	sld [smem:$0x3FA3]  }
0x2d: {  	s3 =	simm.s32 $0x108;
	s8 =	sld [smem:$0x3FA4]  }
0x2e: {  	s3 =	simm.s32 @!p0 $0x1082;
	s9 =	sld [smem:$0x3FA5]  }
0x2f: {  	lr =	sadd.s32 s0, s3;
	s0 =	sld [smem:$0x3F9C]  }
0x30: {  	s3 =	sld [smem:$0x3F9F]  }
0x31: {  	[smem:$0x3FA8] =	sst s10  }
0x32: {  	s10 =	sld [smem:$0x3FA6];
	_ =	sdelay $0x3  }
0x33: {  	p0 =	seq.s32 s10, $0x1;
	s10 =	sld [smem:$0x3FA8];
	_ =	sdelay $0x3  }
0x34: {  	[smem:$0x3FA8] =	sst s10  }
0x35: {  	s10 =	sld [smem:$0x3FA7];
	_ =	sdelay $0x3  }
0x36: {  	p1 =	seq.s32 s10, $0x1;
	s10 =	sld [smem:$0x3FA8];
	_ =	sdelay $0x3  }
0x37: {  	[smem:$0x3FA8] =	sst s10  }
0x38: {  	s10 =	sld [smem:$0x3FA9]  }
0x39: {  	_ = 	snop;
	(pc) =	sbr.ind lr, $3  }
0x3a: {  	_ = 	snop  }
0x3b: {  	_ = 	snop  }
0x3c: {  	p2 =	seq.s32 s10, $0x1;
	s10 =	sld [smem:$0x3FA8]  }
0x3d: {  	_ =	shalt  }
0x3e: {  	_ =	shalt  }
0x3f: {  	_ =	shalt  }
0x40: {  	_ =	shalt  }
0x41: {  	_ =	shalt  }
0x42: {  	_ =	shalt  }
0x43: {  	_ =	shalt  }
0x44: {  	_ =	shalt  }
0x45: {  	_ =	shalt  }
0x46: {  	_ =	shalt  }
0x47: {  	_ =	shalt  }
0x48: {  	_ =	shalt  }
0x49: {  	_ =	shalt  }
0x4a: {  	_ =	shalt  }
0x4b: {  	_ =	shalt  }
0x4c: {  	_ =	shalt  }
0x4d: {  	_ =	shalt  }
0x4e: {  	_ =	shalt  }
0x4f: {  	_ =	shalt  }
0x50: {  	_ =	shalt  }
0x51: {  	_ =	shalt  }
0x52: {  	_ =	shalt  }
0x53: {  	_ =	shalt  }
0x54: {  	_ =	shalt  }
0x55: {  	_ =	shalt  }
0x56: {  	_ =	shalt  }
0x57: {  	_ =	shalt  }
0x58: {  	_ =	shalt  }
0x59: {  	_ =	shalt  }
0x5a: {  	_ =	shalt  }
0x5b: {  	_ =	shalt  }
0x5c: {  	_ =	shalt  }
0x5d: {  	_ =	shalt  }
0x5e: {  	_ =	shalt  }
0x5f: {  	_ =	shalt  }
0x60: {  	_ =	shalt  }
0x61: {  	_ =	shalt  }
0x62: {  	_ =	shalt  }
0x63: {  	_ =	shalt  }
0x64: {  	_ =	shalt  }
0x65: {  	_ =	shalt  }
0x66: {  	_ =	shalt  }
0x67: {  	_ =	shalt  }
0x68: {  	_ =	shalt  }
0x69: {  	_ =	shalt  }
0x6a: {  	_ =	shalt  }
0x6b: {  	_ =	shalt  }
0x6c: {  	_ =	shalt  }
0x6d: {  	_ =	shalt  }
0x6e: {  	_ =	shalt  }
0x6f: {  	_ =	shalt  }
0x70: {  	_ =	shalt  }
0x71: {  	_ =	shalt  }
0x72: {  	_ =	shalt  }
0x73: {  	_ =	shalt  }
0x74: {  	_ =	shalt  }
0x75: {  	_ =	shalt  }
0x76: {  	_ =	shalt  }
0x77: {  	_ =	shalt  }
0x78: {  	_ =	shalt  }
0x79: {  	_ =	shalt  }
0x7a: {  	_ =	shalt  }
0x7b: {  	_ =	shalt  }
0x7c: {  	_ =	shalt  }
0x7d: {  	_ =	shalt  }
0x7e: {  	_ =	shalt  }
0x7f: {  	_ =	shalt  }
0x80: {  	_ =	shalt  }
0x81: {  	_ =	shalt  }
0x82: {  	_ =	shalt  }
0x83: {  	_ =	shalt  }
0x84: {  	_ =	shalt  }
0x85: {  	_ =	shalt  }
0x86: {  	_ =	shalt  }
0x87: {  	_ =	shalt  }
.Lfunc_end0:
.L_simem_size_0:
called_computation.1_lowered:
.L_overlay_start_0:
0x88: {  	s2 =	sld [smem:$0x3FD9]  }
0x89: {  	s3 =	sld [smem:$0x3FFE];
	_ =	sdelay $0x1  }
0x8a: {  	s1 =	srdreg.scid  }
0x8b: {  	s0 =	sand.u32 $0x1, s1  }
0x8c: {  	s17 =	sshll.u32 s0, $0xA;
	s2 =	sadd.s32 s3, s2  }
0x8d: {  	s2 =	sadd.s32 s2, s17  }
0x8e: {  	[smem:$0x3FB4] =	sst s2  }
0x8f: {  	_ = 	snop  }
0x90: {  	s2 =	sld [smem:$0x3FD0];
	(tm) =	ssettm $0x1  }
0x91: {  	s18 =	sld [smem:$0x3FFB];
	_ =	sdelay $0x3  }
0x92: {  	_ =	strace s18  }
0x93: {  	s3 =	sld [smem:$0x3FFC];
	_ =	sdelay $0x3  }
0x94: {  	_ =	strace s3  }
0x95: {  	s3 =	sld [smem:$0x3FFD];
	_ =	sdelay $0x3  }
0x96: {  	_ =	strace s3  }
0x97: {  	_ =	strace $0x8FFFFFFF  }
0x98: {  	s19 =	sld [smem:$0x3FDB];
	_ =	sdelay $0x1  }
0x99: {  	s4 =	simm.s32 $_scs_section_size  }
0x9a: {  	s5 =	simm.s32 $_size__tile_overlayer_lowered;
	s6 =	simm.s32 $_tile_overlayer_lowered  }
0x9b: {  	s22 =	simm.s32 $0x1BFF;
	s21 =	sshll.u32 s6, $0x1;
	s3 =	sadd.s32 s4, s19  }
0x9c: {  	s7 =	simm.s32 $0x0;
	s20 =	sshll.u32 s5, $0x1;
	s5 =	sadd.s32 s21, s3  }
0x9d: {  	[timem:s7], [sflag:s22] =	dma.local [hbm:s5], s20  }
0x9e: {  	_ =	swait.ge [sflag:s22], s20  }
0x9f: {  	s4 =	ssub.s32 $0x0, s20;
	[sflag:s22] =	ssyncset.done $0x0  }
0xa0: {  	[sflag:s22] =	ssyncadd.s32 s4;
	_ =	sdelay $0x1  }
0xa1: {  	s23 =	simm.s32 $0x1B8B  }
0xa2: {  	_ =	swait.ge [sflag:s23], $0x1  }
0xa3: {  	[sflag:s23] =	ssyncset.done $0x0  }
0xa4: {  	s25 =	simm.s32 $0x1B8E;
	s24 =	sld [smem:$0x3FFE];
	[sflag:s23] =	ssyncadd.s32 $0xFFFFFFFF  }
0xa5: {  	s26 =	simm.s32 $execute0_lowered;
	[smem:$0x3FD2] =	sst s25  }
0xa6: {  	s5 =	sshll.u32 s26, $0x1;
	_ =	strace $0x80000049;
	[dreg:$0x1] =	wrdreg $0xFFFFFFFF  }
0xa7: {  	s28 =	simm.s32 $_size_execute0_lowered;
	s3 =	sadd.s32 s3, s5;
	[dreg:$0x0] =	wrdreg $0x0  }
0xa8: {  	s5 =	sshll.u32 s28, $0x1;
	[dreg:$0x2] =	wrdreg s3  }
0xa9: {  	[dreg:$0x3] =	wrdreg s5  }
0xaa: {  	[dreg:$0x4] =	wrdreg $0xC0  }
0xab: {  	_ =	task [dreg:s7], $0x5FFFF  }
0xac: {  	[dreg:$0x1] =	wrdreg $0xFFFFFFFF  }
0xad: {  	[dreg:$0x0] =	wrdreg $0x60  }
0xae: {  	[dreg:$0x2] =	wrdreg s2  }
0xaf: {  	[dreg:$0x3] =	wrdreg s24  }
0xb0: {  	[dreg:$0x4] =	wrdreg $0xF0000  }
0xb1: {  	[dreg:$0x5] =	wrdreg $0x9  }
0xb2: {  	_ =	task.clear_ibuf [dreg:s7], $0x6FFFF;
	_ =	strace $0x90000049  }
0xb3: {  	s29 =	simm.s32 $0x9;
	_ =	strace $0x8000004B  }
0xb4: {  	_ =	swait.ge [sflag:s29], $0x1  }
0xb5: {  	[sflag:s29] =	ssyncadd.s32 $0xFFFFFFFF  }
0xb6: {  	_ =	strace $0x9000004B  }
0xb7: {  	_ =	sfence  }
0xb8: {  	s30 =	sld [smem:$0x0];
	_ =	sdelay $0x2  }
0xb9: {  	s31 =	sshll.u32 s1, $0xD;
	s1 =	sshrl.u32 s1, $0x2  }
0xba: {  	s3 =	sand.u32 $0x4000, s31;
	s1 =	sadd.s32 s1, s30  }
0xbb: {  	s0 =	sor.u32 s3, s0;
	s1 =	sshll.u32 s1, $0x11  }
0xbc: {  	s0 =	sor.u32 s1, s0  }
0xbd: {  	s0 =	sadd.s32 $0x8F2B, s0  }
0xbe: {  	[sflag:s0] =	ssyncadd.remote.s32 $0x1  }
0xbf: {  	_ =	sfence.sel $0xFFFF  }
0xc0: {  	[dreg:$0x0] =	wrdreg $0xFFFFFFFF;
	(pc) =	sbr.abs _section_cstart, $3  }
0xc1: {  	[dreg:$0x1] =	wrdreg $0xFFFFFFFF  }
0xc2: {  	_ =	task.clear_ibuf [dreg:s7], $0x2FFFF;
	_ =	strace $0x9FFFFFFF  }
0xc3: {  	(tm) =	ssettm $0x7FFFFFFF  }
tec
execute0_lowered:
.L_overlay_start_1:
0x0: {  	(tag) =	ssettag $0x1  }
0x1: {  	s0 =	srdreg.scid  }
0x2: {  	s13 =	stileid.u32;
	s1 =	rddreg [dreg:$0x0]  }
0x3: {  	s5 =	rddreg [dreg:$0x1];
	s14 =	simm.s32 $0x80;
	s15 =	simm.s32 $0x5000  }
0x4: {  	s16 =	simm.s32 $0x7000;
	s18 =	simm.s32 $0x9000;
	s20 =	simm.s32 $0xB000  }
0x5: {  	s21 =	simm.s32 $0x1;
	s22 =	simm.s32 $0xD000;
	s23 =	simm.s32 $0x2  }
0x6: {  	s24 =	simm.s32 $0x3;
	s25 =	simm.s32 $0x4;
	s29 =	simm.s32 $0x2780  }
0x7: {  	s30 =	simm.s32 $0x4E00;
	s31 =	simm.s32 $0x4E80;
	s0 =	sand.u32 $0x1, s0  }
0x8: {  	s2 =	sshll.u32 s13, $0x1;
	s6 =	smul.u32 $0xA000, s13;
	s4 =	sadd.s32 $0x5FA00, s5  }
0x9: {  	s26 =	sshll.u32 s13, $0x6;
	s13 =	simm.s32 $0x0;
	s3 =	sor.u32 s0, s2  }
0xa: {  	s2 =	rddreg [dreg:$0x2];
	s8 =	smul.u32 $0xA0000, s0;
	s0 =	ssub.s32 $0x2, s0  }
0xb: {  	s7 =	smul.u32 $0x500, s3;
	s3 =	simm.s32 $0x0;
	s10 =	sshrl.u32 s6, $0x3  }
0xc: {  	s11 =	sshrl.u32 s0, $0x1;
	s28 =	sadd.s32 s6, s2;
	[smem:$0x7FF] =	sst s3  }
0xd: {  	s8 =	sadd.s32 s6, s8;
	s10 =	sadd.s32 s10, s5;
	s0 =	ssub.s32 s0, s11  }
0xe: {  	s6 =	sor.u32 $0x1C06, s26;
	s11 =	sshrl.u32 s28, $0x3;
	s26 =	simm.s32 $0x5  }
0xf: {  	_ =	strace $0x8000004A;
	s9 =	sadd.s32 s7, s5;
	s8 =	sshrl.u32 s8, $0x3  }
0x10: {  	s7 =	sadd.s32 s1, s7;
	s1 =	simm.s32 $0x4F00;
	s12 =	sadd.s32 s8, s5  }
0x11: {  	s5 =	sadd.s32 $0x73A00, s10;
	s8 =	sadd.s32 $0x5A00, s9;
	s10 =	smax.u32 s0, $0x1  }
0x12: {  	s0 =	simm.s32 $0x4F80;
	s9 =	sadd.s32 $0x87A00, s12;
	s12 =	simm.s32 $0x6  }
.LBB2_1:
0x13: {  	[spmem:s11], [sflag:s6] =	dma.local [hbm:s5], $0x1400  }
0x14: {  	_ =	swait.ge [sflag:s12], $0x1400  }
0x15: {  	[sflag:s12] =	ssyncset.done $0x0  }
0x16: {  	[sflag:s12] =	ssyncadd.s32 $0xFFFFEC00  }
0x17: {  	[tilespmem:s3], [sflag:$0x6] =	stream.linear.gather [hbm4b:s7+s3], $0x2800, $0x38;
	[tilespmem:$0x19000] =	vst v63  }
0x18: {  	_ =	swait.ge [sflag:s12], $0x2800  }
0x19: {  	[sflag:s12] =	ssyncset.done $0x0  }
0x1a: {  	s17 =	simm.s32 $0x2800;
	[sflag:s12] =	ssyncadd.s32 $0xFFFFD800  }
0x1b: {  	[tilespmem:s17], [sflag:$0x6] =	stream.linear.gather [hbm4b:s8+s3], $0x2800, $0x38;
	[tilespmem:$0x19000] =	vst v63  }
0x1c: {  	_ =	swait.ge [sflag:s12], $0x2800  }
0x1d: {  	[sflag:s12] =	ssyncset.done $0x0  }
0x1e: {  	[sflag:s12] =	ssyncadd.s32 $0xFFFFD800  }
0x1f: {  	[bflag:$0x0] =	sbarrier.arrive $0xFFFF  }
0x20: {  	[tilespmem:s15], [sflag:$0x1] =	stream.indirect.gather [hbm4b:s4+s14], $0x40, s3, s14, $0xb8;
	[tilespmem:$0x19000] =	vst v63  }
0x21: {  	_ = 	snop  }
0x22: {  	[tilespmem:s16], [sflag:$0x2] =	stream.indirect.gather [hbm4b:s4+s14], $0x40, s14, s14, $0xb8;
	[tilespmem:$0x19000] =	vst v63  }
0x23: {  	s28 =	simm.s32 $0x100  }
0x24: {  	[tilespmem:s18], [sflag:$0x3] =	stream.indirect.gather [hbm4b:s4+s14], $0x40, s28, s14, $0xb8;
	[tilespmem:$0x19000] =	vst v63  }
0x25: {  	s19 =	simm.s32 $0x180  }
0x26: {  	[tilespmem:s20], [sflag:$0x4] =	stream.indirect.gather [hbm4b:s4+s14], $0x40, s19, s14, $0xb8;
	[tilespmem:$0x19000] =	vst v63  }
0x27: {  	_ =	swait.ge [sflag:s21], $0x2000  }
0x28: {  	[sflag:s21] =	ssyncset.done $0x0  }
0x29: {  	s28 =	simm.s32 $0x2800;
	[sflag:s21] =	ssyncadd.s32 $0xFFFFE000  }
0x2a: {  	[spmem:s2] =	stream.indirect.scatter.add.f32 [tilespmem:s15], [sflag:$0x6], $0x40, s28, s14, $0xb8;
	[tilespmem:$0x19000] =	vst v63  }
0x2b: {  	_ =	swait.ge [sflag:s12], $0x2000  }
0x2c: {  	[sflag:s12] =	ssyncset.done $0x0  }
0x2d: {  	s19 =	simm.s32 $0x200;
	[sflag:s12] =	ssyncadd.s32 $0xFFFFE000  }
0x2e: {  	[tilespmem:s22], [sflag:$0x5] =	stream.indirect.gather [hbm4b:s4+s14], $0x40, s19, s14, $0xb8;
	[tilespmem:$0x19000] =	vst v63  }
0x2f: {  	_ =	swait.ge [sflag:s23], $0x2000  }
0x30: {  	[sflag:s23] =	ssyncset.done $0x0  }
0x31: {  	s28 =	simm.s32 $0x2880;
	[sflag:s23] =	ssyncadd.s32 $0xFFFFE000  }
0x32: {  	[spmem:s2] =	stream.indirect.scatter.add.f32 [tilespmem:s16], [sflag:$0x6], $0x40, s28, s14, $0xb8;
	[tilespmem:$0x19000] =	vst v63  }
0x33: {  	_ =	swait.ge [sflag:s12], $0x2000  }
0x34: {  	[sflag:s12] =	ssyncset.done $0x0  }
0x35: {  	s19 =	simm.s32 $0x280;
	[sflag:s12] =	ssyncadd.s32 $0xFFFFE000  }
0x36: {  	[tilespmem:s15], [sflag:$0x1] =	stream.indirect.gather [hbm4b:s4+s14], $0x40, s19, s14, $0xb8;
	[tilespmem:$0x19000] =	vst v63  }
0x37: {  	_ =	swait.ge [sflag:s24], $0x2000  }
0x38: {  	[sflag:s24] =	ssyncset.done $0x0  }
0x39: {  	s28 =	simm.s32 $0x2900;
	[sflag:s24] =	ssyncadd.s32 $0xFFFFE000  }
0x3a: {  	[spmem:s2] =	stream.indirect.scatter.add.f32 [tilespmem:s18], [sflag:$0x6], $0x40, s28, s14, $0xb8;
	[tilespmem:$0x19000] =	vst v63  }
0x3b: {  	_ =	swait.ge [sflag:s12], $0x2000  }
0x3c: {  	[sflag:s12] =	ssyncset.done $0x0  }
0x3d: {  	s19 =	simm.s32 $0x300;
	[sflag:s12] =	ssyncadd.s32 $0xFFFFE000  }
0x3e: {  	[tilespmem:s16], [sflag:$0x2] =	stream.indirect.gather [hbm4b:s4+s14], $0x40, s19, s14, $0xb8;
	[tilespmem:$0x19000] =	vst v63  }
0x3f: {  	_ =	swait.ge [sflag:s25], $0x2000  }
0x40: {  	[sflag:s25] =	ssyncset.done $0x0  }
0x41: {  	s28 =	simm.s32 $0x2980;
	[sflag:s25] =	ssyncadd.s32 $0xFFFFE000  }
0x42: {  	[spmem:s2] =	stream.indirect.scatter.add.f32 [tilespmem:s20], [sflag:$0x6], $0x40, s28, s14, $0xb8;
	[tilespmem:$0x19000] =	vst v63  }
0x43: {  	_ =	swait.ge [sflag:s12], $0x2000  }
0x44: {  	[sflag:s12] =	ssyncset.done $0x0  }
0x45: {  	s19 =	simm.s32 $0x380;
	[sflag:s12] =	ssyncadd.s32 $0xFFFFE000  }
0x46: {  	[tilespmem:s18], [sflag:$0x3] =	stream.indirect.gather [hbm4b:s4+s14], $0x40, s19, s14, $0xb8;
	[tilespmem:$0x19000] =	vst v63  }
0x47: {  	_ =	swait.ge [sflag:s26], $0x2000  }
0x48: {  	[sflag:s26] =	ssyncset.done $0x0  }
0x49: {  	s28 =	simm.s32 $0x2A00;
	[sflag:s26] =	ssyncadd.s32 $0xFFFFE000  }
0x4a: {  	[spmem:s2] =	stream.indirect.scatter.add.f32 [tilespmem:s22], [sflag:$0x6], $0x40, s28, s14, $0xb8;
	[tilespmem:$0x19000] =	vst v63  }
0x4b: {  	_ =	swait.ge [sflag:s12], $0x2000  }
0x4c: {  	[sflag:s12] =	ssyncset.done $0x0  }
0x4d: {  	s17 =	simm.s32 $0xA00;
	s19 =	simm.s32 $0x400;
	[sflag:s12] =	ssyncadd.s32 $0xFFFFE000  }
.LBB2_2:
0x4e: {  	[tilespmem:s20], [sflag:$0x4] =	stream.indirect.gather [hbm4b:s4+s14], $0x40, s19, s14, $0xb8;
	[tilespmem:$0x19000] =	vst v63  }
0x4f: {  	s19 =	smov.u32 s17  }
0x50: {  	p0 =	sne.s32 s17, $0x8C00;
	s17 =	sadd.s32 $0xA00, s17;
	_ =	swait.ge [sflag:s21], $0x2000  }
0x51: {  	s19 =	sshra.s32 s19, $0x2;
	[sflag:s21] =	ssyncset.done $0x0  }
0x52: {  	s28 =	sadd.s32 $0x2800, s19;
	[sflag:s21] =	ssyncadd.s32 $0xFFFFE000  }
0x53: {  	[spmem:s2] =	stream.indirect.scatter.add.f32 [tilespmem:s15], [sflag:$0x6], $0x40, s28, s14, $0xb8;
	[tilespmem:$0x19000] =	vst v63  }
0x54: {  	_ =	swait.ge [sflag:s12], $0x2000  }
0x55: {  	[sflag:s12] =	ssyncset.done $0x0  }
0x56: {  	s28 =	sadd.s32 $0x200, s19;
	[sflag:s12] =	ssyncadd.s32 $0xFFFFE000  }
0x57: {  	[tilespmem:s22], [sflag:$0x5] =	stream.indirect.gather [hbm4b:s4+s14], $0x40, s28, s14, $0xb8;
	[tilespmem:$0x19000] =	vst v63  }
0x58: {  	_ =	swait.ge [sflag:s23], $0x2000  }
0x59: {  	[sflag:s23] =	ssyncset.done $0x0  }
0x5a: {  	s28 =	sadd.s32 $0x2880, s19;
	[sflag:s23] =	ssyncadd.s32 $0xFFFFE000  }
0x5b: {  	[spmem:s2] =	stream.indirect.scatter.add.f32 [tilespmem:s16], [sflag:$0x6], $0x40, s28, s14, $0xb8;
	[tilespmem:$0x19000] =	vst v63  }
0x5c: {  	_ =	swait.ge [sflag:s12], $0x2000  }
0x5d: {  	[sflag:s12] =	ssyncset.done $0x0  }
0x5e: {  	s28 =	sadd.s32 $0x280, s19;
	[sflag:s12] =	ssyncadd.s32 $0xFFFFE000  }
0x5f: {  	[tilespmem:s15], [sflag:$0x1] =	stream.indirect.gather [hbm4b:s4+s14], $0x40, s28, s14, $0xb8;
	[tilespmem:$0x19000] =	vst v63  }
0x60: {  	_ =	swait.ge [sflag:s24], $0x2000  }
0x61: {  	[sflag:s24] =	ssyncset.done $0x0  }
0x62: {  	s28 =	sadd.s32 $0x2900, s19;
	[sflag:s24] =	ssyncadd.s32 $0xFFFFE000  }
0x63: {  	[spmem:s2] =	stream.indirect.scatter.add.f32 [tilespmem:s18], [sflag:$0x6], $0x40, s28, s14, $0xb8;
	[tilespmem:$0x19000] =	vst v63  }
0x64: {  	_ =	swait.ge [sflag:s12], $0x2000  }
0x65: {  	[sflag:s12] =	ssyncset.done $0x0  }
0x66: {  	s28 =	sadd.s32 $0x300, s19;
	[sflag:s12] =	ssyncadd.s32 $0xFFFFE000  }
0x67: {  	[tilespmem:s16], [sflag:$0x2] =	stream.indirect.gather [hbm4b:s4+s14], $0x40, s28, s14, $0xb8;
	[tilespmem:$0x19000] =	vst v63  }
0x68: {  	_ =	swait.ge [sflag:s25], $0x2000  }
0x69: {  	[sflag:s25] =	ssyncset.done $0x0  }
0x6a: {  	s28 =	sadd.s32 $0x2980, s19;
	[sflag:s25] =	ssyncadd.s32 $0xFFFFE000  }
0x6b: {  	[spmem:s2] =	stream.indirect.scatter.add.f32 [tilespmem:s20], [sflag:$0x6], $0x40, s28, s14, $0xb8;
	[tilespmem:$0x19000] =	vst v63  }
0x6c: {  	_ =	swait.ge [sflag:s12], $0x2000  }
0x6d: {  	[sflag:s12] =	ssyncset.done $0x0  }
0x6e: {  	s28 =	sadd.s32 $0x380, s19;
	[sflag:s12] =	ssyncadd.s32 $0xFFFFE000  }
0x6f: {  	[tilespmem:s18], [sflag:$0x3] =	stream.indirect.gather [hbm4b:s4+s14], $0x40, s28, s14, $0xb8;
	[tilespmem:$0x19000] =	vst v63  }
0x70: {  	_ =	swait.ge [sflag:s26], $0x2000  }
0x71: {  	[sflag:s26] =	ssyncset.done $0x0  }
.Ltmp0:
0x72: {  	s28 =	sadd.s32 $0x2A00, s19;
	[sflag:s26] =	ssyncadd.s32 $0xFFFFE000;
	(pc) =	sbr.rel @p0 .LBB2_2-.Ltmp0, $4  }
0x73: {  	[spmem:s2] =	stream.indirect.scatter.add.f32 [tilespmem:s22], [sflag:$0x6], $0x40, s28, s14, $0xb8;
	[tilespmem:$0x19000] =	vst v63  }
0x74: {  	_ =	swait.ge [sflag:s12], $0x2000  }
0x75: {  	[sflag:s12] =	ssyncset.done $0x0  }
0x76: {  	s19 =	sadd.s32 $0x400, s19;
	[sflag:s12] =	ssyncadd.s32 $0xFFFFE000  }
0x77: {  	[tilespmem:s20], [sflag:$0x4] =	stream.indirect.gather [hbm4b:s4+s14], $0x40, s19, s14, $0xb8;
	[tilespmem:$0x19000] =	vst v63  }
0x78: {  	_ =	swait.ge [sflag:s21], $0x2000  }
0x79: {  	[sflag:s21] =	ssyncset.done $0x0  }
0x7a: {  	s17 =	simm.s32 $0x4D80;
	[sflag:s21] =	ssyncadd.s32 $0xFFFFE000  }
0x7b: {  	[spmem:s2] =	stream.indirect.scatter.add.f32 [tilespmem:s15], [sflag:$0x6], $0x40, s17, s14, $0xb8;
	[tilespmem:$0x19000] =	vst v63  }
0x7c: {  	_ =	swait.ge [sflag:s12], $0x2000  }
0x7d: {  	[sflag:s12] =	ssyncset.done $0x0  }
0x7e: {  	[sflag:s12] =	ssyncadd.s32 $0xFFFFE000  }
0x7f: {  	[tilespmem:s22], [sflag:$0x5] =	stream.indirect.gather [hbm4b:s4+s14], $0x40, s29, s14, $0xb8;
	[tilespmem:$0x19000] =	vst v63  }
0x80: {  	_ =	swait.ge [sflag:s23], $0x2000  }
0x81: {  	[sflag:s23] =	ssyncset.done $0x0  }
0x82: {  	[sflag:s23] =	ssyncadd.s32 $0xFFFFE000  }
0x83: {  	[spmem:s2] =	stream.indirect.scatter.add.f32 [tilespmem:s16], [sflag:$0x6], $0x40, s30, s14, $0xb8;
	[tilespmem:$0x19000] =	vst v63  }
0x84: {  	_ =	swait.ge [sflag:s12], $0x2000  }
0x85: {  	[sflag:s12] =	ssyncset.done $0x0  }
0x86: {  	[sflag:s12] =	ssyncadd.s32 $0xFFFFE000  }
0x87: {  	_ =	swait.ge [sflag:s24], $0x2000  }
0x88: {  	[sflag:s24] =	ssyncset.done $0x0  }
0x89: {  	[sflag:s24] =	ssyncadd.s32 $0xFFFFE000  }
0x8a: {  	[spmem:s2] =	stream.indirect.scatter.add.f32 [tilespmem:s18], [sflag:$0x6], $0x40, s31, s14, $0xb8;
	[tilespmem:$0x19000] =	vst v63  }
0x8b: {  	_ =	swait.ge [sflag:s12], $0x2000  }
0x8c: {  	[sflag:s12] =	ssyncset.done $0x0  }
0x8d: {  	[sflag:s12] =	ssyncadd.s32 $0xFFFFE000  }
0x8e: {  	_ =	swait.ge [sflag:s25], $0x2000  }
0x8f: {  	[sflag:s25] =	ssyncset.done $0x0  }
0x90: {  	[sflag:s25] =	ssyncadd.s32 $0xFFFFE000  }
0x91: {  	[spmem:s2] =	stream.indirect.scatter.add.f32 [tilespmem:s20], [sflag:$0x6], $0x40, s1, s14, $0xb8;
	[tilespmem:$0x19000] =	vst v63  }
0x92: {  	_ =	swait.ge [sflag:s12], $0x2000  }
0x93: {  	[sflag:s12] =	ssyncset.done $0x0  }
0x94: {  	[sflag:s12] =	ssyncadd.s32 $0xFFFFE000  }
0x95: {  	_ =	swait.ge [sflag:s26], $0x2000  }
0x96: {  	[sflag:s26] =	ssyncset.done $0x0  }
0x97: {  	[sflag:s26] =	ssyncadd.s32 $0xFFFFE000  }
0x98: {  	[spmem:s2] =	stream.indirect.scatter.add.f32 [tilespmem:s22], [sflag:$0x6], $0x40, s0, s14, $0xb8;
	[tilespmem:$0x19000] =	vst v63  }
0x99: {  	_ =	swait.ge [sflag:s12], $0x2000  }
0x9a: {  	s13 =	sadd.s32 $0x1, s13;
	[sflag:s12] =	ssyncset.done $0x0  }
0x9b: {  	p0 =	sne.s32 s13, s10;
	[sflag:s12] =	ssyncadd.s32 $0xFFFFE000  }
.Ltmp1:
0x9c: {  	[bflag:$0x0] =	sbarrier.arrive $0xFFFF;
	(pc) =	sbr.rel @p0 .LBB2_1-.Ltmp1, $4  }
0x9d: {  	[hbm:s9], [sflag:s6] =	dma.local [spmem:s11], $0x1400  }
0x9e: {  	_ =	swait.ge [sflag:s12], $0x1400  }
0x9f: {  	[sflag:s12] =	ssyncset.done $0x0  }
0xa0: {  	[sflag:s12] =	ssyncadd.s32 $0xFFFFEC00  }
0xa1: {  	_ =	sfence.sel $0x180000  }
0xa2: {  	[bflag:$0x0] =	sbarrier.arrive $0xFFFF  }
0xa3: {  	_ =	strace $0x9000004A  }
0xa4: {  	s0 =	stileid.u32;
	[bflag:$0x2] =	sbarrier.arrive $0xFFFF  }
0xa5: {  	p0 =	sne.s32 s0, $0x0;
	s0 =	rddreg [dreg:$0x3]  }
0xa6: {  	s0 =	sadd.s32 @!p0 $0x100000, s0  }
0xa7: {  	[sflag:s0] =	ssyncadd.tile.s32 @!p0 $0x1;
	_ =	shalt  }
.Lfunc_end2:
_tile_overlayer_lowered:
.L_overlay_start_2:
0xa8: {  	(tag) =	ssettag $0x2  }
0xa9: {  	s0 =	rddreg [dreg:$0x0];
	s2 =	stileid.u32  }
0xaa: {  	s1 =	rddreg [dreg:$0x1];
	p0 =	sne.s32 s2, $0x0  }
0xab: {  	s3 =	rddreg [dreg:$0x2];
	[bflag:$0x3] =	sbarrier.arrive $0xFFFF;
	s2 =	simm.s32 @!p0 $0x1C06  }
0xac: {  	[timem:s3], [sflag:s2] =	dma.local @!p0 [hbm:s0], s1  }
0xad: {  	s0 =	simm.s32 @!p0 $0x6  }
0xae: {  	_ =	swait.ge @!p0 [sflag:s0], s1  }
0xaf: {  	s1 =	ssub.s32 @!p0 $0x0, s1;
	[sflag:s0] =	ssyncset.done @!p0 $0x0  }
0xb0: {  	[sflag:s0] =	ssyncadd.s32 @!p0 s1  }
0xb1: {  	[bflag:$0x3] =	sbarrier.arrive $0xFFFF  }
0xb2: {  	_ =	shalt  }

// kernel: kernel.16.cloned.1.call-start
scs
__scs_entry_jumppad:
0x0: {  	(pc) =	sbr.rel $0x88, $3  }
0x1: {  	(tag) =	ssettag $0x0;
	lr =	simm.s32 $0x1  }
0x2: {  	[smem:$0x3F8D] =	sst lr;
	_ =	strace $0xD0000000  }
0x3: {  	_ = 	snop  }
0x4: {  	_ = 	snop  }
0x5: {  	_ = 	snop  }
0x6: {  	_ = 	snop  }
0x7: {  	_ = 	snop  }
__scs_overlays_trampoline_lowered:
0x8: {  	[smem:$0x3F9C] =	sst s0  }
0x9: {  	[smem:$0x3F9D] =	sst s1  }
0xa: {  	[smem:$0x3F9E] =	sst s2  }
0xb: {  	[smem:$0x3F9F] =	sst s3  }
0xc: {  	[smem:$0x3FA0] =	sst s4  }
0xd: {  	[smem:$0x3FA1] =	sst s5  }
0xe: {  	[smem:$0x3FA2] =	sst s6  }
0xf: {  	[smem:$0x3FA3] =	sst s7  }
0x10: {  	[smem:$0x3FA4] =	sst s8  }
0x11: {  	[smem:$0x3FA5] =	sst s9;
	s0 =	simm.s32 @!p0 $0x0  }
0x12: {  	s1 =	sld [smem:$0x3F8B];
	s0 =	simm.s32 @p0 $0x1  }
0x13: {  	[smem:$0x3FA6] =	sst s0;
	s0 =	simm.s32 @!p1 $0x0  }
0x14: {  	s2 =	sld [smem:$0x3F8A];
	s0 =	simm.s32 @p1 $0x1  }
0x15: {  	[smem:$0x3FA7] =	sst s0;
	s0 =	simm.s32 @!p2 $0x0  }
0x16: {  	s3 =	sld [smem:$0x3FDB];
	s0 =	simm.s32 @p2 $0x1  }
0x17: {  	s4 =	simm.s32 $0x1BF5;
	[smem:$0x3FA9] =	sst s0  }
0x18: {  	s0 =	sld [smem:$0x3F8C];
	_ =	swait.ge [sflag:s4], $0x0  }
0x19: {  	s7 =	sld [smem:$0x3F8D]  }
0x1a: {  	s8 =	sadd.s32 $0xFFFFE003, lr  }
0x1b: {  	s9 =	sadd.s32 $0xFFFFFEF7, lr;
	s5 =	simm.s32 $0xFFFFFFFF;
	p2 =	slt.u32 s8, $0xFFFFF086  }
0x1c: {  	p1 =	slt.u32 s9, $0xF7A;
	s5 =	simm.s32 @!p2 $0x0  }
0x1d: {  	s5 =	simm.s32 @p1 $0x1;
	p0 =	seq.s32 s7, s2  }
0x1e: {  	s7 =	smul.u32 @!p0 $0xF7A, s2;
	p2 =	seq.s32 @!p0 s5, $0x0  }
0x1f: {  	s9 =	smul.u32 $0xF7A, s1;
	s8 =	simm.s32 @!p0 $0x1BF5;
	p2 =	por !p2, p0  }
0x20: {  	[sflag:s8] =	ssyncset.s32 @!p0 $0xFFFFF086;
	s6 =	sadd.s32 @!p0 s3, s7;
	s7 =	simm.s32 @!p0 $0x108  }
0x21: {  	s3 =	sadd.s32 s3, s9;
	s6 =	sadd.s32 @!p0 $0x88, s6;
	s7 =	simm.s32 @p2 $0x1082  }
0x22: {  	[simem:s7], [sflag:s8] =	dma.local @!p0 [hbm:s6], $0xF7A  }
0x23: {  	s9 =	sor.u32 $0xD0000000, s2;
	s6 =	simm.s32 $0x108;
	_ =	swait.ge @!p0 [sflag:s8], $0x0  }
0x24: {  	s3 =	sadd.s32 $0x88, s3;
	s6 =	simm.s32 @!p1 $0x1082;
	[sflag:s4] =	ssyncset.s32 $0xFFFFF086  }
0x25: {  	[simem:s6], [sflag:s4] =	dma.local [hbm:s3], $0xF7A  }
0x26: {  	[smem:$0x3F8D] =	sst s1;
	(tag) =	ssettag s2;
	_ =	strace s9  }
0x27: {  	s1 =	sld [smem:$0x3F9D]  }
0x28: {  	s2 =	sld [smem:$0x3F9E]  }
0x29: {  	s4 =	sld [smem:$0x3FA0]  }
0x2a: {  	p0 =	seq.s32 s5, $0x0;
	s5 =	sld [smem:$0x3FA1]  }
0x2b: {  	s6 =	sld [smem:$0x3FA2]  }
0x2c: {  	s7 =	sld [smem:$0x3FA3]  }
0x2d: {  	s3 =	simm.s32 $0x108;
	s8 =	sld [smem:$0x3FA4]  }
0x2e: {  	s3 =	simm.s32 @!p0 $0x1082;
	s9 =	sld [smem:$0x3FA5]  }
0x2f: {  	lr =	sadd.s32 s0, s3;
	s0 =	sld [smem:$0x3F9C]  }
0x30: {  	s3 =	sld [smem:$0x3F9F]  }
0x31: {  	[smem:$0x3FA8] =	sst s10  }
0x32: {  	s10 =	sld [smem:$0x3FA6];
	_ =	sdelay $0x3  }
0x33: {  	p0 =	seq.s32 s10, $0x1;
	s10 =	sld [smem:$0x3FA8];
	_ =	sdelay $0x3  }
0x34: {  	[smem:$0x3FA8] =	sst s10  }
0x35: {  	s10 =	sld [smem:$0x3FA7];
	_ =	sdelay $0x3  }
0x36: {  	p1 =	seq.s32 s10, $0x1;
	s10 =	sld [smem:$0x3FA8];
	_ =	sdelay $0x3  }
0x37: {  	[smem:$0x3FA8] =	sst s10  }
0x38: {  	s10 =	sld [smem:$0x3FA9]  }
0x39: {  	_ = 	snop;
	(pc) =	sbr.ind lr, $3  }
0x3a: {  	_ = 	snop  }
0x3b: {  	_ = 	snop  }
0x3c: {  	p2 =	seq.s32 s10, $0x1;
	s10 =	sld [smem:$0x3FA8]  }
0x3d: {  	_ =	shalt  }
0x3e: {  	_ =	shalt  }
0x3f: {  	_ =	shalt  }
0x40: {  	_ =	shalt  }
0x41: {  	_ =	shalt  }
0x42: {  	_ =	shalt  }
0x43: {  	_ =	shalt  }
0x44: {  	_ =	shalt  }
0x45: {  	_ =	shalt  }
0x46: {  	_ =	shalt  }
0x47: {  	_ =	shalt  }
0x48: {  	_ =	shalt  }
0x49: {  	_ =	shalt  }
0x4a: {  	_ =	shalt  }
0x4b: {  	_ =	shalt  }
0x4c: {  	_ =	shalt  }
0x4d: {  	_ =	shalt  }
0x4e: {  	_ =	shalt  }
0x4f: {  	_ =	shalt  }
0x50: {  	_ =	shalt  }
0x51: {  	_ =	shalt  }
0x52: {  	_ =	shalt  }
0x53: {  	_ =	shalt  }
0x54: {  	_ =	shalt  }
0x55: {  	_ =	shalt  }
0x56: {  	_ =	shalt  }
0x57: {  	_ =	shalt  }
0x58: {  	_ =	shalt  }
0x59: {  	_ =	shalt  }
0x5a: {  	_ =	shalt  }
0x5b: {  	_ =	shalt  }
0x5c: {  	_ =	shalt  }
0x5d: {  	_ =	shalt  }
0x5e: {  	_ =	shalt  }
0x5f: {  	_ =	shalt  }
0x60: {  	_ =	shalt  }
0x61: {  	_ =	shalt  }
0x62: {  	_ =	shalt  }
0x63: {  	_ =	shalt  }
0x64: {  	_ =	shalt  }
0x65: {  	_ =	shalt  }
0x66: {  	_ =	shalt  }
0x67: {  	_ =	shalt  }
0x68: {  	_ =	shalt  }
0x69: {  	_ =	shalt  }
0x6a: {  	_ =	shalt  }
0x6b: {  	_ =	shalt  }
0x6c: {  	_ =	shalt  }
0x6d: {  	_ =	shalt  }
0x6e: {  	_ =	shalt  }
0x6f: {  	_ =	shalt  }
0x70: {  	_ =	shalt  }
0x71: {  	_ =	shalt  }
0x72: {  	_ =	shalt  }
0x73: {  	_ =	shalt  }
0x74: {  	_ =	shalt  }
0x75: {  	_ =	shalt  }
0x76: {  	_ =	shalt  }
0x77: {  	_ =	shalt  }
0x78: {  	_ =	shalt  }
0x79: {  	_ =	shalt  }
0x7a: {  	_ =	shalt  }
0x7b: {  	_ =	shalt  }
0x7c: {  	_ =	shalt  }
0x7d: {  	_ =	shalt  }
0x7e: {  	_ =	shalt  }
0x7f: {  	_ =	shalt  }
0x80: {  	_ =	shalt  }
0x81: {  	_ =	shalt  }
0x82: {  	_ =	shalt  }
0x83: {  	_ =	shalt  }
0x84: {  	_ =	shalt  }
0x85: {  	_ =	shalt  }
0x86: {  	_ =	shalt  }
0x87: {  	_ =	shalt  }
.Lfunc_end0:
.L_simem_size_0:
called_computation.2_lowered:
.L_overlay_start_0:
0x88: {  	s2 =	sld [smem:$0x3FD9]  }
0x89: {  	s3 =	sld [smem:$0x3FFE];
	_ =	sdelay $0x1  }
0x8a: {  	s1 =	srdreg.scid  }
0x8b: {  	s0 =	sand.u32 $0x1, s1  }
0x8c: {  	s17 =	sshll.u32 s0, $0xA;
	s2 =	sadd.s32 s3, s2  }
0x8d: {  	s2 =	sadd.s32 s2, s17  }
0x8e: {  	[smem:$0x3FB4] =	sst s2  }
0x8f: {  	_ = 	snop  }
0x90: {  	s2 =	sld [smem:$0x3FD0];
	(tm) =	ssettm $0x1  }
0x91: {  	s18 =	sld [smem:$0x3FFB];
	_ =	sdelay $0x3  }
0x92: {  	_ =	strace s18  }
0x93: {  	s3 =	sld [smem:$0x3FFC];
	_ =	sdelay $0x3  }
0x94: {  	_ =	strace s3  }
0x95: {  	s3 =	sld [smem:$0x3FFD];
	_ =	sdelay $0x3  }
0x96: {  	_ =	strace s3  }
0x97: {  	_ =	strace $0x8FFFFFFF  }
0x98: {  	s19 =	sld [smem:$0x3FDB];
	_ =	sdelay $0x1  }
0x99: {  	s4 =	simm.s32 $_scs_section_size  }
0x9a: {  	s5 =	simm.s32 $_size__tile_overlayer_lowered;
	s6 =	simm.s32 $_tile_overlayer_lowered  }
0x9b: {  	s22 =	simm.s32 $0x1BFF;
	s21 =	sshll.u32 s6, $0x1;
	s3 =	sadd.s32 s4, s19  }
0x9c: {  	s7 =	simm.s32 $0x0;
	s20 =	sshll.u32 s5, $0x1;
	s5 =	sadd.s32 s21, s3  }
0x9d: {  	[timem:s7], [sflag:s22] =	dma.local [hbm:s5], s20  }
0x9e: {  	_ =	swait.ge [sflag:s22], s20  }
0x9f: {  	s4 =	ssub.s32 $0x0, s20;
	[sflag:s22] =	ssyncset.done $0x0  }
0xa0: {  	[sflag:s22] =	ssyncadd.s32 s4;
	_ =	sdelay $0x1  }
0xa1: {  	s23 =	simm.s32 $0x1B8B  }
0xa2: {  	_ =	swait.ge [sflag:s23], $0x1  }
0xa3: {  	[sflag:s23] =	ssyncset.done $0x0  }
0xa4: {  	s25 =	simm.s32 $0x1B8E;
	s24 =	sld [smem:$0x3FFE];
	[sflag:s23] =	ssyncadd.s32 $0xFFFFFFFF  }
0xa5: {  	s26 =	simm.s32 $execute0_lowered;
	[smem:$0x3FD2] =	sst s25  }
0xa6: {  	s5 =	sshll.u32 s26, $0x1;
	_ =	strace $0x8000004C;
	[dreg:$0x1] =	wrdreg $0xFFFFFFFF  }
0xa7: {  	s28 =	simm.s32 $_size_execute0_lowered;
	s3 =	sadd.s32 s3, s5;
	[dreg:$0x0] =	wrdreg $0x0  }
0xa8: {  	s5 =	sshll.u32 s28, $0x1;
	[dreg:$0x2] =	wrdreg s3  }
0xa9: {  	[dreg:$0x3] =	wrdreg s5  }
0xaa: {  	[dreg:$0x4] =	wrdreg $0xC0  }
0xab: {  	_ =	task [dreg:s7], $0x5FFFF  }
0xac: {  	[dreg:$0x1] =	wrdreg $0xFFFFFFFF  }
0xad: {  	[dreg:$0x0] =	wrdreg $0x60  }
0xae: {  	[dreg:$0x2] =	wrdreg s2  }
0xaf: {  	[dreg:$0x3] =	wrdreg s24  }
0xb0: {  	[dreg:$0x4] =	wrdreg $0xF0000  }
0xb1: {  	[dreg:$0x5] =	wrdreg $0x9  }
0xb2: {  	_ =	task.clear_ibuf [dreg:s7], $0x6FFFF;
	_ =	strace $0x9000004C  }
0xb3: {  	s29 =	simm.s32 $0x9;
	_ =	strace $0x8000004E  }
0xb4: {  	_ =	swait.ge [sflag:s29], $0x1  }
0xb5: {  	[sflag:s29] =	ssyncadd.s32 $0xFFFFFFFF  }
0xb6: {  	_ =	strace $0x9000004E  }
0xb7: {  	_ =	sfence  }
0xb8: {  	s30 =	sld [smem:$0x0];
	_ =	sdelay $0x2  }
0xb9: {  	s31 =	sshll.u32 s1, $0xD;
	s1 =	sshrl.u32 s1, $0x2  }
0xba: {  	s3 =	sand.u32 $0x4000, s31;
	s1 =	sadd.s32 s1, s30  }
0xbb: {  	s0 =	sor.u32 s3, s0;
	s1 =	sshll.u32 s1, $0x11  }
0xbc: {  	s0 =	sor.u32 s1, s0  }
0xbd: {  	s0 =	sadd.s32 $0x8F2B, s0  }
0xbe: {  	[sflag:s0] =	ssyncadd.remote.s32 $0x1  }
0xbf: {  	_ =	sfence.sel $0xFFFF  }
0xc0: {  	[dreg:$0x0] =	wrdreg $0xFFFFFFFF;
	(pc) =	sbr.abs _section_cstart, $3  }
0xc1: {  	[dreg:$0x1] =	wrdreg $0xFFFFFFFF  }
0xc2: {  	_ =	task.clear_ibuf [dreg:s7], $0x2FFFF;
	_ =	strace $0x9FFFFFFF  }
0xc3: {  	(tm) =	ssettm $0x7FFFFFFF  }
tec
execute0_lowered:
.L_overlay_start_1:
0x0: {  	(tag) =	ssettag $0x1  }
0x1: {  	s0 =	srdreg.scid  }
0x2: {  	s13 =	stileid.u32;
	s1 =	rddreg [dreg:$0x0]  }
0x3: {  	s5 =	rddreg [dreg:$0x1];
	s14 =	simm.s32 $0x80;
	s15 =	simm.s32 $0x5000  }
0x4: {  	s16 =	simm.s32 $0x7000;
	s18 =	simm.s32 $0x9000;
	s20 =	simm.s32 $0xB000  }
0x5: {  	s21 =	simm.s32 $0x1;
	s22 =	simm.s32 $0xD000;
	s23 =	simm.s32 $0x2  }
0x6: {  	s24 =	simm.s32 $0x3;
	s25 =	simm.s32 $0x4;
	s29 =	simm.s32 $0x2780  }
0x7: {  	s30 =	simm.s32 $0x4E00;
	s31 =	simm.s32 $0x4E80;
	s0 =	sand.u32 $0x1, s0  }
0x8: {  	s2 =	sshll.u32 s13, $0x1;
	s6 =	smul.u32 $0xA000, s13;
	s4 =	sadd.s32 $0x5FA00, s5  }
0x9: {  	s26 =	sshll.u32 s13, $0x6;
	s13 =	simm.s32 $0x0;
	s3 =	sor.u32 s0, s2  }
0xa: {  	s2 =	rddreg [dreg:$0x2];
	s8 =	smul.u32 $0xA0000, s0;
	s0 =	ssub.s32 $0x2, s0  }
0xb: {  	s7 =	smul.u32 $0x500, s3;
	s3 =	simm.s32 $0x0;
	s10 =	sshrl.u32 s6, $0x3  }
0xc: {  	s11 =	sshrl.u32 s0, $0x1;
	s28 =	sadd.s32 s6, s2;
	[smem:$0x7FF] =	sst s3  }
0xd: {  	s8 =	sadd.s32 s6, s8;
	s10 =	sadd.s32 s10, s5;
	s0 =	ssub.s32 s0, s11  }
0xe: {  	s6 =	sor.u32 $0x1C06, s26;
	s11 =	sshrl.u32 s28, $0x3;
	s26 =	simm.s32 $0x5  }
0xf: {  	_ =	strace $0x8000004D;
	s9 =	sadd.s32 s7, s5;
	s8 =	sshrl.u32 s8, $0x3  }
0x10: {  	s7 =	sadd.s32 s1, s7;
	s1 =	simm.s32 $0x4F00;
	s12 =	sadd.s32 s8, s5  }
0x11: {  	s5 =	sadd.s32 $0x73A00, s10;
	s8 =	sadd.s32 $0x5A00, s9;
	s10 =	smax.u32 s0, $0x1  }
0x12: {  	s0 =	simm.s32 $0x4F80;
	s9 =	sadd.s32 $0xAFA00, s12;
	s12 =	simm.s32 $0x6  }
.LBB2_1:
0x13: {  	[spmem:s11], [sflag:s6] =	dma.local [hbm:s5], $0x1400  }
0x14: {  	_ =	swait.ge [sflag:s12], $0x1400  }
0x15: {  	[sflag:s12] =	ssyncset.done $0x0  }
0x16: {  	[sflag:s12] =	ssyncadd.s32 $0xFFFFEC00  }
0x17: {  	[tilespmem:s3], [sflag:$0x6] =	stream.linear.gather [hbm4b:s7+s3], $0x2800, $0x38;
	[tilespmem:$0x19000] =	vst v63  }
0x18: {  	_ =	swait.ge [sflag:s12], $0x2800  }
0x19: {  	[sflag:s12] =	ssyncset.done $0x0  }
0x1a: {  	s17 =	simm.s32 $0x2800;
	[sflag:s12] =	ssyncadd.s32 $0xFFFFD800  }
0x1b: {  	[tilespmem:s17], [sflag:$0x6] =	stream.linear.gather [hbm4b:s8+s3], $0x2800, $0x38;
	[tilespmem:$0x19000] =	vst v63  }
0x1c: {  	_ =	swait.ge [sflag:s12], $0x2800  }
0x1d: {  	[sflag:s12] =	ssyncset.done $0x0  }
0x1e: {  	[sflag:s12] =	ssyncadd.s32 $0xFFFFD800  }
0x1f: {  	[bflag:$0x0] =	sbarrier.arrive $0xFFFF  }
0x20: {  	[tilespmem:s15], [sflag:$0x1] =	stream.indirect.gather [hbm4b:s4+s14], $0x40, s3, s14, $0xb8;
	[tilespmem:$0x19000] =	vst v63  }
0x21: {  	_ = 	snop  }
0x22: {  	[tilespmem:s16], [sflag:$0x2] =	stream.indirect.gather [hbm4b:s4+s14], $0x40, s14, s14, $0xb8;
	[tilespmem:$0x19000] =	vst v63  }
0x23: {  	s28 =	simm.s32 $0x100  }
0x24: {  	[tilespmem:s18], [sflag:$0x3] =	stream.indirect.gather [hbm4b:s4+s14], $0x40, s28, s14, $0xb8;
	[tilespmem:$0x19000] =	vst v63  }
0x25: {  	s19 =	simm.s32 $0x180  }
0x26: {  	[tilespmem:s20], [sflag:$0x4] =	stream.indirect.gather [hbm4b:s4+s14], $0x40, s19, s14, $0xb8;
	[tilespmem:$0x19000] =	vst v63  }
0x27: {  	_ =	swait.ge [sflag:s21], $0x2000  }
0x28: {  	[sflag:s21] =	ssyncset.done $0x0  }
0x29: {  	s28 =	simm.s32 $0x2800;
	[sflag:s21] =	ssyncadd.s32 $0xFFFFE000  }
0x2a: {  	[spmem:s2] =	stream.indirect.scatter.add.f32 [tilespmem:s15], [sflag:$0x6], $0x40, s28, s14, $0xb8;
	[tilespmem:$0x19000] =	vst v63  }
0x2b: {  	_ =	swait.ge [sflag:s12], $0x2000  }
0x2c: {  	[sflag:s12] =	ssyncset.done $0x0  }
0x2d: {  	s19 =	simm.s32 $0x200;
	[sflag:s12] =	ssyncadd.s32 $0xFFFFE000  }
0x2e: {  	[tilespmem:s22], [sflag:$0x5] =	stream.indirect.gather [hbm4b:s4+s14], $0x40, s19, s14, $0xb8;
	[tilespmem:$0x19000] =	vst v63  }
0x2f: {  	_ =	swait.ge [sflag:s23], $0x2000  }
0x30: {  	[sflag:s23] =	ssyncset.done $0x0  }
0x31: {  	s28 =	simm.s32 $0x2880;
	[sflag:s23] =	ssyncadd.s32 $0xFFFFE000  }
0x32: {  	[spmem:s2] =	stream.indirect.scatter.add.f32 [tilespmem:s16], [sflag:$0x6], $0x40, s28, s14, $0xb8;
	[tilespmem:$0x19000] =	vst v63  }
0x33: {  	_ =	swait.ge [sflag:s12], $0x2000  }
0x34: {  	[sflag:s12] =	ssyncset.done $0x0  }
0x35: {  	s19 =	simm.s32 $0x280;
	[sflag:s12] =	ssyncadd.s32 $0xFFFFE000  }
0x36: {  	[tilespmem:s15], [sflag:$0x1] =	stream.indirect.gather [hbm4b:s4+s14], $0x40, s19, s14, $0xb8;
	[tilespmem:$0x19000] =	vst v63  }
0x37: {  	_ =	swait.ge [sflag:s24], $0x2000  }
0x38: {  	[sflag:s24] =	ssyncset.done $0x0  }
0x39: {  	s28 =	simm.s32 $0x2900;
	[sflag:s24] =	ssyncadd.s32 $0xFFFFE000  }
0x3a: {  	[spmem:s2] =	stream.indirect.scatter.add.f32 [tilespmem:s18], [sflag:$0x6], $0x40, s28, s14, $0xb8;
	[tilespmem:$0x19000] =	vst v63  }
0x3b: {  	_ =	swait.ge [sflag:s12], $0x2000  }
0x3c: {  	[sflag:s12] =	ssyncset.done $0x0  }
0x3d: {  	s19 =	simm.s32 $0x300;
	[sflag:s12] =	ssyncadd.s32 $0xFFFFE000  }
0x3e: {  	[tilespmem:s16], [sflag:$0x2] =	stream.indirect.gather [hbm4b:s4+s14], $0x40, s19, s14, $0xb8;
	[tilespmem:$0x19000] =	vst v63  }
0x3f: {  	_ =	swait.ge [sflag:s25], $0x2000  }
0x40: {  	[sflag:s25] =	ssyncset.done $0x0  }
0x41: {  	s28 =	simm.s32 $0x2980;
	[sflag:s25] =	ssyncadd.s32 $0xFFFFE000  }
0x42: {  	[spmem:s2] =	stream.indirect.scatter.add.f32 [tilespmem:s20], [sflag:$0x6], $0x40, s28, s14, $0xb8;
	[tilespmem:$0x19000] =	vst v63  }
0x43: {  	_ =	swait.ge [sflag:s12], $0x2000  }
0x44: {  	[sflag:s12] =	ssyncset.done $0x0  }
0x45: {  	s19 =	simm.s32 $0x380;
	[sflag:s12] =	ssyncadd.s32 $0xFFFFE000  }
0x46: {  	[tilespmem:s18], [sflag:$0x3] =	stream.indirect.gather [hbm4b:s4+s14], $0x40, s19, s14, $0xb8;
	[tilespmem:$0x19000] =	vst v63  }
0x47: {  	_ =	swait.ge [sflag:s26], $0x2000  }
0x48: {  	[sflag:s26] =	ssyncset.done $0x0  }
0x49: {  	s28 =	simm.s32 $0x2A00;
	[sflag:s26] =	ssyncadd.s32 $0xFFFFE000  }
0x4a: {  	[spmem:s2] =	stream.indirect.scatter.add.f32 [tilespmem:s22], [sflag:$0x6], $0x40, s28, s14, $0xb8;
	[tilespmem:$0x19000] =	vst v63  }
0x4b: {  	_ =	swait.ge [sflag:s12], $0x2000  }
0x4c: {  	[sflag:s12] =	ssyncset.done $0x0  }
0x4d: {  	s17 =	simm.s32 $0xA00;
	s19 =	simm.s32 $0x400;
	[sflag:s12] =	ssyncadd.s32 $0xFFFFE000  }
.LBB2_2:
0x4e: {  	[tilespmem:s20], [sflag:$0x4] =	stream.indirect.gather [hbm4b:s4+s14], $0x40, s19, s14, $0xb8;
	[tilespmem:$0x19000] =	vst v63  }
0x4f: {  	s19 =	smov.u32 s17  }
0x50: {  	p0 =	sne.s32 s17, $0x8C00;
	s17 =	sadd.s32 $0xA00, s17;
	_ =	swait.ge [sflag:s21], $0x2000  }
0x51: {  	s19 =	sshra.s32 s19, $0x2;
	[sflag:s21] =	ssyncset.done $0x0  }
0x52: {  	s28 =	sadd.s32 $0x2800, s19;
	[sflag:s21] =	ssyncadd.s32 $0xFFFFE000  }
0x53: {  	[spmem:s2] =	stream.indirect.scatter.add.f32 [tilespmem:s15], [sflag:$0x6], $0x40, s28, s14, $0xb8;
	[tilespmem:$0x19000] =	vst v63  }
0x54: {  	_ =	swait.ge [sflag:s12], $0x2000  }
0x55: {  	[sflag:s12] =	ssyncset.done $0x0  }
0x56: {  	s28 =	sadd.s32 $0x200, s19;
	[sflag:s12] =	ssyncadd.s32 $0xFFFFE000  }
0x57: {  	[tilespmem:s22], [sflag:$0x5] =	stream.indirect.gather [hbm4b:s4+s14], $0x40, s28, s14, $0xb8;
	[tilespmem:$0x19000] =	vst v63  }
0x58: {  	_ =	swait.ge [sflag:s23], $0x2000  }
0x59: {  	[sflag:s23] =	ssyncset.done $0x0  }
0x5a: {  	s28 =	sadd.s32 $0x2880, s19;
	[sflag:s23] =	ssyncadd.s32 $0xFFFFE000  }
0x5b: {  	[spmem:s2] =	stream.indirect.scatter.add.f32 [tilespmem:s16], [sflag:$0x6], $0x40, s28, s14, $0xb8;
	[tilespmem:$0x19000] =	vst v63  }
0x5c: {  	_ =	swait.ge [sflag:s12], $0x2000  }
0x5d: {  	[sflag:s12] =	ssyncset.done $0x0  }
0x5e: {  	s28 =	sadd.s32 $0x280, s19;
	[sflag:s12] =	ssyncadd.s32 $0xFFFFE000  }
0x5f: {  	[tilespmem:s15], [sflag:$0x1] =	stream.indirect.gather [hbm4b:s4+s14], $0x40, s28, s14, $0xb8;
	[tilespmem:$0x19000] =	vst v63  }
0x60: {  	_ =	swait.ge [sflag:s24], $0x2000  }
0x61: {  	[sflag:s24] =	ssyncset.done $0x0  }
0x62: {  	s28 =	sadd.s32 $0x2900, s19;
	[sflag:s24] =	ssyncadd.s32 $0xFFFFE000  }
0x63: {  	[spmem:s2] =	stream.indirect.scatter.add.f32 [tilespmem:s18], [sflag:$0x6], $0x40, s28, s14, $0xb8;
	[tilespmem:$0x19000] =	vst v63  }
0x64: {  	_ =	swait.ge [sflag:s12], $0x2000  }
0x65: {  	[sflag:s12] =	ssyncset.done $0x0  }
0x66: {  	s28 =	sadd.s32 $0x300, s19;
	[sflag:s12] =	ssyncadd.s32 $0xFFFFE000  }
0x67: {  	[tilespmem:s16], [sflag:$0x2] =	stream.indirect.gather [hbm4b:s4+s14], $0x40, s28, s14, $0xb8;
	[tilespmem:$0x19000] =	vst v63  }
0x68: {  	_ =	swait.ge [sflag:s25], $0x2000  }
0x69: {  	[sflag:s25] =	ssyncset.done $0x0  }
0x6a: {  	s28 =	sadd.s32 $0x2980, s19;
	[sflag:s25] =	ssyncadd.s32 $0xFFFFE000  }
0x6b: {  	[spmem:s2] =	stream.indirect.scatter.add.f32 [tilespmem:s20], [sflag:$0x6], $0x40, s28, s14, $0xb8;
	[tilespmem:$0x19000] =	vst v63  }
0x6c: {  	_ =	swait.ge [sflag:s12], $0x2000  }
0x6d: {  	[sflag:s12] =	ssyncset.done $0x0  }
0x6e: {  	s28 =	sadd.s32 $0x380, s19;
	[sflag:s12] =	ssyncadd.s32 $0xFFFFE000  }
0x6f: {  	[tilespmem:s18], [sflag:$0x3] =	stream.indirect.gather [hbm4b:s4+s14], $0x40, s28, s14, $0xb8;
	[tilespmem:$0x19000] =	vst v63  }
0x70: {  	_ =	swait.ge [sflag:s26], $0x2000  }
0x71: {  	[sflag:s26] =	ssyncset.done $0x0  }
.Ltmp0:
0x72: {  	s28 =	sadd.s32 $0x2A00, s19;
	[sflag:s26] =	ssyncadd.s32 $0xFFFFE000;
	(pc) =	sbr.rel @p0 .LBB2_2-.Ltmp0, $4  }
0x73: {  	[spmem:s2] =	stream.indirect.scatter.add.f32 [tilespmem:s22], [sflag:$0x6], $0x40, s28, s14, $0xb8;
	[tilespmem:$0x19000] =	vst v63  }
0x74: {  	_ =	swait.ge [sflag:s12], $0x2000  }
0x75: {  	[sflag:s12] =	ssyncset.done $0x0  }
0x76: {  	s19 =	sadd.s32 $0x400, s19;
	[sflag:s12] =	ssyncadd.s32 $0xFFFFE000  }
0x77: {  	[tilespmem:s20], [sflag:$0x4] =	stream.indirect.gather [hbm4b:s4+s14], $0x40, s19, s14, $0xb8;
	[tilespmem:$0x19000] =	vst v63  }
0x78: {  	_ =	swait.ge [sflag:s21], $0x2000  }
0x79: {  	[sflag:s21] =	ssyncset.done $0x0  }
0x7a: {  	s17 =	simm.s32 $0x4D80;
	[sflag:s21] =	ssyncadd.s32 $0xFFFFE000  }
0x7b: {  	[spmem:s2] =	stream.indirect.scatter.add.f32 [tilespmem:s15], [sflag:$0x6], $0x40, s17, s14, $0xb8;
	[tilespmem:$0x19000] =	vst v63  }
0x7c: {  	_ =	swait.ge [sflag:s12], $0x2000  }
0x7d: {  	[sflag:s12] =	ssyncset.done $0x0  }
0x7e: {  	[sflag:s12] =	ssyncadd.s32 $0xFFFFE000  }
0x7f: {  	[tilespmem:s22], [sflag:$0x5] =	stream.indirect.gather [hbm4b:s4+s14], $0x40, s29, s14, $0xb8;
	[tilespmem:$0x19000] =	vst v63  }
0x80: {  	_ =	swait.ge [sflag:s23], $0x2000  }
0x81: {  	[sflag:s23] =	ssyncset.done $0x0  }
0x82: {  	[sflag:s23] =	ssyncadd.s32 $0xFFFFE000  }
0x83: {  	[spmem:s2] =	stream.indirect.scatter.add.f32 [tilespmem:s16], [sflag:$0x6], $0x40, s30, s14, $0xb8;
	[tilespmem:$0x19000] =	vst v63  }
0x84: {  	_ =	swait.ge [sflag:s12], $0x2000  }
0x85: {  	[sflag:s12] =	ssyncset.done $0x0  }
0x86: {  	[sflag:s12] =	ssyncadd.s32 $0xFFFFE000  }
0x87: {  	_ =	swait.ge [sflag:s24], $0x2000  }
0x88: {  	[sflag:s24] =	ssyncset.done $0x0  }
0x89: {  	[sflag:s24] =	ssyncadd.s32 $0xFFFFE000  }
0x8a: {  	[spmem:s2] =	stream.indirect.scatter.add.f32 [tilespmem:s18], [sflag:$0x6], $0x40, s31, s14, $0xb8;
	[tilespmem:$0x19000] =	vst v63  }
0x8b: {  	_ =	swait.ge [sflag:s12], $0x2000  }
0x8c: {  	[sflag:s12] =	ssyncset.done $0x0  }
0x8d: {  	[sflag:s12] =	ssyncadd.s32 $0xFFFFE000  }
0x8e: {  	_ =	swait.ge [sflag:s25], $0x2000  }
0x8f: {  	[sflag:s25] =	ssyncset.done $0x0  }
0x90: {  	[sflag:s25] =	ssyncadd.s32 $0xFFFFE000  }
0x91: {  	[spmem:s2] =	stream.indirect.scatter.add.f32 [tilespmem:s20], [sflag:$0x6], $0x40, s1, s14, $0xb8;
	[tilespmem:$0x19000] =	vst v63  }
0x92: {  	_ =	swait.ge [sflag:s12], $0x2000  }
0x93: {  	[sflag:s12] =	ssyncset.done $0x0  }
0x94: {  	[sflag:s12] =	ssyncadd.s32 $0xFFFFE000  }
0x95: {  	_ =	swait.ge [sflag:s26], $0x2000  }
0x96: {  	[sflag:s26] =	ssyncset.done $0x0  }
0x97: {  	[sflag:s26] =	ssyncadd.s32 $0xFFFFE000  }
0x98: {  	[spmem:s2] =	stream.indirect.scatter.add.f32 [tilespmem:s22], [sflag:$0x6], $0x40, s0, s14, $0xb8;
	[tilespmem:$0x19000] =	vst v63  }
0x99: {  	_ =	swait.ge [sflag:s12], $0x2000  }
0x9a: {  	s13 =	sadd.s32 $0x1, s13;
	[sflag:s12] =	ssyncset.done $0x0  }
0x9b: {  	p0 =	sne.s32 s13, s10;
	[sflag:s12] =	ssyncadd.s32 $0xFFFFE000  }
.Ltmp1:
0x9c: {  	[bflag:$0x0] =	sbarrier.arrive $0xFFFF;
	(pc) =	sbr.rel @p0 .LBB2_1-.Ltmp1, $4  }
0x9d: {  	[hbm:s9], [sflag:s6] =	dma.local [spmem:s11], $0x1400  }
0x9e: {  	_ =	swait.ge [sflag:s12], $0x1400  }
0x9f: {  	[sflag:s12] =	ssyncset.done $0x0  }
0xa0: {  	[sflag:s12] =	ssyncadd.s32 $0xFFFFEC00  }
0xa1: {  	_ =	sfence.sel $0x180000  }
0xa2: {  	[bflag:$0x0] =	sbarrier.arrive $0xFFFF  }
0xa3: {  	_ =	strace $0x9000004D  }
0xa4: {  	s0 =	stileid.u32;
	[bflag:$0x2] =	sbarrier.arrive $0xFFFF  }
0xa5: {  	p0 =	sne.s32 s0, $0x0;
	s0 =	rddreg [dreg:$0x3]  }
0xa6: {  	s0 =	sadd.s32 @!p0 $0x100000, s0  }
0xa7: {  	[sflag:s0] =	ssyncadd.tile.s32 @!p0 $0x1;
	_ =	shalt  }
.Lfunc_end2:
_tile_overlayer_lowered:
.L_overlay_start_2:
0xa8: {  	(tag) =	ssettag $0x2  }
0xa9: {  	s0 =	rddreg [dreg:$0x0];
	s2 =	stileid.u32  }
0xaa: {  	s1 =	rddreg [dreg:$0x1];
	p0 =	sne.s32 s2, $0x0  }
0xab: {  	s3 =	rddreg [dreg:$0x2];
	[bflag:$0x3] =	sbarrier.arrive $0xFFFF;
	s2 =	simm.s32 @!p0 $0x1C06  }
0xac: {  	[timem:s3], [sflag:s2] =	dma.local @!p0 [hbm:s0], s1  }
0xad: {  	s0 =	simm.s32 @!p0 $0x6  }
0xae: {  	_ =	swait.ge @!p0 [sflag:s0], s1  }
0xaf: {  	s1 =	ssub.s32 @!p0 $0x0, s1;
	[sflag:s0] =	ssyncset.done @!p0 $0x0  }
0xb0: {  	[sflag:s0] =	ssyncadd.s32 @!p0 s1  }
0xb1: {  	[bflag:$0x3] =	sbarrier.arrive $0xFFFF  }
0xb2: {  	_ =	shalt  }

</sc_bundles>
